<compile_context>
chip_gen: v7x
topology: tpu7x:2x2x1
jax: 0.10.2.dev20260603
libtpu: 0.0.44.dev20260713+nightly
codegen_flags: <defaults>
</compile_context>

<pallas_src>
import functools

import jax
import jax.numpy as jnp
from jax import lax
from jax.experimental import pallas as pl
from jax.experimental.pallas import tpu as pltpu
from jax.experimental.pallas import tpu_sc as plsc

_N = 10000
_E = 160000
_G = 8
_NF_IN = 128
_EF_IN = 16
_H = 128
_NF_OUT = 8
_EF_OUT = 8

_NW = 32
_CK = 128
_NCHUNK = _E // _CK
_FULL_T = _NCHUNK // _NW
_REM = _NCHUNK - _FULL_T * _NW
_NP = 10240
_RPS = _NP // 16
_ZR = 128

_BE = 640
_BN = 1000

_EPS = 1e-5


_PREC = lax.Precision.HIGHEST


def _dot(a, b):
    return jnp.dot(a, b, preferred_element_type=jnp.float32)


def _xdot(a, b):
    return jnp.dot(a, b, precision=_PREC, preferred_element_type=jnp.float32)


def _r2(v):
    return v.reshape(1, -1)



def _sc_worker_loop(wid, do_chunk):
    def tloop(t, carry):
        do_chunk(t * _NW + wid)
        return carry
    lax.fori_loop(0, _FULL_T, tloop, 0)

    @pl.when(wid < _REM)
    def _():
        do_chunk(_FULL_T * _NW + wid)


def _sc_zero_acc(s, acc, zbuf):
    def zrow(r, carry):
        for j in range(8):
            zbuf[r, pl.ds(j * 16, 16)] = jnp.zeros((16,), jnp.float32)
        return carry
    lax.fori_loop(0, _ZR, zrow, 0)
    for t in range(5):
        pltpu.sync_copy(zbuf, acc.at[pl.ds(s * _RPS + t * _ZR, _ZR)])


def _sc_acc_out(c, s, acc, out_hbm):
    for t in range(5):
        off = s * _RPS + t * _ZR
        pltpu.sync_copy(acc.at[pl.ds(off, _ZR)], out_hbm.at[c, pl.ds(off, _ZR)])


@functools.cache
def _build_sc_gather_scatter():
    @functools.partial(
        pl.kernel,
        out_type=jax.ShapeDtypeStruct((2, _NP, _H), jnp.float32),
        mesh=plsc.VectorSubcoreMesh(core_axis_name="c", subcore_axis_name="s"),
        scratch_types=[
            pltpu.VMEM((2, _CK), jnp.int32),
            pltpu.VMEM((_CK, _H), jnp.float32),
            pltpu.VMEM((_CK, _H), jnp.float32),
            pltpu.VMEM_SHARED((_NP, _H), jnp.float32),
        ],
    )
    def k(nh_hbm, eh_hbm, src_hbm, dst_hbm, out_hbm,
          idxv, rowsv, ehv, acc):
        c = lax.axis_index("c")
        s = lax.axis_index("s")
        wid = s * 2 + c
        _sc_zero_acc(s, acc, ehv)
        plsc.subcore_barrier()

        def do_chunk(chunk):
            base = chunk * _CK
            pltpu.sync_copy(src_hbm.at[pl.ds(base, _CK)], idxv.at[0])
            pltpu.sync_copy(dst_hbm.at[pl.ds(base, _CK)], idxv.at[1])
            pltpu.sync_copy(eh_hbm.at[pl.ds(base, _CK)], ehv)
            pltpu.sync_copy(nh_hbm.at[idxv.at[0]], rowsv)

            def addrow(r, carry):
                for j in range(8):
                    sl = pl.ds(j * 16, 16)
                    ehv[r, sl] = ehv[r, sl] + rowsv[r, sl]
                return carry
            lax.fori_loop(0, _CK, addrow, 0)
            pltpu.sync_copy(ehv, acc.at[idxv.at[1]], add=True)

        _sc_worker_loop(wid, do_chunk)
        plsc.subcore_barrier()
        _sc_acc_out(c, s, acc, out_hbm)

    return k


def _sc_gather_scatter(nh, eh, src, dst):
    return _build_sc_gather_scatter()(nh, eh, src, dst)


@functools.cache
def _build_sc_scatter():
    @functools.partial(
        pl.kernel,
        out_type=jax.ShapeDtypeStruct((2, _NP, _H), jnp.float32),
        mesh=plsc.VectorSubcoreMesh(core_axis_name="c", subcore_axis_name="s"),
        scratch_types=[
            pltpu.VMEM((2, _CK), jnp.int32),
            pltpu.VMEM((_CK, _H), jnp.float32),
            pltpu.VMEM_SHARED((_NP, _H), jnp.float32),
        ],
    )
    def k(eh_hbm, seg_hbm, out_hbm, idxv, ehv, acc):
        c = lax.axis_index("c")
        s = lax.axis_index("s")
        wid = s * 2 + c
        _sc_zero_acc(s, acc, ehv)
        plsc.subcore_barrier()

        def do_chunk(chunk):
            base = chunk * _CK
            pltpu.sync_copy(seg_hbm.at[pl.ds(base, _CK)], idxv.at[0])
            pltpu.sync_copy(eh_hbm.at[pl.ds(base, _CK)], ehv)
            pltpu.sync_copy(ehv, acc.at[idxv.at[0]], add=True)

        _sc_worker_loop(wid, do_chunk)
        plsc.subcore_barrier()
        _sc_acc_out(c, s, acc, out_hbm)

    return k


def _sc_scatter(eh, seg):
    return _build_sc_scatter()(eh, seg)


@functools.cache
def _build_sc_gather2():
    @functools.partial(
        pl.kernel,
        out_type=jax.ShapeDtypeStruct((_E, _H), jnp.float32),
        mesh=plsc.VectorSubcoreMesh(core_axis_name="c", subcore_axis_name="s"),
        scratch_types=[
            pltpu.VMEM((2, _CK), jnp.int32),
            pltpu.VMEM((_CK, _H), jnp.float32),
            pltpu.VMEM((_CK, _H), jnp.float32),
            pltpu.VMEM((_CK, _H), jnp.float32),
        ],
    )
    def k(nh_hbm, eh_hbm, src_hbm, dst_hbm, out_hbm,
          idxv, rows1, rows2, ehv):
        c = lax.axis_index("c")
        s = lax.axis_index("s")
        wid = s * 2 + c

        def do_chunk(chunk):
            base = chunk * _CK
            pltpu.sync_copy(src_hbm.at[pl.ds(base, _CK)], idxv.at[0])
            pltpu.sync_copy(dst_hbm.at[pl.ds(base, _CK)], idxv.at[1])
            pltpu.sync_copy(eh_hbm.at[pl.ds(base, _CK)], ehv)
            pltpu.sync_copy(nh_hbm.at[idxv.at[0]], rows1)
            pltpu.sync_copy(nh_hbm.at[idxv.at[1]], rows2)

            def addrow(r, carry):
                for j in range(8):
                    sl = pl.ds(j * 16, 16)
                    ehv[r, sl] = ehv[r, sl] + rows1[r, sl] + rows2[r, sl]
                return carry
            lax.fori_loop(0, _CK, addrow, 0)
            pltpu.sync_copy(ehv, out_hbm.at[pl.ds(base, _CK)])

        _sc_worker_loop(wid, do_chunk)

    return k


def _sc_gather2(nh, eh, src, dst):
    return _build_sc_gather2()(nh, eh, src, dst)



def _bn_gelu(y, m, v, g, be):
    z = (y - m) / jnp.sqrt(v + _EPS) * g + be
    return jax.nn.gelu(z)


def _stats(x, w1, b1):
    y = jnp.dot(x, w1) + b1
    return _r2(jnp.mean(y, axis=0)), _r2(jnp.var(y, axis=0))


def _pass1(x, w1, b1):
    rows = x.shape[0]

    def kfn(x_ref, w1_ref, b1_ref, y_ref):
        y_ref[...] = _dot(x_ref[...], w1_ref[...]) + b1_ref[...]

    return pl.pallas_call(
        kfn, out_shape=jax.ShapeDtypeStruct((rows, _H), jnp.float32),
    )(x, w1, b1)


def _pass2(y1, m, v, g, be, w2, b2):
    rows = y1.shape[0]
    dout = w2.shape[1]

    def kfn(y_ref, m_ref, v_ref, g_ref, be_ref, w2_ref, b2_ref, o_ref):
        z = _bn_gelu(y_ref[...], m_ref[...], v_ref[...], g_ref[...],
                     be_ref[...])
        o_ref[...] = _dot(z, w2_ref[...]) + b2_ref[...]

    return pl.pallas_call(
        kfn, out_shape=jax.ShapeDtypeStruct((rows, dout), jnp.float32),
    )(y1, m, v, g, be, w2, b2)


def _sb_mlp(x, p):
    y1 = _pass1(x, p['w1'], _r2(p['b1']))
    m, v = _stats(x, p['w1'], p['b1'])
    return _pass2(y1, m, v, _r2(p['g']), _r2(p['be']), p['w2'], _r2(p['b2']))


def _sb_mlp_gin(nh, agg2, eps, p):
    rows = nh.shape[0]

    def kfn(nh_ref, a_ref, e_ref, w1_ref, b1_ref, y_ref):
        x = (1.0 + e_ref[0, 0]) * nh_ref[...] + (a_ref[0, :_N] + a_ref[1, :_N])
        y_ref[...] = _dot(x, w1_ref[...]) + b1_ref[...]

    y1 = pl.pallas_call(
        kfn, out_shape=jax.ShapeDtypeStruct((rows, _H), jnp.float32),
    )(nh, agg2, eps.reshape(1, 1), p['w1'], _r2(p['b1']))
    x_stats = (1.0 + eps) * nh + (agg2[0, :_N] + agg2[1, :_N])
    m, v = _stats(x_stats, p['w1'], p['b1'])
    return _pass2(y1, m, v, _r2(p['g']), _r2(p['be']), p['w2'], _r2(p['b2']))


def _sb_graph_mlp(nh, es2, bv2, p):
    def kfn(nh_ref, e_ref, bv_ref, w1, b1, g, be, w2, b2, o_ref):
        snode = nh_ref[...] + e_ref[0, :_N] + e_ref[1, :_N]
        oh = (bv_ref[...] == lax.broadcasted_iota(jnp.int32, (_N, _G), 1)
              ).astype(jnp.float32)
        gsum = lax.dot_general(oh, snode, (((0,), (0,)), ((), ())),
                               precision=_PREC,
                               preferred_element_type=jnp.float32)
        y = _dot(gsum, w1[...]) + b1[...]
        m = jnp.mean(y, axis=0, keepdims=True)
        v = jnp.mean((y - m) ** 2, axis=0, keepdims=True)
        z = _bn_gelu(y, m, v, g[...], be[...])
        o_ref[...] = _dot(z, w2[...]) + b2[...]

    return pl.pallas_call(
        kfn, out_shape=jax.ShapeDtypeStruct((_G, _H), jnp.float32),
    )(nh, es2, bv2, p['w1'], _r2(p['b1']), _r2(p['g']), _r2(p['be']),
      p['w2'], _r2(p['b2']))


def _e_pass1(x, w1, b1):
    din = x.shape[1]
    nblk = _E // _BE

    def kfn(x_ref, w1_ref, b1_ref, y_ref):
        y_ref[...] = _dot(x_ref[...], w1_ref[...]) + b1_ref[...]

    return pl.pallas_call(
        kfn,
        grid=(nblk,),
        in_specs=[
            pl.BlockSpec((_BE, din), lambda i: (i, 0)),
            pl.BlockSpec((din, _H), lambda i: (0, 0)),
            pl.BlockSpec((1, _H), lambda i: (0, 0)),
        ],
        out_specs=pl.BlockSpec((_BE, _H), lambda i: (i, 0)),
        out_shape=jax.ShapeDtypeStruct((_E, _H), jnp.float32),
    )(x, w1, b1)


def _e_pass2(y1, m, v, g, be, w2, b2):
    dout = w2.shape[1]
    nblk = _E // _BE

    def kfn(y_ref, m_ref, v_ref, g_ref, be_ref, w2_ref, b2_ref, o_ref):
        z = _bn_gelu(y_ref[...], m_ref[...], v_ref[...], g_ref[...],
                     be_ref[...])
        o_ref[...] = _dot(z, w2_ref[...]) + b2_ref[...]

    return pl.pallas_call(
        kfn,
        grid=(nblk,),
        in_specs=[
            pl.BlockSpec((_BE, _H), lambda i: (i, 0)),
            pl.BlockSpec((1, _H), lambda i: (0, 0)),
            pl.BlockSpec((1, _H), lambda i: (0, 0)),
            pl.BlockSpec((1, _H), lambda i: (0, 0)),
            pl.BlockSpec((1, _H), lambda i: (0, 0)),
            pl.BlockSpec((_H, dout), lambda i: (0, 0)),
            pl.BlockSpec((1, dout), lambda i: (0, 0)),
        ],
        out_specs=pl.BlockSpec((_BE, dout), lambda i: (i, 0)),
        out_shape=jax.ShapeDtypeStruct((_E, dout), jnp.float32),
    )(y1, m, v, g, be, w2, b2)


def _mlp_e(x, p):
    y1 = _e_pass1(x, p['w1'], _r2(p['b1']))
    m, v = _stats(x, p['w1'], p['b1'])
    return _e_pass2(y1, m, v, _r2(p['g']), _r2(p['be']), p['w2'],
                    _r2(p['b2']))


def _expand_mask(lab_ref, eo, width):
    rows = eo.shape[0]
    pm = ((lax.broadcasted_iota(jnp.int32, (_NF_OUT, width), 1) & 7)
          == lax.broadcasted_iota(jnp.int32, (_NF_OUT, width), 0)
          ).astype(jnp.float32)
    tiled = _xdot(eo, pm)
    hi = lax.broadcasted_iota(jnp.int32, (rows, width), 1) >> 3
    return jnp.where(lab_ref[...] == hi, tiled, 0.0)


def _e_pass2_expand(y1, m, v, g, be, w2, b2, ey2):
    nblk = _E // _BE
    width = _EF_IN * _EF_OUT

    def kfn(y_ref, m_ref, v_ref, g_ref, be_ref, w2_ref, b2_ref, ey_ref,
            o_ref):
        z = _bn_gelu(y_ref[...], m_ref[...], v_ref[...], g_ref[...],
                     be_ref[...])
        eo = _dot(z, w2_ref[...]) + b2_ref[...]
        o_ref[...] = _expand_mask(ey_ref, eo, width)

    return pl.pallas_call(
        kfn,
        grid=(nblk,),
        in_specs=[
            pl.BlockSpec((_BE, _H), lambda i: (i, 0)),
            pl.BlockSpec((1, _H), lambda i: (0, 0)),
            pl.BlockSpec((1, _H), lambda i: (0, 0)),
            pl.BlockSpec((1, _H), lambda i: (0, 0)),
            pl.BlockSpec((1, _H), lambda i: (0, 0)),
            pl.BlockSpec((_H, _EF_OUT), lambda i: (0, 0)),
            pl.BlockSpec((1, _EF_OUT), lambda i: (0, 0)),
            pl.BlockSpec((_BE, 1), lambda i: (i, 0)),
        ],
        out_specs=pl.BlockSpec((_BE, width), lambda i: (i, 0)),
        out_shape=jax.ShapeDtypeStruct((_E, width), jnp.float32),
    )(y1, m, v, g, be, w2, b2, ey2)


def _expand_n(nh_o, ny2):
    nblk = _N // _BN
    width = _NF_IN * _NF_OUT

    def kfn(no_ref, ny_ref, o_ref):
        o_ref[...] = _expand_mask(ny_ref, no_ref[...], width)

    return pl.pallas_call(
        kfn,
        grid=(nblk,),
        in_specs=[
            pl.BlockSpec((_BN, _NF_OUT), lambda i: (i, 0)),
            pl.BlockSpec((_BN, 1), lambda i: (i, 0)),
        ],
        out_specs=pl.BlockSpec((_BN, width), lambda i: (i, 0)),
        out_shape=jax.ShapeDtypeStruct((_N, width), jnp.float32),
    )(nh_o, ny2)



def kernel(nf, ef, edge_index, batch_vec, node_y, edge_y, params):
    src = edge_index[0].astype(jnp.int32)
    dst = edge_index[1].astype(jnp.int32)
    bv2 = batch_vec.astype(jnp.int32).reshape(_N, 1)
    ny2 = node_y.astype(jnp.int32).reshape(_N, 1)
    ey2 = edge_y.astype(jnp.int32).reshape(_E, 1)

    nh = _sb_mlp(nf, params['init_nf'])
    eh = _mlp_e(ef, params['init_ef'])

    for i in range(2):
        agg2 = _sc_gather_scatter(nh, eh, src, dst)
        nh = _sb_mlp_gin(nh, agg2, params['gnn%d_eps' % i],
                         params['gnn%d_nf' % i])
        ein = _sc_gather2(nh, eh, src, dst)
        eh = _mlp_e(ein, params['gnn%d_ef' % i])

    es2 = _sc_scatter(eh, src)
    gh = _sb_graph_mlp(nh, es2, bv2, params['out_gf'])

    nh_o = _sb_mlp(nh, params['out_nf'])
    nh_flat = _expand_n(nh_o, ny2)

    p = params['out_ef']
    y1 = _e_pass1(eh, p['w1'], _r2(p['b1']))
    m, v = _stats(eh, p['w1'], p['b1'])
    eh_flat = _e_pass2_expand(y1, m, v, _r2(p['g']), _r2(p['be']),
                              p['w2'], _r2(p['b2']), ey2)

    return (nh_flat, eh_flat, gh)

# --- scband reference (transcript-rebuilt; emitter-appended) ---
"""Pipeline reference for scband-downstream-model-7310034338070 (READ-ONLY COPY).

The authoritative reference and input builder live on the scoring server;
editing this copy changes nothing except your own understanding.
"""

import jax, jax.numpy as jnp
import numpy as np

N = 10000
E = 160000
G = 8
NF_IN = 128
EF_IN = 16
H = 128
NF_OUT = 8
EF_OUT = 8
GF_OUT = 128
DEPTH = 2


def _mlp_params(key, din, dh, dout):
    k1, k2 = jax.random.split(key, 2)
    return {
        'w1': jax.random.normal(k1, (din, dh), dtype=jnp.float32) * (1.0 / np.sqrt(din)),
        'b1': jnp.zeros((dh,), dtype=jnp.float32),
        'g': jnp.ones((dh,), dtype=jnp.float32),
        'be': jnp.zeros((dh,), dtype=jnp.float32),
        'w2': jax.random.normal(k2, (dh, dout), dtype=jnp.float32) * (1.0 / np.sqrt(dh)),
        'b2': jnp.zeros((dout,), dtype=jnp.float32),
    }


def setup_inputs(seed: int = 0):
    key = jax.random.key(seed)
    ks = jax.random.split(key, 16)
    nf = jax.random.normal(ks[0], (N, NF_IN), dtype=jnp.float32)
    ef = jax.random.normal(ks[1], (E, EF_IN), dtype=jnp.float32)
    edge_index = jax.random.randint(ks[2], (2, E), 0, N, dtype=jnp.int64 if jax.config.read('jax_enable_x64') else jnp.int32)
    batch_vec = jnp.sort(jax.random.randint(ks[3], (N,), 0, G))
    node_y = jax.random.randint(ks[4], (N,), 0, NF_IN)
    edge_y = jax.random.randint(ks[5], (E,), 0, EF_IN)
    params = {
        'init_nf': _mlp_params(ks[6], NF_IN, H, H),
        'init_ef': _mlp_params(ks[7], EF_IN, H, H),
        'out_nf': _mlp_params(ks[8], H, H, NF_OUT),
        'out_ef': _mlp_params(ks[9], H, H, EF_OUT),
        'out_gf': _mlp_params(ks[10], H, H, GF_OUT),
    }
    for i in range(DEPTH):
        params['gnn%d_nf' % i] = _mlp_params(ks[11 + i], H, H, H)
        params['gnn%d_ef' % i] = _mlp_params(ks[13 + i], H, H, H)
        params['gnn%d_eps' % i] = jnp.zeros((), dtype=jnp.float32)
    return {'nf': nf, 'ef': ef, 'edge_index': edge_index, 'batch_vec': batch_vec,
            'node_y': node_y, 'edge_y': edge_y, 'params': params}


def _bn(x, g, b):
    m = jnp.mean(x, axis=0)
    v = jnp.var(x, axis=0)
    return (x - m) / jnp.sqrt(v + 1e-5) * g + b


def _mlp(x, p):
    x = x @ p['w1'] + p['b1']
    x = _bn(x, p['g'], p['be'])
    x = jax.nn.gelu(x)
    return x @ p['w2'] + p['b2']


def _forward(nf, ef, params, edge_index, batch_vec, node_y, edge_y):
    src = edge_index[0]
    dst = edge_index[1]
    # init linear stacks
    nh = _mlp(nf, params['init_nf'])
    eh = _mlp(ef, params['init_ef'])
    # GIN-with-edge-update message passing (gather + scatter-add)
    for i in range(DEPTH):
        msg = nh[src] + eh
        agg = jax.ops.segment_sum(msg, dst, num_segments=N)
        nh = _mlp((1.0 + params['gnn%d_eps' % i]) * nh + agg, params['gnn%d_nf' % i])
        eh = _mlp(eh + nh[src] + nh[dst], params['gnn%d_ef' % i])
    # graph readout: scatter_add of node and edge features by graph id
    gh = jax.ops.segment_sum(nh, batch_vec, num_segments=G) \
        + jax.ops.segment_sum(eh, batch_vec[src], num_segments=G)
    gh = _mlp(gh, params['out_gf'])
    nh_o = _mlp(nh, params['out_nf'])
    eh_o = _mlp(eh, params['out_ef'])
    # one-hot label outer-product expansion (as in Added_GNN.forward)
    nh3 = jax.nn.one_hot(node_y, NF_IN, dtype=jnp.float32)[:, :, None] * nh_o[:, None, :]
    eh3 = jax.nn.one_hot(edge_y, EF_IN, dtype=jnp.float32)[:, :, None] * eh_o[:, None, :]
    nh_flat = nh3.reshape(N, NF_IN * NF_OUT)
    eh_flat = eh3.reshape(E, EF_IN * EF_OUT)
    return (nh_flat, eh_flat, gh)


def reference(nf, ef, edge_index, batch_vec, node_y, edge_y, params):
    return _forward(nf, ef, params, edge_index, batch_vec, node_y, edge_y)

if __name__ == "__main__":
    import jax
    _d = setup_inputs()
    print(jax.jit(kernel)(*tuple(_d.values())))

</pallas_src>

<mosaic_0001>
#map = affine_map<(d0, d1) -> (0, 0)>
#map1 = affine_map<(d0, d1) -> (0)>
#map2 = affine_map<(d0, d1) -> (0, 0, 0)>
module attributes {stable_mosaic.version = 14 : i64} {
  func.func @k(%arg0: i32, %arg1: i32, %arg2: memref<10000x128xf32, #tpu.memory_space<hbm>>, %arg3: memref<160000x128xf32, #tpu.memory_space<hbm>>, %arg4: memref<160000xi32, #tpu.memory_space<hbm>>, %arg5: memref<160000xi32, #tpu.memory_space<hbm>>, %arg6: memref<2x10240x128xf32, #tpu.memory_space<hbm>>, %arg7: memref<2x128xi32, #tpu.memory_space<vmem>>, %arg8: memref<128x128xf32, #tpu.memory_space<vmem>>, %arg9: memref<128x128xf32, #tpu.memory_space<vmem>>, %arg10: memref<10240x128xf32, #tpu.memory_space<vmem_shared>>) attributes {dimension_semantics = [#tpu.dimension_semantics<core_parallel>, #tpu.dimension_semantics<subcore_parallel>], iteration_bounds = array<i64: 2, 16>, scalar_prefetch = 0 : i64, scratch_operands = 4 : i64, tpu.core_type = #tpu.core_type<sc_vector_subcore>, window_params = [{transform_indices = #map}, {transform_indices = #map}, {transform_indices = #map1}, {transform_indices = #map1}, {transform_indices = #map2}]} {
    %mul3A = arith.constant 2 : i32
    %mul3A_0 = arith.muli %arg1, %mul3A : i32
    %add3A = arith.addi %mul3A_0, %arg0 : i32
    %scan3A = arith.constant 0 : i32
    %scan3A_1 = arith.constant 0 : i32
    %scan3A_2 = arith.constant 128 : i32
    %scan3A_3 = arith.addi %scan3A_1, %scan3A_2 : i32
    %scan3A_4 = arith.constant 1 : i32
    scf.for %scan3A_55 = %scan3A_1 to %scan3A_3 step %scan3A_4  : i32 {
      %broadcast_in_dim3A = arith.constant 0.000000e+00 : f32
      %broadcast_in_dim3A_56 = vector.broadcast %broadcast_in_dim3A : f32 to vector<16xf32>
      %swap3A = arith.index_cast %scan3A_55 : i32 to index
      %swap3A_57 = arith.constant 0 : index
      %swap3A_58 = tpu.vector_load %arg9[%swap3A, %swap3A_57] {strides = array<i32>} : memref<128x128xf32, #tpu.memory_space<vmem>>, vector<1x16xf32>,
      %swap3A_59 = vector.shape_cast %swap3A_58 : vector<1x16xf32> to vector<16xf32>
      %swap3A_60 = vector.shape_cast %broadcast_in_dim3A_56 : vector<16xf32> to vector<1x16xf32>
      tpu.vector_store %arg9[%swap3A, %swap3A_57], %swap3A_60 {strides = array<i32>} : memref<128x128xf32, #tpu.memory_space<vmem>>, vector<1x16xf32>,
      %broadcast_in_dim3A_61 = arith.constant 0.000000e+00 : f32
      %broadcast_in_dim3A_62 = vector.broadcast %broadcast_in_dim3A_61 : f32 to vector<16xf32>
      %swap3A_63 = arith.index_cast %scan3A_55 : i32 to index
      %swap3A_64 = arith.constant 16 : index
      %swap3A_65 = tpu.vector_load %arg9[%swap3A_63, %swap3A_64] {strides = array<i32>} : memref<128x128xf32, #tpu.memory_space<vmem>>, vector<1x16xf32>,
      %swap3A_66 = vector.shape_cast %swap3A_65 : vector<1x16xf32> to vector<16xf32>
      %swap3A_67 = vector.shape_cast %broadcast_in_dim3A_62 : vector<16xf32> to vector<1x16xf32>
      tpu.vector_store %arg9[%swap3A_63, %swap3A_64], %swap3A_67 {strides = array<i32>} : memref<128x128xf32, #tpu.memory_space<vmem>>, vector<1x16xf32>,
      %broadcast_in_dim3A_68 = arith.constant 0.000000e+00 : f32
      %broadcast_in_dim3A_69 = vector.broadcast %broadcast_in_dim3A_68 : f32 to vector<16xf32>
      %swap3A_70 = arith.index_cast %scan3A_55 : i32 to index
      %swap3A_71 = arith.constant 32 : index
      %swap3A_72 = tpu.vector_load %arg9[%swap3A_70, %swap3A_71] {strides = array<i32>} : memref<128x128xf32, #tpu.memory_space<vmem>>, vector<1x16xf32>,
      %swap3A_73 = vector.shape_cast %swap3A_72 : vector<1x16xf32> to vector<16xf32>
      %swap3A_74 = vector.shape_cast %broadcast_in_dim3A_69 : vector<16xf32> to vector<1x16xf32>
      tpu.vector_store %arg9[%swap3A_70, %swap3A_71], %swap3A_74 {strides = array<i32>} : memref<128x128xf32, #tpu.memory_space<vmem>>, vector<1x16xf32>,
      %broadcast_in_dim3A_75 = arith.constant 0.000000e+00 : f32
      %broadcast_in_dim3A_76 = vector.broadcast %broadcast_in_dim3A_75 : f32 to vector<16xf32>
      %swap3A_77 = arith.index_cast %scan3A_55 : i32 to index
      %swap3A_78 = arith.constant 48 : index
      %swap3A_79 = tpu.vector_load %arg9[%swap3A_77, %swap3A_78] {strides = array<i32>} : memref<128x128xf32, #tpu.memory_space<vmem>>, vector<1x16xf32>,
      %swap3A_80 = vector.shape_cast %swap3A_79 : vector<1x16xf32> to vector<16xf32>
      %swap3A_81 = vector.shape_cast %broadcast_in_dim3A_76 : vector<16xf32> to vector<1x16xf32>
      tpu.vector_store %arg9[%swap3A_77, %swap3A_78], %swap3A_81 {strides = array<i32>} : memref<128x128xf32, #tpu.memory_space<vmem>>, vector<1x16xf32>,
      %broadcast_in_dim3A_82 = arith.constant 0.000000e+00 : f32
      %broadcast_in_dim3A_83 = vector.broadcast %broadcast_in_dim3A_82 : f32 to vector<16xf32>
      %swap3A_84 = arith.index_cast %scan3A_55 : i32 to index
      %swap3A_85 = arith.constant 64 : index
      %swap3A_86 = tpu.vector_load %arg9[%swap3A_84, %swap3A_85] {strides = array<i32>} : memref<128x128xf32, #tpu.memory_space<vmem>>, vector<1x16xf32>,
      %swap3A_87 = vector.shape_cast %swap3A_86 : vector<1x16xf32> to vector<16xf32>
      %swap3A_88 = vector.shape_cast %broadcast_in_dim3A_83 : vector<16xf32> to vector<1x16xf32>
      tpu.vector_store %arg9[%swap3A_84, %swap3A_85], %swap3A_88 {strides = array<i32>} : memref<128x128xf32, #tpu.memory_space<vmem>>, vector<1x16xf32>,
      %broadcast_in_dim3A_89 = arith.constant 0.000000e+00 : f32
      %broadcast_in_dim3A_90 = vector.broadcast %broadcast_in_dim3A_89 : f32 to vector<16xf32>
      %swap3A_91 = arith.index_cast %scan3A_55 : i32 to index
      %swap3A_92 = arith.constant 80 : index
      %swap3A_93 = tpu.vector_load %arg9[%swap3A_91, %swap3A_92] {strides = array<i32>} : memref<128x128xf32, #tpu.memory_space<vmem>>, vector<1x16xf32>,
      %swap3A_94 = vector.shape_cast %swap3A_93 : vector<1x16xf32> to vector<16xf32>
      %swap3A_95 = vector.shape_cast %broadcast_in_dim3A_90 : vector<16xf32> to vector<1x16xf32>
      tpu.vector_store %arg9[%swap3A_91, %swap3A_92], %swap3A_95 {strides = array<i32>} : memref<128x128xf32, #tpu.memory_space<vmem>>, vector<1x16xf32>,
      %broadcast_in_dim3A_96 = arith.constant 0.000000e+00 : f32
      %broadcast_in_dim3A_97 = vector.broadcast %broadcast_in_dim3A_96 : f32 to vector<16xf32>
      %swap3A_98 = arith.index_cast %scan3A_55 : i32 to index
      %swap3A_99 = arith.constant 96 : index
      %swap3A_100 = tpu.vector_load %arg9[%swap3A_98, %swap3A_99] {strides = array<i32>} : memref<128x128xf32, #tpu.memory_space<vmem>>, vector<1x16xf32>,
      %swap3A_101 = vector.shape_cast %swap3A_100 : vector<1x16xf32> to vector<16xf32>
      %swap3A_102 = vector.shape_cast %broadcast_in_dim3A_97 : vector<16xf32> to vector<1x16xf32>
      tpu.vector_store %arg9[%swap3A_98, %swap3A_99], %swap3A_102 {strides = array<i32>} : memref<128x128xf32, #tpu.memory_space<vmem>>, vector<1x16xf32>,
      %broadcast_in_dim3A_103 = arith.constant 0.000000e+00 : f32
      %broadcast_in_dim3A_104 = vector.broadcast %broadcast_in_dim3A_103 : f32 to vector<16xf32>
      %swap3A_105 = arith.index_cast %scan3A_55 : i32 to index
      %swap3A_106 = arith.constant 112 : index
      %swap3A_107 = tpu.vector_load %arg9[%swap3A_105, %swap3A_106] {strides = array<i32>} : memref<128x128xf32, #tpu.memory_space<vmem>>, vector<1x16xf32>,
      %swap3A_108 = vector.shape_cast %swap3A_107 : vector<1x16xf32> to vector<16xf32>
      %swap3A_109 = vector.shape_cast %broadcast_in_dim3A_104 : vector<16xf32> to vector<1x16xf32>
      tpu.vector_store %arg9[%swap3A_105, %swap3A_106], %swap3A_109 {strides = array<i32>} : memref<128x128xf32, #tpu.memory_space<vmem>>, vector<1x16xf32>,
    }
    %scan3A_5 = arith.constant 128 : i32
    %mul3A_6 = arith.constant 640 : i32
    %mul3A_7 = arith.muli %arg1, %mul3A_6 : i32
    %add3A_8 = arith.constant 0 : i32
    %add3A_9 = arith.addi %mul3A_7, %add3A_8 : i32
    "tpu.region"() ({
      %run_scoped3A = tpu.sem_alloc : memref<!tpu.dma_semaphore, #tpu.memory_space<semaphore_mem>>
      %dma_start3A = arith.constant 0 : i32
      %dma_start3A_55 = tpu.memref_slice %arg10[%add3A_9, %dma_start3A] : memref<10240x128xf32, #tpu.memory_space<vmem_shared>> -> memref<128x128xf32, #tpu.memory_space<vmem_shared>>
      %dma_start3A_56 = arith.constant 0 : i32
      %dma_start3A_57 = tpu.memref_slice %arg10[%add3A_9, %dma_start3A_56] : memref<10240x128xf32, #tpu.memory_space<vmem_shared>> -> memref<128x128xf32, #tpu.memory_space<vmem_shared>>
      tpu.enqueue_dma source(%arg9 : memref<128x128xf32, #tpu.memory_space<vmem>>) target(%dma_start3A_57 : memref<128x128xf32, #tpu.memory_space<vmem_shared>>) target_semaphore(%run_scoped3A : memref<!tpu.dma_semaphore, #tpu.memory_space<semaphore_mem>>)
      %dma_wait3A = arith.constant 0 : i32
      %dma_wait3A_58 = tpu.memref_slice %arg10[%add3A_9, %dma_wait3A] : memref<10240x128xf32, #tpu.memory_space<vmem_shared>> -> memref<128x128xf32, #tpu.memory_space<vmem_shared>>
      %dma_wait3A_59 = arith.constant 0 : i32
      %dma_wait3A_60 = tpu.memref_slice %arg10[%add3A_9, %dma_wait3A_59] : memref<10240x128xf32, #tpu.memory_space<vmem_shared>> -> memref<128x128xf32, #tpu.memory_space<vmem_shared>>
      tpu.wait_dma2 semaphore(%run_scoped3A : memref<!tpu.dma_semaphore, #tpu.memory_space<semaphore_mem>>) src(%arg9 : memref<128x128xf32, #tpu.memory_space<vmem>>) dst(%dma_wait3A_60 : memref<128x128xf32, #tpu.memory_space<vmem_shared>>)
      tpu.yield
    }) : () -> ()
    %mul3A_10 = arith.constant 640 : i32
    %mul3A_11 = arith.muli %arg1, %mul3A_10 : i32
    %add3A_12 = arith.constant 128 : i32
    %add3A_13 = arith.addi %mul3A_11, %add3A_12 : i32
    "tpu.region"() ({
      %run_scoped3A = tpu.sem_alloc : memref<!tpu.dma_semaphore, #tpu.memory_space<semaphore_mem>>
      %dma_start3A = arith.constant 0 : i32
      %dma_start3A_55 = tpu.memref_slice %arg10[%add3A_13, %dma_start3A] : memref<10240x128xf32, #tpu.memory_space<vmem_shared>> -> memref<128x128xf32, #tpu.memory_space<vmem_shared>>
      %dma_start3A_56 = arith.constant 0 : i32
      %dma_start3A_57 = tpu.memref_slice %arg10[%add3A_13, %dma_start3A_56] : memref<10240x128xf32, #tpu.memory_space<vmem_shared>> -> memref<128x128xf32, #tpu.memory_space<vmem_shared>>
      tpu.enqueue_dma source(%arg9 : memref<128x128xf32, #tpu.memory_space<vmem>>) target(%dma_start3A_57 : memref<128x128xf32, #tpu.memory_space<vmem_shared>>) target_semaphore(%run_scoped3A : memref<!tpu.dma_semaphore, #tpu.memory_space<semaphore_mem>>)
      %dma_wait3A = arith.constant 0 : i32
      %dma_wait3A_58 = tpu.memref_slice %arg10[%add3A_13, %dma_wait3A] : memref<10240x128xf32, #tpu.memory_space<vmem_shared>> -> memref<128x128xf32, #tpu.memory_space<vmem_shared>>
      %dma_wait3A_59 = arith.constant 0 : i32
      %dma_wait3A_60 = tpu.memref_slice %arg10[%add3A_13, %dma_wait3A_59] : memref<10240x128xf32, #tpu.memory_space<vmem_shared>> -> memref<128x128xf32, #tpu.memory_space<vmem_shared>>
      tpu.wait_dma2 semaphore(%run_scoped3A : memref<!tpu.dma_semaphore, #tpu.memory_space<semaphore_mem>>) src(%arg9 : memref<128x128xf32, #tpu.memory_space<vmem>>) dst(%dma_wait3A_60 : memref<128x128xf32, #tpu.memory_space<vmem_shared>>)
      tpu.yield
    }) : () -> ()
    %mul3A_14 = arith.constant 640 : i32
    %mul3A_15 = arith.muli %arg1, %mul3A_14 : i32
    %add3A_16 = arith.constant 256 : i32
    %add3A_17 = arith.addi %mul3A_15, %add3A_16 : i32
    "tpu.region"() ({
      %run_scoped3A = tpu.sem_alloc : memref<!tpu.dma_semaphore, #tpu.memory_space<semaphore_mem>>
      %dma_start3A = arith.constant 0 : i32
      %dma_start3A_55 = tpu.memref_slice %arg10[%add3A_17, %dma_start3A] : memref<10240x128xf32, #tpu.memory_space<vmem_shared>> -> memref<128x128xf32, #tpu.memory_space<vmem_shared>>
      %dma_start3A_56 = arith.constant 0 : i32
      %dma_start3A_57 = tpu.memref_slice %arg10[%add3A_17, %dma_start3A_56] : memref<10240x128xf32, #tpu.memory_space<vmem_shared>> -> memref<128x128xf32, #tpu.memory_space<vmem_shared>>
      tpu.enqueue_dma source(%arg9 : memref<128x128xf32, #tpu.memory_space<vmem>>) target(%dma_start3A_57 : memref<128x128xf32, #tpu.memory_space<vmem_shared>>) target_semaphore(%run_scoped3A : memref<!tpu.dma_semaphore, #tpu.memory_space<semaphore_mem>>)
      %dma_wait3A = arith.constant 0 : i32
      %dma_wait3A_58 = tpu.memref_slice %arg10[%add3A_17, %dma_wait3A] : memref<10240x128xf32, #tpu.memory_space<vmem_shared>> -> memref<128x128xf32, #tpu.memory_space<vmem_shared>>
      %dma_wait3A_59 = arith.constant 0 : i32
      %dma_wait3A_60 = tpu.memref_slice %arg10[%add3A_17, %dma_wait3A_59] : memref<10240x128xf32, #tpu.memory_space<vmem_shared>> -> memref<128x128xf32, #tpu.memory_space<vmem_shared>>
      tpu.wait_dma2 semaphore(%run_scoped3A : memref<!tpu.dma_semaphore, #tpu.memory_space<semaphore_mem>>) src(%arg9 : memref<128x128xf32, #tpu.memory_space<vmem>>) dst(%dma_wait3A_60 : memref<128x128xf32, #tpu.memory_space<vmem_shared>>)
      tpu.yield
    }) : () -> ()
    %mul3A_18 = arith.constant 640 : i32
    %mul3A_19 = arith.muli %arg1, %mul3A_18 : i32
    %add3A_20 = arith.constant 384 : i32
    %add3A_21 = arith.addi %mul3A_19, %add3A_20 : i32
    "tpu.region"() ({
      %run_scoped3A = tpu.sem_alloc : memref<!tpu.dma_semaphore, #tpu.memory_space<semaphore_mem>>
      %dma_start3A = arith.constant 0 : i32
      %dma_start3A_55 = tpu.memref_slice %arg10[%add3A_21, %dma_start3A] : memref<10240x128xf32, #tpu.memory_space<vmem_shared>> -> memref<128x128xf32, #tpu.memory_space<vmem_shared>>
      %dma_start3A_56 = arith.constant 0 : i32
      %dma_start3A_57 = tpu.memref_slice %arg10[%add3A_21, %dma_start3A_56] : memref<10240x128xf32, #tpu.memory_space<vmem_shared>> -> memref<128x128xf32, #tpu.memory_space<vmem_shared>>
      tpu.enqueue_dma source(%arg9 : memref<128x128xf32, #tpu.memory_space<vmem>>) target(%dma_start3A_57 : memref<128x128xf32, #tpu.memory_space<vmem_shared>>) target_semaphore(%run_scoped3A : memref<!tpu.dma_semaphore, #tpu.memory_space<semaphore_mem>>)
      %dma_wait3A = arith.constant 0 : i32
      %dma_wait3A_58 = tpu.memref_slice %arg10[%add3A_21, %dma_wait3A] : memref<10240x128xf32, #tpu.memory_space<vmem_shared>> -> memref<128x128xf32, #tpu.memory_space<vmem_shared>>
      %dma_wait3A_59 = arith.constant 0 : i32
      %dma_wait3A_60 = tpu.memref_slice %arg10[%add3A_21, %dma_wait3A_59] : memref<10240x128xf32, #tpu.memory_space<vmem_shared>> -> memref<128x128xf32, #tpu.memory_space<vmem_shared>>
      tpu.wait_dma2 semaphore(%run_scoped3A : memref<!tpu.dma_semaphore, #tpu.memory_space<semaphore_mem>>) src(%arg9 : memref<128x128xf32, #tpu.memory_space<vmem>>) dst(%dma_wait3A_60 : memref<128x128xf32, #tpu.memory_space<vmem_shared>>)
      tpu.yield
    }) : () -> ()
    %mul3A_22 = arith.constant 640 : i32
    %mul3A_23 = arith.muli %arg1, %mul3A_22 : i32
    %add3A_24 = arith.constant 512 : i32
    %add3A_25 = arith.addi %mul3A_23, %add3A_24 : i32
    "tpu.region"() ({
      %run_scoped3A = tpu.sem_alloc : memref<!tpu.dma_semaphore, #tpu.memory_space<semaphore_mem>>
      %dma_start3A = arith.constant 0 : i32
      %dma_start3A_55 = tpu.memref_slice %arg10[%add3A_25, %dma_start3A] : memref<10240x128xf32, #tpu.memory_space<vmem_shared>> -> memref<128x128xf32, #tpu.memory_space<vmem_shared>>
      %dma_start3A_56 = arith.constant 0 : i32
      %dma_start3A_57 = tpu.memref_slice %arg10[%add3A_25, %dma_start3A_56] : memref<10240x128xf32, #tpu.memory_space<vmem_shared>> -> memref<128x128xf32, #tpu.memory_space<vmem_shared>>
      tpu.enqueue_dma source(%arg9 : memref<128x128xf32, #tpu.memory_space<vmem>>) target(%dma_start3A_57 : memref<128x128xf32, #tpu.memory_space<vmem_shared>>) target_semaphore(%run_scoped3A : memref<!tpu.dma_semaphore, #tpu.memory_space<semaphore_mem>>)
      %dma_wait3A = arith.constant 0 : i32
      %dma_wait3A_58 = tpu.memref_slice %arg10[%add3A_25, %dma_wait3A] : memref<10240x128xf32, #tpu.memory_space<vmem_shared>> -> memref<128x128xf32, #tpu.memory_space<vmem_shared>>
      %dma_wait3A_59 = arith.constant 0 : i32
      %dma_wait3A_60 = tpu.memref_slice %arg10[%add3A_25, %dma_wait3A_59] : memref<10240x128xf32, #tpu.memory_space<vmem_shared>> -> memref<128x128xf32, #tpu.memory_space<vmem_shared>>
      tpu.wait_dma2 semaphore(%run_scoped3A : memref<!tpu.dma_semaphore, #tpu.memory_space<semaphore_mem>>) src(%arg9 : memref<128x128xf32, #tpu.memory_space<vmem>>) dst(%dma_wait3A_60 : memref<128x128xf32, #tpu.memory_space<vmem_shared>>)
      tpu.yield
    }) : () -> ()
    %barrier3A = arith.constant 0 : index
    tpu.barrier barrier_id(%barrier3A)
    %scan3A_26 = arith.constant 0 : i32
    %scan3A_27 = arith.constant 0 : i32
    %scan3A_28 = arith.constant 39 : i32
    %scan3A_29 = arith.addi %scan3A_27, %scan3A_28 : i32
    %scan3A_30 = arith.constant 1 : i32
    scf.for %scan3A_55 = %scan3A_27 to %scan3A_29 step %scan3A_30  : i32 {
      %mul3A_56 = arith.constant 32 : i32
      %mul3A_57 = arith.muli %scan3A_55, %mul3A_56 : i32
      %add3A_58 = arith.addi %mul3A_57, %add3A : i32
      %mul3A_59 = arith.constant 128 : i32
      %mul3A_60 = arith.muli %add3A_58, %mul3A_59 : i32
      %run_scoped3A = arith.constant 0 : i32
      "tpu.region"() ({
        %run_scoped3A_70 = tpu.sem_alloc : memref<!tpu.dma_semaphore, #tpu.memory_space<semaphore_mem>>
        %dma_start3A = arith.constant 0 : i32
        %dma_start3A_71 = tpu.memref_slice %arg7[%run_scoped3A, %dma_start3A] : memref<2x128xi32, #tpu.memory_space<vmem>> -> memref<1x128xi32, #tpu.memory_space<vmem>>
        %dma_start3A_72 = tpu.memref_squeeze %dma_start3A_71 : memref<1x128xi32, #tpu.memory_space<vmem>> -> memref<128xi32, #tpu.memory_space<vmem>>
        %dma_start3A_73 = tpu.memref_slice %arg4[%mul3A_60] : memref<160000xi32, #tpu.memory_space<hbm>> -> memref<128xi32, #tpu.memory_space<hbm>>
        %dma_start3A_74 = arith.constant 0 : i32
        %dma_start3A_75 = tpu.memref_slice %arg7[%run_scoped3A, %dma_start3A_74] : memref<2x128xi32, #tpu.memory_space<vmem>> -> memref<1x128xi32, #tpu.memory_space<vmem>>
        %dma_start3A_76 = tpu.memref_squeeze %dma_start3A_75 : memref<1x128xi32, #tpu.memory_space<vmem>> -> memref<128xi32, #tpu.memory_space<vmem>>
        %dma_start3A_77 = tpu.memref_slice %arg4[%mul3A_60] : memref<160000xi32, #tpu.memory_space<hbm>> -> memref<128xi32, #tpu.memory_space<hbm>>
        tpu.enqueue_dma source(%dma_start3A_77 : memref<128xi32, #tpu.memory_space<hbm>>) target(%dma_start3A_76 : memref<128xi32, #tpu.memory_space<vmem>>) target_semaphore(%run_scoped3A_70 : memref<!tpu.dma_semaphore, #tpu.memory_space<semaphore_mem>>)
        %dma_wait3A = arith.constant 0 : i32
        %dma_wait3A_78 = tpu.memref_slice %arg7[%run_scoped3A, %dma_wait3A] : memref<2x128xi32, #tpu.memory_space<vmem>> -> memref<1x128xi32, #tpu.memory_space<vmem>>
        %dma_wait3A_79 = tpu.memref_squeeze %dma_wait3A_78 : memref<1x128xi32, #tpu.memory_space<vmem>> -> memref<128xi32, #tpu.memory_space<vmem>>
        %dma_wait3A_80 = tpu.memref_slice %arg4[%mul3A_60] : memref<160000xi32, #tpu.memory_space<hbm>> -> memref<128xi32, #tpu.memory_space<hbm>>
        %dma_wait3A_81 = arith.constant 0 : i32
        %dma_wait3A_82 = tpu.memref_slice %arg7[%run_scoped3A, %dma_wait3A_81] : memref<2x128xi32, #tpu.memory_space<vmem>> -> memref<1x128xi32, #tpu.memory_space<vmem>>
        %dma_wait3A_83 = tpu.memref_squeeze %dma_wait3A_82 : memref<1x128xi32, #tpu.memory_space<vmem>> -> memref<128xi32, #tpu.memory_space<vmem>>
        %dma_wait3A_84 = tpu.memref_slice %arg4[%mul3A_60] : memref<160000xi32, #tpu.memory_space<hbm>> -> memref<128xi32, #tpu.memory_space<hbm>>
        tpu.wait_dma2 semaphore(%run_scoped3A_70 : memref<!tpu.dma_semaphore, #tpu.memory_space<semaphore_mem>>) src(%dma_wait3A_84 : memref<128xi32, #tpu.memory_space<hbm>>) dst(%dma_wait3A_83 : memref<128xi32, #tpu.memory_space<vmem>>)
        tpu.yield
      }) : () -> ()
      %run_scoped3A_61 = arith.constant 1 : i32
      "tpu.region"() ({
        %run_scoped3A_70 = tpu.sem_alloc : memref<!tpu.dma_semaphore, #tpu.memory_space<semaphore_mem>>
        %dma_start3A = arith.constant 0 : i32
        %dma_start3A_71 = tpu.memref_slice %arg7[%run_scoped3A_61, %dma_start3A] : memref<2x128xi32, #tpu.memory_space<vmem>> -> memref<1x128xi32, #tpu.memory_space<vmem>>
        %dma_start3A_72 = tpu.memref_squeeze %dma_start3A_71 : memref<1x128xi32, #tpu.memory_space<vmem>> -> memref<128xi32, #tpu.memory_space<vmem>>
        %dma_start3A_73 = tpu.memref_slice %arg5[%mul3A_60] : memref<160000xi32, #tpu.memory_space<hbm>> -> memref<128xi32, #tpu.memory_space<hbm>>
        %dma_start3A_74 = arith.constant 0 : i32
        %dma_start3A_75 = tpu.memref_slice %arg7[%run_scoped3A_61, %dma_start3A_74] : memref<2x128xi32, #tpu.memory_space<vmem>> -> memref<1x128xi32, #tpu.memory_space<vmem>>
        %dma_start3A_76 = tpu.memref_squeeze %dma_start3A_75 : memref<1x128xi32, #tpu.memory_space<vmem>> -> memref<128xi32, #tpu.memory_space<vmem>>
        %dma_start3A_77 = tpu.memref_slice %arg5[%mul3A_60] : memref<160000xi32, #tpu.memory_space<hbm>> -> memref<128xi32, #tpu.memory_space<hbm>>
        tpu.enqueue_dma source(%dma_start3A_77 : memref<128xi32, #tpu.memory_space<hbm>>) target(%dma_start3A_76 : memref<128xi32, #tpu.memory_space<vmem>>) target_semaphore(%run_scoped3A_70 : memref<!tpu.dma_semaphore, #tpu.memory_space<semaphore_mem>>)
        %dma_wait3A = arith.constant 0 : i32
        %dma_wait3A_78 = tpu.memref_slice %arg7[%run_scoped3A_61, %dma_wait3A] : memref<2x128xi32, #tpu.memory_space<vmem>> -> memref<1x128xi32, #tpu.memory_space<vmem>>
        %dma_wait3A_79 = tpu.memref_squeeze %dma_wait3A_78 : memref<1x128xi32, #tpu.memory_space<vmem>> -> memref<128xi32, #tpu.memory_space<vmem>>
        %dma_wait3A_80 = tpu.memref_slice %arg5[%mul3A_60] : memref<160000xi32, #tpu.memory_space<hbm>> -> memref<128xi32, #tpu.memory_space<hbm>>
        %dma_wait3A_81 = arith.constant 0 : i32
        %dma_wait3A_82 = tpu.memref_slice %arg7[%run_scoped3A_61, %dma_wait3A_81] : memref<2x128xi32, #tpu.memory_space<vmem>> -> memref<1x128xi32, #tpu.memory_space<vmem>>
        %dma_wait3A_83 = tpu.memref_squeeze %dma_wait3A_82 : memref<1x128xi32, #tpu.memory_space<vmem>> -> memref<128xi32, #tpu.memory_space<vmem>>
        %dma_wait3A_84 = tpu.memref_slice %arg5[%mul3A_60] : memref<160000xi32, #tpu.memory_space<hbm>> -> memref<128xi32, #tpu.memory_space<hbm>>
        tpu.wait_dma2 semaphore(%run_scoped3A_70 : memref<!tpu.dma_semaphore, #tpu.memory_space<semaphore_mem>>) src(%dma_wait3A_84 : memref<128xi32, #tpu.memory_space<hbm>>) dst(%dma_wait3A_83 : memref<128xi32, #tpu.memory_space<vmem>>)
        tpu.yield
      }) : () -> ()
      "tpu.region"() ({
        %run_scoped3A_70 = tpu.sem_alloc : memref<!tpu.dma_semaphore, #tpu.memory_space<semaphore_mem>>
        %dma_start3A = arith.constant 0 : i32
        %dma_start3A_71 = tpu.memref_slice %arg3[%mul3A_60, %dma_start3A] : memref<160000x128xf32, #tpu.memory_space<hbm>> -> memref<128x128xf32, #tpu.memory_space<hbm>>
        %dma_start3A_72 = arith.constant 0 : i32
        %dma_start3A_73 = tpu.memref_slice %arg3[%mul3A_60, %dma_start3A_72] : memref<160000x128xf32, #tpu.memory_space<hbm>> -> memref<128x128xf32, #tpu.memory_space<hbm>>
        tpu.enqueue_dma source(%dma_start3A_73 : memref<128x128xf32, #tpu.memory_space<hbm>>) target(%arg9 : memref<128x128xf32, #tpu.memory_space<vmem>>) target_semaphore(%run_scoped3A_70 : memref<!tpu.dma_semaphore, #tpu.memory_space<semaphore_mem>>)
        %dma_wait3A = arith.constant 0 : i32
        %dma_wait3A_74 = tpu.memref_slice %arg3[%mul3A_60, %dma_wait3A] : memref<160000x128xf32, #tpu.memory_space<hbm>> -> memref<128x128xf32, #tpu.memory_space<hbm>>
        %dma_wait3A_75 = arith.constant 0 : i32
        %dma_wait3A_76 = tpu.memref_slice %arg3[%mul3A_60, %dma_wait3A_75] : memref<160000x128xf32, #tpu.memory_space<hbm>> -> memref<128x128xf32, #tpu.memory_space<hbm>>
        tpu.wait_dma2 semaphore(%run_scoped3A_70 : memref<!tpu.dma_semaphore, #tpu.memory_space<semaphore_mem>>) src(%dma_wait3A_76 : memref<128x128xf32, #tpu.memory_space<hbm>>) dst(%arg9 : memref<128x128xf32, #tpu.memory_space<vmem>>)
        tpu.yield
      }) : () -> ()
      %run_scoped3A_62 = arith.constant 0 : i32
      "tpu.region"() ({
        %run_scoped3A_70 = tpu.sem_alloc : memref<!tpu.dma_semaphore, #tpu.memory_space<semaphore_mem>>
        %dma_start3A = arith.constant 0 : i32
        %dma_start3A_71 = tpu.memref_slice %arg7[%run_scoped3A_62, %dma_start3A] : memref<2x128xi32, #tpu.memory_space<vmem>> -> memref<1x128xi32, #tpu.memory_space<vmem>>
        %dma_start3A_72 = tpu.memref_squeeze %dma_start3A_71 : memref<1x128xi32, #tpu.memory_space<vmem>> -> memref<128xi32, #tpu.memory_space<vmem>>
        %dma_start3A_73 = arith.constant 0 : i32
        %dma_start3A_74 = arith.constant 0 : i32
        %dma_start3A_75 = tpu.memref_slice %arg2[%dma_start3A_73, %dma_start3A_74] : memref<10000x128xf32, #tpu.memory_space<hbm>> -> memref<10000x128xf32, #tpu.memory_space<hbm>>
        tpu.enqueue_indirect_dma source(%dma_start3A_75 : memref<10000x128xf32, #tpu.memory_space<hbm>>) target(%arg8 : memref<128x128xf32, #tpu.memory_space<vmem>>) offsets(%dma_start3A_72 : memref<128xi32, #tpu.memory_space<vmem>>) semaphore(%run_scoped3A_70 : memref<!tpu.dma_semaphore, #tpu.memory_space<semaphore_mem>>)
        %dma_wait3A = arith.constant 0 : i32
        %dma_wait3A_76 = tpu.memref_slice %arg7[%run_scoped3A_62, %dma_wait3A] : memref<2x128xi32, #tpu.memory_space<vmem>> -> memref<1x128xi32, #tpu.memory_space<vmem>>
        %dma_wait3A_77 = tpu.memref_squeeze %dma_wait3A_76 : memref<1x128xi32, #tpu.memory_space<vmem>> -> memref<128xi32, #tpu.memory_space<vmem>>
        %dma_wait3A_78 = arith.constant 0 : i32
        %dma_wait3A_79 = arith.constant 0 : i32
        %dma_wait3A_80 = tpu.memref_slice %arg2[%dma_wait3A_78, %dma_wait3A_79] : memref<10000x128xf32, #tpu.memory_space<hbm>> -> memref<10000x128xf32, #tpu.memory_space<hbm>>
        tpu.wait_indirect_dma semaphore(%run_scoped3A_70 : memref<!tpu.dma_semaphore, #tpu.memory_space<semaphore_mem>>) src(%dma_wait3A_80 : memref<10000x128xf32, #tpu.memory_space<hbm>>) dst(%arg8 : memref<128x128xf32, #tpu.memory_space<vmem>>)
        tpu.yield
      }) : () -> ()
      %scan3A_63 = arith.constant 0 : i32
      %scan3A_64 = arith.constant 0 : i32
      %scan3A_65 = arith.constant 128 : i32
      %scan3A_66 = arith.addi %scan3A_64, %scan3A_65 : i32
      %scan3A_67 = arith.constant 1 : i32
      scf.for %scan3A_70 = %scan3A_64 to %scan3A_66 step %scan3A_67  : i32 {
        %get3A = arith.index_cast %scan3A_70 : i32 to index
        %get3A_71 = arith.constant 0 : index
        %get3A_72 = tpu.vector_load %arg9[%get3A, %get3A_71] {strides = array<i32>} : memref<128x128xf32, #tpu.memory_space<vmem>>, vector<1x16xf32>,
        %get3A_73 = vector.shape_cast %get3A_72 : vector<1x16xf32> to vector<16xf32>
        %get3A_74 = arith.index_cast %scan3A_70 : i32 to index
        %get3A_75 = arith.constant 0 : index
        %get3A_76 = tpu.vector_load %arg8[%get3A_74, %get3A_75] {strides = array<i32>} : memref<128x128xf32, #tpu.memory_space<vmem>>, vector<1x16xf32>,
        %get3A_77 = vector.shape_cast %get3A_76 : vector<1x16xf32> to vector<16xf32>
        %add3A_78 = arith.addf %get3A_73, %get3A_77 : vector<16xf32>
        %swap3A = arith.index_cast %scan3A_70 : i32 to index
        %swap3A_79 = arith.constant 0 : index
        %swap3A_80 = tpu.vector_load %arg9[%swap3A, %swap3A_79] {strides = array<i32>} : memref<128x128xf32, #tpu.memory_space<vmem>>, vector<1x16xf32>,
        %swap3A_81 = vector.shape_cast %swap3A_80 : vector<1x16xf32> to vector<16xf32>
        %swap3A_82 = vector.shape_cast %add3A_78 : vector<16xf32> to vector<1x16xf32>
        tpu.vector_store %arg9[%swap3A, %swap3A_79], %swap3A_82 {strides = array<i32>} : memref<128x128xf32, #tpu.memory_space<vmem>>, vector<1x16xf32>,
        %get3A_83 = arith.index_cast %scan3A_70 : i32 to index
        %get3A_84 = arith.constant 16 : index
        %get3A_85 = tpu.vector_load %arg9[%get3A_83, %get3A_84] {strides = array<i32>} : memref<128x128xf32, #tpu.memory_space<vmem>>, vector<1x16xf32>,
        %get3A_86 = vector.shape_cast %get3A_85 : vector<1x16xf32> to vector<16xf32>
        %get3A_87 = arith.index_cast %scan3A_70 : i32 to index
        %get3A_88 = arith.constant 16 : index
        %get3A_89 = tpu.vector_load %arg8[%get3A_87, %get3A_88] {strides = array<i32>} : memref<128x128xf32, #tpu.memory_space<vmem>>, vector<1x16xf32>,
        %get3A_90 = vector.shape_cast %get3A_89 : vector<1x16xf32> to vector<16xf32>
        %add3A_91 = arith.addf %get3A_86, %get3A_90 : vector<16xf32>
        %swap3A_92 = arith.index_cast %scan3A_70 : i32 to index
        %swap3A_93 = arith.constant 16 : index
        %swap3A_94 = tpu.vector_load %arg9[%swap3A_92, %swap3A_93] {strides = array<i32>} : memref<128x128xf32, #tpu.memory_space<vmem>>, vector<1x16xf32>,
        %swap3A_95 = vector.shape_cast %swap3A_94 : vector<1x16xf32> to vector<16xf32>
        %swap3A_96 = vector.shape_cast %add3A_91 : vector<16xf32> to vector<1x16xf32>
        tpu.vector_store %arg9[%swap3A_92, %swap3A_93], %swap3A_96 {strides = array<i32>} : memref<128x128xf32, #tpu.memory_space<vmem>>, vector<1x16xf32>,
        %get3A_97 = arith.index_cast %scan3A_70 : i32 to index
        %get3A_98 = arith.constant 32 : index
        %get3A_99 = tpu.vector_load %arg9[%get3A_97, %get3A_98] {strides = array<i32>} : memref<128x128xf32, #tpu.memory_space<vmem>>, vector<1x16xf32>,
        %get3A_100 = vector.shape_cast %get3A_99 : vector<1x16xf32> to vector<16xf32>
        %get3A_101 = arith.index_cast %scan3A_70 : i32 to index
        %get3A_102 = arith.constant 32 : index
        %get3A_103 = tpu.vector_load %arg8[%get3A_101, %get3A_102] {strides = array<i32>} : memref<128x128xf32, #tpu.memory_space<vmem>>, vector<1x16xf32>,
        %get3A_104 = vector.shape_cast %get3A_103 : vector<1x16xf32> to vector<16xf32>
        %add3A_105 = arith.addf %get3A_100, %get3A_104 : vector<16xf32>
        %swap3A_106 = arith.index_cast %scan3A_70 : i32 to index
        %swap3A_107 = arith.constant 32 : index
        %swap3A_108 = tpu.vector_load %arg9[%swap3A_106, %swap3A_107] {strides = array<i32>} : memref<128x128xf32, #tpu.memory_space<vmem>>, vector<1x16xf32>,
        %swap3A_109 = vector.shape_cast %swap3A_108 : vector<1x16xf32> to vector<16xf32>
        %swap3A_110 = vector.shape_cast %add3A_105 : vector<16xf32> to vector<1x16xf32>
        tpu.vector_store %arg9[%swap3A_106, %swap3A_107], %swap3A_110 {strides = array<i32>} : memref<128x128xf32, #tpu.memory_space<vmem>>, vector<1x16xf32>,
        %get3A_111 = arith.index_cast %scan3A_70 : i32 to index
        %get3A_112 = arith.constant 48 : index
        %get3A_113 = tpu.vector_load %arg9[%get3A_111, %get3A_112] {strides = array<i32>} : memref<128x128xf32, #tpu.memory_space<vmem>>, vector<1x16xf32>,
        %get3A_114 = vector.shape_cast %get3A_113 : vector<1x16xf32> to vector<16xf32>
        %get3A_115 = arith.index_cast %scan3A_70 : i32 to index
        %get3A_116 = arith.constant 48 : index
        %get3A_117 = tpu.vector_load %arg8[%get3A_115, %get3A_116] {strides = array<i32>} : memref<128x128xf32, #tpu.memory_space<vmem>>, vector<1x16xf32>,
        %get3A_118 = vector.shape_cast %get3A_117 : vector<1x16xf32> to vector<16xf32>
        %add3A_119 = arith.addf %get3A_114, %get3A_118 : vector<16xf32>
        %swap3A_120 = arith.index_cast %scan3A_70 : i32 to index
        %swap3A_121 = arith.constant 48 : index
        %swap3A_122 = tpu.vector_load %arg9[%swap3A_120, %swap3A_121] {strides = array<i32>} : memref<128x128xf32, #tpu.memory_space<vmem>>, vector<1x16xf32>,
        %swap3A_123 = vector.shape_cast %swap3A_122 : vector<1x16xf32> to vector<16xf32>
        %swap3A_124 = vector.shape_cast %add3A_119 : vector<16xf32> to vector<1x16xf32>
        tpu.vector_store %arg9[%swap3A_120, %swap3A_121], %swap3A_124 {strides = array<i32>} : memref<128x128xf32, #tpu.memory_space<vmem>>, vector<1x16xf32>,
        %get3A_125 = arith.index_cast %scan3A_70 : i32 to index
        %get3A_126 = arith.constant 64 : index
        %get3A_127 = tpu.vector_load %arg9[%get3A_125, %get3A_126] {strides = array<i32>} : memref<128x128xf32, #tpu.memory_space<vmem>>, vector<1x16xf32>,
        %get3A_128 = vector.shape_cast %get3A_127 : vector<1x16xf32> to vector<16xf32>
        %get3A_129 = arith.index_cast %scan3A_70 : i32 to index
        %get3A_130 = arith.constant 64 : index
        %get3A_131 = tpu.vector_load %arg8[%get3A_129, %get3A_130] {strides = array<i32>} : memref<128x128xf32, #tpu.memory_space<vmem>>, vector<1x16xf32>,
        %get3A_132 = vector.shape_cast %get3A_131 : vector<1x16xf32> to vector<16xf32>
        %add3A_133 = arith.addf %get3A_128, %get3A_132 : vector<16xf32>
        %swap3A_134 = arith.index_cast %scan3A_70 : i32 to index
        %swap3A_135 = arith.constant 64 : index
        %swap3A_136 = tpu.vector_load %arg9[%swap3A_134, %swap3A_135] {strides = array<i32>} : memref<128x128xf32, #tpu.memory_space<vmem>>, vector<1x16xf32>,
        %swap3A_137 = vector.shape_cast %swap3A_136 : vector<1x16xf32> to vector<16xf32>
        %swap3A_138 = vector.shape_cast %add3A_133 : vector<16xf32> to vector<1x16xf32>
        tpu.vector_store %arg9[%swap3A_134, %swap3A_135], %swap3A_138 {strides = array<i32>} : memref<128x128xf32, #tpu.memory_space<vmem>>, vector<1x16xf32>,
        %get3A_139 = arith.index_cast %scan3A_70 : i32 to index
        %get3A_140 = arith.constant 80 : index
        %get3A_141 = tpu.vector_load %arg9[%get3A_139, %get3A_140] {strides = array<i32>} : memref<128x128xf32, #tpu.memory_space<vmem>>, vector<1x16xf32>,
        %get3A_142 = vector.shape_cast %get3A_141 : vector<1x16xf32> to vector<16xf32>
        %get3A_143 = arith.index_cast %scan3A_70 : i32 to index
        %get3A_144 = arith.constant 80 : index
        %get3A_145 = tpu.vector_load %arg8[%get3A_143, %get3A_144] {strides = array<i32>} : memref<128x128xf32, #tpu.memory_space<vmem>>, vector<1x16xf32>,
        %get3A_146 = vector.shape_cast %get3A_145 : vector<1x16xf32> to vector<16xf32>
        %add3A_147 = arith.addf %get3A_142, %get3A_146 : vector<16xf32>
        %swap3A_148 = arith.index_cast %scan3A_70 : i32 to index
        %swap3A_149 = arith.constant 80 : index
        %swap3A_150 = tpu.vector_load %arg9[%swap3A_148, %swap3A_149] {strides = array<i32>} : memref<128x128xf32, #tpu.memory_space<vmem>>, vector<1x16xf32>,
        %swap3A_151 = vector.shape_cast %swap3A_150 : vector<1x16xf32> to vector<16xf32>
        %swap3A_152 = vector.shape_cast %add3A_147 : vector<16xf32> to vector<1x16xf32>
        tpu.vector_store %arg9[%swap3A_148, %swap3A_149], %swap3A_152 {strides = array<i32>} : memref<128x128xf32, #tpu.memory_space<vmem>>, vector<1x16xf32>,
        %get3A_153 = arith.index_cast %scan3A_70 : i32 to index
        %get3A_154 = arith.constant 96 : index
        %get3A_155 = tpu.vector_load %arg9[%get3A_153, %get3A_154] {strides = array<i32>} : memref<128x128xf32, #tpu.memory_space<vmem>>, vector<1x16xf32>,
        %get3A_156 = vector.shape_cast %get3A_155 : vector<1x16xf32> to vector<16xf32>
        %get3A_157 = arith.index_cast %scan3A_70 : i32 to index
        %get3A_158 = arith.constant 96 : index
        %get3A_159 = tpu.vector_load %arg8[%get3A_157, %get3A_158] {strides = array<i32>} : memref<128x128xf32, #tpu.memory_space<vmem>>, vector<1x16xf32>,
        %get3A_160 = vector.shape_cast %get3A_159 : vector<1x16xf32> to vector<16xf32>
        %add3A_161 = arith.addf %get3A_156, %get3A_160 : vector<16xf32>
        %swap3A_162 = arith.index_cast %scan3A_70 : i32 to index
        %swap3A_163 = arith.constant 96 : index
        %swap3A_164 = tpu.vector_load %arg9[%swap3A_162, %swap3A_163] {strides = array<i32>} : memref<128x128xf32, #tpu.memory_space<vmem>>, vector<1x16xf32>,
        %swap3A_165 = vector.shape_cast %swap3A_164 : vector<1x16xf32> to vector<16xf32>
        %swap3A_166 = vector.shape_cast %add3A_161 : vector<16xf32> to vector<1x16xf32>
        tpu.vector_store %arg9[%swap3A_162, %swap3A_163], %swap3A_166 {strides = array<i32>} : memref<128x128xf32, #tpu.memory_space<vmem>>, vector<1x16xf32>,
        %get3A_167 = arith.index_cast %scan3A_70 : i32 to index
        %get3A_168 = arith.constant 112 : index
        %get3A_169 = tpu.vector_load %arg9[%get3A_167, %get3A_168] {strides = array<i32>} : memref<128x128xf32, #tpu.memory_space<vmem>>, vector<1x16xf32>,
        %get3A_170 = vector.shape_cast %get3A_169 : vector<1x16xf32> to vector<16xf32>
        %get3A_171 = arith.index_cast %scan3A_70 : i32 to index
        %get3A_172 = arith.constant 112 : index
        %get3A_173 = tpu.vector_load %arg8[%get3A_171, %get3A_172] {strides = array<i32>} : memref<128x128xf32, #tpu.memory_space<vmem>>, vector<1x16xf32>,
        %get3A_174 = vector.shape_cast %get3A_173 : vector<1x16xf32> to vector<16xf32>
        %add3A_175 = arith.addf %get3A_170, %get3A_174 : vector<16xf32>
        %swap3A_176 = arith.index_cast %scan3A_70 : i32 to index
        %swap3A_177 = arith.constant 112 : index
        %swap3A_178 = tpu.vector_load %arg9[%swap3A_176, %swap3A_177] {strides = array<i32>} : memref<128x128xf32, #tpu.memory_space<vmem>>, vector<1x16xf32>,
        %swap3A_179 = vector.shape_cast %swap3A_178 : vector<1x16xf32> to vector<16xf32>
        %swap3A_180 = vector.shape_cast %add3A_175 : vector<16xf32> to vector<1x16xf32>
        tpu.vector_store %arg9[%swap3A_176, %swap3A_177], %swap3A_180 {strides = array<i32>} : memref<128x128xf32, #tpu.memory_space<vmem>>, vector<1x16xf32>,
      }
      %scan3A_68 = arith.constant 128 : i32
      %run_scoped3A_69 = arith.constant 1 : i32
      "tpu.region"() ({
        %run_scoped3A_70 = tpu.sem_alloc : memref<!tpu.dma_semaphore, #tpu.memory_space<semaphore_mem>>
        %dma_start3A = arith.constant 0 : i32
        %dma_start3A_71 = tpu.memref_slice %arg7[%run_scoped3A_69, %dma_start3A] : memref<2x128xi32, #tpu.memory_space<vmem>> -> memref<1x128xi32, #tpu.memory_space<vmem>>
        %dma_start3A_72 = tpu.memref_squeeze %dma_start3A_71 : memref<1x128xi32, #tpu.memory_space<vmem>> -> memref<128xi32, #tpu.memory_space<vmem>>
        %dma_start3A_73 = arith.constant 0 : i32
        %dma_start3A_74 = arith.constant 0 : i32
        %dma_start3A_75 = tpu.memref_slice %arg10[%dma_start3A_73, %dma_start3A_74] : memref<10240x128xf32, #tpu.memory_space<vmem_shared>> -> memref<10240x128xf32, #tpu.memory_space<vmem_shared>>
        tpu.enqueue_indirect_dma source(%arg9 : memref<128x128xf32, #tpu.memory_space<vmem>>) target(%dma_start3A_75 : memref<10240x128xf32, #tpu.memory_space<vmem_shared>>) offsets(%dma_start3A_72 : memref<128xi32, #tpu.memory_space<vmem>>) semaphore(%run_scoped3A_70 : memref<!tpu.dma_semaphore, #tpu.memory_space<semaphore_mem>>) {add = true}
        %dma_wait3A = arith.constant 0 : i32
        %dma_wait3A_76 = tpu.memref_slice %arg7[%run_scoped3A_69, %dma_wait3A] : memref<2x128xi32, #tpu.memory_space<vmem>> -> memref<1x128xi32, #tpu.memory_space<vmem>>
        %dma_wait3A_77 = tpu.memref_squeeze %dma_wait3A_76 : memref<1x128xi32, #tpu.memory_space<vmem>> -> memref<128xi32, #tpu.memory_space<vmem>>
        %dma_wait3A_78 = arith.constant 0 : i32
        %dma_wait3A_79 = arith.constant 0 : i32
        %dma_wait3A_80 = tpu.memref_slice %arg10[%dma_wait3A_78, %dma_wait3A_79] : memref<10240x128xf32, #tpu.memory_space<vmem_shared>> -> memref<10240x128xf32, #tpu.memory_space<vmem_shared>>
        tpu.wait_indirect_dma semaphore(%run_scoped3A_70 : memref<!tpu.dma_semaphore, #tpu.memory_space<semaphore_mem>>) src(%arg9 : memref<128x128xf32, #tpu.memory_space<vmem>>) dst(%dma_wait3A_80 : memref<10240x128xf32, #tpu.memory_space<vmem_shared>>)
        tpu.yield
      }) : () -> ()
    }
    %scan3A_31 = arith.constant 39 : i32
    %lt3A = arith.constant 2 : i32
    %lt3A_32 = arith.cmpi slt, %add3A, %lt3A : i32
    %convert_element_type3A = arith.extui %lt3A_32 : i1 to i32
    %cond3A = arith.constant 0 : i32
    %cond3A_33 = arith.cmpi ne, %convert_element_type3A, %cond3A : i32
    scf.if %cond3A_33 {
      %add3A_55 = arith.constant 1248 : i32
      %add3A_56 = arith.addi %add3A_55, %add3A : i32
      %mul3A_57 = arith.constant 128 : i32
      %mul3A_58 = arith.muli %add3A_56, %mul3A_57 : i32
      %run_scoped3A = arith.constant 0 : i32
      "tpu.region"() ({
        %run_scoped3A_68 = tpu.sem_alloc : memref<!tpu.dma_semaphore, #tpu.memory_space<semaphore_mem>>
        %dma_start3A = arith.constant 0 : i32
        %dma_start3A_69 = tpu.memref_slice %arg7[%run_scoped3A, %dma_start3A] : memref<2x128xi32, #tpu.memory_space<vmem>> -> memref<1x128xi32, #tpu.memory_space<vmem>>
        %dma_start3A_70 = tpu.memref_squeeze %dma_start3A_69 : memref<1x128xi32, #tpu.memory_space<vmem>> -> memref<128xi32, #tpu.memory_space<vmem>>
        %dma_start3A_71 = tpu.memref_slice %arg4[%mul3A_58] : memref<160000xi32, #tpu.memory_space<hbm>> -> memref<128xi32, #tpu.memory_space<hbm>>
        %dma_start3A_72 = arith.constant 0 : i32
        %dma_start3A_73 = tpu.memref_slice %arg7[%run_scoped3A, %dma_start3A_72] : memref<2x128xi32, #tpu.memory_space<vmem>> -> memref<1x128xi32, #tpu.memory_space<vmem>>
        %dma_start3A_74 = tpu.memref_squeeze %dma_start3A_73 : memref<1x128xi32, #tpu.memory_space<vmem>> -> memref<128xi32, #tpu.memory_space<vmem>>
        %dma_start3A_75 = tpu.memref_slice %arg4[%mul3A_58] : memref<160000xi32, #tpu.memory_space<hbm>> -> memref<128xi32, #tpu.memory_space<hbm>>
        tpu.enqueue_dma source(%dma_start3A_75 : memref<128xi32, #tpu.memory_space<hbm>>) target(%dma_start3A_74 : memref<128xi32, #tpu.memory_space<vmem>>) target_semaphore(%run_scoped3A_68 : memref<!tpu.dma_semaphore, #tpu.memory_space<semaphore_mem>>)
        %dma_wait3A = arith.constant 0 : i32
        %dma_wait3A_76 = tpu.memref_slice %arg7[%run_scoped3A, %dma_wait3A] : memref<2x128xi32, #tpu.memory_space<vmem>> -> memref<1x128xi32, #tpu.memory_space<vmem>>
        %dma_wait3A_77 = tpu.memref_squeeze %dma_wait3A_76 : memref<1x128xi32, #tpu.memory_space<vmem>> -> memref<128xi32, #tpu.memory_space<vmem>>
        %dma_wait3A_78 = tpu.memref_slice %arg4[%mul3A_58] : memref<160000xi32, #tpu.memory_space<hbm>> -> memref<128xi32, #tpu.memory_space<hbm>>
        %dma_wait3A_79 = arith.constant 0 : i32
        %dma_wait3A_80 = tpu.memref_slice %arg7[%run_scoped3A, %dma_wait3A_79] : memref<2x128xi32, #tpu.memory_space<vmem>> -> memref<1x128xi32, #tpu.memory_space<vmem>>
        %dma_wait3A_81 = tpu.memref_squeeze %dma_wait3A_80 : memref<1x128xi32, #tpu.memory_space<vmem>> -> memref<128xi32, #tpu.memory_space<vmem>>
        %dma_wait3A_82 = tpu.memref_slice %arg4[%mul3A_58] : memref<160000xi32, #tpu.memory_space<hbm>> -> memref<128xi32, #tpu.memory_space<hbm>>
        tpu.wait_dma2 semaphore(%run_scoped3A_68 : memref<!tpu.dma_semaphore, #tpu.memory_space<semaphore_mem>>) src(%dma_wait3A_82 : memref<128xi32, #tpu.memory_space<hbm>>) dst(%dma_wait3A_81 : memref<128xi32, #tpu.memory_space<vmem>>)
        tpu.yield
      }) : () -> ()
      %run_scoped3A_59 = arith.constant 1 : i32
      "tpu.region"() ({
        %run_scoped3A_68 = tpu.sem_alloc : memref<!tpu.dma_semaphore, #tpu.memory_space<semaphore_mem>>
        %dma_start3A = arith.constant 0 : i32
        %dma_start3A_69 = tpu.memref_slice %arg7[%run_scoped3A_59, %dma_start3A] : memref<2x128xi32, #tpu.memory_space<vmem>> -> memref<1x128xi32, #tpu.memory_space<vmem>>
        %dma_start3A_70 = tpu.memref_squeeze %dma_start3A_69 : memref<1x128xi32, #tpu.memory_space<vmem>> -> memref<128xi32, #tpu.memory_space<vmem>>
        %dma_start3A_71 = tpu.memref_slice %arg5[%mul3A_58] : memref<160000xi32, #tpu.memory_space<hbm>> -> memref<128xi32, #tpu.memory_space<hbm>>
        %dma_start3A_72 = arith.constant 0 : i32
        %dma_start3A_73 = tpu.memref_slice %arg7[%run_scoped3A_59, %dma_start3A_72] : memref<2x128xi32, #tpu.memory_space<vmem>> -> memref<1x128xi32, #tpu.memory_space<vmem>>
        %dma_start3A_74 = tpu.memref_squeeze %dma_start3A_73 : memref<1x128xi32, #tpu.memory_space<vmem>> -> memref<128xi32, #tpu.memory_space<vmem>>
        %dma_start3A_75 = tpu.memref_slice %arg5[%mul3A_58] : memref<160000xi32, #tpu.memory_space<hbm>> -> memref<128xi32, #tpu.memory_space<hbm>>
        tpu.enqueue_dma source(%dma_start3A_75 : memref<128xi32, #tpu.memory_space<hbm>>) target(%dma_start3A_74 : memref<128xi32, #tpu.memory_space<vmem>>) target_semaphore(%run_scoped3A_68 : memref<!tpu.dma_semaphore, #tpu.memory_space<semaphore_mem>>)
        %dma_wait3A = arith.constant 0 : i32
        %dma_wait3A_76 = tpu.memref_slice %arg7[%run_scoped3A_59, %dma_wait3A] : memref<2x128xi32, #tpu.memory_space<vmem>> -> memref<1x128xi32, #tpu.memory_space<vmem>>
        %dma_wait3A_77 = tpu.memref_squeeze %dma_wait3A_76 : memref<1x128xi32, #tpu.memory_space<vmem>> -> memref<128xi32, #tpu.memory_space<vmem>>
        %dma_wait3A_78 = tpu.memref_slice %arg5[%mul3A_58] : memref<160000xi32, #tpu.memory_space<hbm>> -> memref<128xi32, #tpu.memory_space<hbm>>
        %dma_wait3A_79 = arith.constant 0 : i32
        %dma_wait3A_80 = tpu.memref_slice %arg7[%run_scoped3A_59, %dma_wait3A_79] : memref<2x128xi32, #tpu.memory_space<vmem>> -> memref<1x128xi32, #tpu.memory_space<vmem>>
        %dma_wait3A_81 = tpu.memref_squeeze %dma_wait3A_80 : memref<1x128xi32, #tpu.memory_space<vmem>> -> memref<128xi32, #tpu.memory_space<vmem>>
        %dma_wait3A_82 = tpu.memref_slice %arg5[%mul3A_58] : memref<160000xi32, #tpu.memory_space<hbm>> -> memref<128xi32, #tpu.memory_space<hbm>>
        tpu.wait_dma2 semaphore(%run_scoped3A_68 : memref<!tpu.dma_semaphore, #tpu.memory_space<semaphore_mem>>) src(%dma_wait3A_82 : memref<128xi32, #tpu.memory_space<hbm>>) dst(%dma_wait3A_81 : memref<128xi32, #tpu.memory_space<vmem>>)
        tpu.yield
      }) : () -> ()
      "tpu.region"() ({
        %run_scoped3A_68 = tpu.sem_alloc : memref<!tpu.dma_semaphore, #tpu.memory_space<semaphore_mem>>
        %dma_start3A = arith.constant 0 : i32
        %dma_start3A_69 = tpu.memref_slice %arg3[%mul3A_58, %dma_start3A] : memref<160000x128xf32, #tpu.memory_space<hbm>> -> memref<128x128xf32, #tpu.memory_space<hbm>>
        %dma_start3A_70 = arith.constant 0 : i32
        %dma_start3A_71 = tpu.memref_slice %arg3[%mul3A_58, %dma_start3A_70] : memref<160000x128xf32, #tpu.memory_space<hbm>> -> memref<128x128xf32, #tpu.memory_space<hbm>>
        tpu.enqueue_dma source(%dma_start3A_71 : memref<128x128xf32, #tpu.memory_space<hbm>>) target(%arg9 : memref<128x128xf32, #tpu.memory_space<vmem>>) target_semaphore(%run_scoped3A_68 : memref<!tpu.dma_semaphore, #tpu.memory_space<semaphore_mem>>)
        %dma_wait3A = arith.constant 0 : i32
        %dma_wait3A_72 = tpu.memref_slice %arg3[%mul3A_58, %dma_wait3A] : memref<160000x128xf32, #tpu.memory_space<hbm>> -> memref<128x128xf32, #tpu.memory_space<hbm>>
        %dma_wait3A_73 = arith.constant 0 : i32
        %dma_wait3A_74 = tpu.memref_slice %arg3[%mul3A_58, %dma_wait3A_73] : memref<160000x128xf32, #tpu.memory_space<hbm>> -> memref<128x128xf32, #tpu.memory_space<hbm>>
        tpu.wait_dma2 semaphore(%run_scoped3A_68 : memref<!tpu.dma_semaphore, #tpu.memory_space<semaphore_mem>>) src(%dma_wait3A_74 : memref<128x128xf32, #tpu.memory_space<hbm>>) dst(%arg9 : memref<128x128xf32, #tpu.memory_space<vmem>>)
        tpu.yield
      }) : () -> ()
      %run_scoped3A_60 = arith.constant 0 : i32
      "tpu.region"() ({
        %run_scoped3A_68 = tpu.sem_alloc : memref<!tpu.dma_semaphore, #tpu.memory_space<semaphore_mem>>
        %dma_start3A = arith.constant 0 : i32
        %dma_start3A_69 = tpu.memref_slice %arg7[%run_scoped3A_60, %dma_start3A] : memref<2x128xi32, #tpu.memory_space<vmem>> -> memref<1x128xi32, #tpu.memory_space<vmem>>
        %dma_start3A_70 = tpu.memref_squeeze %dma_start3A_69 : memref<1x128xi32, #tpu.memory_space<vmem>> -> memref<128xi32, #tpu.memory_space<vmem>>
        %dma_start3A_71 = arith.constant 0 : i32
        %dma_start3A_72 = arith.constant 0 : i32
        %dma_start3A_73 = tpu.memref_slice %arg2[%dma_start3A_71, %dma_start3A_72] : memref<10000x128xf32, #tpu.memory_space<hbm>> -> memref<10000x128xf32, #tpu.memory_space<hbm>>
        tpu.enqueue_indirect_dma source(%dma_start3A_73 : memref<10000x128xf32, #tpu.memory_space<hbm>>) target(%arg8 : memref<128x128xf32, #tpu.memory_space<vmem>>) offsets(%dma_start3A_70 : memref<128xi32, #tpu.memory_space<vmem>>) semaphore(%run_scoped3A_68 : memref<!tpu.dma_semaphore, #tpu.memory_space<semaphore_mem>>)
        %dma_wait3A = arith.constant 0 : i32
        %dma_wait3A_74 = tpu.memref_slice %arg7[%run_scoped3A_60, %dma_wait3A] : memref<2x128xi32, #tpu.memory_space<vmem>> -> memref<1x128xi32, #tpu.memory_space<vmem>>
        %dma_wait3A_75 = tpu.memref_squeeze %dma_wait3A_74 : memref<1x128xi32, #tpu.memory_space<vmem>> -> memref<128xi32, #tpu.memory_space<vmem>>
        %dma_wait3A_76 = arith.constant 0 : i32
        %dma_wait3A_77 = arith.constant 0 : i32
        %dma_wait3A_78 = tpu.memref_slice %arg2[%dma_wait3A_76, %dma_wait3A_77] : memref<10000x128xf32, #tpu.memory_space<hbm>> -> memref<10000x128xf32, #tpu.memory_space<hbm>>
        tpu.wait_indirect_dma semaphore(%run_scoped3A_68 : memref<!tpu.dma_semaphore, #tpu.memory_space<semaphore_mem>>) src(%dma_wait3A_78 : memref<10000x128xf32, #tpu.memory_space<hbm>>) dst(%arg8 : memref<128x128xf32, #tpu.memory_space<vmem>>)
        tpu.yield
      }) : () -> ()
      %scan3A_61 = arith.constant 0 : i32
      %scan3A_62 = arith.constant 0 : i32
      %scan3A_63 = arith.constant 128 : i32
      %scan3A_64 = arith.addi %scan3A_62, %scan3A_63 : i32
      %scan3A_65 = arith.constant 1 : i32
      scf.for %scan3A_68 = %scan3A_62 to %scan3A_64 step %scan3A_65  : i32 {
        %get3A = arith.index_cast %scan3A_68 : i32 to index
        %get3A_69 = arith.constant 0 : index
        %get3A_70 = tpu.vector_load %arg9[%get3A, %get3A_69] {strides = array<i32>} : memref<128x128xf32, #tpu.memory_space<vmem>>, vector<1x16xf32>,
        %get3A_71 = vector.shape_cast %get3A_70 : vector<1x16xf32> to vector<16xf32>
        %get3A_72 = arith.index_cast %scan3A_68 : i32 to index
        %get3A_73 = arith.constant 0 : index
        %get3A_74 = tpu.vector_load %arg8[%get3A_72, %get3A_73] {strides = array<i32>} : memref<128x128xf32, #tpu.memory_space<vmem>>, vector<1x16xf32>,
        %get3A_75 = vector.shape_cast %get3A_74 : vector<1x16xf32> to vector<16xf32>
        %add3A_76 = arith.addf %get3A_71, %get3A_75 : vector<16xf32>
        %swap3A = arith.index_cast %scan3A_68 : i32 to index
        %swap3A_77 = arith.constant 0 : index
        %swap3A_78 = tpu.vector_load %arg9[%swap3A, %swap3A_77] {strides = array<i32>} : memref<128x128xf32, #tpu.memory_space<vmem>>, vector<1x16xf32>,
        %swap3A_79 = vector.shape_cast %swap3A_78 : vector<1x16xf32> to vector<16xf32>
        %swap3A_80 = vector.shape_cast %add3A_76 : vector<16xf32> to vector<1x16xf32>
        tpu.vector_store %arg9[%swap3A, %swap3A_77], %swap3A_80 {strides = array<i32>} : memref<128x128xf32, #tpu.memory_space<vmem>>, vector<1x16xf32>,
        %get3A_81 = arith.index_cast %scan3A_68 : i32 to index
        %get3A_82 = arith.constant 16 : index
        %get3A_83 = tpu.vector_load %arg9[%get3A_81, %get3A_82] {strides = array<i32>} : memref<128x128xf32, #tpu.memory_space<vmem>>, vector<1x16xf32>,
        %get3A_84 = vector.shape_cast %get3A_83 : vector<1x16xf32> to vector<16xf32>
        %get3A_85 = arith.index_cast %scan3A_68 : i32 to index
        %get3A_86 = arith.constant 16 : index
        %get3A_87 = tpu.vector_load %arg8[%get3A_85, %get3A_86] {strides = array<i32>} : memref<128x128xf32, #tpu.memory_space<vmem>>, vector<1x16xf32>,
        %get3A_88 = vector.shape_cast %get3A_87 : vector<1x16xf32> to vector<16xf32>
        %add3A_89 = arith.addf %get3A_84, %get3A_88 : vector<16xf32>
        %swap3A_90 = arith.index_cast %scan3A_68 : i32 to index
        %swap3A_91 = arith.constant 16 : index
        %swap3A_92 = tpu.vector_load %arg9[%swap3A_90, %swap3A_91] {strides = array<i32>} : memref<128x128xf32, #tpu.memory_space<vmem>>, vector<1x16xf32>,
        %swap3A_93 = vector.shape_cast %swap3A_92 : vector<1x16xf32> to vector<16xf32>
        %swap3A_94 = vector.shape_cast %add3A_89 : vector<16xf32> to vector<1x16xf32>
        tpu.vector_store %arg9[%swap3A_90, %swap3A_91], %swap3A_94 {strides = array<i32>} : memref<128x128xf32, #tpu.memory_space<vmem>>, vector<1x16xf32>,
        %get3A_95 = arith.index_cast %scan3A_68 : i32 to index
        %get3A_96 = arith.constant 32 : index
        %get3A_97 = tpu.vector_load %arg9[%get3A_95, %get3A_96] {strides = array<i32>} : memref<128x128xf32, #tpu.memory_space<vmem>>, vector<1x16xf32>,
        %get3A_98 = vector.shape_cast %get3A_97 : vector<1x16xf32> to vector<16xf32>
        %get3A_99 = arith.index_cast %scan3A_68 : i32 to index
        %get3A_100 = arith.constant 32 : index
        %get3A_101 = tpu.vector_load %arg8[%get3A_99, %get3A_100] {strides = array<i32>} : memref<128x128xf32, #tpu.memory_space<vmem>>, vector<1x16xf32>,
        %get3A_102 = vector.shape_cast %get3A_101 : vector<1x16xf32> to vector<16xf32>
        %add3A_103 = arith.addf %get3A_98, %get3A_102 : vector<16xf32>
        %swap3A_104 = arith.index_cast %scan3A_68 : i32 to index
        %swap3A_105 = arith.constant 32 : index
        %swap3A_106 = tpu.vector_load %arg9[%swap3A_104, %swap3A_105] {strides = array<i32>} : memref<128x128xf32, #tpu.memory_space<vmem>>, vector<1x16xf32>,
        %swap3A_107 = vector.shape_cast %swap3A_106 : vector<1x16xf32> to vector<16xf32>
        %swap3A_108 = vector.shape_cast %add3A_103 : vector<16xf32> to vector<1x16xf32>
        tpu.vector_store %arg9[%swap3A_104, %swap3A_105], %swap3A_108 {strides = array<i32>} : memref<128x128xf32, #tpu.memory_space<vmem>>, vector<1x16xf32>,
        %get3A_109 = arith.index_cast %scan3A_68 : i32 to index
        %get3A_110 = arith.constant 48 : index
        %get3A_111 = tpu.vector_load %arg9[%get3A_109, %get3A_110] {strides = array<i32>} : memref<128x128xf32, #tpu.memory_space<vmem>>, vector<1x16xf32>,
        %get3A_112 = vector.shape_cast %get3A_111 : vector<1x16xf32> to vector<16xf32>
        %get3A_113 = arith.index_cast %scan3A_68 : i32 to index
        %get3A_114 = arith.constant 48 : index
        %get3A_115 = tpu.vector_load %arg8[%get3A_113, %get3A_114] {strides = array<i32>} : memref<128x128xf32, #tpu.memory_space<vmem>>, vector<1x16xf32>,
        %get3A_116 = vector.shape_cast %get3A_115 : vector<1x16xf32> to vector<16xf32>
        %add3A_117 = arith.addf %get3A_112, %get3A_116 : vector<16xf32>
        %swap3A_118 = arith.index_cast %scan3A_68 : i32 to index
        %swap3A_119 = arith.constant 48 : index
        %swap3A_120 = tpu.vector_load %arg9[%swap3A_118, %swap3A_119] {strides = array<i32>} : memref<128x128xf32, #tpu.memory_space<vmem>>, vector<1x16xf32>,
        %swap3A_121 = vector.shape_cast %swap3A_120 : vector<1x16xf32> to vector<16xf32>
        %swap3A_122 = vector.shape_cast %add3A_117 : vector<16xf32> to vector<1x16xf32>
        tpu.vector_store %arg9[%swap3A_118, %swap3A_119], %swap3A_122 {strides = array<i32>} : memref<128x128xf32, #tpu.memory_space<vmem>>, vector<1x16xf32>,
        %get3A_123 = arith.index_cast %scan3A_68 : i32 to index
        %get3A_124 = arith.constant 64 : index
        %get3A_125 = tpu.vector_load %arg9[%get3A_123, %get3A_124] {strides = array<i32>} : memref<128x128xf32, #tpu.memory_space<vmem>>, vector<1x16xf32>,
        %get3A_126 = vector.shape_cast %get3A_125 : vector<1x16xf32> to vector<16xf32>
        %get3A_127 = arith.index_cast %scan3A_68 : i32 to index
        %get3A_128 = arith.constant 64 : index
        %get3A_129 = tpu.vector_load %arg8[%get3A_127, %get3A_128] {strides = array<i32>} : memref<128x128xf32, #tpu.memory_space<vmem>>, vector<1x16xf32>,
        %get3A_130 = vector.shape_cast %get3A_129 : vector<1x16xf32> to vector<16xf32>
        %add3A_131 = arith.addf %get3A_126, %get3A_130 : vector<16xf32>
        %swap3A_132 = arith.index_cast %scan3A_68 : i32 to index
        %swap3A_133 = arith.constant 64 : index
        %swap3A_134 = tpu.vector_load %arg9[%swap3A_132, %swap3A_133] {strides = array<i32>} : memref<128x128xf32, #tpu.memory_space<vmem>>, vector<1x16xf32>,
        %swap3A_135 = vector.shape_cast %swap3A_134 : vector<1x16xf32> to vector<16xf32>
        %swap3A_136 = vector.shape_cast %add3A_131 : vector<16xf32> to vector<1x16xf32>
        tpu.vector_store %arg9[%swap3A_132, %swap3A_133], %swap3A_136 {strides = array<i32>} : memref<128x128xf32, #tpu.memory_space<vmem>>, vector<1x16xf32>,
        %get3A_137 = arith.index_cast %scan3A_68 : i32 to index
        %get3A_138 = arith.constant 80 : index
        %get3A_139 = tpu.vector_load %arg9[%get3A_137, %get3A_138] {strides = array<i32>} : memref<128x128xf32, #tpu.memory_space<vmem>>, vector<1x16xf32>,
        %get3A_140 = vector.shape_cast %get3A_139 : vector<1x16xf32> to vector<16xf32>
        %get3A_141 = arith.index_cast %scan3A_68 : i32 to index
        %get3A_142 = arith.constant 80 : index
        %get3A_143 = tpu.vector_load %arg8[%get3A_141, %get3A_142] {strides = array<i32>} : memref<128x128xf32, #tpu.memory_space<vmem>>, vector<1x16xf32>,
        %get3A_144 = vector.shape_cast %get3A_143 : vector<1x16xf32> to vector<16xf32>
        %add3A_145 = arith.addf %get3A_140, %get3A_144 : vector<16xf32>
        %swap3A_146 = arith.index_cast %scan3A_68 : i32 to index
        %swap3A_147 = arith.constant 80 : index
        %swap3A_148 = tpu.vector_load %arg9[%swap3A_146, %swap3A_147] {strides = array<i32>} : memref<128x128xf32, #tpu.memory_space<vmem>>, vector<1x16xf32>,
        %swap3A_149 = vector.shape_cast %swap3A_148 : vector<1x16xf32> to vector<16xf32>
        %swap3A_150 = vector.shape_cast %add3A_145 : vector<16xf32> to vector<1x16xf32>
        tpu.vector_store %arg9[%swap3A_146, %swap3A_147], %swap3A_150 {strides = array<i32>} : memref<128x128xf32, #tpu.memory_space<vmem>>, vector<1x16xf32>,
        %get3A_151 = arith.index_cast %scan3A_68 : i32 to index
        %get3A_152 = arith.constant 96 : index
        %get3A_153 = tpu.vector_load %arg9[%get3A_151, %get3A_152] {strides = array<i32>} : memref<128x128xf32, #tpu.memory_space<vmem>>, vector<1x16xf32>,
        %get3A_154 = vector.shape_cast %get3A_153 : vector<1x16xf32> to vector<16xf32>
        %get3A_155 = arith.index_cast %scan3A_68 : i32 to index
        %get3A_156 = arith.constant 96 : index
        %get3A_157 = tpu.vector_load %arg8[%get3A_155, %get3A_156] {strides = array<i32>} : memref<128x128xf32, #tpu.memory_space<vmem>>, vector<1x16xf32>,
        %get3A_158 = vector.shape_cast %get3A_157 : vector<1x16xf32> to vector<16xf32>
        %add3A_159 = arith.addf %get3A_154, %get3A_158 : vector<16xf32>
        %swap3A_160 = arith.index_cast %scan3A_68 : i32 to index
        %swap3A_161 = arith.constant 96 : index
        %swap3A_162 = tpu.vector_load %arg9[%swap3A_160, %swap3A_161] {strides = array<i32>} : memref<128x128xf32, #tpu.memory_space<vmem>>, vector<1x16xf32>,
        %swap3A_163 = vector.shape_cast %swap3A_162 : vector<1x16xf32> to vector<16xf32>
        %swap3A_164 = vector.shape_cast %add3A_159 : vector<16xf32> to vector<1x16xf32>
        tpu.vector_store %arg9[%swap3A_160, %swap3A_161], %swap3A_164 {strides = array<i32>} : memref<128x128xf32, #tpu.memory_space<vmem>>, vector<1x16xf32>,
        %get3A_165 = arith.index_cast %scan3A_68 : i32 to index
        %get3A_166 = arith.constant 112 : index
        %get3A_167 = tpu.vector_load %arg9[%get3A_165, %get3A_166] {strides = array<i32>} : memref<128x128xf32, #tpu.memory_space<vmem>>, vector<1x16xf32>,
        %get3A_168 = vector.shape_cast %get3A_167 : vector<1x16xf32> to vector<16xf32>
        %get3A_169 = arith.index_cast %scan3A_68 : i32 to index
        %get3A_170 = arith.constant 112 : index
        %get3A_171 = tpu.vector_load %arg8[%get3A_169, %get3A_170] {strides = array<i32>} : memref<128x128xf32, #tpu.memory_space<vmem>>, vector<1x16xf32>,
        %get3A_172 = vector.shape_cast %get3A_171 : vector<1x16xf32> to vector<16xf32>
        %add3A_173 = arith.addf %get3A_168, %get3A_172 : vector<16xf32>
        %swap3A_174 = arith.index_cast %scan3A_68 : i32 to index
        %swap3A_175 = arith.constant 112 : index
        %swap3A_176 = tpu.vector_load %arg9[%swap3A_174, %swap3A_175] {strides = array<i32>} : memref<128x128xf32, #tpu.memory_space<vmem>>, vector<1x16xf32>,
        %swap3A_177 = vector.shape_cast %swap3A_176 : vector<1x16xf32> to vector<16xf32>
        %swap3A_178 = vector.shape_cast %add3A_173 : vector<16xf32> to vector<1x16xf32>
        tpu.vector_store %arg9[%swap3A_174, %swap3A_175], %swap3A_178 {strides = array<i32>} : memref<128x128xf32, #tpu.memory_space<vmem>>, vector<1x16xf32>,
      }
      %scan3A_66 = arith.constant 128 : i32
      %run_scoped3A_67 = arith.constant 1 : i32
      "tpu.region"() ({
        %run_scoped3A_68 = tpu.sem_alloc : memref<!tpu.dma_semaphore, #tpu.memory_space<semaphore_mem>>
        %dma_start3A = arith.constant 0 : i32
        %dma_start3A_69 = tpu.memref_slice %arg7[%run_scoped3A_67, %dma_start3A] : memref<2x128xi32, #tpu.memory_space<vmem>> -> memref<1x128xi32, #tpu.memory_space<vmem>>
        %dma_start3A_70 = tpu.memref_squeeze %dma_start3A_69 : memref<1x128xi32, #tpu.memory_space<vmem>> -> memref<128xi32, #tpu.memory_space<vmem>>
        %dma_start3A_71 = arith.constant 0 : i32
        %dma_start3A_72 = arith.constant 0 : i32
        %dma_start3A_73 = tpu.memref_slice %arg10[%dma_start3A_71, %dma_start3A_72] : memref<10240x128xf32, #tpu.memory_space<vmem_shared>> -> memref<10240x128xf32, #tpu.memory_space<vmem_shared>>
        tpu.enqueue_indirect_dma source(%arg9 : memref<128x128xf32, #tpu.memory_space<vmem>>) target(%dma_start3A_73 : memref<10240x128xf32, #tpu.memory_space<vmem_shared>>) offsets(%dma_start3A_70 : memref<128xi32, #tpu.memory_space<vmem>>) semaphore(%run_scoped3A_68 : memref<!tpu.dma_semaphore, #tpu.memory_space<semaphore_mem>>) {add = true}
        %dma_wait3A = arith.constant 0 : i32
        %dma_wait3A_74 = tpu.memref_slice %arg7[%run_scoped3A_67, %dma_wait3A] : memref<2x128xi32, #tpu.memory_space<vmem>> -> memref<1x128xi32, #tpu.memory_space<vmem>>
        %dma_wait3A_75 = tpu.memref_squeeze %dma_wait3A_74 : memref<1x128xi32, #tpu.memory_space<vmem>> -> memref<128xi32, #tpu.memory_space<vmem>>
        %dma_wait3A_76 = arith.constant 0 : i32
        %dma_wait3A_77 = arith.constant 0 : i32
        %dma_wait3A_78 = tpu.memref_slice %arg10[%dma_wait3A_76, %dma_wait3A_77] : memref<10240x128xf32, #tpu.memory_space<vmem_shared>> -> memref<10240x128xf32, #tpu.memory_space<vmem_shared>>
        tpu.wait_indirect_dma semaphore(%run_scoped3A_68 : memref<!tpu.dma_semaphore, #tpu.memory_space<semaphore_mem>>) src(%arg9 : memref<128x128xf32, #tpu.memory_space<vmem>>) dst(%dma_wait3A_78 : memref<10240x128xf32, #tpu.memory_space<vmem_shared>>)
        tpu.yield
      }) : () -> ()
    } else {
    }
    %barrier3A_34 = arith.constant 0 : index
    tpu.barrier barrier_id(%barrier3A_34)
    %mul3A_35 = arith.constant 640 : i32
    %mul3A_36 = arith.muli %arg1, %mul3A_35 : i32
    %add3A_37 = arith.constant 0 : i32
    %add3A_38 = arith.addi %mul3A_36, %add3A_37 : i32
    "tpu.region"() ({
      %run_scoped3A = tpu.sem_alloc : memref<!tpu.dma_semaphore, #tpu.memory_space<semaphore_mem>>
      %dma_start3A = arith.constant 0 : i32
      %dma_start3A_55 = tpu.memref_slice %arg6[%arg0, %add3A_38, %dma_start3A] : memref<2x10240x128xf32, #tpu.memory_space<hbm>> -> memref<1x128x128xf32, #tpu.memory_space<hbm>>
      %dma_start3A_56 = tpu.memref_squeeze %dma_start3A_55 : memref<1x128x128xf32, #tpu.memory_space<hbm>> -> memref<128x128xf32, #tpu.memory_space<hbm>>
      %dma_start3A_57 = arith.constant 0 : i32
      %dma_start3A_58 = tpu.memref_slice %arg10[%add3A_38, %dma_start3A_57] : memref<10240x128xf32, #tpu.memory_space<vmem_shared>> -> memref<128x128xf32, #tpu.memory_space<vmem_shared>>
      tpu.enqueue_dma source(%dma_start3A_58 : memref<128x128xf32, #tpu.memory_space<vmem_shared>>) target(%dma_start3A_56 : memref<128x128xf32, #tpu.memory_space<hbm>>) target_semaphore(%run_scoped3A : memref<!tpu.dma_semaphore, #tpu.memory_space<semaphore_mem>>)
      %dma_wait3A = arith.constant 0 : i32
      %dma_wait3A_59 = tpu.memref_slice %arg6[%arg0, %add3A_38, %dma_wait3A] : memref<2x10240x128xf32, #tpu.memory_space<hbm>> -> memref<1x128x128xf32, #tpu.memory_space<hbm>>
      %dma_wait3A_60 = tpu.memref_squeeze %dma_wait3A_59 : memref<1x128x128xf32, #tpu.memory_space<hbm>> -> memref<128x128xf32, #tpu.memory_space<hbm>>
      %dma_wait3A_61 = arith.constant 0 : i32
      %dma_wait3A_62 = tpu.memref_slice %arg10[%add3A_38, %dma_wait3A_61] : memref<10240x128xf32, #tpu.memory_space<vmem_shared>> -> memref<128x128xf32, #tpu.memory_space<vmem_shared>>
      tpu.wait_dma2 semaphore(%run_scoped3A : memref<!tpu.dma_semaphore, #tpu.memory_space<semaphore_mem>>) src(%dma_wait3A_62 : memref<128x128xf32, #tpu.memory_space<vmem_shared>>) dst(%dma_wait3A_60 : memref<128x128xf32, #tpu.memory_space<hbm>>)
      tpu.yield
    }) : () -> ()
    %mul3A_39 = arith.constant 640 : i32
    %mul3A_40 = arith.muli %arg1, %mul3A_39 : i32
    %add3A_41 = arith.constant 128 : i32
    %add3A_42 = arith.addi %mul3A_40, %add3A_41 : i32
    "tpu.region"() ({
      %run_scoped3A = tpu.sem_alloc : memref<!tpu.dma_semaphore, #tpu.memory_space<semaphore_mem>>
      %dma_start3A = arith.constant 0 : i32
      %dma_start3A_55 = tpu.memref_slice %arg6[%arg0, %add3A_42, %dma_start3A] : memref<2x10240x128xf32, #tpu.memory_space<hbm>> -> memref<1x128x128xf32, #tpu.memory_space<hbm>>
      %dma_start3A_56 = tpu.memref_squeeze %dma_start3A_55 : memref<1x128x128xf32, #tpu.memory_space<hbm>> -> memref<128x128xf32, #tpu.memory_space<hbm>>
      %dma_start3A_57 = arith.constant 0 : i32
      %dma_start3A_58 = tpu.memref_slice %arg10[%add3A_42, %dma_start3A_57] : memref<10240x128xf32, #tpu.memory_space<vmem_shared>> -> memref<128x128xf32, #tpu.memory_space<vmem_shared>>
      tpu.enqueue_dma source(%dma_start3A_58 : memref<128x128xf32, #tpu.memory_space<vmem_shared>>) target(%dma_start3A_56 : memref<128x128xf32, #tpu.memory_space<hbm>>) target_semaphore(%run_scoped3A : memref<!tpu.dma_semaphore, #tpu.memory_space<semaphore_mem>>)
      %dma_wait3A = arith.constant 0 : i32
      %dma_wait3A_59 = tpu.memref_slice %arg6[%arg0, %add3A_42, %dma_wait3A] : memref<2x10240x128xf32, #tpu.memory_space<hbm>> -> memref<1x128x128xf32, #tpu.memory_space<hbm>>
      %dma_wait3A_60 = tpu.memref_squeeze %dma_wait3A_59 : memref<1x128x128xf32, #tpu.memory_space<hbm>> -> memref<128x128xf32, #tpu.memory_space<hbm>>
      %dma_wait3A_61 = arith.constant 0 : i32
      %dma_wait3A_62 = tpu.memref_slice %arg10[%add3A_42, %dma_wait3A_61] : memref<10240x128xf32, #tpu.memory_space<vmem_shared>> -> memref<128x128xf32, #tpu.memory_space<vmem_shared>>
      tpu.wait_dma2 semaphore(%run_scoped3A : memref<!tpu.dma_semaphore, #tpu.memory_space<semaphore_mem>>) src(%dma_wait3A_62 : memref<128x128xf32, #tpu.memory_space<vmem_shared>>) dst(%dma_wait3A_60 : memref<128x128xf32, #tpu.memory_space<hbm>>)
      tpu.yield
    }) : () -> ()
    %mul3A_43 = arith.constant 640 : i32
    %mul3A_44 = arith.muli %arg1, %mul3A_43 : i32
    %add3A_45 = arith.constant 256 : i32
    %add3A_46 = arith.addi %mul3A_44, %add3A_45 : i32
    "tpu.region"() ({
      %run_scoped3A = tpu.sem_alloc : memref<!tpu.dma_semaphore, #tpu.memory_space<semaphore_mem>>
      %dma_start3A = arith.constant 0 : i32
      %dma_start3A_55 = tpu.memref_slice %arg6[%arg0, %add3A_46, %dma_start3A] : memref<2x10240x128xf32, #tpu.memory_space<hbm>> -> memref<1x128x128xf32, #tpu.memory_space<hbm>>
      %dma_start3A_56 = tpu.memref_squeeze %dma_start3A_55 : memref<1x128x128xf32, #tpu.memory_space<hbm>> -> memref<128x128xf32, #tpu.memory_space<hbm>>
      %dma_start3A_57 = arith.constant 0 : i32
      %dma_start3A_58 = tpu.memref_slice %arg10[%add3A_46, %dma_start3A_57] : memref<10240x128xf32, #tpu.memory_space<vmem_shared>> -> memref<128x128xf32, #tpu.memory_space<vmem_shared>>
      tpu.enqueue_dma source(%dma_start3A_58 : memref<128x128xf32, #tpu.memory_space<vmem_shared>>) target(%dma_start3A_56 : memref<128x128xf32, #tpu.memory_space<hbm>>) target_semaphore(%run_scoped3A : memref<!tpu.dma_semaphore, #tpu.memory_space<semaphore_mem>>)
      %dma_wait3A = arith.constant 0 : i32
      %dma_wait3A_59 = tpu.memref_slice %arg6[%arg0, %add3A_46, %dma_wait3A] : memref<2x10240x128xf32, #tpu.memory_space<hbm>> -> memref<1x128x128xf32, #tpu.memory_space<hbm>>
      %dma_wait3A_60 = tpu.memref_squeeze %dma_wait3A_59 : memref<1x128x128xf32, #tpu.memory_space<hbm>> -> memref<128x128xf32, #tpu.memory_space<hbm>>
      %dma_wait3A_61 = arith.constant 0 : i32
      %dma_wait3A_62 = tpu.memref_slice %arg10[%add3A_46, %dma_wait3A_61] : memref<10240x128xf32, #tpu.memory_space<vmem_shared>> -> memref<128x128xf32, #tpu.memory_space<vmem_shared>>
      tpu.wait_dma2 semaphore(%run_scoped3A : memref<!tpu.dma_semaphore, #tpu.memory_space<semaphore_mem>>) src(%dma_wait3A_62 : memref<128x128xf32, #tpu.memory_space<vmem_shared>>) dst(%dma_wait3A_60 : memref<128x128xf32, #tpu.memory_space<hbm>>)
      tpu.yield
    }) : () -> ()
    %mul3A_47 = arith.constant 640 : i32
    %mul3A_48 = arith.muli %arg1, %mul3A_47 : i32
    %add3A_49 = arith.constant 384 : i32
    %add3A_50 = arith.addi %mul3A_48, %add3A_49 : i32
    "tpu.region"() ({
      %run_scoped3A = tpu.sem_alloc : memref<!tpu.dma_semaphore, #tpu.memory_space<semaphore_mem>>
      %dma_start3A = arith.constant 0 : i32
      %dma_start3A_55 = tpu.memref_slice %arg6[%arg0, %add3A_50, %dma_start3A] : memref<2x10240x128xf32, #tpu.memory_space<hbm>> -> memref<1x128x128xf32, #tpu.memory_space<hbm>>
      %dma_start3A_56 = tpu.memref_squeeze %dma_start3A_55 : memref<1x128x128xf32, #tpu.memory_space<hbm>> -> memref<128x128xf32, #tpu.memory_space<hbm>>
      %dma_start3A_57 = arith.constant 0 : i32
      %dma_start3A_58 = tpu.memref_slice %arg10[%add3A_50, %dma_start3A_57] : memref<10240x128xf32, #tpu.memory_space<vmem_shared>> -> memref<128x128xf32, #tpu.memory_space<vmem_shared>>
      tpu.enqueue_dma source(%dma_start3A_58 : memref<128x128xf32, #tpu.memory_space<vmem_shared>>) target(%dma_start3A_56 : memref<128x128xf32, #tpu.memory_space<hbm>>) target_semaphore(%run_scoped3A : memref<!tpu.dma_semaphore, #tpu.memory_space<semaphore_mem>>)
      %dma_wait3A = arith.constant 0 : i32
      %dma_wait3A_59 = tpu.memref_slice %arg6[%arg0, %add3A_50, %dma_wait3A] : memref<2x10240x128xf32, #tpu.memory_space<hbm>> -> memref<1x128x128xf32, #tpu.memory_space<hbm>>
      %dma_wait3A_60 = tpu.memref_squeeze %dma_wait3A_59 : memref<1x128x128xf32, #tpu.memory_space<hbm>> -> memref<128x128xf32, #tpu.memory_space<hbm>>
      %dma_wait3A_61 = arith.constant 0 : i32
      %dma_wait3A_62 = tpu.memref_slice %arg10[%add3A_50, %dma_wait3A_61] : memref<10240x128xf32, #tpu.memory_space<vmem_shared>> -> memref<128x128xf32, #tpu.memory_space<vmem_shared>>
      tpu.wait_dma2 semaphore(%run_scoped3A : memref<!tpu.dma_semaphore, #tpu.memory_space<semaphore_mem>>) src(%dma_wait3A_62 : memref<128x128xf32, #tpu.memory_space<vmem_shared>>) dst(%dma_wait3A_60 : memref<128x128xf32, #tpu.memory_space<hbm>>)
      tpu.yield
    }) : () -> ()
    %mul3A_51 = arith.constant 640 : i32
    %mul3A_52 = arith.muli %arg1, %mul3A_51 : i32
    %add3A_53 = arith.constant 512 : i32
    %add3A_54 = arith.addi %mul3A_52, %add3A_53 : i32
    "tpu.region"() ({
      %run_scoped3A = tpu.sem_alloc : memref<!tpu.dma_semaphore, #tpu.memory_space<semaphore_mem>>
      %dma_start3A = arith.constant 0 : i32
      %dma_start3A_55 = tpu.memref_slice %arg6[%arg0, %add3A_54, %dma_start3A] : memref<2x10240x128xf32, #tpu.memory_space<hbm>> -> memref<1x128x128xf32, #tpu.memory_space<hbm>>
      %dma_start3A_56 = tpu.memref_squeeze %dma_start3A_55 : memref<1x128x128xf32, #tpu.memory_space<hbm>> -> memref<128x128xf32, #tpu.memory_space<hbm>>
      %dma_start3A_57 = arith.constant 0 : i32
      %dma_start3A_58 = tpu.memref_slice %arg10[%add3A_54, %dma_start3A_57] : memref<10240x128xf32, #tpu.memory_space<vmem_shared>> -> memref<128x128xf32, #tpu.memory_space<vmem_shared>>
      tpu.enqueue_dma source(%dma_start3A_58 : memref<128x128xf32, #tpu.memory_space<vmem_shared>>) target(%dma_start3A_56 : memref<128x128xf32, #tpu.memory_space<hbm>>) target_semaphore(%run_scoped3A : memref<!tpu.dma_semaphore, #tpu.memory_space<semaphore_mem>>)
      %dma_wait3A = arith.constant 0 : i32
      %dma_wait3A_59 = tpu.memref_slice %arg6[%arg0, %add3A_54, %dma_wait3A] : memref<2x10240x128xf32, #tpu.memory_space<hbm>> -> memref<1x128x128xf32, #tpu.memory_space<hbm>>
      %dma_wait3A_60 = tpu.memref_squeeze %dma_wait3A_59 : memref<1x128x128xf32, #tpu.memory_space<hbm>> -> memref<128x128xf32, #tpu.memory_space<hbm>>
      %dma_wait3A_61 = arith.constant 0 : i32
      %dma_wait3A_62 = tpu.memref_slice %arg10[%add3A_54, %dma_wait3A_61] : memref<10240x128xf32, #tpu.memory_space<vmem_shared>> -> memref<128x128xf32, #tpu.memory_space<vmem_shared>>
      tpu.wait_dma2 semaphore(%run_scoped3A : memref<!tpu.dma_semaphore, #tpu.memory_space<semaphore_mem>>) src(%dma_wait3A_62 : memref<128x128xf32, #tpu.memory_space<vmem_shared>>) dst(%dma_wait3A_60 : memref<128x128xf32, #tpu.memory_space<hbm>>)
      tpu.yield
    }) : () -> ()
    return
  }
}

#map = affine_map<(d0, d1) -> (0, 0)>
#map1 = affine_map<(d0, d1) -> (0)>
module attributes {stable_mosaic.version = 14 : i64} {
  func.func @k(%arg0: i32, %arg1: i32, %arg2: memref<10000x128xf32, #tpu.memory_space<hbm>>, %arg3: memref<160000x128xf32, #tpu.memory_space<hbm>>, %arg4: memref<160000xi32, #tpu.memory_space<hbm>>, %arg5: memref<160000xi32, #tpu.memory_space<hbm>>, %arg6: memref<160000x128xf32, #tpu.memory_space<hbm>>, %arg7: memref<2x128xi32, #tpu.memory_space<vmem>>, %arg8: memref<128x128xf32, #tpu.memory_space<vmem>>, %arg9: memref<128x128xf32, #tpu.memory_space<vmem>>, %arg10: memref<128x128xf32, #tpu.memory_space<vmem>>) attributes {dimension_semantics = [#tpu.dimension_semantics<core_parallel>, #tpu.dimension_semantics<subcore_parallel>], iteration_bounds = array<i64: 2, 16>, scalar_prefetch = 0 : i64, scratch_operands = 4 : i64, tpu.core_type = #tpu.core_type<sc_vector_subcore>, window_params = [{transform_indices = #map}, {transform_indices = #map}, {transform_indices = #map1}, {transform_indices = #map1}, {transform_indices = #map}]} {
    %mul3A = arith.constant 2 : i32
    %mul3A_0 = arith.muli %arg1, %mul3A : i32
    %add3A = arith.addi %mul3A_0, %arg0 : i32
    %scan3A = arith.constant 0 : i32
    %scan3A_1 = arith.constant 0 : i32
    %scan3A_2 = arith.constant 39 : i32
    %scan3A_3 = arith.addi %scan3A_1, %scan3A_2 : i32
    %scan3A_4 = arith.constant 1 : i32
    scf.for %scan3A_8 = %scan3A_1 to %scan3A_3 step %scan3A_4  : i32 {
      %mul3A_9 = arith.constant 32 : i32
      %mul3A_10 = arith.muli %scan3A_8, %mul3A_9 : i32
      %add3A_11 = arith.addi %mul3A_10, %add3A : i32
      %mul3A_12 = arith.constant 128 : i32
      %mul3A_13 = arith.muli %add3A_11, %mul3A_12 : i32
      %run_scoped3A = arith.constant 0 : i32
      "tpu.region"() ({
        %run_scoped3A_23 = tpu.sem_alloc : memref<!tpu.dma_semaphore, #tpu.memory_space<semaphore_mem>>
        %dma_start3A = arith.constant 0 : i32
        %dma_start3A_24 = tpu.memref_slice %arg7[%run_scoped3A, %dma_start3A] : memref<2x128xi32, #tpu.memory_space<vmem>> -> memref<1x128xi32, #tpu.memory_space<vmem>>
        %dma_start3A_25 = tpu.memref_squeeze %dma_start3A_24 : memref<1x128xi32, #tpu.memory_space<vmem>> -> memref<128xi32, #tpu.memory_space<vmem>>
        %dma_start3A_26 = tpu.memref_slice %arg4[%mul3A_13] : memref<160000xi32, #tpu.memory_space<hbm>> -> memref<128xi32, #tpu.memory_space<hbm>>
        %dma_start3A_27 = arith.constant 0 : i32
        %dma_start3A_28 = tpu.memref_slice %arg7[%run_scoped3A, %dma_start3A_27] : memref<2x128xi32, #tpu.memory_space<vmem>> -> memref<1x128xi32, #tpu.memory_space<vmem>>
        %dma_start3A_29 = tpu.memref_squeeze %dma_start3A_28 : memref<1x128xi32, #tpu.memory_space<vmem>> -> memref<128xi32, #tpu.memory_space<vmem>>
        %dma_start3A_30 = tpu.memref_slice %arg4[%mul3A_13] : memref<160000xi32, #tpu.memory_space<hbm>> -> memref<128xi32, #tpu.memory_space<hbm>>
        tpu.enqueue_dma source(%dma_start3A_30 : memref<128xi32, #tpu.memory_space<hbm>>) target(%dma_start3A_29 : memref<128xi32, #tpu.memory_space<vmem>>) target_semaphore(%run_scoped3A_23 : memref<!tpu.dma_semaphore, #tpu.memory_space<semaphore_mem>>)
        %dma_wait3A = arith.constant 0 : i32
        %dma_wait3A_31 = tpu.memref_slice %arg7[%run_scoped3A, %dma_wait3A] : memref<2x128xi32, #tpu.memory_space<vmem>> -> memref<1x128xi32, #tpu.memory_space<vmem>>
        %dma_wait3A_32 = tpu.memref_squeeze %dma_wait3A_31 : memref<1x128xi32, #tpu.memory_space<vmem>> -> memref<128xi32, #tpu.memory_space<vmem>>
        %dma_wait3A_33 = tpu.memref_slice %arg4[%mul3A_13] : memref<160000xi32, #tpu.memory_space<hbm>> -> memref<128xi32, #tpu.memory_space<hbm>>
        %dma_wait3A_34 = arith.constant 0 : i32
        %dma_wait3A_35 = tpu.memref_slice %arg7[%run_scoped3A, %dma_wait3A_34] : memref<2x128xi32, #tpu.memory_space<vmem>> -> memref<1x128xi32, #tpu.memory_space<vmem>>
        %dma_wait3A_36 = tpu.memref_squeeze %dma_wait3A_35 : memref<1x128xi32, #tpu.memory_space<vmem>> -> memref<128xi32, #tpu.memory_space<vmem>>
        %dma_wait3A_37 = tpu.memref_slice %arg4[%mul3A_13] : memref<160000xi32, #tpu.memory_space<hbm>> -> memref<128xi32, #tpu.memory_space<hbm>>
        tpu.wait_dma2 semaphore(%run_scoped3A_23 : memref<!tpu.dma_semaphore, #tpu.memory_space<semaphore_mem>>) src(%dma_wait3A_37 : memref<128xi32, #tpu.memory_space<hbm>>) dst(%dma_wait3A_36 : memref<128xi32, #tpu.memory_space<vmem>>)
        tpu.yield
      }) : () -> ()
      %run_scoped3A_14 = arith.constant 1 : i32
      "tpu.region"() ({
        %run_scoped3A_23 = tpu.sem_alloc : memref<!tpu.dma_semaphore, #tpu.memory_space<semaphore_mem>>
        %dma_start3A = arith.constant 0 : i32
        %dma_start3A_24 = tpu.memref_slice %arg7[%run_scoped3A_14, %dma_start3A] : memref<2x128xi32, #tpu.memory_space<vmem>> -> memref<1x128xi32, #tpu.memory_space<vmem>>
        %dma_start3A_25 = tpu.memref_squeeze %dma_start3A_24 : memref<1x128xi32, #tpu.memory_space<vmem>> -> memref<128xi32, #tpu.memory_space<vmem>>
        %dma_start3A_26 = tpu.memref_slice %arg5[%mul3A_13] : memref<160000xi32, #tpu.memory_space<hbm>> -> memref<128xi32, #tpu.memory_space<hbm>>
        %dma_start3A_27 = arith.constant 0 : i32
        %dma_start3A_28 = tpu.memref_slice %arg7[%run_scoped3A_14, %dma_start3A_27] : memref<2x128xi32, #tpu.memory_space<vmem>> -> memref<1x128xi32, #tpu.memory_space<vmem>>
        %dma_start3A_29 = tpu.memref_squeeze %dma_start3A_28 : memref<1x128xi32, #tpu.memory_space<vmem>> -> memref<128xi32, #tpu.memory_space<vmem>>
        %dma_start3A_30 = tpu.memref_slice %arg5[%mul3A_13] : memref<160000xi32, #tpu.memory_space<hbm>> -> memref<128xi32, #tpu.memory_space<hbm>>
        tpu.enqueue_dma source(%dma_start3A_30 : memref<128xi32, #tpu.memory_space<hbm>>) target(%dma_start3A_29 : memref<128xi32, #tpu.memory_space<vmem>>) target_semaphore(%run_scoped3A_23 : memref<!tpu.dma_semaphore, #tpu.memory_space<semaphore_mem>>)
        %dma_wait3A = arith.constant 0 : i32
        %dma_wait3A_31 = tpu.memref_slice %arg7[%run_scoped3A_14, %dma_wait3A] : memref<2x128xi32, #tpu.memory_space<vmem>> -> memref<1x128xi32, #tpu.memory_space<vmem>>
        %dma_wait3A_32 = tpu.memref_squeeze %dma_wait3A_31 : memref<1x128xi32, #tpu.memory_space<vmem>> -> memref<128xi32, #tpu.memory_space<vmem>>
        %dma_wait3A_33 = tpu.memref_slice %arg5[%mul3A_13] : memref<160000xi32, #tpu.memory_space<hbm>> -> memref<128xi32, #tpu.memory_space<hbm>>
        %dma_wait3A_34 = arith.constant 0 : i32
        %dma_wait3A_35 = tpu.memref_slice %arg7[%run_scoped3A_14, %dma_wait3A_34] : memref<2x128xi32, #tpu.memory_space<vmem>> -> memref<1x128xi32, #tpu.memory_space<vmem>>
        %dma_wait3A_36 = tpu.memref_squeeze %dma_wait3A_35 : memref<1x128xi32, #tpu.memory_space<vmem>> -> memref<128xi32, #tpu.memory_space<vmem>>
        %dma_wait3A_37 = tpu.memref_slice %arg5[%mul3A_13] : memref<160000xi32, #tpu.memory_space<hbm>> -> memref<128xi32, #tpu.memory_space<hbm>>
        tpu.wait_dma2 semaphore(%run_scoped3A_23 : memref<!tpu.dma_semaphore, #tpu.memory_space<semaphore_mem>>) src(%dma_wait3A_37 : memref<128xi32, #tpu.memory_space<hbm>>) dst(%dma_wait3A_36 : memref<128xi32, #tpu.memory_space<vmem>>)
        tpu.yield
      }) : () -> ()
      "tpu.region"() ({
        %run_scoped3A_23 = tpu.sem_alloc : memref<!tpu.dma_semaphore, #tpu.memory_space<semaphore_mem>>
        %dma_start3A = arith.constant 0 : i32
        %dma_start3A_24 = tpu.memref_slice %arg3[%mul3A_13, %dma_start3A] : memref<160000x128xf32, #tpu.memory_space<hbm>> -> memref<128x128xf32, #tpu.memory_space<hbm>>
        %dma_start3A_25 = arith.constant 0 : i32
        %dma_start3A_26 = tpu.memref_slice %arg3[%mul3A_13, %dma_start3A_25] : memref<160000x128xf32, #tpu.memory_space<hbm>> -> memref<128x128xf32, #tpu.memory_space<hbm>>
        tpu.enqueue_dma source(%dma_start3A_26 : memref<128x128xf32, #tpu.memory_space<hbm>>) target(%arg10 : memref<128x128xf32, #tpu.memory_space<vmem>>) target_semaphore(%run_scoped3A_23 : memref<!tpu.dma_semaphore, #tpu.memory_space<semaphore_mem>>)
        %dma_wait3A = arith.constant 0 : i32
        %dma_wait3A_27 = tpu.memref_slice %arg3[%mul3A_13, %dma_wait3A] : memref<160000x128xf32, #tpu.memory_space<hbm>> -> memref<128x128xf32, #tpu.memory_space<hbm>>
        %dma_wait3A_28 = arith.constant 0 : i32
        %dma_wait3A_29 = tpu.memref_slice %arg3[%mul3A_13, %dma_wait3A_28] : memref<160000x128xf32, #tpu.memory_space<hbm>> -> memref<128x128xf32, #tpu.memory_space<hbm>>
        tpu.wait_dma2 semaphore(%run_scoped3A_23 : memref<!tpu.dma_semaphore, #tpu.memory_space<semaphore_mem>>) src(%dma_wait3A_29 : memref<128x128xf32, #tpu.memory_space<hbm>>) dst(%arg10 : memref<128x128xf32, #tpu.memory_space<vmem>>)
        tpu.yield
      }) : () -> ()
      %run_scoped3A_15 = arith.constant 0 : i32
      "tpu.region"() ({
        %run_scoped3A_23 = tpu.sem_alloc : memref<!tpu.dma_semaphore, #tpu.memory_space<semaphore_mem>>
        %dma_start3A = arith.constant 0 : i32
        %dma_start3A_24 = tpu.memref_slice %arg7[%run_scoped3A_15, %dma_start3A] : memref<2x128xi32, #tpu.memory_space<vmem>> -> memref<1x128xi32, #tpu.memory_space<vmem>>
        %dma_start3A_25 = tpu.memref_squeeze %dma_start3A_24 : memref<1x128xi32, #tpu.memory_space<vmem>> -> memref<128xi32, #tpu.memory_space<vmem>>
        %dma_start3A_26 = arith.constant 0 : i32
        %dma_start3A_27 = arith.constant 0 : i32
        %dma_start3A_28 = tpu.memref_slice %arg2[%dma_start3A_26, %dma_start3A_27] : memref<10000x128xf32, #tpu.memory_space<hbm>> -> memref<10000x128xf32, #tpu.memory_space<hbm>>
        tpu.enqueue_indirect_dma source(%dma_start3A_28 : memref<10000x128xf32, #tpu.memory_space<hbm>>) target(%arg8 : memref<128x128xf32, #tpu.memory_space<vmem>>) offsets(%dma_start3A_25 : memref<128xi32, #tpu.memory_space<vmem>>) semaphore(%run_scoped3A_23 : memref<!tpu.dma_semaphore, #tpu.memory_space<semaphore_mem>>)
        %dma_wait3A = arith.constant 0 : i32
        %dma_wait3A_29 = tpu.memref_slice %arg7[%run_scoped3A_15, %dma_wait3A] : memref<2x128xi32, #tpu.memory_space<vmem>> -> memref<1x128xi32, #tpu.memory_space<vmem>>
        %dma_wait3A_30 = tpu.memref_squeeze %dma_wait3A_29 : memref<1x128xi32, #tpu.memory_space<vmem>> -> memref<128xi32, #tpu.memory_space<vmem>>
        %dma_wait3A_31 = arith.constant 0 : i32
        %dma_wait3A_32 = arith.constant 0 : i32
        %dma_wait3A_33 = tpu.memref_slice %arg2[%dma_wait3A_31, %dma_wait3A_32] : memref<10000x128xf32, #tpu.memory_space<hbm>> -> memref<10000x128xf32, #tpu.memory_space<hbm>>
        tpu.wait_indirect_dma semaphore(%run_scoped3A_23 : memref<!tpu.dma_semaphore, #tpu.memory_space<semaphore_mem>>) src(%dma_wait3A_33 : memref<10000x128xf32, #tpu.memory_space<hbm>>) dst(%arg8 : memref<128x128xf32, #tpu.memory_space<vmem>>)
        tpu.yield
      }) : () -> ()
      %run_scoped3A_16 = arith.constant 1 : i32
      "tpu.region"() ({
        %run_scoped3A_23 = tpu.sem_alloc : memref<!tpu.dma_semaphore, #tpu.memory_space<semaphore_mem>>
        %dma_start3A = arith.constant 0 : i32
        %dma_start3A_24 = tpu.memref_slice %arg7[%run_scoped3A_16, %dma_start3A] : memref<2x128xi32, #tpu.memory_space<vmem>> -> memref<1x128xi32, #tpu.memory_space<vmem>>
        %dma_start3A_25 = tpu.memref_squeeze %dma_start3A_24 : memref<1x128xi32, #tpu.memory_space<vmem>> -> memref<128xi32, #tpu.memory_space<vmem>>
        %dma_start3A_26 = arith.constant 0 : i32
        %dma_start3A_27 = arith.constant 0 : i32
        %dma_start3A_28 = tpu.memref_slice %arg2[%dma_start3A_26, %dma_start3A_27] : memref<10000x128xf32, #tpu.memory_space<hbm>> -> memref<10000x128xf32, #tpu.memory_space<hbm>>
        tpu.enqueue_indirect_dma source(%dma_start3A_28 : memref<10000x128xf32, #tpu.memory_space<hbm>>) target(%arg9 : memref<128x128xf32, #tpu.memory_space<vmem>>) offsets(%dma_start3A_25 : memref<128xi32, #tpu.memory_space<vmem>>) semaphore(%run_scoped3A_23 : memref<!tpu.dma_semaphore, #tpu.memory_space<semaphore_mem>>)
        %dma_wait3A = arith.constant 0 : i32
        %dma_wait3A_29 = tpu.memref_slice %arg7[%run_scoped3A_16, %dma_wait3A] : memref<2x128xi32, #tpu.memory_space<vmem>> -> memref<1x128xi32, #tpu.memory_space<vmem>>
        %dma_wait3A_30 = tpu.memref_squeeze %dma_wait3A_29 : memref<1x128xi32, #tpu.memory_space<vmem>> -> memref<128xi32, #tpu.memory_space<vmem>>
        %dma_wait3A_31 = arith.constant 0 : i32
        %dma_wait3A_32 = arith.constant 0 : i32
        %dma_wait3A_33 = tpu.memref_slice %arg2[%dma_wait3A_31, %dma_wait3A_32] : memref<10000x128xf32, #tpu.memory_space<hbm>> -> memref<10000x128xf32, #tpu.memory_space<hbm>>
        tpu.wait_indirect_dma semaphore(%run_scoped3A_23 : memref<!tpu.dma_semaphore, #tpu.memory_space<semaphore_mem>>) src(%dma_wait3A_33 : memref<10000x128xf32, #tpu.memory_space<hbm>>) dst(%arg9 : memref<128x128xf32, #tpu.memory_space<vmem>>)
        tpu.yield
      }) : () -> ()
      %scan3A_17 = arith.constant 0 : i32
      %scan3A_18 = arith.constant 0 : i32
      %scan3A_19 = arith.constant 128 : i32
      %scan3A_20 = arith.addi %scan3A_18, %scan3A_19 : i32
      %scan3A_21 = arith.constant 1 : i32
      scf.for %scan3A_23 = %scan3A_18 to %scan3A_20 step %scan3A_21  : i32 {
        %get3A = arith.index_cast %scan3A_23 : i32 to index
        %get3A_24 = arith.constant 0 : index
        %get3A_25 = tpu.vector_load %arg10[%get3A, %get3A_24] {strides = array<i32>} : memref<128x128xf32, #tpu.memory_space<vmem>>, vector<1x16xf32>,
        %get3A_26 = vector.shape_cast %get3A_25 : vector<1x16xf32> to vector<16xf32>
        %get3A_27 = arith.index_cast %scan3A_23 : i32 to index
        %get3A_28 = arith.constant 0 : index
        %get3A_29 = tpu.vector_load %arg8[%get3A_27, %get3A_28] {strides = array<i32>} : memref<128x128xf32, #tpu.memory_space<vmem>>, vector<1x16xf32>,
        %get3A_30 = vector.shape_cast %get3A_29 : vector<1x16xf32> to vector<16xf32>
        %add3A_31 = arith.addf %get3A_26, %get3A_30 : vector<16xf32>
        %get3A_32 = arith.index_cast %scan3A_23 : i32 to index
        %get3A_33 = arith.constant 0 : index
        %get3A_34 = tpu.vector_load %arg9[%get3A_32, %get3A_33] {strides = array<i32>} : memref<128x128xf32, #tpu.memory_space<vmem>>, vector<1x16xf32>,
        %get3A_35 = vector.shape_cast %get3A_34 : vector<1x16xf32> to vector<16xf32>
        %add3A_36 = arith.addf %add3A_31, %get3A_35 : vector<16xf32>
        %swap3A = arith.index_cast %scan3A_23 : i32 to index
        %swap3A_37 = arith.constant 0 : index
        %swap3A_38 = tpu.vector_load %arg10[%swap3A, %swap3A_37] {strides = array<i32>} : memref<128x128xf32, #tpu.memory_space<vmem>>, vector<1x16xf32>,
        %swap3A_39 = vector.shape_cast %swap3A_38 : vector<1x16xf32> to vector<16xf32>
        %swap3A_40 = vector.shape_cast %add3A_36 : vector<16xf32> to vector<1x16xf32>
        tpu.vector_store %arg10[%swap3A, %swap3A_37], %swap3A_40 {strides = array<i32>} : memref<128x128xf32, #tpu.memory_space<vmem>>, vector<1x16xf32>,
        %get3A_41 = arith.index_cast %scan3A_23 : i32 to index
        %get3A_42 = arith.constant 16 : index
        %get3A_43 = tpu.vector_load %arg10[%get3A_41, %get3A_42] {strides = array<i32>} : memref<128x128xf32, #tpu.memory_space<vmem>>, vector<1x16xf32>,
        %get3A_44 = vector.shape_cast %get3A_43 : vector<1x16xf32> to vector<16xf32>
        %get3A_45 = arith.index_cast %scan3A_23 : i32 to index
        %get3A_46 = arith.constant 16 : index
        %get3A_47 = tpu.vector_load %arg8[%get3A_45, %get3A_46] {strides = array<i32>} : memref<128x128xf32, #tpu.memory_space<vmem>>, vector<1x16xf32>,
        %get3A_48 = vector.shape_cast %get3A_47 : vector<1x16xf32> to vector<16xf32>
        %add3A_49 = arith.addf %get3A_44, %get3A_48 : vector<16xf32>
        %get3A_50 = arith.index_cast %scan3A_23 : i32 to index
        %get3A_51 = arith.constant 16 : index
        %get3A_52 = tpu.vector_load %arg9[%get3A_50, %get3A_51] {strides = array<i32>} : memref<128x128xf32, #tpu.memory_space<vmem>>, vector<1x16xf32>,
        %get3A_53 = vector.shape_cast %get3A_52 : vector<1x16xf32> to vector<16xf32>
        %add3A_54 = arith.addf %add3A_49, %get3A_53 : vector<16xf32>
        %swap3A_55 = arith.index_cast %scan3A_23 : i32 to index
        %swap3A_56 = arith.constant 16 : index
        %swap3A_57 = tpu.vector_load %arg10[%swap3A_55, %swap3A_56] {strides = array<i32>} : memref<128x128xf32, #tpu.memory_space<vmem>>, vector<1x16xf32>,
        %swap3A_58 = vector.shape_cast %swap3A_57 : vector<1x16xf32> to vector<16xf32>
        %swap3A_59 = vector.shape_cast %add3A_54 : vector<16xf32> to vector<1x16xf32>
        tpu.vector_store %arg10[%swap3A_55, %swap3A_56], %swap3A_59 {strides = array<i32>} : memref<128x128xf32, #tpu.memory_space<vmem>>, vector<1x16xf32>,
        %get3A_60 = arith.index_cast %scan3A_23 : i32 to index
        %get3A_61 = arith.constant 32 : index
        %get3A_62 = tpu.vector_load %arg10[%get3A_60, %get3A_61] {strides = array<i32>} : memref<128x128xf32, #tpu.memory_space<vmem>>, vector<1x16xf32>,
        %get3A_63 = vector.shape_cast %get3A_62 : vector<1x16xf32> to vector<16xf32>
        %get3A_64 = arith.index_cast %scan3A_23 : i32 to index
        %get3A_65 = arith.constant 32 : index
        %get3A_66 = tpu.vector_load %arg8[%get3A_64, %get3A_65] {strides = array<i32>} : memref<128x128xf32, #tpu.memory_space<vmem>>, vector<1x16xf32>,
        %get3A_67 = vector.shape_cast %get3A_66 : vector<1x16xf32> to vector<16xf32>
        %add3A_68 = arith.addf %get3A_63, %get3A_67 : vector<16xf32>
        %get3A_69 = arith.index_cast %scan3A_23 : i32 to index
        %get3A_70 = arith.constant 32 : index
        %get3A_71 = tpu.vector_load %arg9[%get3A_69, %get3A_70] {strides = array<i32>} : memref<128x128xf32, #tpu.memory_space<vmem>>, vector<1x16xf32>,
        %get3A_72 = vector.shape_cast %get3A_71 : vector<1x16xf32> to vector<16xf32>
        %add3A_73 = arith.addf %add3A_68, %get3A_72 : vector<16xf32>
        %swap3A_74 = arith.index_cast %scan3A_23 : i32 to index
        %swap3A_75 = arith.constant 32 : index
        %swap3A_76 = tpu.vector_load %arg10[%swap3A_74, %swap3A_75] {strides = array<i32>} : memref<128x128xf32, #tpu.memory_space<vmem>>, vector<1x16xf32>,
        %swap3A_77 = vector.shape_cast %swap3A_76 : vector<1x16xf32> to vector<16xf32>
        %swap3A_78 = vector.shape_cast %add3A_73 : vector<16xf32> to vector<1x16xf32>
        tpu.vector_store %arg10[%swap3A_74, %swap3A_75], %swap3A_78 {strides = array<i32>} : memref<128x128xf32, #tpu.memory_space<vmem>>, vector<1x16xf32>,
        %get3A_79 = arith.index_cast %scan3A_23 : i32 to index
        %get3A_80 = arith.constant 48 : index
        %get3A_81 = tpu.vector_load %arg10[%get3A_79, %get3A_80] {strides = array<i32>} : memref<128x128xf32, #tpu.memory_space<vmem>>, vector<1x16xf32>,
        %get3A_82 = vector.shape_cast %get3A_81 : vector<1x16xf32> to vector<16xf32>
        %get3A_83 = arith.index_cast %scan3A_23 : i32 to index
        %get3A_84 = arith.constant 48 : index
        %get3A_85 = tpu.vector_load %arg8[%get3A_83, %get3A_84] {strides = array<i32>} : memref<128x128xf32, #tpu.memory_space<vmem>>, vector<1x16xf32>,
        %get3A_86 = vector.shape_cast %get3A_85 : vector<1x16xf32> to vector<16xf32>
        %add3A_87 = arith.addf %get3A_82, %get3A_86 : vector<16xf32>
        %get3A_88 = arith.index_cast %scan3A_23 : i32 to index
        %get3A_89 = arith.constant 48 : index
        %get3A_90 = tpu.vector_load %arg9[%get3A_88, %get3A_89] {strides = array<i32>} : memref<128x128xf32, #tpu.memory_space<vmem>>, vector<1x16xf32>,
        %get3A_91 = vector.shape_cast %get3A_90 : vector<1x16xf32> to vector<16xf32>
        %add3A_92 = arith.addf %add3A_87, %get3A_91 : vector<16xf32>
        %swap3A_93 = arith.index_cast %scan3A_23 : i32 to index
        %swap3A_94 = arith.constant 48 : index
        %swap3A_95 = tpu.vector_load %arg10[%swap3A_93, %swap3A_94] {strides = array<i32>} : memref<128x128xf32, #tpu.memory_space<vmem>>, vector<1x16xf32>,
        %swap3A_96 = vector.shape_cast %swap3A_95 : vector<1x16xf32> to vector<16xf32>
        %swap3A_97 = vector.shape_cast %add3A_92 : vector<16xf32> to vector<1x16xf32>
        tpu.vector_store %arg10[%swap3A_93, %swap3A_94], %swap3A_97 {strides = array<i32>} : memref<128x128xf32, #tpu.memory_space<vmem>>, vector<1x16xf32>,
        %get3A_98 = arith.index_cast %scan3A_23 : i32 to index
        %get3A_99 = arith.constant 64 : index
        %get3A_100 = tpu.vector_load %arg10[%get3A_98, %get3A_99] {strides = array<i32>} : memref<128x128xf32, #tpu.memory_space<vmem>>, vector<1x16xf32>,
        %get3A_101 = vector.shape_cast %get3A_100 : vector<1x16xf32> to vector<16xf32>
        %get3A_102 = arith.index_cast %scan3A_23 : i32 to index
        %get3A_103 = arith.constant 64 : index
        %get3A_104 = tpu.vector_load %arg8[%get3A_102, %get3A_103] {strides = array<i32>} : memref<128x128xf32, #tpu.memory_space<vmem>>, vector<1x16xf32>,
        %get3A_105 = vector.shape_cast %get3A_104 : vector<1x16xf32> to vector<16xf32>
        %add3A_106 = arith.addf %get3A_101, %get3A_105 : vector<16xf32>
        %get3A_107 = arith.index_cast %scan3A_23 : i32 to index
        %get3A_108 = arith.constant 64 : index
        %get3A_109 = tpu.vector_load %arg9[%get3A_107, %get3A_108] {strides = array<i32>} : memref<128x128xf32, #tpu.memory_space<vmem>>, vector<1x16xf32>,
        %get3A_110 = vector.shape_cast %get3A_109 : vector<1x16xf32> to vector<16xf32>
        %add3A_111 = arith.addf %add3A_106, %get3A_110 : vector<16xf32>
        %swap3A_112 = arith.index_cast %scan3A_23 : i32 to index
        %swap3A_113 = arith.constant 64 : index
        %swap3A_114 = tpu.vector_load %arg10[%swap3A_112, %swap3A_113] {strides = array<i32>} : memref<128x128xf32, #tpu.memory_space<vmem>>, vector<1x16xf32>,
        %swap3A_115 = vector.shape_cast %swap3A_114 : vector<1x16xf32> to vector<16xf32>
        %swap3A_116 = vector.shape_cast %add3A_111 : vector<16xf32> to vector<1x16xf32>
        tpu.vector_store %arg10[%swap3A_112, %swap3A_113], %swap3A_116 {strides = array<i32>} : memref<128x128xf32, #tpu.memory_space<vmem>>, vector<1x16xf32>,
        %get3A_117 = arith.index_cast %scan3A_23 : i32 to index
        %get3A_118 = arith.constant 80 : index
        %get3A_119 = tpu.vector_load %arg10[%get3A_117, %get3A_118] {strides = array<i32>} : memref<128x128xf32, #tpu.memory_space<vmem>>, vector<1x16xf32>,
        %get3A_120 = vector.shape_cast %get3A_119 : vector<1x16xf32> to vector<16xf32>
        %get3A_121 = arith.index_cast %scan3A_23 : i32 to index
        %get3A_122 = arith.constant 80 : index
        %get3A_123 = tpu.vector_load %arg8[%get3A_121, %get3A_122] {strides = array<i32>} : memref<128x128xf32, #tpu.memory_space<vmem>>, vector<1x16xf32>,
        %get3A_124 = vector.shape_cast %get3A_123 : vector<1x16xf32> to vector<16xf32>
        %add3A_125 = arith.addf %get3A_120, %get3A_124 : vector<16xf32>
        %get3A_126 = arith.index_cast %scan3A_23 : i32 to index
        %get3A_127 = arith.constant 80 : index
        %get3A_128 = tpu.vector_load %arg9[%get3A_126, %get3A_127] {strides = array<i32>} : memref<128x128xf32, #tpu.memory_space<vmem>>, vector<1x16xf32>,
        %get3A_129 = vector.shape_cast %get3A_128 : vector<1x16xf32> to vector<16xf32>
        %add3A_130 = arith.addf %add3A_125, %get3A_129 : vector<16xf32>
        %swap3A_131 = arith.index_cast %scan3A_23 : i32 to index
        %swap3A_132 = arith.constant 80 : index
        %swap3A_133 = tpu.vector_load %arg10[%swap3A_131, %swap3A_132] {strides = array<i32>} : memref<128x128xf32, #tpu.memory_space<vmem>>, vector<1x16xf32>,
        %swap3A_134 = vector.shape_cast %swap3A_133 : vector<1x16xf32> to vector<16xf32>
        %swap3A_135 = vector.shape_cast %add3A_130 : vector<16xf32> to vector<1x16xf32>
        tpu.vector_store %arg10[%swap3A_131, %swap3A_132], %swap3A_135 {strides = array<i32>} : memref<128x128xf32, #tpu.memory_space<vmem>>, vector<1x16xf32>,
        %get3A_136 = arith.index_cast %scan3A_23 : i32 to index
        %get3A_137 = arith.constant 96 : index
        %get3A_138 = tpu.vector_load %arg10[%get3A_136, %get3A_137] {strides = array<i32>} : memref<128x128xf32, #tpu.memory_space<vmem>>, vector<1x16xf32>,
        %get3A_139 = vector.shape_cast %get3A_138 : vector<1x16xf32> to vector<16xf32>
        %get3A_140 = arith.index_cast %scan3A_23 : i32 to index
        %get3A_141 = arith.constant 96 : index
        %get3A_142 = tpu.vector_load %arg8[%get3A_140, %get3A_141] {strides = array<i32>} : memref<128x128xf32, #tpu.memory_space<vmem>>, vector<1x16xf32>,
        %get3A_143 = vector.shape_cast %get3A_142 : vector<1x16xf32> to vector<16xf32>
        %add3A_144 = arith.addf %get3A_139, %get3A_143 : vector<16xf32>
        %get3A_145 = arith.index_cast %scan3A_23 : i32 to index
        %get3A_146 = arith.constant 96 : index
        %get3A_147 = tpu.vector_load %arg9[%get3A_145, %get3A_146] {strides = array<i32>} : memref<128x128xf32, #tpu.memory_space<vmem>>, vector<1x16xf32>,
        %get3A_148 = vector.shape_cast %get3A_147 : vector<1x16xf32> to vector<16xf32>
        %add3A_149 = arith.addf %add3A_144, %get3A_148 : vector<16xf32>
        %swap3A_150 = arith.index_cast %scan3A_23 : i32 to index
        %swap3A_151 = arith.constant 96 : index
        %swap3A_152 = tpu.vector_load %arg10[%swap3A_150, %swap3A_151] {strides = array<i32>} : memref<128x128xf32, #tpu.memory_space<vmem>>, vector<1x16xf32>,
        %swap3A_153 = vector.shape_cast %swap3A_152 : vector<1x16xf32> to vector<16xf32>
        %swap3A_154 = vector.shape_cast %add3A_149 : vector<16xf32> to vector<1x16xf32>
        tpu.vector_store %arg10[%swap3A_150, %swap3A_151], %swap3A_154 {strides = array<i32>} : memref<128x128xf32, #tpu.memory_space<vmem>>, vector<1x16xf32>,
        %get3A_155 = arith.index_cast %scan3A_23 : i32 to index
        %get3A_156 = arith.constant 112 : index
        %get3A_157 = tpu.vector_load %arg10[%get3A_155, %get3A_156] {strides = array<i32>} : memref<128x128xf32, #tpu.memory_space<vmem>>, vector<1x16xf32>,
        %get3A_158 = vector.shape_cast %get3A_157 : vector<1x16xf32> to vector<16xf32>
        %get3A_159 = arith.index_cast %scan3A_23 : i32 to index
        %get3A_160 = arith.constant 112 : index
        %get3A_161 = tpu.vector_load %arg8[%get3A_159, %get3A_160] {strides = array<i32>} : memref<128x128xf32, #tpu.memory_space<vmem>>, vector<1x16xf32>,
        %get3A_162 = vector.shape_cast %get3A_161 : vector<1x16xf32> to vector<16xf32>
        %add3A_163 = arith.addf %get3A_158, %get3A_162 : vector<16xf32>
        %get3A_164 = arith.index_cast %scan3A_23 : i32 to index
        %get3A_165 = arith.constant 112 : index
        %get3A_166 = tpu.vector_load %arg9[%get3A_164, %get3A_165] {strides = array<i32>} : memref<128x128xf32, #tpu.memory_space<vmem>>, vector<1x16xf32>,
        %get3A_167 = vector.shape_cast %get3A_166 : vector<1x16xf32> to vector<16xf32>
        %add3A_168 = arith.addf %add3A_163, %get3A_167 : vector<16xf32>
        %swap3A_169 = arith.index_cast %scan3A_23 : i32 to index
        %swap3A_170 = arith.constant 112 : index
        %swap3A_171 = tpu.vector_load %arg10[%swap3A_169, %swap3A_170] {strides = array<i32>} : memref<128x128xf32, #tpu.memory_space<vmem>>, vector<1x16xf32>,
        %swap3A_172 = vector.shape_cast %swap3A_171 : vector<1x16xf32> to vector<16xf32>
        %swap3A_173 = vector.shape_cast %add3A_168 : vector<16xf32> to vector<1x16xf32>
        tpu.vector_store %arg10[%swap3A_169, %swap3A_170], %swap3A_173 {strides = array<i32>} : memref<128x128xf32, #tpu.memory_space<vmem>>, vector<1x16xf32>,
      }
      %scan3A_22 = arith.constant 128 : i32
      "tpu.region"() ({
        %run_scoped3A_23 = tpu.sem_alloc : memref<!tpu.dma_semaphore, #tpu.memory_space<semaphore_mem>>
        %dma_start3A = arith.constant 0 : i32
        %dma_start3A_24 = tpu.memref_slice %arg6[%mul3A_13, %dma_start3A] : memref<160000x128xf32, #tpu.memory_space<hbm>> -> memref<128x128xf32, #tpu.memory_space<hbm>>
        %dma_start3A_25 = arith.constant 0 : i32
        %dma_start3A_26 = tpu.memref_slice %arg6[%mul3A_13, %dma_start3A_25] : memref<160000x128xf32, #tpu.memory_space<hbm>> -> memref<128x128xf32, #tpu.memory_space<hbm>>
        tpu.enqueue_dma source(%arg10 : memref<128x128xf32, #tpu.memory_space<vmem>>) target(%dma_start3A_26 : memref<128x128xf32, #tpu.memory_space<hbm>>) target_semaphore(%run_scoped3A_23 : memref<!tpu.dma_semaphore, #tpu.memory_space<semaphore_mem>>)
        %dma_wait3A = arith.constant 0 : i32
        %dma_wait3A_27 = tpu.memref_slice %arg6[%mul3A_13, %dma_wait3A] : memref<160000x128xf32, #tpu.memory_space<hbm>> -> memref<128x128xf32, #tpu.memory_space<hbm>>
        %dma_wait3A_28 = arith.constant 0 : i32
        %dma_wait3A_29 = tpu.memref_slice %arg6[%mul3A_13, %dma_wait3A_28] : memref<160000x128xf32, #tpu.memory_space<hbm>> -> memref<128x128xf32, #tpu.memory_space<hbm>>
        tpu.wait_dma2 semaphore(%run_scoped3A_23 : memref<!tpu.dma_semaphore, #tpu.memory_space<semaphore_mem>>) src(%arg10 : memref<128x128xf32, #tpu.memory_space<vmem>>) dst(%dma_wait3A_29 : memref<128x128xf32, #tpu.memory_space<hbm>>)
        tpu.yield
      }) : () -> ()
    }
    %scan3A_5 = arith.constant 39 : i32
    %lt3A = arith.constant 2 : i32
    %lt3A_6 = arith.cmpi slt, %add3A, %lt3A : i32
    %convert_element_type3A = arith.extui %lt3A_6 : i1 to i32
    %cond3A = arith.constant 0 : i32
    %cond3A_7 = arith.cmpi ne, %convert_element_type3A, %cond3A : i32
    scf.if %cond3A_7 {
      %add3A_8 = arith.constant 1248 : i32
      %add3A_9 = arith.addi %add3A_8, %add3A : i32
      %mul3A_10 = arith.constant 128 : i32
      %mul3A_11 = arith.muli %add3A_9, %mul3A_10 : i32
      %run_scoped3A = arith.constant 0 : i32
      "tpu.region"() ({
        %run_scoped3A_21 = tpu.sem_alloc : memref<!tpu.dma_semaphore, #tpu.memory_space<semaphore_mem>>
        %dma_start3A = arith.constant 0 : i32
        %dma_start3A_22 = tpu.memref_slice %arg7[%run_scoped3A, %dma_start3A] : memref<2x128xi32, #tpu.memory_space<vmem>> -> memref<1x128xi32, #tpu.memory_space<vmem>>
        %dma_start3A_23 = tpu.memref_squeeze %dma_start3A_22 : memref<1x128xi32, #tpu.memory_space<vmem>> -> memref<128xi32, #tpu.memory_space<vmem>>
        %dma_start3A_24 = tpu.memref_slice %arg4[%mul3A_11] : memref<160000xi32, #tpu.memory_space<hbm>> -> memref<128xi32, #tpu.memory_space<hbm>>
        %dma_start3A_25 = arith.constant 0 : i32
        %dma_start3A_26 = tpu.memref_slice %arg7[%run_scoped3A, %dma_start3A_25] : memref<2x128xi32, #tpu.memory_space<vmem>> -> memref<1x128xi32, #tpu.memory_space<vmem>>
        %dma_start3A_27 = tpu.memref_squeeze %dma_start3A_26 : memref<1x128xi32, #tpu.memory_space<vmem>> -> memref<128xi32, #tpu.memory_space<vmem>>
        %dma_start3A_28 = tpu.memref_slice %arg4[%mul3A_11] : memref<160000xi32, #tpu.memory_space<hbm>> -> memref<128xi32, #tpu.memory_space<hbm>>
        tpu.enqueue_dma source(%dma_start3A_28 : memref<128xi32, #tpu.memory_space<hbm>>) target(%dma_start3A_27 : memref<128xi32, #tpu.memory_space<vmem>>) target_semaphore(%run_scoped3A_21 : memref<!tpu.dma_semaphore, #tpu.memory_space<semaphore_mem>>)
        %dma_wait3A = arith.constant 0 : i32
        %dma_wait3A_29 = tpu.memref_slice %arg7[%run_scoped3A, %dma_wait3A] : memref<2x128xi32, #tpu.memory_space<vmem>> -> memref<1x128xi32, #tpu.memory_space<vmem>>
        %dma_wait3A_30 = tpu.memref_squeeze %dma_wait3A_29 : memref<1x128xi32, #tpu.memory_space<vmem>> -> memref<128xi32, #tpu.memory_space<vmem>>
        %dma_wait3A_31 = tpu.memref_slice %arg4[%mul3A_11] : memref<160000xi32, #tpu.memory_space<hbm>> -> memref<128xi32, #tpu.memory_space<hbm>>
        %dma_wait3A_32 = arith.constant 0 : i32
        %dma_wait3A_33 = tpu.memref_slice %arg7[%run_scoped3A, %dma_wait3A_32] : memref<2x128xi32, #tpu.memory_space<vmem>> -> memref<1x128xi32, #tpu.memory_space<vmem>>
        %dma_wait3A_34 = tpu.memref_squeeze %dma_wait3A_33 : memref<1x128xi32, #tpu.memory_space<vmem>> -> memref<128xi32, #tpu.memory_space<vmem>>
        %dma_wait3A_35 = tpu.memref_slice %arg4[%mul3A_11] : memref<160000xi32, #tpu.memory_space<hbm>> -> memref<128xi32, #tpu.memory_space<hbm>>
        tpu.wait_dma2 semaphore(%run_scoped3A_21 : memref<!tpu.dma_semaphore, #tpu.memory_space<semaphore_mem>>) src(%dma_wait3A_35 : memref<128xi32, #tpu.memory_space<hbm>>) dst(%dma_wait3A_34 : memref<128xi32, #tpu.memory_space<vmem>>)
        tpu.yield
      }) : () -> ()
      %run_scoped3A_12 = arith.constant 1 : i32
      "tpu.region"() ({
        %run_scoped3A_21 = tpu.sem_alloc : memref<!tpu.dma_semaphore, #tpu.memory_space<semaphore_mem>>
        %dma_start3A = arith.constant 0 : i32
        %dma_start3A_22 = tpu.memref_slice %arg7[%run_scoped3A_12, %dma_start3A] : memref<2x128xi32, #tpu.memory_space<vmem>> -> memref<1x128xi32, #tpu.memory_space<vmem>>
        %dma_start3A_23 = tpu.memref_squeeze %dma_start3A_22 : memref<1x128xi32, #tpu.memory_space<vmem>> -> memref<128xi32, #tpu.memory_space<vmem>>
        %dma_start3A_24 = tpu.memref_slice %arg5[%mul3A_11] : memref<160000xi32, #tpu.memory_space<hbm>> -> memref<128xi32, #tpu.memory_space<hbm>>
        %dma_start3A_25 = arith.constant 0 : i32
        %dma_start3A_26 = tpu.memref_slice %arg7[%run_scoped3A_12, %dma_start3A_25] : memref<2x128xi32, #tpu.memory_space<vmem>> -> memref<1x128xi32, #tpu.memory_space<vmem>>
        %dma_start3A_27 = tpu.memref_squeeze %dma_start3A_26 : memref<1x128xi32, #tpu.memory_space<vmem>> -> memref<128xi32, #tpu.memory_space<vmem>>
        %dma_start3A_28 = tpu.memref_slice %arg5[%mul3A_11] : memref<160000xi32, #tpu.memory_space<hbm>> -> memref<128xi32, #tpu.memory_space<hbm>>
        tpu.enqueue_dma source(%dma_start3A_28 : memref<128xi32, #tpu.memory_space<hbm>>) target(%dma_start3A_27 : memref<128xi32, #tpu.memory_space<vmem>>) target_semaphore(%run_scoped3A_21 : memref<!tpu.dma_semaphore, #tpu.memory_space<semaphore_mem>>)
        %dma_wait3A = arith.constant 0 : i32
        %dma_wait3A_29 = tpu.memref_slice %arg7[%run_scoped3A_12, %dma_wait3A] : memref<2x128xi32, #tpu.memory_space<vmem>> -> memref<1x128xi32, #tpu.memory_space<vmem>>
        %dma_wait3A_30 = tpu.memref_squeeze %dma_wait3A_29 : memref<1x128xi32, #tpu.memory_space<vmem>> -> memref<128xi32, #tpu.memory_space<vmem>>
        %dma_wait3A_31 = tpu.memref_slice %arg5[%mul3A_11] : memref<160000xi32, #tpu.memory_space<hbm>> -> memref<128xi32, #tpu.memory_space<hbm>>
        %dma_wait3A_32 = arith.constant 0 : i32
        %dma_wait3A_33 = tpu.memref_slice %arg7[%run_scoped3A_12, %dma_wait3A_32] : memref<2x128xi32, #tpu.memory_space<vmem>> -> memref<1x128xi32, #tpu.memory_space<vmem>>
        %dma_wait3A_34 = tpu.memref_squeeze %dma_wait3A_33 : memref<1x128xi32, #tpu.memory_space<vmem>> -> memref<128xi32, #tpu.memory_space<vmem>>
        %dma_wait3A_35 = tpu.memref_slice %arg5[%mul3A_11] : memref<160000xi32, #tpu.memory_space<hbm>> -> memref<128xi32, #tpu.memory_space<hbm>>
        tpu.wait_dma2 semaphore(%run_scoped3A_21 : memref<!tpu.dma_semaphore, #tpu.memory_space<semaphore_mem>>) src(%dma_wait3A_35 : memref<128xi32, #tpu.memory_space<hbm>>) dst(%dma_wait3A_34 : memref<128xi32, #tpu.memory_space<vmem>>)
        tpu.yield
      }) : () -> ()
      "tpu.region"() ({
        %run_scoped3A_21 = tpu.sem_alloc : memref<!tpu.dma_semaphore, #tpu.memory_space<semaphore_mem>>
        %dma_start3A = arith.constant 0 : i32
        %dma_start3A_22 = tpu.memref_slice %arg3[%mul3A_11, %dma_start3A] : memref<160000x128xf32, #tpu.memory_space<hbm>> -> memref<128x128xf32, #tpu.memory_space<hbm>>
        %dma_start3A_23 = arith.constant 0 : i32
        %dma_start3A_24 = tpu.memref_slice %arg3[%mul3A_11, %dma_start3A_23] : memref<160000x128xf32, #tpu.memory_space<hbm>> -> memref<128x128xf32, #tpu.memory_space<hbm>>
        tpu.enqueue_dma source(%dma_start3A_24 : memref<128x128xf32, #tpu.memory_space<hbm>>) target(%arg10 : memref<128x128xf32, #tpu.memory_space<vmem>>) target_semaphore(%run_scoped3A_21 : memref<!tpu.dma_semaphore, #tpu.memory_space<semaphore_mem>>)
        %dma_wait3A = arith.constant 0 : i32
        %dma_wait3A_25 = tpu.memref_slice %arg3[%mul3A_11, %dma_wait3A] : memref<160000x128xf32, #tpu.memory_space<hbm>> -> memref<128x128xf32, #tpu.memory_space<hbm>>
        %dma_wait3A_26 = arith.constant 0 : i32
        %dma_wait3A_27 = tpu.memref_slice %arg3[%mul3A_11, %dma_wait3A_26] : memref<160000x128xf32, #tpu.memory_space<hbm>> -> memref<128x128xf32, #tpu.memory_space<hbm>>
        tpu.wait_dma2 semaphore(%run_scoped3A_21 : memref<!tpu.dma_semaphore, #tpu.memory_space<semaphore_mem>>) src(%dma_wait3A_27 : memref<128x128xf32, #tpu.memory_space<hbm>>) dst(%arg10 : memref<128x128xf32, #tpu.memory_space<vmem>>)
        tpu.yield
      }) : () -> ()
      %run_scoped3A_13 = arith.constant 0 : i32
      "tpu.region"() ({
        %run_scoped3A_21 = tpu.sem_alloc : memref<!tpu.dma_semaphore, #tpu.memory_space<semaphore_mem>>
        %dma_start3A = arith.constant 0 : i32
        %dma_start3A_22 = tpu.memref_slice %arg7[%run_scoped3A_13, %dma_start3A] : memref<2x128xi32, #tpu.memory_space<vmem>> -> memref<1x128xi32, #tpu.memory_space<vmem>>
        %dma_start3A_23 = tpu.memref_squeeze %dma_start3A_22 : memref<1x128xi32, #tpu.memory_space<vmem>> -> memref<128xi32, #tpu.memory_space<vmem>>
        %dma_start3A_24 = arith.constant 0 : i32
        %dma_start3A_25 = arith.constant 0 : i32
        %dma_start3A_26 = tpu.memref_slice %arg2[%dma_start3A_24, %dma_start3A_25] : memref<10000x128xf32, #tpu.memory_space<hbm>> -> memref<10000x128xf32, #tpu.memory_space<hbm>>
        tpu.enqueue_indirect_dma source(%dma_start3A_26 : memref<10000x128xf32, #tpu.memory_space<hbm>>) target(%arg8 : memref<128x128xf32, #tpu.memory_space<vmem>>) offsets(%dma_start3A_23 : memref<128xi32, #tpu.memory_space<vmem>>) semaphore(%run_scoped3A_21 : memref<!tpu.dma_semaphore, #tpu.memory_space<semaphore_mem>>)
        %dma_wait3A = arith.constant 0 : i32
        %dma_wait3A_27 = tpu.memref_slice %arg7[%run_scoped3A_13, %dma_wait3A] : memref<2x128xi32, #tpu.memory_space<vmem>> -> memref<1x128xi32, #tpu.memory_space<vmem>>
        %dma_wait3A_28 = tpu.memref_squeeze %dma_wait3A_27 : memref<1x128xi32, #tpu.memory_space<vmem>> -> memref<128xi32, #tpu.memory_space<vmem>>
        %dma_wait3A_29 = arith.constant 0 : i32
        %dma_wait3A_30 = arith.constant 0 : i32
        %dma_wait3A_31 = tpu.memref_slice %arg2[%dma_wait3A_29, %dma_wait3A_30] : memref<10000x128xf32, #tpu.memory_space<hbm>> -> memref<10000x128xf32, #tpu.memory_space<hbm>>
        tpu.wait_indirect_dma semaphore(%run_scoped3A_21 : memref<!tpu.dma_semaphore, #tpu.memory_space<semaphore_mem>>) src(%dma_wait3A_31 : memref<10000x128xf32, #tpu.memory_space<hbm>>) dst(%arg8 : memref<128x128xf32, #tpu.memory_space<vmem>>)
        tpu.yield
      }) : () -> ()
      %run_scoped3A_14 = arith.constant 1 : i32
      "tpu.region"() ({
        %run_scoped3A_21 = tpu.sem_alloc : memref<!tpu.dma_semaphore, #tpu.memory_space<semaphore_mem>>
        %dma_start3A = arith.constant 0 : i32
        %dma_start3A_22 = tpu.memref_slice %arg7[%run_scoped3A_14, %dma_start3A] : memref<2x128xi32, #tpu.memory_space<vmem>> -> memref<1x128xi32, #tpu.memory_space<vmem>>
        %dma_start3A_23 = tpu.memref_squeeze %dma_start3A_22 : memref<1x128xi32, #tpu.memory_space<vmem>> -> memref<128xi32, #tpu.memory_space<vmem>>
        %dma_start3A_24 = arith.constant 0 : i32
        %dma_start3A_25 = arith.constant 0 : i32
        %dma_start3A_26 = tpu.memref_slice %arg2[%dma_start3A_24, %dma_start3A_25] : memref<10000x128xf32, #tpu.memory_space<hbm>> -> memref<10000x128xf32, #tpu.memory_space<hbm>>
        tpu.enqueue_indirect_dma source(%dma_start3A_26 : memref<10000x128xf32, #tpu.memory_space<hbm>>) target(%arg9 : memref<128x128xf32, #tpu.memory_space<vmem>>) offsets(%dma_start3A_23 : memref<128xi32, #tpu.memory_space<vmem>>) semaphore(%run_scoped3A_21 : memref<!tpu.dma_semaphore, #tpu.memory_space<semaphore_mem>>)
        %dma_wait3A = arith.constant 0 : i32
        %dma_wait3A_27 = tpu.memref_slice %arg7[%run_scoped3A_14, %dma_wait3A] : memref<2x128xi32, #tpu.memory_space<vmem>> -> memref<1x128xi32, #tpu.memory_space<vmem>>
        %dma_wait3A_28 = tpu.memref_squeeze %dma_wait3A_27 : memref<1x128xi32, #tpu.memory_space<vmem>> -> memref<128xi32, #tpu.memory_space<vmem>>
        %dma_wait3A_29 = arith.constant 0 : i32
        %dma_wait3A_30 = arith.constant 0 : i32
        %dma_wait3A_31 = tpu.memref_slice %arg2[%dma_wait3A_29, %dma_wait3A_30] : memref<10000x128xf32, #tpu.memory_space<hbm>> -> memref<10000x128xf32, #tpu.memory_space<hbm>>
        tpu.wait_indirect_dma semaphore(%run_scoped3A_21 : memref<!tpu.dma_semaphore, #tpu.memory_space<semaphore_mem>>) src(%dma_wait3A_31 : memref<10000x128xf32, #tpu.memory_space<hbm>>) dst(%arg9 : memref<128x128xf32, #tpu.memory_space<vmem>>)
        tpu.yield
      }) : () -> ()
      %scan3A_15 = arith.constant 0 : i32
      %scan3A_16 = arith.constant 0 : i32
      %scan3A_17 = arith.constant 128 : i32
      %scan3A_18 = arith.addi %scan3A_16, %scan3A_17 : i32
      %scan3A_19 = arith.constant 1 : i32
      scf.for %scan3A_21 = %scan3A_16 to %scan3A_18 step %scan3A_19  : i32 {
        %get3A = arith.index_cast %scan3A_21 : i32 to index
        %get3A_22 = arith.constant 0 : index
        %get3A_23 = tpu.vector_load %arg10[%get3A, %get3A_22] {strides = array<i32>} : memref<128x128xf32, #tpu.memory_space<vmem>>, vector<1x16xf32>,
        %get3A_24 = vector.shape_cast %get3A_23 : vector<1x16xf32> to vector<16xf32>
        %get3A_25 = arith.index_cast %scan3A_21 : i32 to index
        %get3A_26 = arith.constant 0 : index
        %get3A_27 = tpu.vector_load %arg8[%get3A_25, %get3A_26] {strides = array<i32>} : memref<128x128xf32, #tpu.memory_space<vmem>>, vector<1x16xf32>,
        %get3A_28 = vector.shape_cast %get3A_27 : vector<1x16xf32> to vector<16xf32>
        %add3A_29 = arith.addf %get3A_24, %get3A_28 : vector<16xf32>
        %get3A_30 = arith.index_cast %scan3A_21 : i32 to index
        %get3A_31 = arith.constant 0 : index
        %get3A_32 = tpu.vector_load %arg9[%get3A_30, %get3A_31] {strides = array<i32>} : memref<128x128xf32, #tpu.memory_space<vmem>>, vector<1x16xf32>,
        %get3A_33 = vector.shape_cast %get3A_32 : vector<1x16xf32> to vector<16xf32>
        %add3A_34 = arith.addf %add3A_29, %get3A_33 : vector<16xf32>
        %swap3A = arith.index_cast %scan3A_21 : i32 to index
        %swap3A_35 = arith.constant 0 : index
        %swap3A_36 = tpu.vector_load %arg10[%swap3A, %swap3A_35] {strides = array<i32>} : memref<128x128xf32, #tpu.memory_space<vmem>>, vector<1x16xf32>,
        %swap3A_37 = vector.shape_cast %swap3A_36 : vector<1x16xf32> to vector<16xf32>
        %swap3A_38 = vector.shape_cast %add3A_34 : vector<16xf32> to vector<1x16xf32>
        tpu.vector_store %arg10[%swap3A, %swap3A_35], %swap3A_38 {strides = array<i32>} : memref<128x128xf32, #tpu.memory_space<vmem>>, vector<1x16xf32>,
        %get3A_39 = arith.index_cast %scan3A_21 : i32 to index
        %get3A_40 = arith.constant 16 : index
        %get3A_41 = tpu.vector_load %arg10[%get3A_39, %get3A_40] {strides = array<i32>} : memref<128x128xf32, #tpu.memory_space<vmem>>, vector<1x16xf32>,
        %get3A_42 = vector.shape_cast %get3A_41 : vector<1x16xf32> to vector<16xf32>
        %get3A_43 = arith.index_cast %scan3A_21 : i32 to index
        %get3A_44 = arith.constant 16 : index
        %get3A_45 = tpu.vector_load %arg8[%get3A_43, %get3A_44] {strides = array<i32>} : memref<128x128xf32, #tpu.memory_space<vmem>>, vector<1x16xf32>,
        %get3A_46 = vector.shape_cast %get3A_45 : vector<1x16xf32> to vector<16xf32>
        %add3A_47 = arith.addf %get3A_42, %get3A_46 : vector<16xf32>
        %get3A_48 = arith.index_cast %scan3A_21 : i32 to index
        %get3A_49 = arith.constant 16 : index
        %get3A_50 = tpu.vector_load %arg9[%get3A_48, %get3A_49] {strides = array<i32>} : memref<128x128xf32, #tpu.memory_space<vmem>>, vector<1x16xf32>,
        %get3A_51 = vector.shape_cast %get3A_50 : vector<1x16xf32> to vector<16xf32>
        %add3A_52 = arith.addf %add3A_47, %get3A_51 : vector<16xf32>
        %swap3A_53 = arith.index_cast %scan3A_21 : i32 to index
        %swap3A_54 = arith.constant 16 : index
        %swap3A_55 = tpu.vector_load %arg10[%swap3A_53, %swap3A_54] {strides = array<i32>} : memref<128x128xf32, #tpu.memory_space<vmem>>, vector<1x16xf32>,
        %swap3A_56 = vector.shape_cast %swap3A_55 : vector<1x16xf32> to vector<16xf32>
        %swap3A_57 = vector.shape_cast %add3A_52 : vector<16xf32> to vector<1x16xf32>
        tpu.vector_store %arg10[%swap3A_53, %swap3A_54], %swap3A_57 {strides = array<i32>} : memref<128x128xf32, #tpu.memory_space<vmem>>, vector<1x16xf32>,
        %get3A_58 = arith.index_cast %scan3A_21 : i32 to index
        %get3A_59 = arith.constant 32 : index
        %get3A_60 = tpu.vector_load %arg10[%get3A_58, %get3A_59] {strides = array<i32>} : memref<128x128xf32, #tpu.memory_space<vmem>>, vector<1x16xf32>,
        %get3A_61 = vector.shape_cast %get3A_60 : vector<1x16xf32> to vector<16xf32>
        %get3A_62 = arith.index_cast %scan3A_21 : i32 to index
        %get3A_63 = arith.constant 32 : index
        %get3A_64 = tpu.vector_load %arg8[%get3A_62, %get3A_63] {strides = array<i32>} : memref<128x128xf32, #tpu.memory_space<vmem>>, vector<1x16xf32>,
        %get3A_65 = vector.shape_cast %get3A_64 : vector<1x16xf32> to vector<16xf32>
        %add3A_66 = arith.addf %get3A_61, %get3A_65 : vector<16xf32>
        %get3A_67 = arith.index_cast %scan3A_21 : i32 to index
        %get3A_68 = arith.constant 32 : index
        %get3A_69 = tpu.vector_load %arg9[%get3A_67, %get3A_68] {strides = array<i32>} : memref<128x128xf32, #tpu.memory_space<vmem>>, vector<1x16xf32>,
        %get3A_70 = vector.shape_cast %get3A_69 : vector<1x16xf32> to vector<16xf32>
        %add3A_71 = arith.addf %add3A_66, %get3A_70 : vector<16xf32>
        %swap3A_72 = arith.index_cast %scan3A_21 : i32 to index
        %swap3A_73 = arith.constant 32 : index
        %swap3A_74 = tpu.vector_load %arg10[%swap3A_72, %swap3A_73] {strides = array<i32>} : memref<128x128xf32, #tpu.memory_space<vmem>>, vector<1x16xf32>,
        %swap3A_75 = vector.shape_cast %swap3A_74 : vector<1x16xf32> to vector<16xf32>
        %swap3A_76 = vector.shape_cast %add3A_71 : vector<16xf32> to vector<1x16xf32>
        tpu.vector_store %arg10[%swap3A_72, %swap3A_73], %swap3A_76 {strides = array<i32>} : memref<128x128xf32, #tpu.memory_space<vmem>>, vector<1x16xf32>,
        %get3A_77 = arith.index_cast %scan3A_21 : i32 to index
        %get3A_78 = arith.constant 48 : index
        %get3A_79 = tpu.vector_load %arg10[%get3A_77, %get3A_78] {strides = array<i32>} : memref<128x128xf32, #tpu.memory_space<vmem>>, vector<1x16xf32>,
        %get3A_80 = vector.shape_cast %get3A_79 : vector<1x16xf32> to vector<16xf32>
        %get3A_81 = arith.index_cast %scan3A_21 : i32 to index
        %get3A_82 = arith.constant 48 : index
        %get3A_83 = tpu.vector_load %arg8[%get3A_81, %get3A_82] {strides = array<i32>} : memref<128x128xf32, #tpu.memory_space<vmem>>, vector<1x16xf32>,
        %get3A_84 = vector.shape_cast %get3A_83 : vector<1x16xf32> to vector<16xf32>
        %add3A_85 = arith.addf %get3A_80, %get3A_84 : vector<16xf32>
        %get3A_86 = arith.index_cast %scan3A_21 : i32 to index
        %get3A_87 = arith.constant 48 : index
        %get3A_88 = tpu.vector_load %arg9[%get3A_86, %get3A_87] {strides = array<i32>} : memref<128x128xf32, #tpu.memory_space<vmem>>, vector<1x16xf32>,
        %get3A_89 = vector.shape_cast %get3A_88 : vector<1x16xf32> to vector<16xf32>
        %add3A_90 = arith.addf %add3A_85, %get3A_89 : vector<16xf32>
        %swap3A_91 = arith.index_cast %scan3A_21 : i32 to index
        %swap3A_92 = arith.constant 48 : index
        %swap3A_93 = tpu.vector_load %arg10[%swap3A_91, %swap3A_92] {strides = array<i32>} : memref<128x128xf32, #tpu.memory_space<vmem>>, vector<1x16xf32>,
        %swap3A_94 = vector.shape_cast %swap3A_93 : vector<1x16xf32> to vector<16xf32>
        %swap3A_95 = vector.shape_cast %add3A_90 : vector<16xf32> to vector<1x16xf32>
        tpu.vector_store %arg10[%swap3A_91, %swap3A_92], %swap3A_95 {strides = array<i32>} : memref<128x128xf32, #tpu.memory_space<vmem>>, vector<1x16xf32>,
        %get3A_96 = arith.index_cast %scan3A_21 : i32 to index
        %get3A_97 = arith.constant 64 : index
        %get3A_98 = tpu.vector_load %arg10[%get3A_96, %get3A_97] {strides = array<i32>} : memref<128x128xf32, #tpu.memory_space<vmem>>, vector<1x16xf32>,
        %get3A_99 = vector.shape_cast %get3A_98 : vector<1x16xf32> to vector<16xf32>
        %get3A_100 = arith.index_cast %scan3A_21 : i32 to index
        %get3A_101 = arith.constant 64 : index
        %get3A_102 = tpu.vector_load %arg8[%get3A_100, %get3A_101] {strides = array<i32>} : memref<128x128xf32, #tpu.memory_space<vmem>>, vector<1x16xf32>,
        %get3A_103 = vector.shape_cast %get3A_102 : vector<1x16xf32> to vector<16xf32>
        %add3A_104 = arith.addf %get3A_99, %get3A_103 : vector<16xf32>
        %get3A_105 = arith.index_cast %scan3A_21 : i32 to index
        %get3A_106 = arith.constant 64 : index
        %get3A_107 = tpu.vector_load %arg9[%get3A_105, %get3A_106] {strides = array<i32>} : memref<128x128xf32, #tpu.memory_space<vmem>>, vector<1x16xf32>,
        %get3A_108 = vector.shape_cast %get3A_107 : vector<1x16xf32> to vector<16xf32>
        %add3A_109 = arith.addf %add3A_104, %get3A_108 : vector<16xf32>
        %swap3A_110 = arith.index_cast %scan3A_21 : i32 to index
        %swap3A_111 = arith.constant 64 : index
        %swap3A_112 = tpu.vector_load %arg10[%swap3A_110, %swap3A_111] {strides = array<i32>} : memref<128x128xf32, #tpu.memory_space<vmem>>, vector<1x16xf32>,
        %swap3A_113 = vector.shape_cast %swap3A_112 : vector<1x16xf32> to vector<16xf32>
        %swap3A_114 = vector.shape_cast %add3A_109 : vector<16xf32> to vector<1x16xf32>
        tpu.vector_store %arg10[%swap3A_110, %swap3A_111], %swap3A_114 {strides = array<i32>} : memref<128x128xf32, #tpu.memory_space<vmem>>, vector<1x16xf32>,
        %get3A_115 = arith.index_cast %scan3A_21 : i32 to index
        %get3A_116 = arith.constant 80 : index
        %get3A_117 = tpu.vector_load %arg10[%get3A_115, %get3A_116] {strides = array<i32>} : memref<128x128xf32, #tpu.memory_space<vmem>>, vector<1x16xf32>,
        %get3A_118 = vector.shape_cast %get3A_117 : vector<1x16xf32> to vector<16xf32>
        %get3A_119 = arith.index_cast %scan3A_21 : i32 to index
        %get3A_120 = arith.constant 80 : index
        %get3A_121 = tpu.vector_load %arg8[%get3A_119, %get3A_120] {strides = array<i32>} : memref<128x128xf32, #tpu.memory_space<vmem>>, vector<1x16xf32>,
        %get3A_122 = vector.shape_cast %get3A_121 : vector<1x16xf32> to vector<16xf32>
        %add3A_123 = arith.addf %get3A_118, %get3A_122 : vector<16xf32>
        %get3A_124 = arith.index_cast %scan3A_21 : i32 to index
        %get3A_125 = arith.constant 80 : index
        %get3A_126 = tpu.vector_load %arg9[%get3A_124, %get3A_125] {strides = array<i32>} : memref<128x128xf32, #tpu.memory_space<vmem>>, vector<1x16xf32>,
        %get3A_127 = vector.shape_cast %get3A_126 : vector<1x16xf32> to vector<16xf32>
        %add3A_128 = arith.addf %add3A_123, %get3A_127 : vector<16xf32>
        %swap3A_129 = arith.index_cast %scan3A_21 : i32 to index
        %swap3A_130 = arith.constant 80 : index
        %swap3A_131 = tpu.vector_load %arg10[%swap3A_129, %swap3A_130] {strides = array<i32>} : memref<128x128xf32, #tpu.memory_space<vmem>>, vector<1x16xf32>,
        %swap3A_132 = vector.shape_cast %swap3A_131 : vector<1x16xf32> to vector<16xf32>
        %swap3A_133 = vector.shape_cast %add3A_128 : vector<16xf32> to vector<1x16xf32>
        tpu.vector_store %arg10[%swap3A_129, %swap3A_130], %swap3A_133 {strides = array<i32>} : memref<128x128xf32, #tpu.memory_space<vmem>>, vector<1x16xf32>,
        %get3A_134 = arith.index_cast %scan3A_21 : i32 to index
        %get3A_135 = arith.constant 96 : index
        %get3A_136 = tpu.vector_load %arg10[%get3A_134, %get3A_135] {strides = array<i32>} : memref<128x128xf32, #tpu.memory_space<vmem>>, vector<1x16xf32>,
        %get3A_137 = vector.shape_cast %get3A_136 : vector<1x16xf32> to vector<16xf32>
        %get3A_138 = arith.index_cast %scan3A_21 : i32 to index
        %get3A_139 = arith.constant 96 : index
        %get3A_140 = tpu.vector_load %arg8[%get3A_138, %get3A_139] {strides = array<i32>} : memref<128x128xf32, #tpu.memory_space<vmem>>, vector<1x16xf32>,
        %get3A_141 = vector.shape_cast %get3A_140 : vector<1x16xf32> to vector<16xf32>
        %add3A_142 = arith.addf %get3A_137, %get3A_141 : vector<16xf32>
        %get3A_143 = arith.index_cast %scan3A_21 : i32 to index
        %get3A_144 = arith.constant 96 : index
        %get3A_145 = tpu.vector_load %arg9[%get3A_143, %get3A_144] {strides = array<i32>} : memref<128x128xf32, #tpu.memory_space<vmem>>, vector<1x16xf32>,
        %get3A_146 = vector.shape_cast %get3A_145 : vector<1x16xf32> to vector<16xf32>
        %add3A_147 = arith.addf %add3A_142, %get3A_146 : vector<16xf32>
        %swap3A_148 = arith.index_cast %scan3A_21 : i32 to index
        %swap3A_149 = arith.constant 96 : index
        %swap3A_150 = tpu.vector_load %arg10[%swap3A_148, %swap3A_149] {strides = array<i32>} : memref<128x128xf32, #tpu.memory_space<vmem>>, vector<1x16xf32>,
        %swap3A_151 = vector.shape_cast %swap3A_150 : vector<1x16xf32> to vector<16xf32>
        %swap3A_152 = vector.shape_cast %add3A_147 : vector<16xf32> to vector<1x16xf32>
        tpu.vector_store %arg10[%swap3A_148, %swap3A_149], %swap3A_152 {strides = array<i32>} : memref<128x128xf32, #tpu.memory_space<vmem>>, vector<1x16xf32>,
        %get3A_153 = arith.index_cast %scan3A_21 : i32 to index
        %get3A_154 = arith.constant 112 : index
        %get3A_155 = tpu.vector_load %arg10[%get3A_153, %get3A_154] {strides = array<i32>} : memref<128x128xf32, #tpu.memory_space<vmem>>, vector<1x16xf32>,
        %get3A_156 = vector.shape_cast %get3A_155 : vector<1x16xf32> to vector<16xf32>
        %get3A_157 = arith.index_cast %scan3A_21 : i32 to index
        %get3A_158 = arith.constant 112 : index
        %get3A_159 = tpu.vector_load %arg8[%get3A_157, %get3A_158] {strides = array<i32>} : memref<128x128xf32, #tpu.memory_space<vmem>>, vector<1x16xf32>,
        %get3A_160 = vector.shape_cast %get3A_159 : vector<1x16xf32> to vector<16xf32>
        %add3A_161 = arith.addf %get3A_156, %get3A_160 : vector<16xf32>
        %get3A_162 = arith.index_cast %scan3A_21 : i32 to index
        %get3A_163 = arith.constant 112 : index
        %get3A_164 = tpu.vector_load %arg9[%get3A_162, %get3A_163] {strides = array<i32>} : memref<128x128xf32, #tpu.memory_space<vmem>>, vector<1x16xf32>,
        %get3A_165 = vector.shape_cast %get3A_164 : vector<1x16xf32> to vector<16xf32>
        %add3A_166 = arith.addf %add3A_161, %get3A_165 : vector<16xf32>
        %swap3A_167 = arith.index_cast %scan3A_21 : i32 to index
        %swap3A_168 = arith.constant 112 : index
        %swap3A_169 = tpu.vector_load %arg10[%swap3A_167, %swap3A_168] {strides = array<i32>} : memref<128x128xf32, #tpu.memory_space<vmem>>, vector<1x16xf32>,
        %swap3A_170 = vector.shape_cast %swap3A_169 : vector<1x16xf32> to vector<16xf32>
        %swap3A_171 = vector.shape_cast %add3A_166 : vector<16xf32> to vector<1x16xf32>
        tpu.vector_store %arg10[%swap3A_167, %swap3A_168], %swap3A_171 {strides = array<i32>} : memref<128x128xf32, #tpu.memory_space<vmem>>, vector<1x16xf32>,
      }
      %scan3A_20 = arith.constant 128 : i32
      "tpu.region"() ({
        %run_scoped3A_21 = tpu.sem_alloc : memref<!tpu.dma_semaphore, #tpu.memory_space<semaphore_mem>>
        %dma_start3A = arith.constant 0 : i32
        %dma_start3A_22 = tpu.memref_slice %arg6[%mul3A_11, %dma_start3A] : memref<160000x128xf32, #tpu.memory_space<hbm>> -> memref<128x128xf32, #tpu.memory_space<hbm>>
        %dma_start3A_23 = arith.constant 0 : i32
        %dma_start3A_24 = tpu.memref_slice %arg6[%mul3A_11, %dma_start3A_23] : memref<160000x128xf32, #tpu.memory_space<hbm>> -> memref<128x128xf32, #tpu.memory_space<hbm>>
        tpu.enqueue_dma source(%arg10 : memref<128x128xf32, #tpu.memory_space<vmem>>) target(%dma_start3A_24 : memref<128x128xf32, #tpu.memory_space<hbm>>) target_semaphore(%run_scoped3A_21 : memref<!tpu.dma_semaphore, #tpu.memory_space<semaphore_mem>>)
        %dma_wait3A = arith.constant 0 : i32
        %dma_wait3A_25 = tpu.memref_slice %arg6[%mul3A_11, %dma_wait3A] : memref<160000x128xf32, #tpu.memory_space<hbm>> -> memref<128x128xf32, #tpu.memory_space<hbm>>
        %dma_wait3A_26 = arith.constant 0 : i32
        %dma_wait3A_27 = tpu.memref_slice %arg6[%mul3A_11, %dma_wait3A_26] : memref<160000x128xf32, #tpu.memory_space<hbm>> -> memref<128x128xf32, #tpu.memory_space<hbm>>
        tpu.wait_dma2 semaphore(%run_scoped3A_21 : memref<!tpu.dma_semaphore, #tpu.memory_space<semaphore_mem>>) src(%arg10 : memref<128x128xf32, #tpu.memory_space<vmem>>) dst(%dma_wait3A_27 : memref<128x128xf32, #tpu.memory_space<hbm>>)
        tpu.yield
      }) : () -> ()
    } else {
    }
    return
  }
}

#map = affine_map<(d0, d1) -> (0, 0)>
#map1 = affine_map<(d0, d1) -> (0)>
#map2 = affine_map<(d0, d1) -> (0, 0, 0)>
module attributes {stable_mosaic.version = 14 : i64} {
  func.func @k(%arg0: i32, %arg1: i32, %arg2: memref<10000x128xf32, #tpu.memory_space<hbm>>, %arg3: memref<160000x128xf32, #tpu.memory_space<hbm>>, %arg4: memref<160000xi32, #tpu.memory_space<hbm>>, %arg5: memref<160000xi32, #tpu.memory_space<hbm>>, %arg6: memref<2x10240x128xf32, #tpu.memory_space<hbm>>, %arg7: memref<2x128xi32, #tpu.memory_space<vmem>>, %arg8: memref<128x128xf32, #tpu.memory_space<vmem>>, %arg9: memref<128x128xf32, #tpu.memory_space<vmem>>, %arg10: memref<10240x128xf32, #tpu.memory_space<vmem_shared>>) attributes {dimension_semantics = [#tpu.dimension_semantics<core_parallel>, #tpu.dimension_semantics<subcore_parallel>], iteration_bounds = array<i64: 2, 16>, scalar_prefetch = 0 : i64, scratch_operands = 4 : i64, tpu.core_type = #tpu.core_type<sc_vector_subcore>, window_params = [{transform_indices = #map}, {transform_indices = #map}, {transform_indices = #map1}, {transform_indices = #map1}, {transform_indices = #map2}]} {
    %mul3A = arith.constant 2 : i32
    %mul3A_0 = arith.muli %arg1, %mul3A : i32
    %add3A = arith.addi %mul3A_0, %arg0 : i32
    %scan3A = arith.constant 0 : i32
    %scan3A_1 = arith.constant 0 : i32
    %scan3A_2 = arith.constant 128 : i32
    %scan3A_3 = arith.addi %scan3A_1, %scan3A_2 : i32
    %scan3A_4 = arith.constant 1 : i32
    scf.for %scan3A_55 = %scan3A_1 to %scan3A_3 step %scan3A_4  : i32 {
      %broadcast_in_dim3A = arith.constant 0.000000e+00 : f32
      %broadcast_in_dim3A_56 = vector.broadcast %broadcast_in_dim3A : f32 to vector<16xf32>
      %swap3A = arith.index_cast %scan3A_55 : i32 to index
      %swap3A_57 = arith.constant 0 : index
      %swap3A_58 = tpu.vector_load %arg9[%swap3A, %swap3A_57] {strides = array<i32>} : memref<128x128xf32, #tpu.memory_space<vmem>>, vector<1x16xf32>,
      %swap3A_59 = vector.shape_cast %swap3A_58 : vector<1x16xf32> to vector<16xf32>
      %swap3A_60 = vector.shape_cast %broadcast_in_dim3A_56 : vector<16xf32> to vector<1x16xf32>
      tpu.vector_store %arg9[%swap3A, %swap3A_57], %swap3A_60 {strides = array<i32>} : memref<128x128xf32, #tpu.memory_space<vmem>>, vector<1x16xf32>,
      %broadcast_in_dim3A_61 = arith.constant 0.000000e+00 : f32
      %broadcast_in_dim3A_62 = vector.broadcast %broadcast_in_dim3A_61 : f32 to vector<16xf32>
      %swap3A_63 = arith.index_cast %scan3A_55 : i32 to index
      %swap3A_64 = arith.constant 16 : index
      %swap3A_65 = tpu.vector_load %arg9[%swap3A_63, %swap3A_64] {strides = array<i32>} : memref<128x128xf32, #tpu.memory_space<vmem>>, vector<1x16xf32>,
      %swap3A_66 = vector.shape_cast %swap3A_65 : vector<1x16xf32> to vector<16xf32>
      %swap3A_67 = vector.shape_cast %broadcast_in_dim3A_62 : vector<16xf32> to vector<1x16xf32>
      tpu.vector_store %arg9[%swap3A_63, %swap3A_64], %swap3A_67 {strides = array<i32>} : memref<128x128xf32, #tpu.memory_space<vmem>>, vector<1x16xf32>,
      %broadcast_in_dim3A_68 = arith.constant 0.000000e+00 : f32
      %broadcast_in_dim3A_69 = vector.broadcast %broadcast_in_dim3A_68 : f32 to vector<16xf32>
      %swap3A_70 = arith.index_cast %scan3A_55 : i32 to index
      %swap3A_71 = arith.constant 32 : index
      %swap3A_72 = tpu.vector_load %arg9[%swap3A_70, %swap3A_71] {strides = array<i32>} : memref<128x128xf32, #tpu.memory_space<vmem>>, vector<1x16xf32>,
      %swap3A_73 = vector.shape_cast %swap3A_72 : vector<1x16xf32> to vector<16xf32>
      %swap3A_74 = vector.shape_cast %broadcast_in_dim3A_69 : vector<16xf32> to vector<1x16xf32>
      tpu.vector_store %arg9[%swap3A_70, %swap3A_71], %swap3A_74 {strides = array<i32>} : memref<128x128xf32, #tpu.memory_space<vmem>>, vector<1x16xf32>,
      %broadcast_in_dim3A_75 = arith.constant 0.000000e+00 : f32
      %broadcast_in_dim3A_76 = vector.broadcast %broadcast_in_dim3A_75 : f32 to vector<16xf32>
      %swap3A_77 = arith.index_cast %scan3A_55 : i32 to index
      %swap3A_78 = arith.constant 48 : index
      %swap3A_79 = tpu.vector_load %arg9[%swap3A_77, %swap3A_78] {strides = array<i32>} : memref<128x128xf32, #tpu.memory_space<vmem>>, vector<1x16xf32>,
      %swap3A_80 = vector.shape_cast %swap3A_79 : vector<1x16xf32> to vector<16xf32>
      %swap3A_81 = vector.shape_cast %broadcast_in_dim3A_76 : vector<16xf32> to vector<1x16xf32>
      tpu.vector_store %arg9[%swap3A_77, %swap3A_78], %swap3A_81 {strides = array<i32>} : memref<128x128xf32, #tpu.memory_space<vmem>>, vector<1x16xf32>,
      %broadcast_in_dim3A_82 = arith.constant 0.000000e+00 : f32
      %broadcast_in_dim3A_83 = vector.broadcast %broadcast_in_dim3A_82 : f32 to vector<16xf32>
      %swap3A_84 = arith.index_cast %scan3A_55 : i32 to index
      %swap3A_85 = arith.constant 64 : index
      %swap3A_86 = tpu.vector_load %arg9[%swap3A_84, %swap3A_85] {strides = array<i32>} : memref<128x128xf32, #tpu.memory_space<vmem>>, vector<1x16xf32>,
      %swap3A_87 = vector.shape_cast %swap3A_86 : vector<1x16xf32> to vector<16xf32>
      %swap3A_88 = vector.shape_cast %broadcast_in_dim3A_83 : vector<16xf32> to vector<1x16xf32>
      tpu.vector_store %arg9[%swap3A_84, %swap3A_85], %swap3A_88 {strides = array<i32>} : memref<128x128xf32, #tpu.memory_space<vmem>>, vector<1x16xf32>,
      %broadcast_in_dim3A_89 = arith.constant 0.000000e+00 : f32
      %broadcast_in_dim3A_90 = vector.broadcast %broadcast_in_dim3A_89 : f32 to vector<16xf32>
      %swap3A_91 = arith.index_cast %scan3A_55 : i32 to index
      %swap3A_92 = arith.constant 80 : index
      %swap3A_93 = tpu.vector_load %arg9[%swap3A_91, %swap3A_92] {strides = array<i32>} : memref<128x128xf32, #tpu.memory_space<vmem>>, vector<1x16xf32>,
      %swap3A_94 = vector.shape_cast %swap3A_93 : vector<1x16xf32> to vector<16xf32>
      %swap3A_95 = vector.shape_cast %broadcast_in_dim3A_90 : vector<16xf32> to vector<1x16xf32>
      tpu.vector_store %arg9[%swap3A_91, %swap3A_92], %swap3A_95 {strides = array<i32>} : memref<128x128xf32, #tpu.memory_space<vmem>>, vector<1x16xf32>,
      %broadcast_in_dim3A_96 = arith.constant 0.000000e+00 : f32
      %broadcast_in_dim3A_97 = vector.broadcast %broadcast_in_dim3A_96 : f32 to vector<16xf32>
      %swap3A_98 = arith.index_cast %scan3A_55 : i32 to index
      %swap3A_99 = arith.constant 96 : index
      %swap3A_100 = tpu.vector_load %arg9[%swap3A_98, %swap3A_99] {strides = array<i32>} : memref<128x128xf32, #tpu.memory_space<vmem>>, vector<1x16xf32>,
      %swap3A_101 = vector.shape_cast %swap3A_100 : vector<1x16xf32> to vector<16xf32>
      %swap3A_102 = vector.shape_cast %broadcast_in_dim3A_97 : vector<16xf32> to vector<1x16xf32>
      tpu.vector_store %arg9[%swap3A_98, %swap3A_99], %swap3A_102 {strides = array<i32>} : memref<128x128xf32, #tpu.memory_space<vmem>>, vector<1x16xf32>,
      %broadcast_in_dim3A_103 = arith.constant 0.000000e+00 : f32
      %broadcast_in_dim3A_104 = vector.broadcast %broadcast_in_dim3A_103 : f32 to vector<16xf32>
      %swap3A_105 = arith.index_cast %scan3A_55 : i32 to index
      %swap3A_106 = arith.constant 112 : index
      %swap3A_107 = tpu.vector_load %arg9[%swap3A_105, %swap3A_106] {strides = array<i32>} : memref<128x128xf32, #tpu.memory_space<vmem>>, vector<1x16xf32>,
      %swap3A_108 = vector.shape_cast %swap3A_107 : vector<1x16xf32> to vector<16xf32>
      %swap3A_109 = vector.shape_cast %broadcast_in_dim3A_104 : vector<16xf32> to vector<1x16xf32>
      tpu.vector_store %arg9[%swap3A_105, %swap3A_106], %swap3A_109 {strides = array<i32>} : memref<128x128xf32, #tpu.memory_space<vmem>>, vector<1x16xf32>,
    }
    %scan3A_5 = arith.constant 128 : i32
    %mul3A_6 = arith.constant 640 : i32
    %mul3A_7 = arith.muli %arg1, %mul3A_6 : i32
    %add3A_8 = arith.constant 0 : i32
    %add3A_9 = arith.addi %mul3A_7, %add3A_8 : i32
    "tpu.region"() ({
      %run_scoped3A = tpu.sem_alloc : memref<!tpu.dma_semaphore, #tpu.memory_space<semaphore_mem>>
      %dma_start3A = arith.constant 0 : i32
      %dma_start3A_55 = tpu.memref_slice %arg10[%add3A_9, %dma_start3A] : memref<10240x128xf32, #tpu.memory_space<vmem_shared>> -> memref<128x128xf32, #tpu.memory_space<vmem_shared>>
      %dma_start3A_56 = arith.constant 0 : i32
      %dma_start3A_57 = tpu.memref_slice %arg10[%add3A_9, %dma_start3A_56] : memref<10240x128xf32, #tpu.memory_space<vmem_shared>> -> memref<128x128xf32, #tpu.memory_space<vmem_shared>>
      tpu.enqueue_dma source(%arg9 : memref<128x128xf32, #tpu.memory_space<vmem>>) target(%dma_start3A_57 : memref<128x128xf32, #tpu.memory_space<vmem_shared>>) target_semaphore(%run_scoped3A : memref<!tpu.dma_semaphore, #tpu.memory_space<semaphore_mem>>)
      %dma_wait3A = arith.constant 0 : i32
      %dma_wait3A_58 = tpu.memref_slice %arg10[%add3A_9, %dma_wait3A] : memref<10240x128xf32, #tpu.memory_space<vmem_shared>> -> memref<128x128xf32, #tpu.memory_space<vmem_shared>>
      %dma_wait3A_59 = arith.constant 0 : i32
      %dma_wait3A_60 = tpu.memref_slice %arg10[%add3A_9, %dma_wait3A_59] : memref<10240x128xf32, #tpu.memory_space<vmem_shared>> -> memref<128x128xf32, #tpu.memory_space<vmem_shared>>
      tpu.wait_dma2 semaphore(%run_scoped3A : memref<!tpu.dma_semaphore, #tpu.memory_space<semaphore_mem>>) src(%arg9 : memref<128x128xf32, #tpu.memory_space<vmem>>) dst(%dma_wait3A_60 : memref<128x128xf32, #tpu.memory_space<vmem_shared>>)
      tpu.yield
    }) : () -> ()
    %mul3A_10 = arith.constant 640 : i32
    %mul3A_11 = arith.muli %arg1, %mul3A_10 : i32
    %add3A_12 = arith.constant 128 : i32
    %add3A_13 = arith.addi %mul3A_11, %add3A_12 : i32
    "tpu.region"() ({
      %run_scoped3A = tpu.sem_alloc : memref<!tpu.dma_semaphore, #tpu.memory_space<semaphore_mem>>
      %dma_start3A = arith.constant 0 : i32
      %dma_start3A_55 = tpu.memref_slice %arg10[%add3A_13, %dma_start3A] : memref<10240x128xf32, #tpu.memory_space<vmem_shared>> -> memref<128x128xf32, #tpu.memory_space<vmem_shared>>
      %dma_start3A_56 = arith.constant 0 : i32
      %dma_start3A_57 = tpu.memref_slice %arg10[%add3A_13, %dma_start3A_56] : memref<10240x128xf32, #tpu.memory_space<vmem_shared>> -> memref<128x128xf32, #tpu.memory_space<vmem_shared>>
      tpu.enqueue_dma source(%arg9 : memref<128x128xf32, #tpu.memory_space<vmem>>) target(%dma_start3A_57 : memref<128x128xf32, #tpu.memory_space<vmem_shared>>) target_semaphore(%run_scoped3A : memref<!tpu.dma_semaphore, #tpu.memory_space<semaphore_mem>>)
      %dma_wait3A = arith.constant 0 : i32
      %dma_wait3A_58 = tpu.memref_slice %arg10[%add3A_13, %dma_wait3A] : memref<10240x128xf32, #tpu.memory_space<vmem_shared>> -> memref<128x128xf32, #tpu.memory_space<vmem_shared>>
      %dma_wait3A_59 = arith.constant 0 : i32
      %dma_wait3A_60 = tpu.memref_slice %arg10[%add3A_13, %dma_wait3A_59] : memref<10240x128xf32, #tpu.memory_space<vmem_shared>> -> memref<128x128xf32, #tpu.memory_space<vmem_shared>>
      tpu.wait_dma2 semaphore(%run_scoped3A : memref<!tpu.dma_semaphore, #tpu.memory_space<semaphore_mem>>) src(%arg9 : memref<128x128xf32, #tpu.memory_space<vmem>>) dst(%dma_wait3A_60 : memref<128x128xf32, #tpu.memory_space<vmem_shared>>)
      tpu.yield
    }) : () -> ()
    %mul3A_14 = arith.constant 640 : i32
    %mul3A_15 = arith.muli %arg1, %mul3A_14 : i32
    %add3A_16 = arith.constant 256 : i32
    %add3A_17 = arith.addi %mul3A_15, %add3A_16 : i32
    "tpu.region"() ({
      %run_scoped3A = tpu.sem_alloc : memref<!tpu.dma_semaphore, #tpu.memory_space<semaphore_mem>>
      %dma_start3A = arith.constant 0 : i32
      %dma_start3A_55 = tpu.memref_slice %arg10[%add3A_17, %dma_start3A] : memref<10240x128xf32, #tpu.memory_space<vmem_shared>> -> memref<128x128xf32, #tpu.memory_space<vmem_shared>>
      %dma_start3A_56 = arith.constant 0 : i32
      %dma_start3A_57 = tpu.memref_slice %arg10[%add3A_17, %dma_start3A_56] : memref<10240x128xf32, #tpu.memory_space<vmem_shared>> -> memref<128x128xf32, #tpu.memory_space<vmem_shared>>
      tpu.enqueue_dma source(%arg9 : memref<128x128xf32, #tpu.memory_space<vmem>>) target(%dma_start3A_57 : memref<128x128xf32, #tpu.memory_space<vmem_shared>>) target_semaphore(%run_scoped3A : memref<!tpu.dma_semaphore, #tpu.memory_space<semaphore_mem>>)
      %dma_wait3A = arith.constant 0 : i32
      %dma_wait3A_58 = tpu.memref_slice %arg10[%add3A_17, %dma_wait3A] : memref<10240x128xf32, #tpu.memory_space<vmem_shared>> -> memref<128x128xf32, #tpu.memory_space<vmem_shared>>
      %dma_wait3A_59 = arith.constant 0 : i32
      %dma_wait3A_60 = tpu.memref_slice %arg10[%add3A_17, %dma_wait3A_59] : memref<10240x128xf32, #tpu.memory_space<vmem_shared>> -> memref<128x128xf32, #tpu.memory_space<vmem_shared>>
      tpu.wait_dma2 semaphore(%run_scoped3A : memref<!tpu.dma_semaphore, #tpu.memory_space<semaphore_mem>>) src(%arg9 : memref<128x128xf32, #tpu.memory_space<vmem>>) dst(%dma_wait3A_60 : memref<128x128xf32, #tpu.memory_space<vmem_shared>>)
      tpu.yield
    }) : () -> ()
    %mul3A_18 = arith.constant 640 : i32
    %mul3A_19 = arith.muli %arg1, %mul3A_18 : i32
    %add3A_20 = arith.constant 384 : i32
    %add3A_21 = arith.addi %mul3A_19, %add3A_20 : i32
    "tpu.region"() ({
      %run_scoped3A = tpu.sem_alloc : memref<!tpu.dma_semaphore, #tpu.memory_space<semaphore_mem>>
      %dma_start3A = arith.constant 0 : i32
      %dma_start3A_55 = tpu.memref_slice %arg10[%add3A_21, %dma_start3A] : memref<10240x128xf32, #tpu.memory_space<vmem_shared>> -> memref<128x128xf32, #tpu.memory_space<vmem_shared>>
      %dma_start3A_56 = arith.constant 0 : i32
      %dma_start3A_57 = tpu.memref_slice %arg10[%add3A_21, %dma_start3A_56] : memref<10240x128xf32, #tpu.memory_space<vmem_shared>> -> memref<128x128xf32, #tpu.memory_space<vmem_shared>>
      tpu.enqueue_dma source(%arg9 : memref<128x128xf32, #tpu.memory_space<vmem>>) target(%dma_start3A_57 : memref<128x128xf32, #tpu.memory_space<vmem_shared>>) target_semaphore(%run_scoped3A : memref<!tpu.dma_semaphore, #tpu.memory_space<semaphore_mem>>)
      %dma_wait3A = arith.constant 0 : i32
      %dma_wait3A_58 = tpu.memref_slice %arg10[%add3A_21, %dma_wait3A] : memref<10240x128xf32, #tpu.memory_space<vmem_shared>> -> memref<128x128xf32, #tpu.memory_space<vmem_shared>>
      %dma_wait3A_59 = arith.constant 0 : i32
      %dma_wait3A_60 = tpu.memref_slice %arg10[%add3A_21, %dma_wait3A_59] : memref<10240x128xf32, #tpu.memory_space<vmem_shared>> -> memref<128x128xf32, #tpu.memory_space<vmem_shared>>
      tpu.wait_dma2 semaphore(%run_scoped3A : memref<!tpu.dma_semaphore, #tpu.memory_space<semaphore_mem>>) src(%arg9 : memref<128x128xf32, #tpu.memory_space<vmem>>) dst(%dma_wait3A_60 : memref<128x128xf32, #tpu.memory_space<vmem_shared>>)
      tpu.yield
    }) : () -> ()
    %mul3A_22 = arith.constant 640 : i32
    %mul3A_23 = arith.muli %arg1, %mul3A_22 : i32
    %add3A_24 = arith.constant 512 : i32
    %add3A_25 = arith.addi %mul3A_23, %add3A_24 : i32
    "tpu.region"() ({
      %run_scoped3A = tpu.sem_alloc : memref<!tpu.dma_semaphore, #tpu.memory_space<semaphore_mem>>
      %dma_start3A = arith.constant 0 : i32
      %dma_start3A_55 = tpu.memref_slice %arg10[%add3A_25, %dma_start3A] : memref<10240x128xf32, #tpu.memory_space<vmem_shared>> -> memref<128x128xf32, #tpu.memory_space<vmem_shared>>
      %dma_start3A_56 = arith.constant 0 : i32
      %dma_start3A_57 = tpu.memref_slice %arg10[%add3A_25, %dma_start3A_56] : memref<10240x128xf32, #tpu.memory_space<vmem_shared>> -> memref<128x128xf32, #tpu.memory_space<vmem_shared>>
      tpu.enqueue_dma source(%arg9 : memref<128x128xf32, #tpu.memory_space<vmem>>) target(%dma_start3A_57 : memref<128x128xf32, #tpu.memory_space<vmem_shared>>) target_semaphore(%run_scoped3A : memref<!tpu.dma_semaphore, #tpu.memory_space<semaphore_mem>>)
      %dma_wait3A = arith.constant 0 : i32
      %dma_wait3A_58 = tpu.memref_slice %arg10[%add3A_25, %dma_wait3A] : memref<10240x128xf32, #tpu.memory_space<vmem_shared>> -> memref<128x128xf32, #tpu.memory_space<vmem_shared>>
      %dma_wait3A_59 = arith.constant 0 : i32
      %dma_wait3A_60 = tpu.memref_slice %arg10[%add3A_25, %dma_wait3A_59] : memref<10240x128xf32, #tpu.memory_space<vmem_shared>> -> memref<128x128xf32, #tpu.memory_space<vmem_shared>>
      tpu.wait_dma2 semaphore(%run_scoped3A : memref<!tpu.dma_semaphore, #tpu.memory_space<semaphore_mem>>) src(%arg9 : memref<128x128xf32, #tpu.memory_space<vmem>>) dst(%dma_wait3A_60 : memref<128x128xf32, #tpu.memory_space<vmem_shared>>)
      tpu.yield
    }) : () -> ()
    %barrier3A = arith.constant 0 : index
    tpu.barrier barrier_id(%barrier3A)
    %scan3A_26 = arith.constant 0 : i32
    %scan3A_27 = arith.constant 0 : i32
    %scan3A_28 = arith.constant 39 : i32
    %scan3A_29 = arith.addi %scan3A_27, %scan3A_28 : i32
    %scan3A_30 = arith.constant 1 : i32
    scf.for %scan3A_55 = %scan3A_27 to %scan3A_29 step %scan3A_30  : i32 {
      %mul3A_56 = arith.constant 32 : i32
      %mul3A_57 = arith.muli %scan3A_55, %mul3A_56 : i32
      %add3A_58 = arith.addi %mul3A_57, %add3A : i32
      %mul3A_59 = arith.constant 128 : i32
      %mul3A_60 = arith.muli %add3A_58, %mul3A_59 : i32
      %run_scoped3A = arith.constant 0 : i32
      "tpu.region"() ({
        %run_scoped3A_70 = tpu.sem_alloc : memref<!tpu.dma_semaphore, #tpu.memory_space<semaphore_mem>>
        %dma_start3A = arith.constant 0 : i32
        %dma_start3A_71 = tpu.memref_slice %arg7[%run_scoped3A, %dma_start3A] : memref<2x128xi32, #tpu.memory_space<vmem>> -> memref<1x128xi32, #tpu.memory_space<vmem>>
        %dma_start3A_72 = tpu.memref_squeeze %dma_start3A_71 : memref<1x128xi32, #tpu.memory_space<vmem>> -> memref<128xi32, #tpu.memory_space<vmem>>
        %dma_start3A_73 = tpu.memref_slice %arg4[%mul3A_60] : memref<160000xi32, #tpu.memory_space<hbm>> -> memref<128xi32, #tpu.memory_space<hbm>>
        %dma_start3A_74 = arith.constant 0 : i32
        %dma_start3A_75 = tpu.memref_slice %arg7[%run_scoped3A, %dma_start3A_74] : memref<2x128xi32, #tpu.memory_space<vmem>> -> memref<1x128xi32, #tpu.memory_space<vmem>>
        %dma_start3A_76 = tpu.memref_squeeze %dma_start3A_75 : memref<1x128xi32, #tpu.memory_space<vmem>> -> memref<128xi32, #tpu.memory_space<vmem>>
        %dma_start3A_77 = tpu.memref_slice %arg4[%mul3A_60] : memref<160000xi32, #tpu.memory_space<hbm>> -> memref<128xi32, #tpu.memory_space<hbm>>
        tpu.enqueue_dma source(%dma_start3A_77 : memref<128xi32, #tpu.memory_space<hbm>>) target(%dma_start3A_76 : memref<128xi32, #tpu.memory_space<vmem>>) target_semaphore(%run_scoped3A_70 : memref<!tpu.dma_semaphore, #tpu.memory_space<semaphore_mem>>)
        %dma_wait3A = arith.constant 0 : i32
        %dma_wait3A_78 = tpu.memref_slice %arg7[%run_scoped3A, %dma_wait3A] : memref<2x128xi32, #tpu.memory_space<vmem>> -> memref<1x128xi32, #tpu.memory_space<vmem>>
        %dma_wait3A_79 = tpu.memref_squeeze %dma_wait3A_78 : memref<1x128xi32, #tpu.memory_space<vmem>> -> memref<128xi32, #tpu.memory_space<vmem>>
        %dma_wait3A_80 = tpu.memref_slice %arg4[%mul3A_60] : memref<160000xi32, #tpu.memory_space<hbm>> -> memref<128xi32, #tpu.memory_space<hbm>>
        %dma_wait3A_81 = arith.constant 0 : i32
        %dma_wait3A_82 = tpu.memref_slice %arg7[%run_scoped3A, %dma_wait3A_81] : memref<2x128xi32, #tpu.memory_space<vmem>> -> memref<1x128xi32, #tpu.memory_space<vmem>>
        %dma_wait3A_83 = tpu.memref_squeeze %dma_wait3A_82 : memref<1x128xi32, #tpu.memory_space<vmem>> -> memref<128xi32, #tpu.memory_space<vmem>>
        %dma_wait3A_84 = tpu.memref_slice %arg4[%mul3A_60] : memref<160000xi32, #tpu.memory_space<hbm>> -> memref<128xi32, #tpu.memory_space<hbm>>
        tpu.wait_dma2 semaphore(%run_scoped3A_70 : memref<!tpu.dma_semaphore, #tpu.memory_space<semaphore_mem>>) src(%dma_wait3A_84 : memref<128xi32, #tpu.memory_space<hbm>>) dst(%dma_wait3A_83 : memref<128xi32, #tpu.memory_space<vmem>>)
        tpu.yield
      }) : () -> ()
      %run_scoped3A_61 = arith.constant 1 : i32
      "tpu.region"() ({
        %run_scoped3A_70 = tpu.sem_alloc : memref<!tpu.dma_semaphore, #tpu.memory_space<semaphore_mem>>
        %dma_start3A = arith.constant 0 : i32
        %dma_start3A_71 = tpu.memref_slice %arg7[%run_scoped3A_61, %dma_start3A] : memref<2x128xi32, #tpu.memory_space<vmem>> -> memref<1x128xi32, #tpu.memory_space<vmem>>
        %dma_start3A_72 = tpu.memref_squeeze %dma_start3A_71 : memref<1x128xi32, #tpu.memory_space<vmem>> -> memref<128xi32, #tpu.memory_space<vmem>>
        %dma_start3A_73 = tpu.memref_slice %arg5[%mul3A_60] : memref<160000xi32, #tpu.memory_space<hbm>> -> memref<128xi32, #tpu.memory_space<hbm>>
        %dma_start3A_74 = arith.constant 0 : i32
        %dma_start3A_75 = tpu.memref_slice %arg7[%run_scoped3A_61, %dma_start3A_74] : memref<2x128xi32, #tpu.memory_space<vmem>> -> memref<1x128xi32, #tpu.memory_space<vmem>>
        %dma_start3A_76 = tpu.memref_squeeze %dma_start3A_75 : memref<1x128xi32, #tpu.memory_space<vmem>> -> memref<128xi32, #tpu.memory_space<vmem>>
        %dma_start3A_77 = tpu.memref_slice %arg5[%mul3A_60] : memref<160000xi32, #tpu.memory_space<hbm>> -> memref<128xi32, #tpu.memory_space<hbm>>
        tpu.enqueue_dma source(%dma_start3A_77 : memref<128xi32, #tpu.memory_space<hbm>>) target(%dma_start3A_76 : memref<128xi32, #tpu.memory_space<vmem>>) target_semaphore(%run_scoped3A_70 : memref<!tpu.dma_semaphore, #tpu.memory_space<semaphore_mem>>)
        %dma_wait3A = arith.constant 0 : i32
        %dma_wait3A_78 = tpu.memref_slice %arg7[%run_scoped3A_61, %dma_wait3A] : memref<2x128xi32, #tpu.memory_space<vmem>> -> memref<1x128xi32, #tpu.memory_space<vmem>>
        %dma_wait3A_79 = tpu.memref_squeeze %dma_wait3A_78 : memref<1x128xi32, #tpu.memory_space<vmem>> -> memref<128xi32, #tpu.memory_space<vmem>>
        %dma_wait3A_80 = tpu.memref_slice %arg5[%mul3A_60] : memref<160000xi32, #tpu.memory_space<hbm>> -> memref<128xi32, #tpu.memory_space<hbm>>
        %dma_wait3A_81 = arith.constant 0 : i32
        %dma_wait3A_82 = tpu.memref_slice %arg7[%run_scoped3A_61, %dma_wait3A_81] : memref<2x128xi32, #tpu.memory_space<vmem>> -> memref<1x128xi32, #tpu.memory_space<vmem>>
        %dma_wait3A_83 = tpu.memref_squeeze %dma_wait3A_82 : memref<1x128xi32, #tpu.memory_space<vmem>> -> memref<128xi32, #tpu.memory_space<vmem>>
        %dma_wait3A_84 = tpu.memref_slice %arg5[%mul3A_60] : memref<160000xi32, #tpu.memory_space<hbm>> -> memref<128xi32, #tpu.memory_space<hbm>>
        tpu.wait_dma2 semaphore(%run_scoped3A_70 : memref<!tpu.dma_semaphore, #tpu.memory_space<semaphore_mem>>) src(%dma_wait3A_84 : memref<128xi32, #tpu.memory_space<hbm>>) dst(%dma_wait3A_83 : memref<128xi32, #tpu.memory_space<vmem>>)
        tpu.yield
      }) : () -> ()
      "tpu.region"() ({
        %run_scoped3A_70 = tpu.sem_alloc : memref<!tpu.dma_semaphore, #tpu.memory_space<semaphore_mem>>
        %dma_start3A = arith.constant 0 : i32
        %dma_start3A_71 = tpu.memref_slice %arg3[%mul3A_60, %dma_start3A] : memref<160000x128xf32, #tpu.memory_space<hbm>> -> memref<128x128xf32, #tpu.memory_space<hbm>>
        %dma_start3A_72 = arith.constant 0 : i32
        %dma_start3A_73 = tpu.memref_slice %arg3[%mul3A_60, %dma_start3A_72] : memref<160000x128xf32, #tpu.memory_space<hbm>> -> memref<128x128xf32, #tpu.memory_space<hbm>>
        tpu.enqueue_dma source(%dma_start3A_73 : memref<128x128xf32, #tpu.memory_space<hbm>>) target(%arg9 : memref<128x128xf32, #tpu.memory_space<vmem>>) target_semaphore(%run_scoped3A_70 : memref<!tpu.dma_semaphore, #tpu.memory_space<semaphore_mem>>)
        %dma_wait3A = arith.constant 0 : i32
        %dma_wait3A_74 = tpu.memref_slice %arg3[%mul3A_60, %dma_wait3A] : memref<160000x128xf32, #tpu.memory_space<hbm>> -> memref<128x128xf32, #tpu.memory_space<hbm>>
        %dma_wait3A_75 = arith.constant 0 : i32
        %dma_wait3A_76 = tpu.memref_slice %arg3[%mul3A_60, %dma_wait3A_75] : memref<160000x128xf32, #tpu.memory_space<hbm>> -> memref<128x128xf32, #tpu.memory_space<hbm>>
        tpu.wait_dma2 semaphore(%run_scoped3A_70 : memref<!tpu.dma_semaphore, #tpu.memory_space<semaphore_mem>>) src(%dma_wait3A_76 : memref<128x128xf32, #tpu.memory_space<hbm>>) dst(%arg9 : memref<128x128xf32, #tpu.memory_space<vmem>>)
        tpu.yield
      }) : () -> ()
      %run_scoped3A_62 = arith.constant 0 : i32
      "tpu.region"() ({
        %run_scoped3A_70 = tpu.sem_alloc : memref<!tpu.dma_semaphore, #tpu.memory_space<semaphore_mem>>
        %dma_start3A = arith.constant 0 : i32
        %dma_start3A_71 = tpu.memref_slice %arg7[%run_scoped3A_62, %dma_start3A] : memref<2x128xi32, #tpu.memory_space<vmem>> -> memref<1x128xi32, #tpu.memory_space<vmem>>
        %dma_start3A_72 = tpu.memref_squeeze %dma_start3A_71 : memref<1x128xi32, #tpu.memory_space<vmem>> -> memref<128xi32, #tpu.memory_space<vmem>>
        %dma_start3A_73 = arith.constant 0 : i32
        %dma_start3A_74 = arith.constant 0 : i32
        %dma_start3A_75 = tpu.memref_slice %arg2[%dma_start3A_73, %dma_start3A_74] : memref<10000x128xf32, #tpu.memory_space<hbm>> -> memref<10000x128xf32, #tpu.memory_space<hbm>>
        tpu.enqueue_indirect_dma source(%dma_start3A_75 : memref<10000x128xf32, #tpu.memory_space<hbm>>) target(%arg8 : memref<128x128xf32, #tpu.memory_space<vmem>>) offsets(%dma_start3A_72 : memref<128xi32, #tpu.memory_space<vmem>>) semaphore(%run_scoped3A_70 : memref<!tpu.dma_semaphore, #tpu.memory_space<semaphore_mem>>)
        %dma_wait3A = arith.constant 0 : i32
        %dma_wait3A_76 = tpu.memref_slice %arg7[%run_scoped3A_62, %dma_wait3A] : memref<2x128xi32, #tpu.memory_space<vmem>> -> memref<1x128xi32, #tpu.memory_space<vmem>>
        %dma_wait3A_77 = tpu.memref_squeeze %dma_wait3A_76 : memref<1x128xi32, #tpu.memory_space<vmem>> -> memref<128xi32, #tpu.memory_space<vmem>>
        %dma_wait3A_78 = arith.constant 0 : i32
        %dma_wait3A_79 = arith.constant 0 : i32
        %dma_wait3A_80 = tpu.memref_slice %arg2[%dma_wait3A_78, %dma_wait3A_79] : memref<10000x128xf32, #tpu.memory_space<hbm>> -> memref<10000x128xf32, #tpu.memory_space<hbm>>
        tpu.wait_indirect_dma semaphore(%run_scoped3A_70 : memref<!tpu.dma_semaphore, #tpu.memory_space<semaphore_mem>>) src(%dma_wait3A_80 : memref<10000x128xf32, #tpu.memory_space<hbm>>) dst(%arg8 : memref<128x128xf32, #tpu.memory_space<vmem>>)
        tpu.yield
      }) : () -> ()
      %scan3A_63 = arith.constant 0 : i32
      %scan3A_64 = arith.constant 0 : i32
      %scan3A_65 = arith.constant 128 : i32
      %scan3A_66 = arith.addi %scan3A_64, %scan3A_65 : i32
      %scan3A_67 = arith.constant 1 : i32
      scf.for %scan3A_70 = %scan3A_64 to %scan3A_66 step %scan3A_67  : i32 {
        %get3A = arith.index_cast %scan3A_70 : i32 to index
        %get3A_71 = arith.constant 0 : index
        %get3A_72 = tpu.vector_load %arg9[%get3A, %get3A_71] {strides = array<i32>} : memref<128x128xf32, #tpu.memory_space<vmem>>, vector<1x16xf32>,
        %get3A_73 = vector.shape_cast %get3A_72 : vector<1x16xf32> to vector<16xf32>
        %get3A_74 = arith.index_cast %scan3A_70 : i32 to index
        %get3A_75 = arith.constant 0 : index
        %get3A_76 = tpu.vector_load %arg8[%get3A_74, %get3A_75] {strides = array<i32>} : memref<128x128xf32, #tpu.memory_space<vmem>>, vector<1x16xf32>,
        %get3A_77 = vector.shape_cast %get3A_76 : vector<1x16xf32> to vector<16xf32>
        %add3A_78 = arith.addf %get3A_73, %get3A_77 : vector<16xf32>
        %swap3A = arith.index_cast %scan3A_70 : i32 to index
        %swap3A_79 = arith.constant 0 : index
        %swap3A_80 = tpu.vector_load %arg9[%swap3A, %swap3A_79] {strides = array<i32>} : memref<128x128xf32, #tpu.memory_space<vmem>>, vector<1x16xf32>,
        %swap3A_81 = vector.shape_cast %swap3A_80 : vector<1x16xf32> to vector<16xf32>
        %swap3A_82 = vector.shape_cast %add3A_78 : vector<16xf32> to vector<1x16xf32>
        tpu.vector_store %arg9[%swap3A, %swap3A_79], %swap3A_82 {strides = array<i32>} : memref<128x128xf32, #tpu.memory_space<vmem>>, vector<1x16xf32>,
        %get3A_83 = arith.index_cast %scan3A_70 : i32 to index
        %get3A_84 = arith.constant 16 : index
        %get3A_85 = tpu.vector_load %arg9[%get3A_83, %get3A_84] {strides = array<i32>} : memref<128x128xf32, #tpu.memory_space<vmem>>, vector<1x16xf32>,
        %get3A_86 = vector.shape_cast %get3A_85 : vector<1x16xf32> to vector<16xf32>
        %get3A_87 = arith.index_cast %scan3A_70 : i32 to index
        %get3A_88 = arith.constant 16 : index
        %get3A_89 = tpu.vector_load %arg8[%get3A_87, %get3A_88] {strides = array<i32>} : memref<128x128xf32, #tpu.memory_space<vmem>>, vector<1x16xf32>,
        %get3A_90 = vector.shape_cast %get3A_89 : vector<1x16xf32> to vector<16xf32>
        %add3A_91 = arith.addf %get3A_86, %get3A_90 : vector<16xf32>
        %swap3A_92 = arith.index_cast %scan3A_70 : i32 to index
        %swap3A_93 = arith.constant 16 : index
        %swap3A_94 = tpu.vector_load %arg9[%swap3A_92, %swap3A_93] {strides = array<i32>} : memref<128x128xf32, #tpu.memory_space<vmem>>, vector<1x16xf32>,
        %swap3A_95 = vector.shape_cast %swap3A_94 : vector<1x16xf32> to vector<16xf32>
        %swap3A_96 = vector.shape_cast %add3A_91 : vector<16xf32> to vector<1x16xf32>
        tpu.vector_store %arg9[%swap3A_92, %swap3A_93], %swap3A_96 {strides = array<i32>} : memref<128x128xf32, #tpu.memory_space<vmem>>, vector<1x16xf32>,
        %get3A_97 = arith.index_cast %scan3A_70 : i32 to index
        %get3A_98 = arith.constant 32 : index
        %get3A_99 = tpu.vector_load %arg9[%get3A_97, %get3A_98] {strides = array<i32>} : memref<128x128xf32, #tpu.memory_space<vmem>>, vector<1x16xf32>,
        %get3A_100 = vector.shape_cast %get3A_99 : vector<1x16xf32> to vector<16xf32>
        %get3A_101 = arith.index_cast %scan3A_70 : i32 to index
        %get3A_102 = arith.constant 32 : index
        %get3A_103 = tpu.vector_load %arg8[%get3A_101, %get3A_102] {strides = array<i32>} : memref<128x128xf32, #tpu.memory_space<vmem>>, vector<1x16xf32>,
        %get3A_104 = vector.shape_cast %get3A_103 : vector<1x16xf32> to vector<16xf32>
        %add3A_105 = arith.addf %get3A_100, %get3A_104 : vector<16xf32>
        %swap3A_106 = arith.index_cast %scan3A_70 : i32 to index
        %swap3A_107 = arith.constant 32 : index
        %swap3A_108 = tpu.vector_load %arg9[%swap3A_106, %swap3A_107] {strides = array<i32>} : memref<128x128xf32, #tpu.memory_space<vmem>>, vector<1x16xf32>,
        %swap3A_109 = vector.shape_cast %swap3A_108 : vector<1x16xf32> to vector<16xf32>
        %swap3A_110 = vector.shape_cast %add3A_105 : vector<16xf32> to vector<1x16xf32>
        tpu.vector_store %arg9[%swap3A_106, %swap3A_107], %swap3A_110 {strides = array<i32>} : memref<128x128xf32, #tpu.memory_space<vmem>>, vector<1x16xf32>,
        %get3A_111 = arith.index_cast %scan3A_70 : i32 to index
        %get3A_112 = arith.constant 48 : index
        %get3A_113 = tpu.vector_load %arg9[%get3A_111, %get3A_112] {strides = array<i32>} : memref<128x128xf32, #tpu.memory_space<vmem>>, vector<1x16xf32>,
        %get3A_114 = vector.shape_cast %get3A_113 : vector<1x16xf32> to vector<16xf32>
        %get3A_115 = arith.index_cast %scan3A_70 : i32 to index
        %get3A_116 = arith.constant 48 : index
        %get3A_117 = tpu.vector_load %arg8[%get3A_115, %get3A_116] {strides = array<i32>} : memref<128x128xf32, #tpu.memory_space<vmem>>, vector<1x16xf32>,
        %get3A_118 = vector.shape_cast %get3A_117 : vector<1x16xf32> to vector<16xf32>
        %add3A_119 = arith.addf %get3A_114, %get3A_118 : vector<16xf32>
        %swap3A_120 = arith.index_cast %scan3A_70 : i32 to index
        %swap3A_121 = arith.constant 48 : index
        %swap3A_122 = tpu.vector_load %arg9[%swap3A_120, %swap3A_121] {strides = array<i32>} : memref<128x128xf32, #tpu.memory_space<vmem>>, vector<1x16xf32>,
        %swap3A_123 = vector.shape_cast %swap3A_122 : vector<1x16xf32> to vector<16xf32>
        %swap3A_124 = vector.shape_cast %add3A_119 : vector<16xf32> to vector<1x16xf32>
        tpu.vector_store %arg9[%swap3A_120, %swap3A_121], %swap3A_124 {strides = array<i32>} : memref<128x128xf32, #tpu.memory_space<vmem>>, vector<1x16xf32>,
        %get3A_125 = arith.index_cast %scan3A_70 : i32 to index
        %get3A_126 = arith.constant 64 : index
        %get3A_127 = tpu.vector_load %arg9[%get3A_125, %get3A_126] {strides = array<i32>} : memref<128x128xf32, #tpu.memory_space<vmem>>, vector<1x16xf32>,
        %get3A_128 = vector.shape_cast %get3A_127 : vector<1x16xf32> to vector<16xf32>
        %get3A_129 = arith.index_cast %scan3A_70 : i32 to index
        %get3A_130 = arith.constant 64 : index
        %get3A_131 = tpu.vector_load %arg8[%get3A_129, %get3A_130] {strides = array<i32>} : memref<128x128xf32, #tpu.memory_space<vmem>>, vector<1x16xf32>,
        %get3A_132 = vector.shape_cast %get3A_131 : vector<1x16xf32> to vector<16xf32>
        %add3A_133 = arith.addf %get3A_128, %get3A_132 : vector<16xf32>
        %swap3A_134 = arith.index_cast %scan3A_70 : i32 to index
        %swap3A_135 = arith.constant 64 : index
        %swap3A_136 = tpu.vector_load %arg9[%swap3A_134, %swap3A_135] {strides = array<i32>} : memref<128x128xf32, #tpu.memory_space<vmem>>, vector<1x16xf32>,
        %swap3A_137 = vector.shape_cast %swap3A_136 : vector<1x16xf32> to vector<16xf32>
        %swap3A_138 = vector.shape_cast %add3A_133 : vector<16xf32> to vector<1x16xf32>
        tpu.vector_store %arg9[%swap3A_134, %swap3A_135], %swap3A_138 {strides = array<i32>} : memref<128x128xf32, #tpu.memory_space<vmem>>, vector<1x16xf32>,
        %get3A_139 = arith.index_cast %scan3A_70 : i32 to index
        %get3A_140 = arith.constant 80 : index
        %get3A_141 = tpu.vector_load %arg9[%get3A_139, %get3A_140] {strides = array<i32>} : memref<128x128xf32, #tpu.memory_space<vmem>>, vector<1x16xf32>,
        %get3A_142 = vector.shape_cast %get3A_141 : vector<1x16xf32> to vector<16xf32>
        %get3A_143 = arith.index_cast %scan3A_70 : i32 to index
        %get3A_144 = arith.constant 80 : index
        %get3A_145 = tpu.vector_load %arg8[%get3A_143, %get3A_144] {strides = array<i32>} : memref<128x128xf32, #tpu.memory_space<vmem>>, vector<1x16xf32>,
        %get3A_146 = vector.shape_cast %get3A_145 : vector<1x16xf32> to vector<16xf32>
        %add3A_147 = arith.addf %get3A_142, %get3A_146 : vector<16xf32>
        %swap3A_148 = arith.index_cast %scan3A_70 : i32 to index
        %swap3A_149 = arith.constant 80 : index
        %swap3A_150 = tpu.vector_load %arg9[%swap3A_148, %swap3A_149] {strides = array<i32>} : memref<128x128xf32, #tpu.memory_space<vmem>>, vector<1x16xf32>,
        %swap3A_151 = vector.shape_cast %swap3A_150 : vector<1x16xf32> to vector<16xf32>
        %swap3A_152 = vector.shape_cast %add3A_147 : vector<16xf32> to vector<1x16xf32>
        tpu.vector_store %arg9[%swap3A_148, %swap3A_149], %swap3A_152 {strides = array<i32>} : memref<128x128xf32, #tpu.memory_space<vmem>>, vector<1x16xf32>,
        %get3A_153 = arith.index_cast %scan3A_70 : i32 to index
        %get3A_154 = arith.constant 96 : index
        %get3A_155 = tpu.vector_load %arg9[%get3A_153, %get3A_154] {strides = array<i32>} : memref<128x128xf32, #tpu.memory_space<vmem>>, vector<1x16xf32>,
        %get3A_156 = vector.shape_cast %get3A_155 : vector<1x16xf32> to vector<16xf32>
        %get3A_157 = arith.index_cast %scan3A_70 : i32 to index
        %get3A_158 = arith.constant 96 : index
        %get3A_159 = tpu.vector_load %arg8[%get3A_157, %get3A_158] {strides = array<i32>} : memref<128x128xf32, #tpu.memory_space<vmem>>, vector<1x16xf32>,
        %get3A_160 = vector.shape_cast %get3A_159 : vector<1x16xf32> to vector<16xf32>
        %add3A_161 = arith.addf %get3A_156, %get3A_160 : vector<16xf32>
        %swap3A_162 = arith.index_cast %scan3A_70 : i32 to index
        %swap3A_163 = arith.constant 96 : index
        %swap3A_164 = tpu.vector_load %arg9[%swap3A_162, %swap3A_163] {strides = array<i32>} : memref<128x128xf32, #tpu.memory_space<vmem>>, vector<1x16xf32>,
        %swap3A_165 = vector.shape_cast %swap3A_164 : vector<1x16xf32> to vector<16xf32>
        %swap3A_166 = vector.shape_cast %add3A_161 : vector<16xf32> to vector<1x16xf32>
        tpu.vector_store %arg9[%swap3A_162, %swap3A_163], %swap3A_166 {strides = array<i32>} : memref<128x128xf32, #tpu.memory_space<vmem>>, vector<1x16xf32>,
        %get3A_167 = arith.index_cast %scan3A_70 : i32 to index
        %get3A_168 = arith.constant 112 : index
        %get3A_169 = tpu.vector_load %arg9[%get3A_167, %get3A_168] {strides = array<i32>} : memref<128x128xf32, #tpu.memory_space<vmem>>, vector<1x16xf32>,
        %get3A_170 = vector.shape_cast %get3A_169 : vector<1x16xf32> to vector<16xf32>
        %get3A_171 = arith.index_cast %scan3A_70 : i32 to index
        %get3A_172 = arith.constant 112 : index
        %get3A_173 = tpu.vector_load %arg8[%get3A_171, %get3A_172] {strides = array<i32>} : memref<128x128xf32, #tpu.memory_space<vmem>>, vector<1x16xf32>,
        %get3A_174 = vector.shape_cast %get3A_173 : vector<1x16xf32> to vector<16xf32>
        %add3A_175 = arith.addf %get3A_170, %get3A_174 : vector<16xf32>
        %swap3A_176 = arith.index_cast %scan3A_70 : i32 to index
        %swap3A_177 = arith.constant 112 : index
        %swap3A_178 = tpu.vector_load %arg9[%swap3A_176, %swap3A_177] {strides = array<i32>} : memref<128x128xf32, #tpu.memory_space<vmem>>, vector<1x16xf32>,
        %swap3A_179 = vector.shape_cast %swap3A_178 : vector<1x16xf32> to vector<16xf32>
        %swap3A_180 = vector.shape_cast %add3A_175 : vector<16xf32> to vector<1x16xf32>
        tpu.vector_store %arg9[%swap3A_176, %swap3A_177], %swap3A_180 {strides = array<i32>} : memref<128x128xf32, #tpu.memory_space<vmem>>, vector<1x16xf32>,
      }
      %scan3A_68 = arith.constant 128 : i32
      %run_scoped3A_69 = arith.constant 1 : i32
      "tpu.region"() ({
        %run_scoped3A_70 = tpu.sem_alloc : memref<!tpu.dma_semaphore, #tpu.memory_space<semaphore_mem>>
        %dma_start3A = arith.constant 0 : i32
        %dma_start3A_71 = tpu.memref_slice %arg7[%run_scoped3A_69, %dma_start3A] : memref<2x128xi32, #tpu.memory_space<vmem>> -> memref<1x128xi32, #tpu.memory_space<vmem>>
        %dma_start3A_72 = tpu.memref_squeeze %dma_start3A_71 : memref<1x128xi32, #tpu.memory_space<vmem>> -> memref<128xi32, #tpu.memory_space<vmem>>
        %dma_start3A_73 = arith.constant 0 : i32
        %dma_start3A_74 = arith.constant 0 : i32
        %dma_start3A_75 = tpu.memref_slice %arg10[%dma_start3A_73, %dma_start3A_74] : memref<10240x128xf32, #tpu.memory_space<vmem_shared>> -> memref<10240x128xf32, #tpu.memory_space<vmem_shared>>
        tpu.enqueue_indirect_dma source(%arg9 : memref<128x128xf32, #tpu.memory_space<vmem>>) target(%dma_start3A_75 : memref<10240x128xf32, #tpu.memory_space<vmem_shared>>) offsets(%dma_start3A_72 : memref<128xi32, #tpu.memory_space<vmem>>) semaphore(%run_scoped3A_70 : memref<!tpu.dma_semaphore, #tpu.memory_space<semaphore_mem>>) {add = true}
        %dma_wait3A = arith.constant 0 : i32
        %dma_wait3A_76 = tpu.memref_slice %arg7[%run_scoped3A_69, %dma_wait3A] : memref<2x128xi32, #tpu.memory_space<vmem>> -> memref<1x128xi32, #tpu.memory_space<vmem>>
        %dma_wait3A_77 = tpu.memref_squeeze %dma_wait3A_76 : memref<1x128xi32, #tpu.memory_space<vmem>> -> memref<128xi32, #tpu.memory_space<vmem>>
        %dma_wait3A_78 = arith.constant 0 : i32
        %dma_wait3A_79 = arith.constant 0 : i32
        %dma_wait3A_80 = tpu.memref_slice %arg10[%dma_wait3A_78, %dma_wait3A_79] : memref<10240x128xf32, #tpu.memory_space<vmem_shared>> -> memref<10240x128xf32, #tpu.memory_space<vmem_shared>>
        tpu.wait_indirect_dma semaphore(%run_scoped3A_70 : memref<!tpu.dma_semaphore, #tpu.memory_space<semaphore_mem>>) src(%arg9 : memref<128x128xf32, #tpu.memory_space<vmem>>) dst(%dma_wait3A_80 : memref<10240x128xf32, #tpu.memory_space<vmem_shared>>)
        tpu.yield
      }) : () -> ()
    }
    %scan3A_31 = arith.constant 39 : i32
    %lt3A = arith.constant 2 : i32
    %lt3A_32 = arith.cmpi slt, %add3A, %lt3A : i32
    %convert_element_type3A = arith.extui %lt3A_32 : i1 to i32
    %cond3A = arith.constant 0 : i32
    %cond3A_33 = arith.cmpi ne, %convert_element_type3A, %cond3A : i32
    scf.if %cond3A_33 {
      %add3A_55 = arith.constant 1248 : i32
      %add3A_56 = arith.addi %add3A_55, %add3A : i32
      %mul3A_57 = arith.constant 128 : i32
      %mul3A_58 = arith.muli %add3A_56, %mul3A_57 : i32
      %run_scoped3A = arith.constant 0 : i32
      "tpu.region"() ({
        %run_scoped3A_68 = tpu.sem_alloc : memref<!tpu.dma_semaphore, #tpu.memory_space<semaphore_mem>>
        %dma_start3A = arith.constant 0 : i32
        %dma_start3A_69 = tpu.memref_slice %arg7[%run_scoped3A, %dma_start3A] : memref<2x128xi32, #tpu.memory_space<vmem>> -> memref<1x128xi32, #tpu.memory_space<vmem>>
        %dma_start3A_70 = tpu.memref_squeeze %dma_start3A_69 : memref<1x128xi32, #tpu.memory_space<vmem>> -> memref<128xi32, #tpu.memory_space<vmem>>
        %dma_start3A_71 = tpu.memref_slice %arg4[%mul3A_58] : memref<160000xi32, #tpu.memory_space<hbm>> -> memref<128xi32, #tpu.memory_space<hbm>>
        %dma_start3A_72 = arith.constant 0 : i32
        %dma_start3A_73 = tpu.memref_slice %arg7[%run_scoped3A, %dma_start3A_72] : memref<2x128xi32, #tpu.memory_space<vmem>> -> memref<1x128xi32, #tpu.memory_space<vmem>>
        %dma_start3A_74 = tpu.memref_squeeze %dma_start3A_73 : memref<1x128xi32, #tpu.memory_space<vmem>> -> memref<128xi32, #tpu.memory_space<vmem>>
        %dma_start3A_75 = tpu.memref_slice %arg4[%mul3A_58] : memref<160000xi32, #tpu.memory_space<hbm>> -> memref<128xi32, #tpu.memory_space<hbm>>
        tpu.enqueue_dma source(%dma_start3A_75 : memref<128xi32, #tpu.memory_space<hbm>>) target(%dma_start3A_74 : memref<128xi32, #tpu.memory_space<vmem>>) target_semaphore(%run_scoped3A_68 : memref<!tpu.dma_semaphore, #tpu.memory_space<semaphore_mem>>)
        %dma_wait3A = arith.constant 0 : i32
        %dma_wait3A_76 = tpu.memref_slice %arg7[%run_scoped3A, %dma_wait3A] : memref<2x128xi32, #tpu.memory_space<vmem>> -> memref<1x128xi32, #tpu.memory_space<vmem>>
        %dma_wait3A_77 = tpu.memref_squeeze %dma_wait3A_76 : memref<1x128xi32, #tpu.memory_space<vmem>> -> memref<128xi32, #tpu.memory_space<vmem>>
        %dma_wait3A_78 = tpu.memref_slice %arg4[%mul3A_58] : memref<160000xi32, #tpu.memory_space<hbm>> -> memref<128xi32, #tpu.memory_space<hbm>>
        %dma_wait3A_79 = arith.constant 0 : i32
        %dma_wait3A_80 = tpu.memref_slice %arg7[%run_scoped3A, %dma_wait3A_79] : memref<2x128xi32, #tpu.memory_space<vmem>> -> memref<1x128xi32, #tpu.memory_space<vmem>>
        %dma_wait3A_81 = tpu.memref_squeeze %dma_wait3A_80 : memref<1x128xi32, #tpu.memory_space<vmem>> -> memref<128xi32, #tpu.memory_space<vmem>>
        %dma_wait3A_82 = tpu.memref_slice %arg4[%mul3A_58] : memref<160000xi32, #tpu.memory_space<hbm>> -> memref<128xi32, #tpu.memory_space<hbm>>
        tpu.wait_dma2 semaphore(%run_scoped3A_68 : memref<!tpu.dma_semaphore, #tpu.memory_space<semaphore_mem>>) src(%dma_wait3A_82 : memref<128xi32, #tpu.memory_space<hbm>>) dst(%dma_wait3A_81 : memref<128xi32, #tpu.memory_space<vmem>>)
        tpu.yield
      }) : () -> ()
      %run_scoped3A_59 = arith.constant 1 : i32
      "tpu.region"() ({
        %run_scoped3A_68 = tpu.sem_alloc : memref<!tpu.dma_semaphore, #tpu.memory_space<semaphore_mem>>
        %dma_start3A = arith.constant 0 : i32
        %dma_start3A_69 = tpu.memref_slice %arg7[%run_scoped3A_59, %dma_start3A] : memref<2x128xi32, #tpu.memory_space<vmem>> -> memref<1x128xi32, #tpu.memory_space<vmem>>
        %dma_start3A_70 = tpu.memref_squeeze %dma_start3A_69 : memref<1x128xi32, #tpu.memory_space<vmem>> -> memref<128xi32, #tpu.memory_space<vmem>>
        %dma_start3A_71 = tpu.memref_slice %arg5[%mul3A_58] : memref<160000xi32, #tpu.memory_space<hbm>> -> memref<128xi32, #tpu.memory_space<hbm>>
        %dma_start3A_72 = arith.constant 0 : i32
        %dma_start3A_73 = tpu.memref_slice %arg7[%run_scoped3A_59, %dma_start3A_72] : memref<2x128xi32, #tpu.memory_space<vmem>> -> memref<1x128xi32, #tpu.memory_space<vmem>>
        %dma_start3A_74 = tpu.memref_squeeze %dma_start3A_73 : memref<1x128xi32, #tpu.memory_space<vmem>> -> memref<128xi32, #tpu.memory_space<vmem>>
        %dma_start3A_75 = tpu.memref_slice %arg5[%mul3A_58] : memref<160000xi32, #tpu.memory_space<hbm>> -> memref<128xi32, #tpu.memory_space<hbm>>
        tpu.enqueue_dma source(%dma_start3A_75 : memref<128xi32, #tpu.memory_space<hbm>>) target(%dma_start3A_74 : memref<128xi32, #tpu.memory_space<vmem>>) target_semaphore(%run_scoped3A_68 : memref<!tpu.dma_semaphore, #tpu.memory_space<semaphore_mem>>)
        %dma_wait3A = arith.constant 0 : i32
        %dma_wait3A_76 = tpu.memref_slice %arg7[%run_scoped3A_59, %dma_wait3A] : memref<2x128xi32, #tpu.memory_space<vmem>> -> memref<1x128xi32, #tpu.memory_space<vmem>>
        %dma_wait3A_77 = tpu.memref_squeeze %dma_wait3A_76 : memref<1x128xi32, #tpu.memory_space<vmem>> -> memref<128xi32, #tpu.memory_space<vmem>>
        %dma_wait3A_78 = tpu.memref_slice %arg5[%mul3A_58] : memref<160000xi32, #tpu.memory_space<hbm>> -> memref<128xi32, #tpu.memory_space<hbm>>
        %dma_wait3A_79 = arith.constant 0 : i32
        %dma_wait3A_80 = tpu.memref_slice %arg7[%run_scoped3A_59, %dma_wait3A_79] : memref<2x128xi32, #tpu.memory_space<vmem>> -> memref<1x128xi32, #tpu.memory_space<vmem>>
        %dma_wait3A_81 = tpu.memref_squeeze %dma_wait3A_80 : memref<1x128xi32, #tpu.memory_space<vmem>> -> memref<128xi32, #tpu.memory_space<vmem>>
        %dma_wait3A_82 = tpu.memref_slice %arg5[%mul3A_58] : memref<160000xi32, #tpu.memory_space<hbm>> -> memref<128xi32, #tpu.memory_space<hbm>>
        tpu.wait_dma2 semaphore(%run_scoped3A_68 : memref<!tpu.dma_semaphore, #tpu.memory_space<semaphore_mem>>) src(%dma_wait3A_82 : memref<128xi32, #tpu.memory_space<hbm>>) dst(%dma_wait3A_81 : memref<128xi32, #tpu.memory_space<vmem>>)
        tpu.yield
      }) : () -> ()
      "tpu.region"() ({
        %run_scoped3A_68 = tpu.sem_alloc : memref<!tpu.dma_semaphore, #tpu.memory_space<semaphore_mem>>
        %dma_start3A = arith.constant 0 : i32
        %dma_start3A_69 = tpu.memref_slice %arg3[%mul3A_58, %dma_start3A] : memref<160000x128xf32, #tpu.memory_space<hbm>> -> memref<128x128xf32, #tpu.memory_space<hbm>>
        %dma_start3A_70 = arith.constant 0 : i32
        %dma_start3A_71 = tpu.memref_slice %arg3[%mul3A_58, %dma_start3A_70] : memref<160000x128xf32, #tpu.memory_space<hbm>> -> memref<128x128xf32, #tpu.memory_space<hbm>>
        tpu.enqueue_dma source(%dma_start3A_71 : memref<128x128xf32, #tpu.memory_space<hbm>>) target(%arg9 : memref<128x128xf32, #tpu.memory_space<vmem>>) target_semaphore(%run_scoped3A_68 : memref<!tpu.dma_semaphore, #tpu.memory_space<semaphore_mem>>)
        %dma_wait3A = arith.constant 0 : i32
        %dma_wait3A_72 = tpu.memref_slice %arg3[%mul3A_58, %dma_wait3A] : memref<160000x128xf32, #tpu.memory_space<hbm>> -> memref<128x128xf32, #tpu.memory_space<hbm>>
        %dma_wait3A_73 = arith.constant 0 : i32
        %dma_wait3A_74 = tpu.memref_slice %arg3[%mul3A_58, %dma_wait3A_73] : memref<160000x128xf32, #tpu.memory_space<hbm>> -> memref<128x128xf32, #tpu.memory_space<hbm>>
        tpu.wait_dma2 semaphore(%run_scoped3A_68 : memref<!tpu.dma_semaphore, #tpu.memory_space<semaphore_mem>>) src(%dma_wait3A_74 : memref<128x128xf32, #tpu.memory_space<hbm>>) dst(%arg9 : memref<128x128xf32, #tpu.memory_space<vmem>>)
        tpu.yield
      }) : () -> ()
      %run_scoped3A_60 = arith.constant 0 : i32
      "tpu.region"() ({
        %run_scoped3A_68 = tpu.sem_alloc : memref<!tpu.dma_semaphore, #tpu.memory_space<semaphore_mem>>
        %dma_start3A = arith.constant 0 : i32
        %dma_start3A_69 = tpu.memref_slice %arg7[%run_scoped3A_60, %dma_start3A] : memref<2x128xi32, #tpu.memory_space<vmem>> -> memref<1x128xi32, #tpu.memory_space<vmem>>
        %dma_start3A_70 = tpu.memref_squeeze %dma_start3A_69 : memref<1x128xi32, #tpu.memory_space<vmem>> -> memref<128xi32, #tpu.memory_space<vmem>>
        %dma_start3A_71 = arith.constant 0 : i32
        %dma_start3A_72 = arith.constant 0 : i32
        %dma_start3A_73 = tpu.memref_slice %arg2[%dma_start3A_71, %dma_start3A_72] : memref<10000x128xf32, #tpu.memory_space<hbm>> -> memref<10000x128xf32, #tpu.memory_space<hbm>>
        tpu.enqueue_indirect_dma source(%dma_start3A_73 : memref<10000x128xf32, #tpu.memory_space<hbm>>) target(%arg8 : memref<128x128xf32, #tpu.memory_space<vmem>>) offsets(%dma_start3A_70 : memref<128xi32, #tpu.memory_space<vmem>>) semaphore(%run_scoped3A_68 : memref<!tpu.dma_semaphore, #tpu.memory_space<semaphore_mem>>)
        %dma_wait3A = arith.constant 0 : i32
        %dma_wait3A_74 = tpu.memref_slice %arg7[%run_scoped3A_60, %dma_wait3A] : memref<2x128xi32, #tpu.memory_space<vmem>> -> memref<1x128xi32, #tpu.memory_space<vmem>>
        %dma_wait3A_75 = tpu.memref_squeeze %dma_wait3A_74 : memref<1x128xi32, #tpu.memory_space<vmem>> -> memref<128xi32, #tpu.memory_space<vmem>>
        %dma_wait3A_76 = arith.constant 0 : i32
        %dma_wait3A_77 = arith.constant 0 : i32
        %dma_wait3A_78 = tpu.memref_slice %arg2[%dma_wait3A_76, %dma_wait3A_77] : memref<10000x128xf32, #tpu.memory_space<hbm>> -> memref<10000x128xf32, #tpu.memory_space<hbm>>
        tpu.wait_indirect_dma semaphore(%run_scoped3A_68 : memref<!tpu.dma_semaphore, #tpu.memory_space<semaphore_mem>>) src(%dma_wait3A_78 : memref<10000x128xf32, #tpu.memory_space<hbm>>) dst(%arg8 : memref<128x128xf32, #tpu.memory_space<vmem>>)
        tpu.yield
      }) : () -> ()
      %scan3A_61 = arith.constant 0 : i32
      %scan3A_62 = arith.constant 0 : i32
      %scan3A_63 = arith.constant 128 : i32
      %scan3A_64 = arith.addi %scan3A_62, %scan3A_63 : i32
      %scan3A_65 = arith.constant 1 : i32
      scf.for %scan3A_68 = %scan3A_62 to %scan3A_64 step %scan3A_65  : i32 {
        %get3A = arith.index_cast %scan3A_68 : i32 to index
        %get3A_69 = arith.constant 0 : index
        %get3A_70 = tpu.vector_load %arg9[%get3A, %get3A_69] {strides = array<i32>} : memref<128x128xf32, #tpu.memory_space<vmem>>, vector<1x16xf32>,
        %get3A_71 = vector.shape_cast %get3A_70 : vector<1x16xf32> to vector<16xf32>
        %get3A_72 = arith.index_cast %scan3A_68 : i32 to index
        %get3A_73 = arith.constant 0 : index
        %get3A_74 = tpu.vector_load %arg8[%get3A_72, %get3A_73] {strides = array<i32>} : memref<128x128xf32, #tpu.memory_space<vmem>>, vector<1x16xf32>,
        %get3A_75 = vector.shape_cast %get3A_74 : vector<1x16xf32> to vector<16xf32>
        %add3A_76 = arith.addf %get3A_71, %get3A_75 : vector<16xf32>
        %swap3A = arith.index_cast %scan3A_68 : i32 to index
        %swap3A_77 = arith.constant 0 : index
        %swap3A_78 = tpu.vector_load %arg9[%swap3A, %swap3A_77] {strides = array<i32>} : memref<128x128xf32, #tpu.memory_space<vmem>>, vector<1x16xf32>,
        %swap3A_79 = vector.shape_cast %swap3A_78 : vector<1x16xf32> to vector<16xf32>
        %swap3A_80 = vector.shape_cast %add3A_76 : vector<16xf32> to vector<1x16xf32>
        tpu.vector_store %arg9[%swap3A, %swap3A_77], %swap3A_80 {strides = array<i32>} : memref<128x128xf32, #tpu.memory_space<vmem>>, vector<1x16xf32>,
        %get3A_81 = arith.index_cast %scan3A_68 : i32 to index
        %get3A_82 = arith.constant 16 : index
        %get3A_83 = tpu.vector_load %arg9[%get3A_81, %get3A_82] {strides = array<i32>} : memref<128x128xf32, #tpu.memory_space<vmem>>, vector<1x16xf32>,
        %get3A_84 = vector.shape_cast %get3A_83 : vector<1x16xf32> to vector<16xf32>
        %get3A_85 = arith.index_cast %scan3A_68 : i32 to index
        %get3A_86 = arith.constant 16 : index
        %get3A_87 = tpu.vector_load %arg8[%get3A_85, %get3A_86] {strides = array<i32>} : memref<128x128xf32, #tpu.memory_space<vmem>>, vector<1x16xf32>,
        %get3A_88 = vector.shape_cast %get3A_87 : vector<1x16xf32> to vector<16xf32>
        %add3A_89 = arith.addf %get3A_84, %get3A_88 : vector<16xf32>
        %swap3A_90 = arith.index_cast %scan3A_68 : i32 to index
        %swap3A_91 = arith.constant 16 : index
        %swap3A_92 = tpu.vector_load %arg9[%swap3A_90, %swap3A_91] {strides = array<i32>} : memref<128x128xf32, #tpu.memory_space<vmem>>, vector<1x16xf32>,
        %swap3A_93 = vector.shape_cast %swap3A_92 : vector<1x16xf32> to vector<16xf32>
        %swap3A_94 = vector.shape_cast %add3A_89 : vector<16xf32> to vector<1x16xf32>
        tpu.vector_store %arg9[%swap3A_90, %swap3A_91], %swap3A_94 {strides = array<i32>} : memref<128x128xf32, #tpu.memory_space<vmem>>, vector<1x16xf32>,
        %get3A_95 = arith.index_cast %scan3A_68 : i32 to index
        %get3A_96 = arith.constant 32 : index
        %get3A_97 = tpu.vector_load %arg9[%get3A_95, %get3A_96] {strides = array<i32>} : memref<128x128xf32, #tpu.memory_space<vmem>>, vector<1x16xf32>,
        %get3A_98 = vector.shape_cast %get3A_97 : vector<1x16xf32> to vector<16xf32>
        %get3A_99 = arith.index_cast %scan3A_68 : i32 to index
        %get3A_100 = arith.constant 32 : index
        %get3A_101 = tpu.vector_load %arg8[%get3A_99, %get3A_100] {strides = array<i32>} : memref<128x128xf32, #tpu.memory_space<vmem>>, vector<1x16xf32>,
        %get3A_102 = vector.shape_cast %get3A_101 : vector<1x16xf32> to vector<16xf32>
        %add3A_103 = arith.addf %get3A_98, %get3A_102 : vector<16xf32>
        %swap3A_104 = arith.index_cast %scan3A_68 : i32 to index
        %swap3A_105 = arith.constant 32 : index
        %swap3A_106 = tpu.vector_load %arg9[%swap3A_104, %swap3A_105] {strides = array<i32>} : memref<128x128xf32, #tpu.memory_space<vmem>>, vector<1x16xf32>,
        %swap3A_107 = vector.shape_cast %swap3A_106 : vector<1x16xf32> to vector<16xf32>
        %swap3A_108 = vector.shape_cast %add3A_103 : vector<16xf32> to vector<1x16xf32>
        tpu.vector_store %arg9[%swap3A_104, %swap3A_105], %swap3A_108 {strides = array<i32>} : memref<128x128xf32, #tpu.memory_space<vmem>>, vector<1x16xf32>,
        %get3A_109 = arith.index_cast %scan3A_68 : i32 to index
        %get3A_110 = arith.constant 48 : index
        %get3A_111 = tpu.vector_load %arg9[%get3A_109, %get3A_110] {strides = array<i32>} : memref<128x128xf32, #tpu.memory_space<vmem>>, vector<1x16xf32>,
        %get3A_112 = vector.shape_cast %get3A_111 : vector<1x16xf32> to vector<16xf32>
        %get3A_113 = arith.index_cast %scan3A_68 : i32 to index
        %get3A_114 = arith.constant 48 : index
        %get3A_115 = tpu.vector_load %arg8[%get3A_113, %get3A_114] {strides = array<i32>} : memref<128x128xf32, #tpu.memory_space<vmem>>, vector<1x16xf32>,
        %get3A_116 = vector.shape_cast %get3A_115 : vector<1x16xf32> to vector<16xf32>
        %add3A_117 = arith.addf %get3A_112, %get3A_116 : vector<16xf32>
        %swap3A_118 = arith.index_cast %scan3A_68 : i32 to index
        %swap3A_119 = arith.constant 48 : index
        %swap3A_120 = tpu.vector_load %arg9[%swap3A_118, %swap3A_119] {strides = array<i32>} : memref<128x128xf32, #tpu.memory_space<vmem>>, vector<1x16xf32>,
        %swap3A_121 = vector.shape_cast %swap3A_120 : vector<1x16xf32> to vector<16xf32>
        %swap3A_122 = vector.shape_cast %add3A_117 : vector<16xf32> to vector<1x16xf32>
        tpu.vector_store %arg9[%swap3A_118, %swap3A_119], %swap3A_122 {strides = array<i32>} : memref<128x128xf32, #tpu.memory_space<vmem>>, vector<1x16xf32>,
        %get3A_123 = arith.index_cast %scan3A_68 : i32 to index
        %get3A_124 = arith.constant 64 : index
        %get3A_125 = tpu.vector_load %arg9[%get3A_123, %get3A_124] {strides = array<i32>} : memref<128x128xf32, #tpu.memory_space<vmem>>, vector<1x16xf32>,
        %get3A_126 = vector.shape_cast %get3A_125 : vector<1x16xf32> to vector<16xf32>
        %get3A_127 = arith.index_cast %scan3A_68 : i32 to index
        %get3A_128 = arith.constant 64 : index
        %get3A_129 = tpu.vector_load %arg8[%get3A_127, %get3A_128] {strides = array<i32>} : memref<128x128xf32, #tpu.memory_space<vmem>>, vector<1x16xf32>,
        %get3A_130 = vector.shape_cast %get3A_129 : vector<1x16xf32> to vector<16xf32>
        %add3A_131 = arith.addf %get3A_126, %get3A_130 : vector<16xf32>
        %swap3A_132 = arith.index_cast %scan3A_68 : i32 to index
        %swap3A_133 = arith.constant 64 : index
        %swap3A_134 = tpu.vector_load %arg9[%swap3A_132, %swap3A_133] {strides = array<i32>} : memref<128x128xf32, #tpu.memory_space<vmem>>, vector<1x16xf32>,
        %swap3A_135 = vector.shape_cast %swap3A_134 : vector<1x16xf32> to vector<16xf32>
        %swap3A_136 = vector.shape_cast %add3A_131 : vector<16xf32> to vector<1x16xf32>
        tpu.vector_store %arg9[%swap3A_132, %swap3A_133], %swap3A_136 {strides = array<i32>} : memref<128x128xf32, #tpu.memory_space<vmem>>, vector<1x16xf32>,
        %get3A_137 = arith.index_cast %scan3A_68 : i32 to index
        %get3A_138 = arith.constant 80 : index
        %get3A_139 = tpu.vector_load %arg9[%get3A_137, %get3A_138] {strides = array<i32>} : memref<128x128xf32, #tpu.memory_space<vmem>>, vector<1x16xf32>,
        %get3A_140 = vector.shape_cast %get3A_139 : vector<1x16xf32> to vector<16xf32>
        %get3A_141 = arith.index_cast %scan3A_68 : i32 to index
        %get3A_142 = arith.constant 80 : index
        %get3A_143 = tpu.vector_load %arg8[%get3A_141, %get3A_142] {strides = array<i32>} : memref<128x128xf32, #tpu.memory_space<vmem>>, vector<1x16xf32>,
        %get3A_144 = vector.shape_cast %get3A_143 : vector<1x16xf32> to vector<16xf32>
        %add3A_145 = arith.addf %get3A_140, %get3A_144 : vector<16xf32>
        %swap3A_146 = arith.index_cast %scan3A_68 : i32 to index
        %swap3A_147 = arith.constant 80 : index
        %swap3A_148 = tpu.vector_load %arg9[%swap3A_146, %swap3A_147] {strides = array<i32>} : memref<128x128xf32, #tpu.memory_space<vmem>>, vector<1x16xf32>,
        %swap3A_149 = vector.shape_cast %swap3A_148 : vector<1x16xf32> to vector<16xf32>
        %swap3A_150 = vector.shape_cast %add3A_145 : vector<16xf32> to vector<1x16xf32>
        tpu.vector_store %arg9[%swap3A_146, %swap3A_147], %swap3A_150 {strides = array<i32>} : memref<128x128xf32, #tpu.memory_space<vmem>>, vector<1x16xf32>,
        %get3A_151 = arith.index_cast %scan3A_68 : i32 to index
        %get3A_152 = arith.constant 96 : index
        %get3A_153 = tpu.vector_load %arg9[%get3A_151, %get3A_152] {strides = array<i32>} : memref<128x128xf32, #tpu.memory_space<vmem>>, vector<1x16xf32>,
        %get3A_154 = vector.shape_cast %get3A_153 : vector<1x16xf32> to vector<16xf32>
        %get3A_155 = arith.index_cast %scan3A_68 : i32 to index
        %get3A_156 = arith.constant 96 : index
        %get3A_157 = tpu.vector_load %arg8[%get3A_155, %get3A_156] {strides = array<i32>} : memref<128x128xf32, #tpu.memory_space<vmem>>, vector<1x16xf32>,
        %get3A_158 = vector.shape_cast %get3A_157 : vector<1x16xf32> to vector<16xf32>
        %add3A_159 = arith.addf %get3A_154, %get3A_158 : vector<16xf32>
        %swap3A_160 = arith.index_cast %scan3A_68 : i32 to index
        %swap3A_161 = arith.constant 96 : index
        %swap3A_162 = tpu.vector_load %arg9[%swap3A_160, %swap3A_161] {strides = array<i32>} : memref<128x128xf32, #tpu.memory_space<vmem>>, vector<1x16xf32>,
        %swap3A_163 = vector.shape_cast %swap3A_162 : vector<1x16xf32> to vector<16xf32>
        %swap3A_164 = vector.shape_cast %add3A_159 : vector<16xf32> to vector<1x16xf32>
        tpu.vector_store %arg9[%swap3A_160, %swap3A_161], %swap3A_164 {strides = array<i32>} : memref<128x128xf32, #tpu.memory_space<vmem>>, vector<1x16xf32>,
        %get3A_165 = arith.index_cast %scan3A_68 : i32 to index
        %get3A_166 = arith.constant 112 : index
        %get3A_167 = tpu.vector_load %arg9[%get3A_165, %get3A_166] {strides = array<i32>} : memref<128x128xf32, #tpu.memory_space<vmem>>, vector<1x16xf32>,
        %get3A_168 = vector.shape_cast %get3A_167 : vector<1x16xf32> to vector<16xf32>
        %get3A_169 = arith.index_cast %scan3A_68 : i32 to index
        %get3A_170 = arith.constant 112 : index
        %get3A_171 = tpu.vector_load %arg8[%get3A_169, %get3A_170] {strides = array<i32>} : memref<128x128xf32, #tpu.memory_space<vmem>>, vector<1x16xf32>,
        %get3A_172 = vector.shape_cast %get3A_171 : vector<1x16xf32> to vector<16xf32>
        %add3A_173 = arith.addf %get3A_168, %get3A_172 : vector<16xf32>
        %swap3A_174 = arith.index_cast %scan3A_68 : i32 to index
        %swap3A_175 = arith.constant 112 : index
        %swap3A_176 = tpu.vector_load %arg9[%swap3A_174, %swap3A_175] {strides = array<i32>} : memref<128x128xf32, #tpu.memory_space<vmem>>, vector<1x16xf32>,
        %swap3A_177 = vector.shape_cast %swap3A_176 : vector<1x16xf32> to vector<16xf32>
        %swap3A_178 = vector.shape_cast %add3A_173 : vector<16xf32> to vector<1x16xf32>
        tpu.vector_store %arg9[%swap3A_174, %swap3A_175], %swap3A_178 {strides = array<i32>} : memref<128x128xf32, #tpu.memory_space<vmem>>, vector<1x16xf32>,
      }
      %scan3A_66 = arith.constant 128 : i32
      %run_scoped3A_67 = arith.constant 1 : i32
      "tpu.region"() ({
        %run_scoped3A_68 = tpu.sem_alloc : memref<!tpu.dma_semaphore, #tpu.memory_space<semaphore_mem>>
        %dma_start3A = arith.constant 0 : i32
        %dma_start3A_69 = tpu.memref_slice %arg7[%run_scoped3A_67, %dma_start3A] : memref<2x128xi32, #tpu.memory_space<vmem>> -> memref<1x128xi32, #tpu.memory_space<vmem>>
        %dma_start3A_70 = tpu.memref_squeeze %dma_start3A_69 : memref<1x128xi32, #tpu.memory_space<vmem>> -> memref<128xi32, #tpu.memory_space<vmem>>
        %dma_start3A_71 = arith.constant 0 : i32
        %dma_start3A_72 = arith.constant 0 : i32
        %dma_start3A_73 = tpu.memref_slice %arg10[%dma_start3A_71, %dma_start3A_72] : memref<10240x128xf32, #tpu.memory_space<vmem_shared>> -> memref<10240x128xf32, #tpu.memory_space<vmem_shared>>
        tpu.enqueue_indirect_dma source(%arg9 : memref<128x128xf32, #tpu.memory_space<vmem>>) target(%dma_start3A_73 : memref<10240x128xf32, #tpu.memory_space<vmem_shared>>) offsets(%dma_start3A_70 : memref<128xi32, #tpu.memory_space<vmem>>) semaphore(%run_scoped3A_68 : memref<!tpu.dma_semaphore, #tpu.memory_space<semaphore_mem>>) {add = true}
        %dma_wait3A = arith.constant 0 : i32
        %dma_wait3A_74 = tpu.memref_slice %arg7[%run_scoped3A_67, %dma_wait3A] : memref<2x128xi32, #tpu.memory_space<vmem>> -> memref<1x128xi32, #tpu.memory_space<vmem>>
        %dma_wait3A_75 = tpu.memref_squeeze %dma_wait3A_74 : memref<1x128xi32, #tpu.memory_space<vmem>> -> memref<128xi32, #tpu.memory_space<vmem>>
        %dma_wait3A_76 = arith.constant 0 : i32
        %dma_wait3A_77 = arith.constant 0 : i32
        %dma_wait3A_78 = tpu.memref_slice %arg10[%dma_wait3A_76, %dma_wait3A_77] : memref<10240x128xf32, #tpu.memory_space<vmem_shared>> -> memref<10240x128xf32, #tpu.memory_space<vmem_shared>>
        tpu.wait_indirect_dma semaphore(%run_scoped3A_68 : memref<!tpu.dma_semaphore, #tpu.memory_space<semaphore_mem>>) src(%arg9 : memref<128x128xf32, #tpu.memory_space<vmem>>) dst(%dma_wait3A_78 : memref<10240x128xf32, #tpu.memory_space<vmem_shared>>)
        tpu.yield
      }) : () -> ()
    } else {
    }
    %barrier3A_34 = arith.constant 0 : index
    tpu.barrier barrier_id(%barrier3A_34)
    %mul3A_35 = arith.constant 640 : i32
    %mul3A_36 = arith.muli %arg1, %mul3A_35 : i32
    %add3A_37 = arith.constant 0 : i32
    %add3A_38 = arith.addi %mul3A_36, %add3A_37 : i32
    "tpu.region"() ({
      %run_scoped3A = tpu.sem_alloc : memref<!tpu.dma_semaphore, #tpu.memory_space<semaphore_mem>>
      %dma_start3A = arith.constant 0 : i32
      %dma_start3A_55 = tpu.memref_slice %arg6[%arg0, %add3A_38, %dma_start3A] : memref<2x10240x128xf32, #tpu.memory_space<hbm>> -> memref<1x128x128xf32, #tpu.memory_space<hbm>>
      %dma_start3A_56 = tpu.memref_squeeze %dma_start3A_55 : memref<1x128x128xf32, #tpu.memory_space<hbm>> -> memref<128x128xf32, #tpu.memory_space<hbm>>
      %dma_start3A_57 = arith.constant 0 : i32
      %dma_start3A_58 = tpu.memref_slice %arg10[%add3A_38, %dma_start3A_57] : memref<10240x128xf32, #tpu.memory_space<vmem_shared>> -> memref<128x128xf32, #tpu.memory_space<vmem_shared>>
      tpu.enqueue_dma source(%dma_start3A_58 : memref<128x128xf32, #tpu.memory_space<vmem_shared>>) target(%dma_start3A_56 : memref<128x128xf32, #tpu.memory_space<hbm>>) target_semaphore(%run_scoped3A : memref<!tpu.dma_semaphore, #tpu.memory_space<semaphore_mem>>)
      %dma_wait3A = arith.constant 0 : i32
      %dma_wait3A_59 = tpu.memref_slice %arg6[%arg0, %add3A_38, %dma_wait3A] : memref<2x10240x128xf32, #tpu.memory_space<hbm>> -> memref<1x128x128xf32, #tpu.memory_space<hbm>>
      %dma_wait3A_60 = tpu.memref_squeeze %dma_wait3A_59 : memref<1x128x128xf32, #tpu.memory_space<hbm>> -> memref<128x128xf32, #tpu.memory_space<hbm>>
      %dma_wait3A_61 = arith.constant 0 : i32
      %dma_wait3A_62 = tpu.memref_slice %arg10[%add3A_38, %dma_wait3A_61] : memref<10240x128xf32, #tpu.memory_space<vmem_shared>> -> memref<128x128xf32, #tpu.memory_space<vmem_shared>>
      tpu.wait_dma2 semaphore(%run_scoped3A : memref<!tpu.dma_semaphore, #tpu.memory_space<semaphore_mem>>) src(%dma_wait3A_62 : memref<128x128xf32, #tpu.memory_space<vmem_shared>>) dst(%dma_wait3A_60 : memref<128x128xf32, #tpu.memory_space<hbm>>)
      tpu.yield
    }) : () -> ()
    %mul3A_39 = arith.constant 640 : i32
    %mul3A_40 = arith.muli %arg1, %mul3A_39 : i32
    %add3A_41 = arith.constant 128 : i32
    %add3A_42 = arith.addi %mul3A_40, %add3A_41 : i32
    "tpu.region"() ({
      %run_scoped3A = tpu.sem_alloc : memref<!tpu.dma_semaphore, #tpu.memory_space<semaphore_mem>>
      %dma_start3A = arith.constant 0 : i32
      %dma_start3A_55 = tpu.memref_slice %arg6[%arg0, %add3A_42, %dma_start3A] : memref<2x10240x128xf32, #tpu.memory_space<hbm>> -> memref<1x128x128xf32, #tpu.memory_space<hbm>>
      %dma_start3A_56 = tpu.memref_squeeze %dma_start3A_55 : memref<1x128x128xf32, #tpu.memory_space<hbm>> -> memref<128x128xf32, #tpu.memory_space<hbm>>
      %dma_start3A_57 = arith.constant 0 : i32
      %dma_start3A_58 = tpu.memref_slice %arg10[%add3A_42, %dma_start3A_57] : memref<10240x128xf32, #tpu.memory_space<vmem_shared>> -> memref<128x128xf32, #tpu.memory_space<vmem_shared>>
      tpu.enqueue_dma source(%dma_start3A_58 : memref<128x128xf32, #tpu.memory_space<vmem_shared>>) target(%dma_start3A_56 : memref<128x128xf32, #tpu.memory_space<hbm>>) target_semaphore(%run_scoped3A : memref<!tpu.dma_semaphore, #tpu.memory_space<semaphore_mem>>)
      %dma_wait3A = arith.constant 0 : i32
      %dma_wait3A_59 = tpu.memref_slice %arg6[%arg0, %add3A_42, %dma_wait3A] : memref<2x10240x128xf32, #tpu.memory_space<hbm>> -> memref<1x128x128xf32, #tpu.memory_space<hbm>>
      %dma_wait3A_60 = tpu.memref_squeeze %dma_wait3A_59 : memref<1x128x128xf32, #tpu.memory_space<hbm>> -> memref<128x128xf32, #tpu.memory_space<hbm>>
      %dma_wait3A_61 = arith.constant 0 : i32
      %dma_wait3A_62 = tpu.memref_slice %arg10[%add3A_42, %dma_wait3A_61] : memref<10240x128xf32, #tpu.memory_space<vmem_shared>> -> memref<128x128xf32, #tpu.memory_space<vmem_shared>>
      tpu.wait_dma2 semaphore(%run_scoped3A : memref<!tpu.dma_semaphore, #tpu.memory_space<semaphore_mem>>) src(%dma_wait3A_62 : memref<128x128xf32, #tpu.memory_space<vmem_shared>>) dst(%dma_wait3A_60 : memref<128x128xf32, #tpu.memory_space<hbm>>)
      tpu.yield
    }) : () -> ()
    %mul3A_43 = arith.constant 640 : i32
    %mul3A_44 = arith.muli %arg1, %mul3A_43 : i32
    %add3A_45 = arith.constant 256 : i32
    %add3A_46 = arith.addi %mul3A_44, %add3A_45 : i32
    "tpu.region"() ({
      %run_scoped3A = tpu.sem_alloc : memref<!tpu.dma_semaphore, #tpu.memory_space<semaphore_mem>>
      %dma_start3A = arith.constant 0 : i32
      %dma_start3A_55 = tpu.memref_slice %arg6[%arg0, %add3A_46, %dma_start3A] : memref<2x10240x128xf32, #tpu.memory_space<hbm>> -> memref<1x128x128xf32, #tpu.memory_space<hbm>>
      %dma_start3A_56 = tpu.memref_squeeze %dma_start3A_55 : memref<1x128x128xf32, #tpu.memory_space<hbm>> -> memref<128x128xf32, #tpu.memory_space<hbm>>
      %dma_start3A_57 = arith.constant 0 : i32
      %dma_start3A_58 = tpu.memref_slice %arg10[%add3A_46, %dma_start3A_57] : memref<10240x128xf32, #tpu.memory_space<vmem_shared>> -> memref<128x128xf32, #tpu.memory_space<vmem_shared>>
      tpu.enqueue_dma source(%dma_start3A_58 : memref<128x128xf32, #tpu.memory_space<vmem_shared>>) target(%dma_start3A_56 : memref<128x128xf32, #tpu.memory_space<hbm>>) target_semaphore(%run_scoped3A : memref<!tpu.dma_semaphore, #tpu.memory_space<semaphore_mem>>)
      %dma_wait3A = arith.constant 0 : i32
      %dma_wait3A_59 = tpu.memref_slice %arg6[%arg0, %add3A_46, %dma_wait3A] : memref<2x10240x128xf32, #tpu.memory_space<hbm>> -> memref<1x128x128xf32, #tpu.memory_space<hbm>>
      %dma_wait3A_60 = tpu.memref_squeeze %dma_wait3A_59 : memref<1x128x128xf32, #tpu.memory_space<hbm>> -> memref<128x128xf32, #tpu.memory_space<hbm>>
      %dma_wait3A_61 = arith.constant 0 : i32
      %dma_wait3A_62 = tpu.memref_slice %arg10[%add3A_46, %dma_wait3A_61] : memref<10240x128xf32, #tpu.memory_space<vmem_shared>> -> memref<128x128xf32, #tpu.memory_space<vmem_shared>>
      tpu.wait_dma2 semaphore(%run_scoped3A : memref<!tpu.dma_semaphore, #tpu.memory_space<semaphore_mem>>) src(%dma_wait3A_62 : memref<128x128xf32, #tpu.memory_space<vmem_shared>>) dst(%dma_wait3A_60 : memref<128x128xf32, #tpu.memory_space<hbm>>)
      tpu.yield
    }) : () -> ()
    %mul3A_47 = arith.constant 640 : i32
    %mul3A_48 = arith.muli %arg1, %mul3A_47 : i32
    %add3A_49 = arith.constant 384 : i32
    %add3A_50 = arith.addi %mul3A_48, %add3A_49 : i32
    "tpu.region"() ({
      %run_scoped3A = tpu.sem_alloc : memref<!tpu.dma_semaphore, #tpu.memory_space<semaphore_mem>>
      %dma_start3A = arith.constant 0 : i32
      %dma_start3A_55 = tpu.memref_slice %arg6[%arg0, %add3A_50, %dma_start3A] : memref<2x10240x128xf32, #tpu.memory_space<hbm>> -> memref<1x128x128xf32, #tpu.memory_space<hbm>>
      %dma_start3A_56 = tpu.memref_squeeze %dma_start3A_55 : memref<1x128x128xf32, #tpu.memory_space<hbm>> -> memref<128x128xf32, #tpu.memory_space<hbm>>
      %dma_start3A_57 = arith.constant 0 : i32
      %dma_start3A_58 = tpu.memref_slice %arg10[%add3A_50, %dma_start3A_57] : memref<10240x128xf32, #tpu.memory_space<vmem_shared>> -> memref<128x128xf32, #tpu.memory_space<vmem_shared>>
      tpu.enqueue_dma source(%dma_start3A_58 : memref<128x128xf32, #tpu.memory_space<vmem_shared>>) target(%dma_start3A_56 : memref<128x128xf32, #tpu.memory_space<hbm>>) target_semaphore(%run_scoped3A : memref<!tpu.dma_semaphore, #tpu.memory_space<semaphore_mem>>)
      %dma_wait3A = arith.constant 0 : i32
      %dma_wait3A_59 = tpu.memref_slice %arg6[%arg0, %add3A_50, %dma_wait3A] : memref<2x10240x128xf32, #tpu.memory_space<hbm>> -> memref<1x128x128xf32, #tpu.memory_space<hbm>>
      %dma_wait3A_60 = tpu.memref_squeeze %dma_wait3A_59 : memref<1x128x128xf32, #tpu.memory_space<hbm>> -> memref<128x128xf32, #tpu.memory_space<hbm>>
      %dma_wait3A_61 = arith.constant 0 : i32
      %dma_wait3A_62 = tpu.memref_slice %arg10[%add3A_50, %dma_wait3A_61] : memref<10240x128xf32, #tpu.memory_space<vmem_shared>> -> memref<128x128xf32, #tpu.memory_space<vmem_shared>>
      tpu.wait_dma2 semaphore(%run_scoped3A : memref<!tpu.dma_semaphore, #tpu.memory_space<semaphore_mem>>) src(%dma_wait3A_62 : memref<128x128xf32, #tpu.memory_space<vmem_shared>>) dst(%dma_wait3A_60 : memref<128x128xf32, #tpu.memory_space<hbm>>)
      tpu.yield
    }) : () -> ()
    %mul3A_51 = arith.constant 640 : i32
    %mul3A_52 = arith.muli %arg1, %mul3A_51 : i32
    %add3A_53 = arith.constant 512 : i32
    %add3A_54 = arith.addi %mul3A_52, %add3A_53 : i32
    "tpu.region"() ({
      %run_scoped3A = tpu.sem_alloc : memref<!tpu.dma_semaphore, #tpu.memory_space<semaphore_mem>>
      %dma_start3A = arith.constant 0 : i32
      %dma_start3A_55 = tpu.memref_slice %arg6[%arg0, %add3A_54, %dma_start3A] : memref<2x10240x128xf32, #tpu.memory_space<hbm>> -> memref<1x128x128xf32, #tpu.memory_space<hbm>>
      %dma_start3A_56 = tpu.memref_squeeze %dma_start3A_55 : memref<1x128x128xf32, #tpu.memory_space<hbm>> -> memref<128x128xf32, #tpu.memory_space<hbm>>
      %dma_start3A_57 = arith.constant 0 : i32
      %dma_start3A_58 = tpu.memref_slice %arg10[%add3A_54, %dma_start3A_57] : memref<10240x128xf32, #tpu.memory_space<vmem_shared>> -> memref<128x128xf32, #tpu.memory_space<vmem_shared>>
      tpu.enqueue_dma source(%dma_start3A_58 : memref<128x128xf32, #tpu.memory_space<vmem_shared>>) target(%dma_start3A_56 : memref<128x128xf32, #tpu.memory_space<hbm>>) target_semaphore(%run_scoped3A : memref<!tpu.dma_semaphore, #tpu.memory_space<semaphore_mem>>)
      %dma_wait3A = arith.constant 0 : i32
      %dma_wait3A_59 = tpu.memref_slice %arg6[%arg0, %add3A_54, %dma_wait3A] : memref<2x10240x128xf32, #tpu.memory_space<hbm>> -> memref<1x128x128xf32, #tpu.memory_space<hbm>>
      %dma_wait3A_60 = tpu.memref_squeeze %dma_wait3A_59 : memref<1x128x128xf32, #tpu.memory_space<hbm>> -> memref<128x128xf32, #tpu.memory_space<hbm>>
      %dma_wait3A_61 = arith.constant 0 : i32
      %dma_wait3A_62 = tpu.memref_slice %arg10[%add3A_54, %dma_wait3A_61] : memref<10240x128xf32, #tpu.memory_space<vmem_shared>> -> memref<128x128xf32, #tpu.memory_space<vmem_shared>>
      tpu.wait_dma2 semaphore(%run_scoped3A : memref<!tpu.dma_semaphore, #tpu.memory_space<semaphore_mem>>) src(%dma_wait3A_62 : memref<128x128xf32, #tpu.memory_space<vmem_shared>>) dst(%dma_wait3A_60 : memref<128x128xf32, #tpu.memory_space<hbm>>)
      tpu.yield
    }) : () -> ()
    return
  }
}

#map = affine_map<(d0, d1) -> (0, 0)>
#map1 = affine_map<(d0, d1) -> (0)>
module attributes {stable_mosaic.version = 14 : i64} {
  func.func @k(%arg0: i32, %arg1: i32, %arg2: memref<10000x128xf32, #tpu.memory_space<hbm>>, %arg3: memref<160000x128xf32, #tpu.memory_space<hbm>>, %arg4: memref<160000xi32, #tpu.memory_space<hbm>>, %arg5: memref<160000xi32, #tpu.memory_space<hbm>>, %arg6: memref<160000x128xf32, #tpu.memory_space<hbm>>, %arg7: memref<2x128xi32, #tpu.memory_space<vmem>>, %arg8: memref<128x128xf32, #tpu.memory_space<vmem>>, %arg9: memref<128x128xf32, #tpu.memory_space<vmem>>, %arg10: memref<128x128xf32, #tpu.memory_space<vmem>>) attributes {dimension_semantics = [#tpu.dimension_semantics<core_parallel>, #tpu.dimension_semantics<subcore_parallel>], iteration_bounds = array<i64: 2, 16>, scalar_prefetch = 0 : i64, scratch_operands = 4 : i64, tpu.core_type = #tpu.core_type<sc_vector_subcore>, window_params = [{transform_indices = #map}, {transform_indices = #map}, {transform_indices = #map1}, {transform_indices = #map1}, {transform_indices = #map}]} {
    %mul3A = arith.constant 2 : i32
    %mul3A_0 = arith.muli %arg1, %mul3A : i32
    %add3A = arith.addi %mul3A_0, %arg0 : i32
    %scan3A = arith.constant 0 : i32
    %scan3A_1 = arith.constant 0 : i32
    %scan3A_2 = arith.constant 39 : i32
    %scan3A_3 = arith.addi %scan3A_1, %scan3A_2 : i32
    %scan3A_4 = arith.constant 1 : i32
    scf.for %scan3A_8 = %scan3A_1 to %scan3A_3 step %scan3A_4  : i32 {
      %mul3A_9 = arith.constant 32 : i32
      %mul3A_10 = arith.muli %scan3A_8, %mul3A_9 : i32
      %add3A_11 = arith.addi %mul3A_10, %add3A : i32
      %mul3A_12 = arith.constant 128 : i32
      %mul3A_13 = arith.muli %add3A_11, %mul3A_12 : i32
      %run_scoped3A = arith.constant 0 : i32
      "tpu.region"() ({
        %run_scoped3A_23 = tpu.sem_alloc : memref<!tpu.dma_semaphore, #tpu.memory_space<semaphore_mem>>
        %dma_start3A = arith.constant 0 : i32
        %dma_start3A_24 = tpu.memref_slice %arg7[%run_scoped3A, %dma_start3A] : memref<2x128xi32, #tpu.memory_space<vmem>> -> memref<1x128xi32, #tpu.memory_space<vmem>>
        %dma_start3A_25 = tpu.memref_squeeze %dma_start3A_24 : memref<1x128xi32, #tpu.memory_space<vmem>> -> memref<128xi32, #tpu.memory_space<vmem>>
        %dma_start3A_26 = tpu.memref_slice %arg4[%mul3A_13] : memref<160000xi32, #tpu.memory_space<hbm>> -> memref<128xi32, #tpu.memory_space<hbm>>
        %dma_start3A_27 = arith.constant 0 : i32
        %dma_start3A_28 = tpu.memref_slice %arg7[%run_scoped3A, %dma_start3A_27] : memref<2x128xi32, #tpu.memory_space<vmem>> -> memref<1x128xi32, #tpu.memory_space<vmem>>
        %dma_start3A_29 = tpu.memref_squeeze %dma_start3A_28 : memref<1x128xi32, #tpu.memory_space<vmem>> -> memref<128xi32, #tpu.memory_space<vmem>>
        %dma_start3A_30 = tpu.memref_slice %arg4[%mul3A_13] : memref<160000xi32, #tpu.memory_space<hbm>> -> memref<128xi32, #tpu.memory_space<hbm>>
        tpu.enqueue_dma source(%dma_start3A_30 : memref<128xi32, #tpu.memory_space<hbm>>) target(%dma_start3A_29 : memref<128xi32, #tpu.memory_space<vmem>>) target_semaphore(%run_scoped3A_23 : memref<!tpu.dma_semaphore, #tpu.memory_space<semaphore_mem>>)
        %dma_wait3A = arith.constant 0 : i32
        %dma_wait3A_31 = tpu.memref_slice %arg7[%run_scoped3A, %dma_wait3A] : memref<2x128xi32, #tpu.memory_space<vmem>> -> memref<1x128xi32, #tpu.memory_space<vmem>>
        %dma_wait3A_32 = tpu.memref_squeeze %dma_wait3A_31 : memref<1x128xi32, #tpu.memory_space<vmem>> -> memref<128xi32, #tpu.memory_space<vmem>>
        %dma_wait3A_33 = tpu.memref_slice %arg4[%mul3A_13] : memref<160000xi32, #tpu.memory_space<hbm>> -> memref<128xi32, #tpu.memory_space<hbm>>
        %dma_wait3A_34 = arith.constant 0 : i32
        %dma_wait3A_35 = tpu.memref_slice %arg7[%run_scoped3A, %dma_wait3A_34] : memref<2x128xi32, #tpu.memory_space<vmem>> -> memref<1x128xi32, #tpu.memory_space<vmem>>
        %dma_wait3A_36 = tpu.memref_squeeze %dma_wait3A_35 : memref<1x128xi32, #tpu.memory_space<vmem>> -> memref<128xi32, #tpu.memory_space<vmem>>
        %dma_wait3A_37 = tpu.memref_slice %arg4[%mul3A_13] : memref<160000xi32, #tpu.memory_space<hbm>> -> memref<128xi32, #tpu.memory_space<hbm>>
        tpu.wait_dma2 semaphore(%run_scoped3A_23 : memref<!tpu.dma_semaphore, #tpu.memory_space<semaphore_mem>>) src(%dma_wait3A_37 : memref<128xi32, #tpu.memory_space<hbm>>) dst(%dma_wait3A_36 : memref<128xi32, #tpu.memory_space<vmem>>)
        tpu.yield
      }) : () -> ()
      %run_scoped3A_14 = arith.constant 1 : i32
      "tpu.region"() ({
        %run_scoped3A_23 = tpu.sem_alloc : memref<!tpu.dma_semaphore, #tpu.memory_space<semaphore_mem>>
        %dma_start3A = arith.constant 0 : i32
        %dma_start3A_24 = tpu.memref_slice %arg7[%run_scoped3A_14, %dma_start3A] : memref<2x128xi32, #tpu.memory_space<vmem>> -> memref<1x128xi32, #tpu.memory_space<vmem>>
        %dma_start3A_25 = tpu.memref_squeeze %dma_start3A_24 : memref<1x128xi32, #tpu.memory_space<vmem>> -> memref<128xi32, #tpu.memory_space<vmem>>
        %dma_start3A_26 = tpu.memref_slice %arg5[%mul3A_13] : memref<160000xi32, #tpu.memory_space<hbm>> -> memref<128xi32, #tpu.memory_space<hbm>>
        %dma_start3A_27 = arith.constant 0 : i32
        %dma_start3A_28 = tpu.memref_slice %arg7[%run_scoped3A_14, %dma_start3A_27] : memref<2x128xi32, #tpu.memory_space<vmem>> -> memref<1x128xi32, #tpu.memory_space<vmem>>
        %dma_start3A_29 = tpu.memref_squeeze %dma_start3A_28 : memref<1x128xi32, #tpu.memory_space<vmem>> -> memref<128xi32, #tpu.memory_space<vmem>>
        %dma_start3A_30 = tpu.memref_slice %arg5[%mul3A_13] : memref<160000xi32, #tpu.memory_space<hbm>> -> memref<128xi32, #tpu.memory_space<hbm>>
        tpu.enqueue_dma source(%dma_start3A_30 : memref<128xi32, #tpu.memory_space<hbm>>) target(%dma_start3A_29 : memref<128xi32, #tpu.memory_space<vmem>>) target_semaphore(%run_scoped3A_23 : memref<!tpu.dma_semaphore, #tpu.memory_space<semaphore_mem>>)
        %dma_wait3A = arith.constant 0 : i32
        %dma_wait3A_31 = tpu.memref_slice %arg7[%run_scoped3A_14, %dma_wait3A] : memref<2x128xi32, #tpu.memory_space<vmem>> -> memref<1x128xi32, #tpu.memory_space<vmem>>
        %dma_wait3A_32 = tpu.memref_squeeze %dma_wait3A_31 : memref<1x128xi32, #tpu.memory_space<vmem>> -> memref<128xi32, #tpu.memory_space<vmem>>
        %dma_wait3A_33 = tpu.memref_slice %arg5[%mul3A_13] : memref<160000xi32, #tpu.memory_space<hbm>> -> memref<128xi32, #tpu.memory_space<hbm>>
        %dma_wait3A_34 = arith.constant 0 : i32
        %dma_wait3A_35 = tpu.memref_slice %arg7[%run_scoped3A_14, %dma_wait3A_34] : memref<2x128xi32, #tpu.memory_space<vmem>> -> memref<1x128xi32, #tpu.memory_space<vmem>>
        %dma_wait3A_36 = tpu.memref_squeeze %dma_wait3A_35 : memref<1x128xi32, #tpu.memory_space<vmem>> -> memref<128xi32, #tpu.memory_space<vmem>>
        %dma_wait3A_37 = tpu.memref_slice %arg5[%mul3A_13] : memref<160000xi32, #tpu.memory_space<hbm>> -> memref<128xi32, #tpu.memory_space<hbm>>
        tpu.wait_dma2 semaphore(%run_scoped3A_23 : memref<!tpu.dma_semaphore, #tpu.memory_space<semaphore_mem>>) src(%dma_wait3A_37 : memref<128xi32, #tpu.memory_space<hbm>>) dst(%dma_wait3A_36 : memref<128xi32, #tpu.memory_space<vmem>>)
        tpu.yield
      }) : () -> ()
      "tpu.region"() ({
        %run_scoped3A_23 = tpu.sem_alloc : memref<!tpu.dma_semaphore, #tpu.memory_space<semaphore_mem>>
        %dma_start3A = arith.constant 0 : i32
        %dma_start3A_24 = tpu.memref_slice %arg3[%mul3A_13, %dma_start3A] : memref<160000x128xf32, #tpu.memory_space<hbm>> -> memref<128x128xf32, #tpu.memory_space<hbm>>
        %dma_start3A_25 = arith.constant 0 : i32
        %dma_start3A_26 = tpu.memref_slice %arg3[%mul3A_13, %dma_start3A_25] : memref<160000x128xf32, #tpu.memory_space<hbm>> -> memref<128x128xf32, #tpu.memory_space<hbm>>
        tpu.enqueue_dma source(%dma_start3A_26 : memref<128x128xf32, #tpu.memory_space<hbm>>) target(%arg10 : memref<128x128xf32, #tpu.memory_space<vmem>>) target_semaphore(%run_scoped3A_23 : memref<!tpu.dma_semaphore, #tpu.memory_space<semaphore_mem>>)
        %dma_wait3A = arith.constant 0 : i32
        %dma_wait3A_27 = tpu.memref_slice %arg3[%mul3A_13, %dma_wait3A] : memref<160000x128xf32, #tpu.memory_space<hbm>> -> memref<128x128xf32, #tpu.memory_space<hbm>>
        %dma_wait3A_28 = arith.constant 0 : i32
        %dma_wait3A_29 = tpu.memref_slice %arg3[%mul3A_13, %dma_wait3A_28] : memref<160000x128xf32, #tpu.memory_space<hbm>> -> memref<128x128xf32, #tpu.memory_space<hbm>>
        tpu.wait_dma2 semaphore(%run_scoped3A_23 : memref<!tpu.dma_semaphore, #tpu.memory_space<semaphore_mem>>) src(%dma_wait3A_29 : memref<128x128xf32, #tpu.memory_space<hbm>>) dst(%arg10 : memref<128x128xf32, #tpu.memory_space<vmem>>)
        tpu.yield
      }) : () -> ()
      %run_scoped3A_15 = arith.constant 0 : i32
      "tpu.region"() ({
        %run_scoped3A_23 = tpu.sem_alloc : memref<!tpu.dma_semaphore, #tpu.memory_space<semaphore_mem>>
        %dma_start3A = arith.constant 0 : i32
        %dma_start3A_24 = tpu.memref_slice %arg7[%run_scoped3A_15, %dma_start3A] : memref<2x128xi32, #tpu.memory_space<vmem>> -> memref<1x128xi32, #tpu.memory_space<vmem>>
        %dma_start3A_25 = tpu.memref_squeeze %dma_start3A_24 : memref<1x128xi32, #tpu.memory_space<vmem>> -> memref<128xi32, #tpu.memory_space<vmem>>
        %dma_start3A_26 = arith.constant 0 : i32
        %dma_start3A_27 = arith.constant 0 : i32
        %dma_start3A_28 = tpu.memref_slice %arg2[%dma_start3A_26, %dma_start3A_27] : memref<10000x128xf32, #tpu.memory_space<hbm>> -> memref<10000x128xf32, #tpu.memory_space<hbm>>
        tpu.enqueue_indirect_dma source(%dma_start3A_28 : memref<10000x128xf32, #tpu.memory_space<hbm>>) target(%arg8 : memref<128x128xf32, #tpu.memory_space<vmem>>) offsets(%dma_start3A_25 : memref<128xi32, #tpu.memory_space<vmem>>) semaphore(%run_scoped3A_23 : memref<!tpu.dma_semaphore, #tpu.memory_space<semaphore_mem>>)
        %dma_wait3A = arith.constant 0 : i32
        %dma_wait3A_29 = tpu.memref_slice %arg7[%run_scoped3A_15, %dma_wait3A] : memref<2x128xi32, #tpu.memory_space<vmem>> -> memref<1x128xi32, #tpu.memory_space<vmem>>
        %dma_wait3A_30 = tpu.memref_squeeze %dma_wait3A_29 : memref<1x128xi32, #tpu.memory_space<vmem>> -> memref<128xi32, #tpu.memory_space<vmem>>
        %dma_wait3A_31 = arith.constant 0 : i32
        %dma_wait3A_32 = arith.constant 0 : i32
        %dma_wait3A_33 = tpu.memref_slice %arg2[%dma_wait3A_31, %dma_wait3A_32] : memref<10000x128xf32, #tpu.memory_space<hbm>> -> memref<10000x128xf32, #tpu.memory_space<hbm>>
        tpu.wait_indirect_dma semaphore(%run_scoped3A_23 : memref<!tpu.dma_semaphore, #tpu.memory_space<semaphore_mem>>) src(%dma_wait3A_33 : memref<10000x128xf32, #tpu.memory_space<hbm>>) dst(%arg8 : memref<128x128xf32, #tpu.memory_space<vmem>>)
        tpu.yield
      }) : () -> ()
      %run_scoped3A_16 = arith.constant 1 : i32
      "tpu.region"() ({
        %run_scoped3A_23 = tpu.sem_alloc : memref<!tpu.dma_semaphore, #tpu.memory_space<semaphore_mem>>
        %dma_start3A = arith.constant 0 : i32
        %dma_start3A_24 = tpu.memref_slice %arg7[%run_scoped3A_16, %dma_start3A] : memref<2x128xi32, #tpu.memory_space<vmem>> -> memref<1x128xi32, #tpu.memory_space<vmem>>
        %dma_start3A_25 = tpu.memref_squeeze %dma_start3A_24 : memref<1x128xi32, #tpu.memory_space<vmem>> -> memref<128xi32, #tpu.memory_space<vmem>>
        %dma_start3A_26 = arith.constant 0 : i32
        %dma_start3A_27 = arith.constant 0 : i32
        %dma_start3A_28 = tpu.memref_slice %arg2[%dma_start3A_26, %dma_start3A_27] : memref<10000x128xf32, #tpu.memory_space<hbm>> -> memref<10000x128xf32, #tpu.memory_space<hbm>>
        tpu.enqueue_indirect_dma source(%dma_start3A_28 : memref<10000x128xf32, #tpu.memory_space<hbm>>) target(%arg9 : memref<128x128xf32, #tpu.memory_space<vmem>>) offsets(%dma_start3A_25 : memref<128xi32, #tpu.memory_space<vmem>>) semaphore(%run_scoped3A_23 : memref<!tpu.dma_semaphore, #tpu.memory_space<semaphore_mem>>)
        %dma_wait3A = arith.constant 0 : i32
        %dma_wait3A_29 = tpu.memref_slice %arg7[%run_scoped3A_16, %dma_wait3A] : memref<2x128xi32, #tpu.memory_space<vmem>> -> memref<1x128xi32, #tpu.memory_space<vmem>>
        %dma_wait3A_30 = tpu.memref_squeeze %dma_wait3A_29 : memref<1x128xi32, #tpu.memory_space<vmem>> -> memref<128xi32, #tpu.memory_space<vmem>>
        %dma_wait3A_31 = arith.constant 0 : i32
        %dma_wait3A_32 = arith.constant 0 : i32
        %dma_wait3A_33 = tpu.memref_slice %arg2[%dma_wait3A_31, %dma_wait3A_32] : memref<10000x128xf32, #tpu.memory_space<hbm>> -> memref<10000x128xf32, #tpu.memory_space<hbm>>
        tpu.wait_indirect_dma semaphore(%run_scoped3A_23 : memref<!tpu.dma_semaphore, #tpu.memory_space<semaphore_mem>>) src(%dma_wait3A_33 : memref<10000x128xf32, #tpu.memory_space<hbm>>) dst(%arg9 : memref<128x128xf32, #tpu.memory_space<vmem>>)
        tpu.yield
      }) : () -> ()
      %scan3A_17 = arith.constant 0 : i32
      %scan3A_18 = arith.constant 0 : i32
      %scan3A_19 = arith.constant 128 : i32
      %scan3A_20 = arith.addi %scan3A_18, %scan3A_19 : i32
      %scan3A_21 = arith.constant 1 : i32
      scf.for %scan3A_23 = %scan3A_18 to %scan3A_20 step %scan3A_21  : i32 {
        %get3A = arith.index_cast %scan3A_23 : i32 to index
        %get3A_24 = arith.constant 0 : index
        %get3A_25 = tpu.vector_load %arg10[%get3A, %get3A_24] {strides = array<i32>} : memref<128x128xf32, #tpu.memory_space<vmem>>, vector<1x16xf32>,
        %get3A_26 = vector.shape_cast %get3A_25 : vector<1x16xf32> to vector<16xf32>
        %get3A_27 = arith.index_cast %scan3A_23 : i32 to index
        %get3A_28 = arith.constant 0 : index
        %get3A_29 = tpu.vector_load %arg8[%get3A_27, %get3A_28] {strides = array<i32>} : memref<128x128xf32, #tpu.memory_space<vmem>>, vector<1x16xf32>,
        %get3A_30 = vector.shape_cast %get3A_29 : vector<1x16xf32> to vector<16xf32>
        %add3A_31 = arith.addf %get3A_26, %get3A_30 : vector<16xf32>
        %get3A_32 = arith.index_cast %scan3A_23 : i32 to index
        %get3A_33 = arith.constant 0 : index
        %get3A_34 = tpu.vector_load %arg9[%get3A_32, %get3A_33] {strides = array<i32>} : memref<128x128xf32, #tpu.memory_space<vmem>>, vector<1x16xf32>,
        %get3A_35 = vector.shape_cast %get3A_34 : vector<1x16xf32> to vector<16xf32>
        %add3A_36 = arith.addf %add3A_31, %get3A_35 : vector<16xf32>
        %swap3A = arith.index_cast %scan3A_23 : i32 to index
        %swap3A_37 = arith.constant 0 : index
        %swap3A_38 = tpu.vector_load %arg10[%swap3A, %swap3A_37] {strides = array<i32>} : memref<128x128xf32, #tpu.memory_space<vmem>>, vector<1x16xf32>,
        %swap3A_39 = vector.shape_cast %swap3A_38 : vector<1x16xf32> to vector<16xf32>
        %swap3A_40 = vector.shape_cast %add3A_36 : vector<16xf32> to vector<1x16xf32>
        tpu.vector_store %arg10[%swap3A, %swap3A_37], %swap3A_40 {strides = array<i32>} : memref<128x128xf32, #tpu.memory_space<vmem>>, vector<1x16xf32>,
        %get3A_41 = arith.index_cast %scan3A_23 : i32 to index
        %get3A_42 = arith.constant 16 : index
        %get3A_43 = tpu.vector_load %arg10[%get3A_41, %get3A_42] {strides = array<i32>} : memref<128x128xf32, #tpu.memory_space<vmem>>, vector<1x16xf32>,
        %get3A_44 = vector.shape_cast %get3A_43 : vector<1x16xf32> to vector<16xf32>
        %get3A_45 = arith.index_cast %scan3A_23 : i32 to index
        %get3A_46 = arith.constant 16 : index
        %get3A_47 = tpu.vector_load %arg8[%get3A_45, %get3A_46] {strides = array<i32>} : memref<128x128xf32, #tpu.memory_space<vmem>>, vector<1x16xf32>,
        %get3A_48 = vector.shape_cast %get3A_47 : vector<1x16xf32> to vector<16xf32>
        %add3A_49 = arith.addf %get3A_44, %get3A_48 : vector<16xf32>
        %get3A_50 = arith.index_cast %scan3A_23 : i32 to index
        %get3A_51 = arith.constant 16 : index
        %get3A_52 = tpu.vector_load %arg9[%get3A_50, %get3A_51] {strides = array<i32>} : memref<128x128xf32, #tpu.memory_space<vmem>>, vector<1x16xf32>,
        %get3A_53 = vector.shape_cast %get3A_52 : vector<1x16xf32> to vector<16xf32>
        %add3A_54 = arith.addf %add3A_49, %get3A_53 : vector<16xf32>
        %swap3A_55 = arith.index_cast %scan3A_23 : i32 to index
        %swap3A_56 = arith.constant 16 : index
        %swap3A_57 = tpu.vector_load %arg10[%swap3A_55, %swap3A_56] {strides = array<i32>} : memref<128x128xf32, #tpu.memory_space<vmem>>, vector<1x16xf32>,
        %swap3A_58 = vector.shape_cast %swap3A_57 : vector<1x16xf32> to vector<16xf32>
        %swap3A_59 = vector.shape_cast %add3A_54 : vector<16xf32> to vector<1x16xf32>
        tpu.vector_store %arg10[%swap3A_55, %swap3A_56], %swap3A_59 {strides = array<i32>} : memref<128x128xf32, #tpu.memory_space<vmem>>, vector<1x16xf32>,
        %get3A_60 = arith.index_cast %scan3A_23 : i32 to index
        %get3A_61 = arith.constant 32 : index
        %get3A_62 = tpu.vector_load %arg10[%get3A_60, %get3A_61] {strides = array<i32>} : memref<128x128xf32, #tpu.memory_space<vmem>>, vector<1x16xf32>,
        %get3A_63 = vector.shape_cast %get3A_62 : vector<1x16xf32> to vector<16xf32>
        %get3A_64 = arith.index_cast %scan3A_23 : i32 to index
        %get3A_65 = arith.constant 32 : index
        %get3A_66 = tpu.vector_load %arg8[%get3A_64, %get3A_65] {strides = array<i32>} : memref<128x128xf32, #tpu.memory_space<vmem>>, vector<1x16xf32>,
        %get3A_67 = vector.shape_cast %get3A_66 : vector<1x16xf32> to vector<16xf32>
        %add3A_68 = arith.addf %get3A_63, %get3A_67 : vector<16xf32>
        %get3A_69 = arith.index_cast %scan3A_23 : i32 to index
        %get3A_70 = arith.constant 32 : index
        %get3A_71 = tpu.vector_load %arg9[%get3A_69, %get3A_70] {strides = array<i32>} : memref<128x128xf32, #tpu.memory_space<vmem>>, vector<1x16xf32>,
        %get3A_72 = vector.shape_cast %get3A_71 : vector<1x16xf32> to vector<16xf32>
        %add3A_73 = arith.addf %add3A_68, %get3A_72 : vector<16xf32>
        %swap3A_74 = arith.index_cast %scan3A_23 : i32 to index
        %swap3A_75 = arith.constant 32 : index
        %swap3A_76 = tpu.vector_load %arg10[%swap3A_74, %swap3A_75] {strides = array<i32>} : memref<128x128xf32, #tpu.memory_space<vmem>>, vector<1x16xf32>,
        %swap3A_77 = vector.shape_cast %swap3A_76 : vector<1x16xf32> to vector<16xf32>
        %swap3A_78 = vector.shape_cast %add3A_73 : vector<16xf32> to vector<1x16xf32>
        tpu.vector_store %arg10[%swap3A_74, %swap3A_75], %swap3A_78 {strides = array<i32>} : memref<128x128xf32, #tpu.memory_space<vmem>>, vector<1x16xf32>,
        %get3A_79 = arith.index_cast %scan3A_23 : i32 to index
        %get3A_80 = arith.constant 48 : index
        %get3A_81 = tpu.vector_load %arg10[%get3A_79, %get3A_80] {strides = array<i32>} : memref<128x128xf32, #tpu.memory_space<vmem>>, vector<1x16xf32>,
        %get3A_82 = vector.shape_cast %get3A_81 : vector<1x16xf32> to vector<16xf32>
        %get3A_83 = arith.index_cast %scan3A_23 : i32 to index
        %get3A_84 = arith.constant 48 : index
        %get3A_85 = tpu.vector_load %arg8[%get3A_83, %get3A_84] {strides = array<i32>} : memref<128x128xf32, #tpu.memory_space<vmem>>, vector<1x16xf32>,
        %get3A_86 = vector.shape_cast %get3A_85 : vector<1x16xf32> to vector<16xf32>
        %add3A_87 = arith.addf %get3A_82, %get3A_86 : vector<16xf32>
        %get3A_88 = arith.index_cast %scan3A_23 : i32 to index
        %get3A_89 = arith.constant 48 : index
        %get3A_90 = tpu.vector_load %arg9[%get3A_88, %get3A_89] {strides = array<i32>} : memref<128x128xf32, #tpu.memory_space<vmem>>, vector<1x16xf32>,
        %get3A_91 = vector.shape_cast %get3A_90 : vector<1x16xf32> to vector<16xf32>
        %add3A_92 = arith.addf %add3A_87, %get3A_91 : vector<16xf32>
        %swap3A_93 = arith.index_cast %scan3A_23 : i32 to index
        %swap3A_94 = arith.constant 48 : index
        %swap3A_95 = tpu.vector_load %arg10[%swap3A_93, %swap3A_94] {strides = array<i32>} : memref<128x128xf32, #tpu.memory_space<vmem>>, vector<1x16xf32>,
        %swap3A_96 = vector.shape_cast %swap3A_95 : vector<1x16xf32> to vector<16xf32>
        %swap3A_97 = vector.shape_cast %add3A_92 : vector<16xf32> to vector<1x16xf32>
        tpu.vector_store %arg10[%swap3A_93, %swap3A_94], %swap3A_97 {strides = array<i32>} : memref<128x128xf32, #tpu.memory_space<vmem>>, vector<1x16xf32>,
        %get3A_98 = arith.index_cast %scan3A_23 : i32 to index
        %get3A_99 = arith.constant 64 : index
        %get3A_100 = tpu.vector_load %arg10[%get3A_98, %get3A_99] {strides = array<i32>} : memref<128x128xf32, #tpu.memory_space<vmem>>, vector<1x16xf32>,
        %get3A_101 = vector.shape_cast %get3A_100 : vector<1x16xf32> to vector<16xf32>
        %get3A_102 = arith.index_cast %scan3A_23 : i32 to index
        %get3A_103 = arith.constant 64 : index
        %get3A_104 = tpu.vector_load %arg8[%get3A_102, %get3A_103] {strides = array<i32>} : memref<128x128xf32, #tpu.memory_space<vmem>>, vector<1x16xf32>,
        %get3A_105 = vector.shape_cast %get3A_104 : vector<1x16xf32> to vector<16xf32>
        %add3A_106 = arith.addf %get3A_101, %get3A_105 : vector<16xf32>
        %get3A_107 = arith.index_cast %scan3A_23 : i32 to index
        %get3A_108 = arith.constant 64 : index
        %get3A_109 = tpu.vector_load %arg9[%get3A_107, %get3A_108] {strides = array<i32>} : memref<128x128xf32, #tpu.memory_space<vmem>>, vector<1x16xf32>,
        %get3A_110 = vector.shape_cast %get3A_109 : vector<1x16xf32> to vector<16xf32>
        %add3A_111 = arith.addf %add3A_106, %get3A_110 : vector<16xf32>
        %swap3A_112 = arith.index_cast %scan3A_23 : i32 to index
        %swap3A_113 = arith.constant 64 : index
        %swap3A_114 = tpu.vector_load %arg10[%swap3A_112, %swap3A_113] {strides = array<i32>} : memref<128x128xf32, #tpu.memory_space<vmem>>, vector<1x16xf32>,
        %swap3A_115 = vector.shape_cast %swap3A_114 : vector<1x16xf32> to vector<16xf32>
        %swap3A_116 = vector.shape_cast %add3A_111 : vector<16xf32> to vector<1x16xf32>
        tpu.vector_store %arg10[%swap3A_112, %swap3A_113], %swap3A_116 {strides = array<i32>} : memref<128x128xf32, #tpu.memory_space<vmem>>, vector<1x16xf32>,
        %get3A_117 = arith.index_cast %scan3A_23 : i32 to index
        %get3A_118 = arith.constant 80 : index
        %get3A_119 = tpu.vector_load %arg10[%get3A_117, %get3A_118] {strides = array<i32>} : memref<128x128xf32, #tpu.memory_space<vmem>>, vector<1x16xf32>,
        %get3A_120 = vector.shape_cast %get3A_119 : vector<1x16xf32> to vector<16xf32>
        %get3A_121 = arith.index_cast %scan3A_23 : i32 to index
        %get3A_122 = arith.constant 80 : index
        %get3A_123 = tpu.vector_load %arg8[%get3A_121, %get3A_122] {strides = array<i32>} : memref<128x128xf32, #tpu.memory_space<vmem>>, vector<1x16xf32>,
        %get3A_124 = vector.shape_cast %get3A_123 : vector<1x16xf32> to vector<16xf32>
        %add3A_125 = arith.addf %get3A_120, %get3A_124 : vector<16xf32>
        %get3A_126 = arith.index_cast %scan3A_23 : i32 to index
        %get3A_127 = arith.constant 80 : index
        %get3A_128 = tpu.vector_load %arg9[%get3A_126, %get3A_127] {strides = array<i32>} : memref<128x128xf32, #tpu.memory_space<vmem>>, vector<1x16xf32>,
        %get3A_129 = vector.shape_cast %get3A_128 : vector<1x16xf32> to vector<16xf32>
        %add3A_130 = arith.addf %add3A_125, %get3A_129 : vector<16xf32>
        %swap3A_131 = arith.index_cast %scan3A_23 : i32 to index
        %swap3A_132 = arith.constant 80 : index
        %swap3A_133 = tpu.vector_load %arg10[%swap3A_131, %swap3A_132] {strides = array<i32>} : memref<128x128xf32, #tpu.memory_space<vmem>>, vector<1x16xf32>,
        %swap3A_134 = vector.shape_cast %swap3A_133 : vector<1x16xf32> to vector<16xf32>
        %swap3A_135 = vector.shape_cast %add3A_130 : vector<16xf32> to vector<1x16xf32>
        tpu.vector_store %arg10[%swap3A_131, %swap3A_132], %swap3A_135 {strides = array<i32>} : memref<128x128xf32, #tpu.memory_space<vmem>>, vector<1x16xf32>,
        %get3A_136 = arith.index_cast %scan3A_23 : i32 to index
        %get3A_137 = arith.constant 96 : index
        %get3A_138 = tpu.vector_load %arg10[%get3A_136, %get3A_137] {strides = array<i32>} : memref<128x128xf32, #tpu.memory_space<vmem>>, vector<1x16xf32>,
        %get3A_139 = vector.shape_cast %get3A_138 : vector<1x16xf32> to vector<16xf32>
        %get3A_140 = arith.index_cast %scan3A_23 : i32 to index
        %get3A_141 = arith.constant 96 : index
        %get3A_142 = tpu.vector_load %arg8[%get3A_140, %get3A_141] {strides = array<i32>} : memref<128x128xf32, #tpu.memory_space<vmem>>, vector<1x16xf32>,
        %get3A_143 = vector.shape_cast %get3A_142 : vector<1x16xf32> to vector<16xf32>
        %add3A_144 = arith.addf %get3A_139, %get3A_143 : vector<16xf32>
        %get3A_145 = arith.index_cast %scan3A_23 : i32 to index
        %get3A_146 = arith.constant 96 : index
        %get3A_147 = tpu.vector_load %arg9[%get3A_145, %get3A_146] {strides = array<i32>} : memref<128x128xf32, #tpu.memory_space<vmem>>, vector<1x16xf32>,
        %get3A_148 = vector.shape_cast %get3A_147 : vector<1x16xf32> to vector<16xf32>
        %add3A_149 = arith.addf %add3A_144, %get3A_148 : vector<16xf32>
        %swap3A_150 = arith.index_cast %scan3A_23 : i32 to index
        %swap3A_151 = arith.constant 96 : index
        %swap3A_152 = tpu.vector_load %arg10[%swap3A_150, %swap3A_151] {strides = array<i32>} : memref<128x128xf32, #tpu.memory_space<vmem>>, vector<1x16xf32>,
        %swap3A_153 = vector.shape_cast %swap3A_152 : vector<1x16xf32> to vector<16xf32>
        %swap3A_154 = vector.shape_cast %add3A_149 : vector<16xf32> to vector<1x16xf32>
        tpu.vector_store %arg10[%swap3A_150, %swap3A_151], %swap3A_154 {strides = array<i32>} : memref<128x128xf32, #tpu.memory_space<vmem>>, vector<1x16xf32>,
        %get3A_155 = arith.index_cast %scan3A_23 : i32 to index
        %get3A_156 = arith.constant 112 : index
        %get3A_157 = tpu.vector_load %arg10[%get3A_155, %get3A_156] {strides = array<i32>} : memref<128x128xf32, #tpu.memory_space<vmem>>, vector<1x16xf32>,
        %get3A_158 = vector.shape_cast %get3A_157 : vector<1x16xf32> to vector<16xf32>
        %get3A_159 = arith.index_cast %scan3A_23 : i32 to index
        %get3A_160 = arith.constant 112 : index
        %get3A_161 = tpu.vector_load %arg8[%get3A_159, %get3A_160] {strides = array<i32>} : memref<128x128xf32, #tpu.memory_space<vmem>>, vector<1x16xf32>,
        %get3A_162 = vector.shape_cast %get3A_161 : vector<1x16xf32> to vector<16xf32>
        %add3A_163 = arith.addf %get3A_158, %get3A_162 : vector<16xf32>
        %get3A_164 = arith.index_cast %scan3A_23 : i32 to index
        %get3A_165 = arith.constant 112 : index
        %get3A_166 = tpu.vector_load %arg9[%get3A_164, %get3A_165] {strides = array<i32>} : memref<128x128xf32, #tpu.memory_space<vmem>>, vector<1x16xf32>,
        %get3A_167 = vector.shape_cast %get3A_166 : vector<1x16xf32> to vector<16xf32>
        %add3A_168 = arith.addf %add3A_163, %get3A_167 : vector<16xf32>
        %swap3A_169 = arith.index_cast %scan3A_23 : i32 to index
        %swap3A_170 = arith.constant 112 : index
        %swap3A_171 = tpu.vector_load %arg10[%swap3A_169, %swap3A_170] {strides = array<i32>} : memref<128x128xf32, #tpu.memory_space<vmem>>, vector<1x16xf32>,
        %swap3A_172 = vector.shape_cast %swap3A_171 : vector<1x16xf32> to vector<16xf32>
        %swap3A_173 = vector.shape_cast %add3A_168 : vector<16xf32> to vector<1x16xf32>
        tpu.vector_store %arg10[%swap3A_169, %swap3A_170], %swap3A_173 {strides = array<i32>} : memref<128x128xf32, #tpu.memory_space<vmem>>, vector<1x16xf32>,
      }
      %scan3A_22 = arith.constant 128 : i32
      "tpu.region"() ({
        %run_scoped3A_23 = tpu.sem_alloc : memref<!tpu.dma_semaphore, #tpu.memory_space<semaphore_mem>>
        %dma_start3A = arith.constant 0 : i32
        %dma_start3A_24 = tpu.memref_slice %arg6[%mul3A_13, %dma_start3A] : memref<160000x128xf32, #tpu.memory_space<hbm>> -> memref<128x128xf32, #tpu.memory_space<hbm>>
        %dma_start3A_25 = arith.constant 0 : i32
        %dma_start3A_26 = tpu.memref_slice %arg6[%mul3A_13, %dma_start3A_25] : memref<160000x128xf32, #tpu.memory_space<hbm>> -> memref<128x128xf32, #tpu.memory_space<hbm>>
        tpu.enqueue_dma source(%arg10 : memref<128x128xf32, #tpu.memory_space<vmem>>) target(%dma_start3A_26 : memref<128x128xf32, #tpu.memory_space<hbm>>) target_semaphore(%run_scoped3A_23 : memref<!tpu.dma_semaphore, #tpu.memory_space<semaphore_mem>>)
        %dma_wait3A = arith.constant 0 : i32
        %dma_wait3A_27 = tpu.memref_slice %arg6[%mul3A_13, %dma_wait3A] : memref<160000x128xf32, #tpu.memory_space<hbm>> -> memref<128x128xf32, #tpu.memory_space<hbm>>
        %dma_wait3A_28 = arith.constant 0 : i32
        %dma_wait3A_29 = tpu.memref_slice %arg6[%mul3A_13, %dma_wait3A_28] : memref<160000x128xf32, #tpu.memory_space<hbm>> -> memref<128x128xf32, #tpu.memory_space<hbm>>
        tpu.wait_dma2 semaphore(%run_scoped3A_23 : memref<!tpu.dma_semaphore, #tpu.memory_space<semaphore_mem>>) src(%arg10 : memref<128x128xf32, #tpu.memory_space<vmem>>) dst(%dma_wait3A_29 : memref<128x128xf32, #tpu.memory_space<hbm>>)
        tpu.yield
      }) : () -> ()
    }
    %scan3A_5 = arith.constant 39 : i32
    %lt3A = arith.constant 2 : i32
    %lt3A_6 = arith.cmpi slt, %add3A, %lt3A : i32
    %convert_element_type3A = arith.extui %lt3A_6 : i1 to i32
    %cond3A = arith.constant 0 : i32
    %cond3A_7 = arith.cmpi ne, %convert_element_type3A, %cond3A : i32
    scf.if %cond3A_7 {
      %add3A_8 = arith.constant 1248 : i32
      %add3A_9 = arith.addi %add3A_8, %add3A : i32
      %mul3A_10 = arith.constant 128 : i32
      %mul3A_11 = arith.muli %add3A_9, %mul3A_10 : i32
      %run_scoped3A = arith.constant 0 : i32
      "tpu.region"() ({
        %run_scoped3A_21 = tpu.sem_alloc : memref<!tpu.dma_semaphore, #tpu.memory_space<semaphore_mem>>
        %dma_start3A = arith.constant 0 : i32
        %dma_start3A_22 = tpu.memref_slice %arg7[%run_scoped3A, %dma_start3A] : memref<2x128xi32, #tpu.memory_space<vmem>> -> memref<1x128xi32, #tpu.memory_space<vmem>>
        %dma_start3A_23 = tpu.memref_squeeze %dma_start3A_22 : memref<1x128xi32, #tpu.memory_space<vmem>> -> memref<128xi32, #tpu.memory_space<vmem>>
        %dma_start3A_24 = tpu.memref_slice %arg4[%mul3A_11] : memref<160000xi32, #tpu.memory_space<hbm>> -> memref<128xi32, #tpu.memory_space<hbm>>
        %dma_start3A_25 = arith.constant 0 : i32
        %dma_start3A_26 = tpu.memref_slice %arg7[%run_scoped3A, %dma_start3A_25] : memref<2x128xi32, #tpu.memory_space<vmem>> -> memref<1x128xi32, #tpu.memory_space<vmem>>
        %dma_start3A_27 = tpu.memref_squeeze %dma_start3A_26 : memref<1x128xi32, #tpu.memory_space<vmem>> -> memref<128xi32, #tpu.memory_space<vmem>>
        %dma_start3A_28 = tpu.memref_slice %arg4[%mul3A_11] : memref<160000xi32, #tpu.memory_space<hbm>> -> memref<128xi32, #tpu.memory_space<hbm>>
        tpu.enqueue_dma source(%dma_start3A_28 : memref<128xi32, #tpu.memory_space<hbm>>) target(%dma_start3A_27 : memref<128xi32, #tpu.memory_space<vmem>>) target_semaphore(%run_scoped3A_21 : memref<!tpu.dma_semaphore, #tpu.memory_space<semaphore_mem>>)
        %dma_wait3A = arith.constant 0 : i32
        %dma_wait3A_29 = tpu.memref_slice %arg7[%run_scoped3A, %dma_wait3A] : memref<2x128xi32, #tpu.memory_space<vmem>> -> memref<1x128xi32, #tpu.memory_space<vmem>>
        %dma_wait3A_30 = tpu.memref_squeeze %dma_wait3A_29 : memref<1x128xi32, #tpu.memory_space<vmem>> -> memref<128xi32, #tpu.memory_space<vmem>>
        %dma_wait3A_31 = tpu.memref_slice %arg4[%mul3A_11] : memref<160000xi32, #tpu.memory_space<hbm>> -> memref<128xi32, #tpu.memory_space<hbm>>
        %dma_wait3A_32 = arith.constant 0 : i32
        %dma_wait3A_33 = tpu.memref_slice %arg7[%run_scoped3A, %dma_wait3A_32] : memref<2x128xi32, #tpu.memory_space<vmem>> -> memref<1x128xi32, #tpu.memory_space<vmem>>
        %dma_wait3A_34 = tpu.memref_squeeze %dma_wait3A_33 : memref<1x128xi32, #tpu.memory_space<vmem>> -> memref<128xi32, #tpu.memory_space<vmem>>
        %dma_wait3A_35 = tpu.memref_slice %arg4[%mul3A_11] : memref<160000xi32, #tpu.memory_space<hbm>> -> memref<128xi32, #tpu.memory_space<hbm>>
        tpu.wait_dma2 semaphore(%run_scoped3A_21 : memref<!tpu.dma_semaphore, #tpu.memory_space<semaphore_mem>>) src(%dma_wait3A_35 : memref<128xi32, #tpu.memory_space<hbm>>) dst(%dma_wait3A_34 : memref<128xi32, #tpu.memory_space<vmem>>)
        tpu.yield
      }) : () -> ()
      %run_scoped3A_12 = arith.constant 1 : i32
      "tpu.region"() ({
        %run_scoped3A_21 = tpu.sem_alloc : memref<!tpu.dma_semaphore, #tpu.memory_space<semaphore_mem>>
        %dma_start3A = arith.constant 0 : i32
        %dma_start3A_22 = tpu.memref_slice %arg7[%run_scoped3A_12, %dma_start3A] : memref<2x128xi32, #tpu.memory_space<vmem>> -> memref<1x128xi32, #tpu.memory_space<vmem>>
        %dma_start3A_23 = tpu.memref_squeeze %dma_start3A_22 : memref<1x128xi32, #tpu.memory_space<vmem>> -> memref<128xi32, #tpu.memory_space<vmem>>
        %dma_start3A_24 = tpu.memref_slice %arg5[%mul3A_11] : memref<160000xi32, #tpu.memory_space<hbm>> -> memref<128xi32, #tpu.memory_space<hbm>>
        %dma_start3A_25 = arith.constant 0 : i32
        %dma_start3A_26 = tpu.memref_slice %arg7[%run_scoped3A_12, %dma_start3A_25] : memref<2x128xi32, #tpu.memory_space<vmem>> -> memref<1x128xi32, #tpu.memory_space<vmem>>
        %dma_start3A_27 = tpu.memref_squeeze %dma_start3A_26 : memref<1x128xi32, #tpu.memory_space<vmem>> -> memref<128xi32, #tpu.memory_space<vmem>>
        %dma_start3A_28 = tpu.memref_slice %arg5[%mul3A_11] : memref<160000xi32, #tpu.memory_space<hbm>> -> memref<128xi32, #tpu.memory_space<hbm>>
        tpu.enqueue_dma source(%dma_start3A_28 : memref<128xi32, #tpu.memory_space<hbm>>) target(%dma_start3A_27 : memref<128xi32, #tpu.memory_space<vmem>>) target_semaphore(%run_scoped3A_21 : memref<!tpu.dma_semaphore, #tpu.memory_space<semaphore_mem>>)
        %dma_wait3A = arith.constant 0 : i32
        %dma_wait3A_29 = tpu.memref_slice %arg7[%run_scoped3A_12, %dma_wait3A] : memref<2x128xi32, #tpu.memory_space<vmem>> -> memref<1x128xi32, #tpu.memory_space<vmem>>
        %dma_wait3A_30 = tpu.memref_squeeze %dma_wait3A_29 : memref<1x128xi32, #tpu.memory_space<vmem>> -> memref<128xi32, #tpu.memory_space<vmem>>
        %dma_wait3A_31 = tpu.memref_slice %arg5[%mul3A_11] : memref<160000xi32, #tpu.memory_space<hbm>> -> memref<128xi32, #tpu.memory_space<hbm>>
        %dma_wait3A_32 = arith.constant 0 : i32
        %dma_wait3A_33 = tpu.memref_slice %arg7[%run_scoped3A_12, %dma_wait3A_32] : memref<2x128xi32, #tpu.memory_space<vmem>> -> memref<1x128xi32, #tpu.memory_space<vmem>>
        %dma_wait3A_34 = tpu.memref_squeeze %dma_wait3A_33 : memref<1x128xi32, #tpu.memory_space<vmem>> -> memref<128xi32, #tpu.memory_space<vmem>>
        %dma_wait3A_35 = tpu.memref_slice %arg5[%mul3A_11] : memref<160000xi32, #tpu.memory_space<hbm>> -> memref<128xi32, #tpu.memory_space<hbm>>
        tpu.wait_dma2 semaphore(%run_scoped3A_21 : memref<!tpu.dma_semaphore, #tpu.memory_space<semaphore_mem>>) src(%dma_wait3A_35 : memref<128xi32, #tpu.memory_space<hbm>>) dst(%dma_wait3A_34 : memref<128xi32, #tpu.memory_space<vmem>>)
        tpu.yield
      }) : () -> ()
      "tpu.region"() ({
        %run_scoped3A_21 = tpu.sem_alloc : memref<!tpu.dma_semaphore, #tpu.memory_space<semaphore_mem>>
        %dma_start3A = arith.constant 0 : i32
        %dma_start3A_22 = tpu.memref_slice %arg3[%mul3A_11, %dma_start3A] : memref<160000x128xf32, #tpu.memory_space<hbm>> -> memref<128x128xf32, #tpu.memory_space<hbm>>
        %dma_start3A_23 = arith.constant 0 : i32
        %dma_start3A_24 = tpu.memref_slice %arg3[%mul3A_11, %dma_start3A_23] : memref<160000x128xf32, #tpu.memory_space<hbm>> -> memref<128x128xf32, #tpu.memory_space<hbm>>
        tpu.enqueue_dma source(%dma_start3A_24 : memref<128x128xf32, #tpu.memory_space<hbm>>) target(%arg10 : memref<128x128xf32, #tpu.memory_space<vmem>>) target_semaphore(%run_scoped3A_21 : memref<!tpu.dma_semaphore, #tpu.memory_space<semaphore_mem>>)
        %dma_wait3A = arith.constant 0 : i32
        %dma_wait3A_25 = tpu.memref_slice %arg3[%mul3A_11, %dma_wait3A] : memref<160000x128xf32, #tpu.memory_space<hbm>> -> memref<128x128xf32, #tpu.memory_space<hbm>>
        %dma_wait3A_26 = arith.constant 0 : i32
        %dma_wait3A_27 = tpu.memref_slice %arg3[%mul3A_11, %dma_wait3A_26] : memref<160000x128xf32, #tpu.memory_space<hbm>> -> memref<128x128xf32, #tpu.memory_space<hbm>>
        tpu.wait_dma2 semaphore(%run_scoped3A_21 : memref<!tpu.dma_semaphore, #tpu.memory_space<semaphore_mem>>) src(%dma_wait3A_27 : memref<128x128xf32, #tpu.memory_space<hbm>>) dst(%arg10 : memref<128x128xf32, #tpu.memory_space<vmem>>)
        tpu.yield
      }) : () -> ()
      %run_scoped3A_13 = arith.constant 0 : i32
      "tpu.region"() ({
        %run_scoped3A_21 = tpu.sem_alloc : memref<!tpu.dma_semaphore, #tpu.memory_space<semaphore_mem>>
        %dma_start3A = arith.constant 0 : i32
        %dma_start3A_22 = tpu.memref_slice %arg7[%run_scoped3A_13, %dma_start3A] : memref<2x128xi32, #tpu.memory_space<vmem>> -> memref<1x128xi32, #tpu.memory_space<vmem>>
        %dma_start3A_23 = tpu.memref_squeeze %dma_start3A_22 : memref<1x128xi32, #tpu.memory_space<vmem>> -> memref<128xi32, #tpu.memory_space<vmem>>
        %dma_start3A_24 = arith.constant 0 : i32
        %dma_start3A_25 = arith.constant 0 : i32
        %dma_start3A_26 = tpu.memref_slice %arg2[%dma_start3A_24, %dma_start3A_25] : memref<10000x128xf32, #tpu.memory_space<hbm>> -> memref<10000x128xf32, #tpu.memory_space<hbm>>
        tpu.enqueue_indirect_dma source(%dma_start3A_26 : memref<10000x128xf32, #tpu.memory_space<hbm>>) target(%arg8 : memref<128x128xf32, #tpu.memory_space<vmem>>) offsets(%dma_start3A_23 : memref<128xi32, #tpu.memory_space<vmem>>) semaphore(%run_scoped3A_21 : memref<!tpu.dma_semaphore, #tpu.memory_space<semaphore_mem>>)
        %dma_wait3A = arith.constant 0 : i32
        %dma_wait3A_27 = tpu.memref_slice %arg7[%run_scoped3A_13, %dma_wait3A] : memref<2x128xi32, #tpu.memory_space<vmem>> -> memref<1x128xi32, #tpu.memory_space<vmem>>
        %dma_wait3A_28 = tpu.memref_squeeze %dma_wait3A_27 : memref<1x128xi32, #tpu.memory_space<vmem>> -> memref<128xi32, #tpu.memory_space<vmem>>
        %dma_wait3A_29 = arith.constant 0 : i32
        %dma_wait3A_30 = arith.constant 0 : i32
        %dma_wait3A_31 = tpu.memref_slice %arg2[%dma_wait3A_29, %dma_wait3A_30] : memref<10000x128xf32, #tpu.memory_space<hbm>> -> memref<10000x128xf32, #tpu.memory_space<hbm>>
        tpu.wait_indirect_dma semaphore(%run_scoped3A_21 : memref<!tpu.dma_semaphore, #tpu.memory_space<semaphore_mem>>) src(%dma_wait3A_31 : memref<10000x128xf32, #tpu.memory_space<hbm>>) dst(%arg8 : memref<128x128xf32, #tpu.memory_space<vmem>>)
        tpu.yield
      }) : () -> ()
      %run_scoped3A_14 = arith.constant 1 : i32
      "tpu.region"() ({
        %run_scoped3A_21 = tpu.sem_alloc : memref<!tpu.dma_semaphore, #tpu.memory_space<semaphore_mem>>
        %dma_start3A = arith.constant 0 : i32
        %dma_start3A_22 = tpu.memref_slice %arg7[%run_scoped3A_14, %dma_start3A] : memref<2x128xi32, #tpu.memory_space<vmem>> -> memref<1x128xi32, #tpu.memory_space<vmem>>
        %dma_start3A_23 = tpu.memref_squeeze %dma_start3A_22 : memref<1x128xi32, #tpu.memory_space<vmem>> -> memref<128xi32, #tpu.memory_space<vmem>>
        %dma_start3A_24 = arith.constant 0 : i32
        %dma_start3A_25 = arith.constant 0 : i32
        %dma_start3A_26 = tpu.memref_slice %arg2[%dma_start3A_24, %dma_start3A_25] : memref<10000x128xf32, #tpu.memory_space<hbm>> -> memref<10000x128xf32, #tpu.memory_space<hbm>>
        tpu.enqueue_indirect_dma source(%dma_start3A_26 : memref<10000x128xf32, #tpu.memory_space<hbm>>) target(%arg9 : memref<128x128xf32, #tpu.memory_space<vmem>>) offsets(%dma_start3A_23 : memref<128xi32, #tpu.memory_space<vmem>>) semaphore(%run_scoped3A_21 : memref<!tpu.dma_semaphore, #tpu.memory_space<semaphore_mem>>)
        %dma_wait3A = arith.constant 0 : i32
        %dma_wait3A_27 = tpu.memref_slice %arg7[%run_scoped3A_14, %dma_wait3A] : memref<2x128xi32, #tpu.memory_space<vmem>> -> memref<1x128xi32, #tpu.memory_space<vmem>>
        %dma_wait3A_28 = tpu.memref_squeeze %dma_wait3A_27 : memref<1x128xi32, #tpu.memory_space<vmem>> -> memref<128xi32, #tpu.memory_space<vmem>>
        %dma_wait3A_29 = arith.constant 0 : i32
        %dma_wait3A_30 = arith.constant 0 : i32
        %dma_wait3A_31 = tpu.memref_slice %arg2[%dma_wait3A_29, %dma_wait3A_30] : memref<10000x128xf32, #tpu.memory_space<hbm>> -> memref<10000x128xf32, #tpu.memory_space<hbm>>
        tpu.wait_indirect_dma semaphore(%run_scoped3A_21 : memref<!tpu.dma_semaphore, #tpu.memory_space<semaphore_mem>>) src(%dma_wait3A_31 : memref<10000x128xf32, #tpu.memory_space<hbm>>) dst(%arg9 : memref<128x128xf32, #tpu.memory_space<vmem>>)
        tpu.yield
      }) : () -> ()
      %scan3A_15 = arith.constant 0 : i32
      %scan3A_16 = arith.constant 0 : i32
      %scan3A_17 = arith.constant 128 : i32
      %scan3A_18 = arith.addi %scan3A_16, %scan3A_17 : i32
      %scan3A_19 = arith.constant 1 : i32
      scf.for %scan3A_21 = %scan3A_16 to %scan3A_18 step %scan3A_19  : i32 {
        %get3A = arith.index_cast %scan3A_21 : i32 to index
        %get3A_22 = arith.constant 0 : index
        %get3A_23 = tpu.vector_load %arg10[%get3A, %get3A_22] {strides = array<i32>} : memref<128x128xf32, #tpu.memory_space<vmem>>, vector<1x16xf32>,
        %get3A_24 = vector.shape_cast %get3A_23 : vector<1x16xf32> to vector<16xf32>
        %get3A_25 = arith.index_cast %scan3A_21 : i32 to index
        %get3A_26 = arith.constant 0 : index
        %get3A_27 = tpu.vector_load %arg8[%get3A_25, %get3A_26] {strides = array<i32>} : memref<128x128xf32, #tpu.memory_space<vmem>>, vector<1x16xf32>,
        %get3A_28 = vector.shape_cast %get3A_27 : vector<1x16xf32> to vector<16xf32>
        %add3A_29 = arith.addf %get3A_24, %get3A_28 : vector<16xf32>
        %get3A_30 = arith.index_cast %scan3A_21 : i32 to index
        %get3A_31 = arith.constant 0 : index
        %get3A_32 = tpu.vector_load %arg9[%get3A_30, %get3A_31] {strides = array<i32>} : memref<128x128xf32, #tpu.memory_space<vmem>>, vector<1x16xf32>,
        %get3A_33 = vector.shape_cast %get3A_32 : vector<1x16xf32> to vector<16xf32>
        %add3A_34 = arith.addf %add3A_29, %get3A_33 : vector<16xf32>
        %swap3A = arith.index_cast %scan3A_21 : i32 to index
        %swap3A_35 = arith.constant 0 : index
        %swap3A_36 = tpu.vector_load %arg10[%swap3A, %swap3A_35] {strides = array<i32>} : memref<128x128xf32, #tpu.memory_space<vmem>>, vector<1x16xf32>,
        %swap3A_37 = vector.shape_cast %swap3A_36 : vector<1x16xf32> to vector<16xf32>
        %swap3A_38 = vector.shape_cast %add3A_34 : vector<16xf32> to vector<1x16xf32>
        tpu.vector_store %arg10[%swap3A, %swap3A_35], %swap3A_38 {strides = array<i32>} : memref<128x128xf32, #tpu.memory_space<vmem>>, vector<1x16xf32>,
        %get3A_39 = arith.index_cast %scan3A_21 : i32 to index
        %get3A_40 = arith.constant 16 : index
        %get3A_41 = tpu.vector_load %arg10[%get3A_39, %get3A_40] {strides = array<i32>} : memref<128x128xf32, #tpu.memory_space<vmem>>, vector<1x16xf32>,
        %get3A_42 = vector.shape_cast %get3A_41 : vector<1x16xf32> to vector<16xf32>
        %get3A_43 = arith.index_cast %scan3A_21 : i32 to index
        %get3A_44 = arith.constant 16 : index
        %get3A_45 = tpu.vector_load %arg8[%get3A_43, %get3A_44] {strides = array<i32>} : memref<128x128xf32, #tpu.memory_space<vmem>>, vector<1x16xf32>,
        %get3A_46 = vector.shape_cast %get3A_45 : vector<1x16xf32> to vector<16xf32>
        %add3A_47 = arith.addf %get3A_42, %get3A_46 : vector<16xf32>
        %get3A_48 = arith.index_cast %scan3A_21 : i32 to index
        %get3A_49 = arith.constant 16 : index
        %get3A_50 = tpu.vector_load %arg9[%get3A_48, %get3A_49] {strides = array<i32>} : memref<128x128xf32, #tpu.memory_space<vmem>>, vector<1x16xf32>,
        %get3A_51 = vector.shape_cast %get3A_50 : vector<1x16xf32> to vector<16xf32>
        %add3A_52 = arith.addf %add3A_47, %get3A_51 : vector<16xf32>
        %swap3A_53 = arith.index_cast %scan3A_21 : i32 to index
        %swap3A_54 = arith.constant 16 : index
        %swap3A_55 = tpu.vector_load %arg10[%swap3A_53, %swap3A_54] {strides = array<i32>} : memref<128x128xf32, #tpu.memory_space<vmem>>, vector<1x16xf32>,
        %swap3A_56 = vector.shape_cast %swap3A_55 : vector<1x16xf32> to vector<16xf32>
        %swap3A_57 = vector.shape_cast %add3A_52 : vector<16xf32> to vector<1x16xf32>
        tpu.vector_store %arg10[%swap3A_53, %swap3A_54], %swap3A_57 {strides = array<i32>} : memref<128x128xf32, #tpu.memory_space<vmem>>, vector<1x16xf32>,
        %get3A_58 = arith.index_cast %scan3A_21 : i32 to index
        %get3A_59 = arith.constant 32 : index
        %get3A_60 = tpu.vector_load %arg10[%get3A_58, %get3A_59] {strides = array<i32>} : memref<128x128xf32, #tpu.memory_space<vmem>>, vector<1x16xf32>,
        %get3A_61 = vector.shape_cast %get3A_60 : vector<1x16xf32> to vector<16xf32>
        %get3A_62 = arith.index_cast %scan3A_21 : i32 to index
        %get3A_63 = arith.constant 32 : index
        %get3A_64 = tpu.vector_load %arg8[%get3A_62, %get3A_63] {strides = array<i32>} : memref<128x128xf32, #tpu.memory_space<vmem>>, vector<1x16xf32>,
        %get3A_65 = vector.shape_cast %get3A_64 : vector<1x16xf32> to vector<16xf32>
        %add3A_66 = arith.addf %get3A_61, %get3A_65 : vector<16xf32>
        %get3A_67 = arith.index_cast %scan3A_21 : i32 to index
        %get3A_68 = arith.constant 32 : index
        %get3A_69 = tpu.vector_load %arg9[%get3A_67, %get3A_68] {strides = array<i32>} : memref<128x128xf32, #tpu.memory_space<vmem>>, vector<1x16xf32>,
        %get3A_70 = vector.shape_cast %get3A_69 : vector<1x16xf32> to vector<16xf32>
        %add3A_71 = arith.addf %add3A_66, %get3A_70 : vector<16xf32>
        %swap3A_72 = arith.index_cast %scan3A_21 : i32 to index
        %swap3A_73 = arith.constant 32 : index
        %swap3A_74 = tpu.vector_load %arg10[%swap3A_72, %swap3A_73] {strides = array<i32>} : memref<128x128xf32, #tpu.memory_space<vmem>>, vector<1x16xf32>,
        %swap3A_75 = vector.shape_cast %swap3A_74 : vector<1x16xf32> to vector<16xf32>
        %swap3A_76 = vector.shape_cast %add3A_71 : vector<16xf32> to vector<1x16xf32>
        tpu.vector_store %arg10[%swap3A_72, %swap3A_73], %swap3A_76 {strides = array<i32>} : memref<128x128xf32, #tpu.memory_space<vmem>>, vector<1x16xf32>,
        %get3A_77 = arith.index_cast %scan3A_21 : i32 to index
        %get3A_78 = arith.constant 48 : index
        %get3A_79 = tpu.vector_load %arg10[%get3A_77, %get3A_78] {strides = array<i32>} : memref<128x128xf32, #tpu.memory_space<vmem>>, vector<1x16xf32>,
        %get3A_80 = vector.shape_cast %get3A_79 : vector<1x16xf32> to vector<16xf32>
        %get3A_81 = arith.index_cast %scan3A_21 : i32 to index
        %get3A_82 = arith.constant 48 : index
        %get3A_83 = tpu.vector_load %arg8[%get3A_81, %get3A_82] {strides = array<i32>} : memref<128x128xf32, #tpu.memory_space<vmem>>, vector<1x16xf32>,
        %get3A_84 = vector.shape_cast %get3A_83 : vector<1x16xf32> to vector<16xf32>
        %add3A_85 = arith.addf %get3A_80, %get3A_84 : vector<16xf32>
        %get3A_86 = arith.index_cast %scan3A_21 : i32 to index
        %get3A_87 = arith.constant 48 : index
        %get3A_88 = tpu.vector_load %arg9[%get3A_86, %get3A_87] {strides = array<i32>} : memref<128x128xf32, #tpu.memory_space<vmem>>, vector<1x16xf32>,
        %get3A_89 = vector.shape_cast %get3A_88 : vector<1x16xf32> to vector<16xf32>
        %add3A_90 = arith.addf %add3A_85, %get3A_89 : vector<16xf32>
        %swap3A_91 = arith.index_cast %scan3A_21 : i32 to index
        %swap3A_92 = arith.constant 48 : index
        %swap3A_93 = tpu.vector_load %arg10[%swap3A_91, %swap3A_92] {strides = array<i32>} : memref<128x128xf32, #tpu.memory_space<vmem>>, vector<1x16xf32>,
        %swap3A_94 = vector.shape_cast %swap3A_93 : vector<1x16xf32> to vector<16xf32>
        %swap3A_95 = vector.shape_cast %add3A_90 : vector<16xf32> to vector<1x16xf32>
        tpu.vector_store %arg10[%swap3A_91, %swap3A_92], %swap3A_95 {strides = array<i32>} : memref<128x128xf32, #tpu.memory_space<vmem>>, vector<1x16xf32>,
        %get3A_96 = arith.index_cast %scan3A_21 : i32 to index
        %get3A_97 = arith.constant 64 : index
        %get3A_98 = tpu.vector_load %arg10[%get3A_96, %get3A_97] {strides = array<i32>} : memref<128x128xf32, #tpu.memory_space<vmem>>, vector<1x16xf32>,
        %get3A_99 = vector.shape_cast %get3A_98 : vector<1x16xf32> to vector<16xf32>
        %get3A_100 = arith.index_cast %scan3A_21 : i32 to index
        %get3A_101 = arith.constant 64 : index
        %get3A_102 = tpu.vector_load %arg8[%get3A_100, %get3A_101] {strides = array<i32>} : memref<128x128xf32, #tpu.memory_space<vmem>>, vector<1x16xf32>,
        %get3A_103 = vector.shape_cast %get3A_102 : vector<1x16xf32> to vector<16xf32>
        %add3A_104 = arith.addf %get3A_99, %get3A_103 : vector<16xf32>
        %get3A_105 = arith.index_cast %scan3A_21 : i32 to index
        %get3A_106 = arith.constant 64 : index
        %get3A_107 = tpu.vector_load %arg9[%get3A_105, %get3A_106] {strides = array<i32>} : memref<128x128xf32, #tpu.memory_space<vmem>>, vector<1x16xf32>,
        %get3A_108 = vector.shape_cast %get3A_107 : vector<1x16xf32> to vector<16xf32>
        %add3A_109 = arith.addf %add3A_104, %get3A_108 : vector<16xf32>
        %swap3A_110 = arith.index_cast %scan3A_21 : i32 to index
        %swap3A_111 = arith.constant 64 : index
        %swap3A_112 = tpu.vector_load %arg10[%swap3A_110, %swap3A_111] {strides = array<i32>} : memref<128x128xf32, #tpu.memory_space<vmem>>, vector<1x16xf32>,
        %swap3A_113 = vector.shape_cast %swap3A_112 : vector<1x16xf32> to vector<16xf32>
        %swap3A_114 = vector.shape_cast %add3A_109 : vector<16xf32> to vector<1x16xf32>
        tpu.vector_store %arg10[%swap3A_110, %swap3A_111], %swap3A_114 {strides = array<i32>} : memref<128x128xf32, #tpu.memory_space<vmem>>, vector<1x16xf32>,
        %get3A_115 = arith.index_cast %scan3A_21 : i32 to index
        %get3A_116 = arith.constant 80 : index
        %get3A_117 = tpu.vector_load %arg10[%get3A_115, %get3A_116] {strides = array<i32>} : memref<128x128xf32, #tpu.memory_space<vmem>>, vector<1x16xf32>,
        %get3A_118 = vector.shape_cast %get3A_117 : vector<1x16xf32> to vector<16xf32>
        %get3A_119 = arith.index_cast %scan3A_21 : i32 to index
        %get3A_120 = arith.constant 80 : index
        %get3A_121 = tpu.vector_load %arg8[%get3A_119, %get3A_120] {strides = array<i32>} : memref<128x128xf32, #tpu.memory_space<vmem>>, vector<1x16xf32>,
        %get3A_122 = vector.shape_cast %get3A_121 : vector<1x16xf32> to vector<16xf32>
        %add3A_123 = arith.addf %get3A_118, %get3A_122 : vector<16xf32>
        %get3A_124 = arith.index_cast %scan3A_21 : i32 to index
        %get3A_125 = arith.constant 80 : index
        %get3A_126 = tpu.vector_load %arg9[%get3A_124, %get3A_125] {strides = array<i32>} : memref<128x128xf32, #tpu.memory_space<vmem>>, vector<1x16xf32>,
        %get3A_127 = vector.shape_cast %get3A_126 : vector<1x16xf32> to vector<16xf32>
        %add3A_128 = arith.addf %add3A_123, %get3A_127 : vector<16xf32>
        %swap3A_129 = arith.index_cast %scan3A_21 : i32 to index
        %swap3A_130 = arith.constant 80 : index
        %swap3A_131 = tpu.vector_load %arg10[%swap3A_129, %swap3A_130] {strides = array<i32>} : memref<128x128xf32, #tpu.memory_space<vmem>>, vector<1x16xf32>,
        %swap3A_132 = vector.shape_cast %swap3A_131 : vector<1x16xf32> to vector<16xf32>
        %swap3A_133 = vector.shape_cast %add3A_128 : vector<16xf32> to vector<1x16xf32>
        tpu.vector_store %arg10[%swap3A_129, %swap3A_130], %swap3A_133 {strides = array<i32>} : memref<128x128xf32, #tpu.memory_space<vmem>>, vector<1x16xf32>,
        %get3A_134 = arith.index_cast %scan3A_21 : i32 to index
        %get3A_135 = arith.constant 96 : index
        %get3A_136 = tpu.vector_load %arg10[%get3A_134, %get3A_135] {strides = array<i32>} : memref<128x128xf32, #tpu.memory_space<vmem>>, vector<1x16xf32>,
        %get3A_137 = vector.shape_cast %get3A_136 : vector<1x16xf32> to vector<16xf32>
        %get3A_138 = arith.index_cast %scan3A_21 : i32 to index
        %get3A_139 = arith.constant 96 : index
        %get3A_140 = tpu.vector_load %arg8[%get3A_138, %get3A_139] {strides = array<i32>} : memref<128x128xf32, #tpu.memory_space<vmem>>, vector<1x16xf32>,
        %get3A_141 = vector.shape_cast %get3A_140 : vector<1x16xf32> to vector<16xf32>
        %add3A_142 = arith.addf %get3A_137, %get3A_141 : vector<16xf32>
        %get3A_143 = arith.index_cast %scan3A_21 : i32 to index
        %get3A_144 = arith.constant 96 : index
        %get3A_145 = tpu.vector_load %arg9[%get3A_143, %get3A_144] {strides = array<i32>} : memref<128x128xf32, #tpu.memory_space<vmem>>, vector<1x16xf32>,
        %get3A_146 = vector.shape_cast %get3A_145 : vector<1x16xf32> to vector<16xf32>
        %add3A_147 = arith.addf %add3A_142, %get3A_146 : vector<16xf32>
        %swap3A_148 = arith.index_cast %scan3A_21 : i32 to index
        %swap3A_149 = arith.constant 96 : index
        %swap3A_150 = tpu.vector_load %arg10[%swap3A_148, %swap3A_149] {strides = array<i32>} : memref<128x128xf32, #tpu.memory_space<vmem>>, vector<1x16xf32>,
        %swap3A_151 = vector.shape_cast %swap3A_150 : vector<1x16xf32> to vector<16xf32>
        %swap3A_152 = vector.shape_cast %add3A_147 : vector<16xf32> to vector<1x16xf32>
        tpu.vector_store %arg10[%swap3A_148, %swap3A_149], %swap3A_152 {strides = array<i32>} : memref<128x128xf32, #tpu.memory_space<vmem>>, vector<1x16xf32>,
        %get3A_153 = arith.index_cast %scan3A_21 : i32 to index
        %get3A_154 = arith.constant 112 : index
        %get3A_155 = tpu.vector_load %arg10[%get3A_153, %get3A_154] {strides = array<i32>} : memref<128x128xf32, #tpu.memory_space<vmem>>, vector<1x16xf32>,
        %get3A_156 = vector.shape_cast %get3A_155 : vector<1x16xf32> to vector<16xf32>
        %get3A_157 = arith.index_cast %scan3A_21 : i32 to index
        %get3A_158 = arith.constant 112 : index
        %get3A_159 = tpu.vector_load %arg8[%get3A_157, %get3A_158] {strides = array<i32>} : memref<128x128xf32, #tpu.memory_space<vmem>>, vector<1x16xf32>,
        %get3A_160 = vector.shape_cast %get3A_159 : vector<1x16xf32> to vector<16xf32>
        %add3A_161 = arith.addf %get3A_156, %get3A_160 : vector<16xf32>
        %get3A_162 = arith.index_cast %scan3A_21 : i32 to index
        %get3A_163 = arith.constant 112 : index
        %get3A_164 = tpu.vector_load %arg9[%get3A_162, %get3A_163] {strides = array<i32>} : memref<128x128xf32, #tpu.memory_space<vmem>>, vector<1x16xf32>,
        %get3A_165 = vector.shape_cast %get3A_164 : vector<1x16xf32> to vector<16xf32>
        %add3A_166 = arith.addf %add3A_161, %get3A_165 : vector<16xf32>
        %swap3A_167 = arith.index_cast %scan3A_21 : i32 to index
        %swap3A_168 = arith.constant 112 : index
        %swap3A_169 = tpu.vector_load %arg10[%swap3A_167, %swap3A_168] {strides = array<i32>} : memref<128x128xf32, #tpu.memory_space<vmem>>, vector<1x16xf32>,
        %swap3A_170 = vector.shape_cast %swap3A_169 : vector<1x16xf32> to vector<16xf32>
        %swap3A_171 = vector.shape_cast %add3A_166 : vector<16xf32> to vector<1x16xf32>
        tpu.vector_store %arg10[%swap3A_167, %swap3A_168], %swap3A_171 {strides = array<i32>} : memref<128x128xf32, #tpu.memory_space<vmem>>, vector<1x16xf32>,
      }
      %scan3A_20 = arith.constant 128 : i32
      "tpu.region"() ({
        %run_scoped3A_21 = tpu.sem_alloc : memref<!tpu.dma_semaphore, #tpu.memory_space<semaphore_mem>>
        %dma_start3A = arith.constant 0 : i32
        %dma_start3A_22 = tpu.memref_slice %arg6[%mul3A_11, %dma_start3A] : memref<160000x128xf32, #tpu.memory_space<hbm>> -> memref<128x128xf32, #tpu.memory_space<hbm>>
        %dma_start3A_23 = arith.constant 0 : i32
        %dma_start3A_24 = tpu.memref_slice %arg6[%mul3A_11, %dma_start3A_23] : memref<160000x128xf32, #tpu.memory_space<hbm>> -> memref<128x128xf32, #tpu.memory_space<hbm>>
        tpu.enqueue_dma source(%arg10 : memref<128x128xf32, #tpu.memory_space<vmem>>) target(%dma_start3A_24 : memref<128x128xf32, #tpu.memory_space<hbm>>) target_semaphore(%run_scoped3A_21 : memref<!tpu.dma_semaphore, #tpu.memory_space<semaphore_mem>>)
        %dma_wait3A = arith.constant 0 : i32
        %dma_wait3A_25 = tpu.memref_slice %arg6[%mul3A_11, %dma_wait3A] : memref<160000x128xf32, #tpu.memory_space<hbm>> -> memref<128x128xf32, #tpu.memory_space<hbm>>
        %dma_wait3A_26 = arith.constant 0 : i32
        %dma_wait3A_27 = tpu.memref_slice %arg6[%mul3A_11, %dma_wait3A_26] : memref<160000x128xf32, #tpu.memory_space<hbm>> -> memref<128x128xf32, #tpu.memory_space<hbm>>
        tpu.wait_dma2 semaphore(%run_scoped3A_21 : memref<!tpu.dma_semaphore, #tpu.memory_space<semaphore_mem>>) src(%arg10 : memref<128x128xf32, #tpu.memory_space<vmem>>) dst(%dma_wait3A_27 : memref<128x128xf32, #tpu.memory_space<hbm>>)
        tpu.yield
      }) : () -> ()
    } else {
    }
    return
  }
}

#map = affine_map<(d0, d1) -> (0, 0)>
#map1 = affine_map<(d0, d1) -> (0)>
#map2 = affine_map<(d0, d1) -> (0, 0, 0)>
module attributes {stable_mosaic.version = 14 : i64} {
  func.func @k(%arg0: i32, %arg1: i32, %arg2: memref<160000x128xf32, #tpu.memory_space<hbm>>, %arg3: memref<160000xi32, #tpu.memory_space<hbm>>, %arg4: memref<2x10240x128xf32, #tpu.memory_space<hbm>>, %arg5: memref<2x128xi32, #tpu.memory_space<vmem>>, %arg6: memref<128x128xf32, #tpu.memory_space<vmem>>, %arg7: memref<10240x128xf32, #tpu.memory_space<vmem_shared>>) attributes {dimension_semantics = [#tpu.dimension_semantics<core_parallel>, #tpu.dimension_semantics<subcore_parallel>], iteration_bounds = array<i64: 2, 16>, scalar_prefetch = 0 : i64, scratch_operands = 3 : i64, tpu.core_type = #tpu.core_type<sc_vector_subcore>, window_params = [{transform_indices = #map}, {transform_indices = #map1}, {transform_indices = #map2}]} {
    %mul3A = arith.constant 2 : i32
    %mul3A_0 = arith.muli %arg1, %mul3A : i32
    %add3A = arith.addi %mul3A_0, %arg0 : i32
    %scan3A = arith.constant 0 : i32
    %scan3A_1 = arith.constant 0 : i32
    %scan3A_2 = arith.constant 128 : i32
    %scan3A_3 = arith.addi %scan3A_1, %scan3A_2 : i32
    %scan3A_4 = arith.constant 1 : i32
    scf.for %scan3A_55 = %scan3A_1 to %scan3A_3 step %scan3A_4  : i32 {
      %broadcast_in_dim3A = arith.constant 0.000000e+00 : f32
      %broadcast_in_dim3A_56 = vector.broadcast %broadcast_in_dim3A : f32 to vector<16xf32>
      %swap3A = arith.index_cast %scan3A_55 : i32 to index
      %swap3A_57 = arith.constant 0 : index
      %swap3A_58 = tpu.vector_load %arg6[%swap3A, %swap3A_57] {strides = array<i32>} : memref<128x128xf32, #tpu.memory_space<vmem>>, vector<1x16xf32>,
      %swap3A_59 = vector.shape_cast %swap3A_58 : vector<1x16xf32> to vector<16xf32>
      %swap3A_60 = vector.shape_cast %broadcast_in_dim3A_56 : vector<16xf32> to vector<1x16xf32>
      tpu.vector_store %arg6[%swap3A, %swap3A_57], %swap3A_60 {strides = array<i32>} : memref<128x128xf32, #tpu.memory_space<vmem>>, vector<1x16xf32>,
      %broadcast_in_dim3A_61 = arith.constant 0.000000e+00 : f32
      %broadcast_in_dim3A_62 = vector.broadcast %broadcast_in_dim3A_61 : f32 to vector<16xf32>
      %swap3A_63 = arith.index_cast %scan3A_55 : i32 to index
      %swap3A_64 = arith.constant 16 : index
      %swap3A_65 = tpu.vector_load %arg6[%swap3A_63, %swap3A_64] {strides = array<i32>} : memref<128x128xf32, #tpu.memory_space<vmem>>, vector<1x16xf32>,
      %swap3A_66 = vector.shape_cast %swap3A_65 : vector<1x16xf32> to vector<16xf32>
      %swap3A_67 = vector.shape_cast %broadcast_in_dim3A_62 : vector<16xf32> to vector<1x16xf32>
      tpu.vector_store %arg6[%swap3A_63, %swap3A_64], %swap3A_67 {strides = array<i32>} : memref<128x128xf32, #tpu.memory_space<vmem>>, vector<1x16xf32>,
      %broadcast_in_dim3A_68 = arith.constant 0.000000e+00 : f32
      %broadcast_in_dim3A_69 = vector.broadcast %broadcast_in_dim3A_68 : f32 to vector<16xf32>
      %swap3A_70 = arith.index_cast %scan3A_55 : i32 to index
      %swap3A_71 = arith.constant 32 : index
      %swap3A_72 = tpu.vector_load %arg6[%swap3A_70, %swap3A_71] {strides = array<i32>} : memref<128x128xf32, #tpu.memory_space<vmem>>, vector<1x16xf32>,
      %swap3A_73 = vector.shape_cast %swap3A_72 : vector<1x16xf32> to vector<16xf32>
      %swap3A_74 = vector.shape_cast %broadcast_in_dim3A_69 : vector<16xf32> to vector<1x16xf32>
      tpu.vector_store %arg6[%swap3A_70, %swap3A_71], %swap3A_74 {strides = array<i32>} : memref<128x128xf32, #tpu.memory_space<vmem>>, vector<1x16xf32>,
      %broadcast_in_dim3A_75 = arith.constant 0.000000e+00 : f32
      %broadcast_in_dim3A_76 = vector.broadcast %broadcast_in_dim3A_75 : f32 to vector<16xf32>
      %swap3A_77 = arith.index_cast %scan3A_55 : i32 to index
      %swap3A_78 = arith.constant 48 : index
      %swap3A_79 = tpu.vector_load %arg6[%swap3A_77, %swap3A_78] {strides = array<i32>} : memref<128x128xf32, #tpu.memory_space<vmem>>, vector<1x16xf32>,
      %swap3A_80 = vector.shape_cast %swap3A_79 : vector<1x16xf32> to vector<16xf32>
      %swap3A_81 = vector.shape_cast %broadcast_in_dim3A_76 : vector<16xf32> to vector<1x16xf32>
      tpu.vector_store %arg6[%swap3A_77, %swap3A_78], %swap3A_81 {strides = array<i32>} : memref<128x128xf32, #tpu.memory_space<vmem>>, vector<1x16xf32>,
      %broadcast_in_dim3A_82 = arith.constant 0.000000e+00 : f32
      %broadcast_in_dim3A_83 = vector.broadcast %broadcast_in_dim3A_82 : f32 to vector<16xf32>
      %swap3A_84 = arith.index_cast %scan3A_55 : i32 to index
      %swap3A_85 = arith.constant 64 : index
      %swap3A_86 = tpu.vector_load %arg6[%swap3A_84, %swap3A_85] {strides = array<i32>} : memref<128x128xf32, #tpu.memory_space<vmem>>, vector<1x16xf32>,
      %swap3A_87 = vector.shape_cast %swap3A_86 : vector<1x16xf32> to vector<16xf32>
      %swap3A_88 = vector.shape_cast %broadcast_in_dim3A_83 : vector<16xf32> to vector<1x16xf32>
      tpu.vector_store %arg6[%swap3A_84, %swap3A_85], %swap3A_88 {strides = array<i32>} : memref<128x128xf32, #tpu.memory_space<vmem>>, vector<1x16xf32>,
      %broadcast_in_dim3A_89 = arith.constant 0.000000e+00 : f32
      %broadcast_in_dim3A_90 = vector.broadcast %broadcast_in_dim3A_89 : f32 to vector<16xf32>
      %swap3A_91 = arith.index_cast %scan3A_55 : i32 to index
      %swap3A_92 = arith.constant 80 : index
      %swap3A_93 = tpu.vector_load %arg6[%swap3A_91, %swap3A_92] {strides = array<i32>} : memref<128x128xf32, #tpu.memory_space<vmem>>, vector<1x16xf32>,
      %swap3A_94 = vector.shape_cast %swap3A_93 : vector<1x16xf32> to vector<16xf32>
      %swap3A_95 = vector.shape_cast %broadcast_in_dim3A_90 : vector<16xf32> to vector<1x16xf32>
      tpu.vector_store %arg6[%swap3A_91, %swap3A_92], %swap3A_95 {strides = array<i32>} : memref<128x128xf32, #tpu.memory_space<vmem>>, vector<1x16xf32>,
      %broadcast_in_dim3A_96 = arith.constant 0.000000e+00 : f32
      %broadcast_in_dim3A_97 = vector.broadcast %broadcast_in_dim3A_96 : f32 to vector<16xf32>
      %swap3A_98 = arith.index_cast %scan3A_55 : i32 to index
      %swap3A_99 = arith.constant 96 : index
      %swap3A_100 = tpu.vector_load %arg6[%swap3A_98, %swap3A_99] {strides = array<i32>} : memref<128x128xf32, #tpu.memory_space<vmem>>, vector<1x16xf32>,
      %swap3A_101 = vector.shape_cast %swap3A_100 : vector<1x16xf32> to vector<16xf32>
      %swap3A_102 = vector.shape_cast %broadcast_in_dim3A_97 : vector<16xf32> to vector<1x16xf32>
      tpu.vector_store %arg6[%swap3A_98, %swap3A_99], %swap3A_102 {strides = array<i32>} : memref<128x128xf32, #tpu.memory_space<vmem>>, vector<1x16xf32>,
      %broadcast_in_dim3A_103 = arith.constant 0.000000e+00 : f32
      %broadcast_in_dim3A_104 = vector.broadcast %broadcast_in_dim3A_103 : f32 to vector<16xf32>
      %swap3A_105 = arith.index_cast %scan3A_55 : i32 to index
      %swap3A_106 = arith.constant 112 : index
      %swap3A_107 = tpu.vector_load %arg6[%swap3A_105, %swap3A_106] {strides = array<i32>} : memref<128x128xf32, #tpu.memory_space<vmem>>, vector<1x16xf32>,
      %swap3A_108 = vector.shape_cast %swap3A_107 : vector<1x16xf32> to vector<16xf32>
      %swap3A_109 = vector.shape_cast %broadcast_in_dim3A_104 : vector<16xf32> to vector<1x16xf32>
      tpu.vector_store %arg6[%swap3A_105, %swap3A_106], %swap3A_109 {strides = array<i32>} : memref<128x128xf32, #tpu.memory_space<vmem>>, vector<1x16xf32>,
    }
    %scan3A_5 = arith.constant 128 : i32
    %mul3A_6 = arith.constant 640 : i32
    %mul3A_7 = arith.muli %arg1, %mul3A_6 : i32
    %add3A_8 = arith.constant 0 : i32
    %add3A_9 = arith.addi %mul3A_7, %add3A_8 : i32
    "tpu.region"() ({
      %run_scoped3A = tpu.sem_alloc : memref<!tpu.dma_semaphore, #tpu.memory_space<semaphore_mem>>
      %dma_start3A = arith.constant 0 : i32
      %dma_start3A_55 = tpu.memref_slice %arg7[%add3A_9, %dma_start3A] : memref<10240x128xf32, #tpu.memory_space<vmem_shared>> -> memref<128x128xf32, #tpu.memory_space<vmem_shared>>
      %dma_start3A_56 = arith.constant 0 : i32
      %dma_start3A_57 = tpu.memref_slice %arg7[%add3A_9, %dma_start3A_56] : memref<10240x128xf32, #tpu.memory_space<vmem_shared>> -> memref<128x128xf32, #tpu.memory_space<vmem_shared>>
      tpu.enqueue_dma source(%arg6 : memref<128x128xf32, #tpu.memory_space<vmem>>) target(%dma_start3A_57 : memref<128x128xf32, #tpu.memory_space<vmem_shared>>) target_semaphore(%run_scoped3A : memref<!tpu.dma_semaphore, #tpu.memory_space<semaphore_mem>>)
      %dma_wait3A = arith.constant 0 : i32
      %dma_wait3A_58 = tpu.memref_slice %arg7[%add3A_9, %dma_wait3A] : memref<10240x128xf32, #tpu.memory_space<vmem_shared>> -> memref<128x128xf32, #tpu.memory_space<vmem_shared>>
      %dma_wait3A_59 = arith.constant 0 : i32
      %dma_wait3A_60 = tpu.memref_slice %arg7[%add3A_9, %dma_wait3A_59] : memref<10240x128xf32, #tpu.memory_space<vmem_shared>> -> memref<128x128xf32, #tpu.memory_space<vmem_shared>>
      tpu.wait_dma2 semaphore(%run_scoped3A : memref<!tpu.dma_semaphore, #tpu.memory_space<semaphore_mem>>) src(%arg6 : memref<128x128xf32, #tpu.memory_space<vmem>>) dst(%dma_wait3A_60 : memref<128x128xf32, #tpu.memory_space<vmem_shared>>)
      tpu.yield
    }) : () -> ()
    %mul3A_10 = arith.constant 640 : i32
    %mul3A_11 = arith.muli %arg1, %mul3A_10 : i32
    %add3A_12 = arith.constant 128 : i32
    %add3A_13 = arith.addi %mul3A_11, %add3A_12 : i32
    "tpu.region"() ({
      %run_scoped3A = tpu.sem_alloc : memref<!tpu.dma_semaphore, #tpu.memory_space<semaphore_mem>>
      %dma_start3A = arith.constant 0 : i32
      %dma_start3A_55 = tpu.memref_slice %arg7[%add3A_13, %dma_start3A] : memref<10240x128xf32, #tpu.memory_space<vmem_shared>> -> memref<128x128xf32, #tpu.memory_space<vmem_shared>>
      %dma_start3A_56 = arith.constant 0 : i32
      %dma_start3A_57 = tpu.memref_slice %arg7[%add3A_13, %dma_start3A_56] : memref<10240x128xf32, #tpu.memory_space<vmem_shared>> -> memref<128x128xf32, #tpu.memory_space<vmem_shared>>
      tpu.enqueue_dma source(%arg6 : memref<128x128xf32, #tpu.memory_space<vmem>>) target(%dma_start3A_57 : memref<128x128xf32, #tpu.memory_space<vmem_shared>>) target_semaphore(%run_scoped3A : memref<!tpu.dma_semaphore, #tpu.memory_space<semaphore_mem>>)
      %dma_wait3A = arith.constant 0 : i32
      %dma_wait3A_58 = tpu.memref_slice %arg7[%add3A_13, %dma_wait3A] : memref<10240x128xf32, #tpu.memory_space<vmem_shared>> -> memref<128x128xf32, #tpu.memory_space<vmem_shared>>
      %dma_wait3A_59 = arith.constant 0 : i32
      %dma_wait3A_60 = tpu.memref_slice %arg7[%add3A_13, %dma_wait3A_59] : memref<10240x128xf32, #tpu.memory_space<vmem_shared>> -> memref<128x128xf32, #tpu.memory_space<vmem_shared>>
      tpu.wait_dma2 semaphore(%run_scoped3A : memref<!tpu.dma_semaphore, #tpu.memory_space<semaphore_mem>>) src(%arg6 : memref<128x128xf32, #tpu.memory_space<vmem>>) dst(%dma_wait3A_60 : memref<128x128xf32, #tpu.memory_space<vmem_shared>>)
      tpu.yield
    }) : () -> ()
    %mul3A_14 = arith.constant 640 : i32
    %mul3A_15 = arith.muli %arg1, %mul3A_14 : i32
    %add3A_16 = arith.constant 256 : i32
    %add3A_17 = arith.addi %mul3A_15, %add3A_16 : i32
    "tpu.region"() ({
      %run_scoped3A = tpu.sem_alloc : memref<!tpu.dma_semaphore, #tpu.memory_space<semaphore_mem>>
      %dma_start3A = arith.constant 0 : i32
      %dma_start3A_55 = tpu.memref_slice %arg7[%add3A_17, %dma_start3A] : memref<10240x128xf32, #tpu.memory_space<vmem_shared>> -> memref<128x128xf32, #tpu.memory_space<vmem_shared>>
      %dma_start3A_56 = arith.constant 0 : i32
      %dma_start3A_57 = tpu.memref_slice %arg7[%add3A_17, %dma_start3A_56] : memref<10240x128xf32, #tpu.memory_space<vmem_shared>> -> memref<128x128xf32, #tpu.memory_space<vmem_shared>>
      tpu.enqueue_dma source(%arg6 : memref<128x128xf32, #tpu.memory_space<vmem>>) target(%dma_start3A_57 : memref<128x128xf32, #tpu.memory_space<vmem_shared>>) target_semaphore(%run_scoped3A : memref<!tpu.dma_semaphore, #tpu.memory_space<semaphore_mem>>)
      %dma_wait3A = arith.constant 0 : i32
      %dma_wait3A_58 = tpu.memref_slice %arg7[%add3A_17, %dma_wait3A] : memref<10240x128xf32, #tpu.memory_space<vmem_shared>> -> memref<128x128xf32, #tpu.memory_space<vmem_shared>>
      %dma_wait3A_59 = arith.constant 0 : i32
      %dma_wait3A_60 = tpu.memref_slice %arg7[%add3A_17, %dma_wait3A_59] : memref<10240x128xf32, #tpu.memory_space<vmem_shared>> -> memref<128x128xf32, #tpu.memory_space<vmem_shared>>
      tpu.wait_dma2 semaphore(%run_scoped3A : memref<!tpu.dma_semaphore, #tpu.memory_space<semaphore_mem>>) src(%arg6 : memref<128x128xf32, #tpu.memory_space<vmem>>) dst(%dma_wait3A_60 : memref<128x128xf32, #tpu.memory_space<vmem_shared>>)
      tpu.yield
    }) : () -> ()
    %mul3A_18 = arith.constant 640 : i32
    %mul3A_19 = arith.muli %arg1, %mul3A_18 : i32
    %add3A_20 = arith.constant 384 : i32
    %add3A_21 = arith.addi %mul3A_19, %add3A_20 : i32
    "tpu.region"() ({
      %run_scoped3A = tpu.sem_alloc : memref<!tpu.dma_semaphore, #tpu.memory_space<semaphore_mem>>
      %dma_start3A = arith.constant 0 : i32
      %dma_start3A_55 = tpu.memref_slice %arg7[%add3A_21, %dma_start3A] : memref<10240x128xf32, #tpu.memory_space<vmem_shared>> -> memref<128x128xf32, #tpu.memory_space<vmem_shared>>
      %dma_start3A_56 = arith.constant 0 : i32
      %dma_start3A_57 = tpu.memref_slice %arg7[%add3A_21, %dma_start3A_56] : memref<10240x128xf32, #tpu.memory_space<vmem_shared>> -> memref<128x128xf32, #tpu.memory_space<vmem_shared>>
      tpu.enqueue_dma source(%arg6 : memref<128x128xf32, #tpu.memory_space<vmem>>) target(%dma_start3A_57 : memref<128x128xf32, #tpu.memory_space<vmem_shared>>) target_semaphore(%run_scoped3A : memref<!tpu.dma_semaphore, #tpu.memory_space<semaphore_mem>>)
      %dma_wait3A = arith.constant 0 : i32
      %dma_wait3A_58 = tpu.memref_slice %arg7[%add3A_21, %dma_wait3A] : memref<10240x128xf32, #tpu.memory_space<vmem_shared>> -> memref<128x128xf32, #tpu.memory_space<vmem_shared>>
      %dma_wait3A_59 = arith.constant 0 : i32
      %dma_wait3A_60 = tpu.memref_slice %arg7[%add3A_21, %dma_wait3A_59] : memref<10240x128xf32, #tpu.memory_space<vmem_shared>> -> memref<128x128xf32, #tpu.memory_space<vmem_shared>>
      tpu.wait_dma2 semaphore(%run_scoped3A : memref<!tpu.dma_semaphore, #tpu.memory_space<semaphore_mem>>) src(%arg6 : memref<128x128xf32, #tpu.memory_space<vmem>>) dst(%dma_wait3A_60 : memref<128x128xf32, #tpu.memory_space<vmem_shared>>)
      tpu.yield
    }) : () -> ()
    %mul3A_22 = arith.constant 640 : i32
    %mul3A_23 = arith.muli %arg1, %mul3A_22 : i32
    %add3A_24 = arith.constant 512 : i32
    %add3A_25 = arith.addi %mul3A_23, %add3A_24 : i32
    "tpu.region"() ({
      %run_scoped3A = tpu.sem_alloc : memref<!tpu.dma_semaphore, #tpu.memory_space<semaphore_mem>>
      %dma_start3A = arith.constant 0 : i32
      %dma_start3A_55 = tpu.memref_slice %arg7[%add3A_25, %dma_start3A] : memref<10240x128xf32, #tpu.memory_space<vmem_shared>> -> memref<128x128xf32, #tpu.memory_space<vmem_shared>>
      %dma_start3A_56 = arith.constant 0 : i32
      %dma_start3A_57 = tpu.memref_slice %arg7[%add3A_25, %dma_start3A_56] : memref<10240x128xf32, #tpu.memory_space<vmem_shared>> -> memref<128x128xf32, #tpu.memory_space<vmem_shared>>
      tpu.enqueue_dma source(%arg6 : memref<128x128xf32, #tpu.memory_space<vmem>>) target(%dma_start3A_57 : memref<128x128xf32, #tpu.memory_space<vmem_shared>>) target_semaphore(%run_scoped3A : memref<!tpu.dma_semaphore, #tpu.memory_space<semaphore_mem>>)
      %dma_wait3A = arith.constant 0 : i32
      %dma_wait3A_58 = tpu.memref_slice %arg7[%add3A_25, %dma_wait3A] : memref<10240x128xf32, #tpu.memory_space<vmem_shared>> -> memref<128x128xf32, #tpu.memory_space<vmem_shared>>
      %dma_wait3A_59 = arith.constant 0 : i32
      %dma_wait3A_60 = tpu.memref_slice %arg7[%add3A_25, %dma_wait3A_59] : memref<10240x128xf32, #tpu.memory_space<vmem_shared>> -> memref<128x128xf32, #tpu.memory_space<vmem_shared>>
      tpu.wait_dma2 semaphore(%run_scoped3A : memref<!tpu.dma_semaphore, #tpu.memory_space<semaphore_mem>>) src(%arg6 : memref<128x128xf32, #tpu.memory_space<vmem>>) dst(%dma_wait3A_60 : memref<128x128xf32, #tpu.memory_space<vmem_shared>>)
      tpu.yield
    }) : () -> ()
    %barrier3A = arith.constant 0 : index
    tpu.barrier barrier_id(%barrier3A)
    %scan3A_26 = arith.constant 0 : i32
    %scan3A_27 = arith.constant 0 : i32
    %scan3A_28 = arith.constant 39 : i32
    %scan3A_29 = arith.addi %scan3A_27, %scan3A_28 : i32
    %scan3A_30 = arith.constant 1 : i32
    scf.for %scan3A_55 = %scan3A_27 to %scan3A_29 step %scan3A_30  : i32 {
      %mul3A_56 = arith.constant 32 : i32
      %mul3A_57 = arith.muli %scan3A_55, %mul3A_56 : i32
      %add3A_58 = arith.addi %mul3A_57, %add3A : i32
      %mul3A_59 = arith.constant 128 : i32
      %mul3A_60 = arith.muli %add3A_58, %mul3A_59 : i32
      %run_scoped3A = arith.constant 0 : i32
      "tpu.region"() ({
        %run_scoped3A_62 = tpu.sem_alloc : memref<!tpu.dma_semaphore, #tpu.memory_space<semaphore_mem>>
        %dma_start3A = arith.constant 0 : i32
        %dma_start3A_63 = tpu.memref_slice %arg5[%run_scoped3A, %dma_start3A] : memref<2x128xi32, #tpu.memory_space<vmem>> -> memref<1x128xi32, #tpu.memory_space<vmem>>
        %dma_start3A_64 = tpu.memref_squeeze %dma_start3A_63 : memref<1x128xi32, #tpu.memory_space<vmem>> -> memref<128xi32, #tpu.memory_space<vmem>>
        %dma_start3A_65 = tpu.memref_slice %arg3[%mul3A_60] : memref<160000xi32, #tpu.memory_space<hbm>> -> memref<128xi32, #tpu.memory_space<hbm>>
        %dma_start3A_66 = arith.constant 0 : i32
        %dma_start3A_67 = tpu.memref_slice %arg5[%run_scoped3A, %dma_start3A_66] : memref<2x128xi32, #tpu.memory_space<vmem>> -> memref<1x128xi32, #tpu.memory_space<vmem>>
        %dma_start3A_68 = tpu.memref_squeeze %dma_start3A_67 : memref<1x128xi32, #tpu.memory_space<vmem>> -> memref<128xi32, #tpu.memory_space<vmem>>
        %dma_start3A_69 = tpu.memref_slice %arg3[%mul3A_60] : memref<160000xi32, #tpu.memory_space<hbm>> -> memref<128xi32, #tpu.memory_space<hbm>>
        tpu.enqueue_dma source(%dma_start3A_69 : memref<128xi32, #tpu.memory_space<hbm>>) target(%dma_start3A_68 : memref<128xi32, #tpu.memory_space<vmem>>) target_semaphore(%run_scoped3A_62 : memref<!tpu.dma_semaphore, #tpu.memory_space<semaphore_mem>>)
        %dma_wait3A = arith.constant 0 : i32
        %dma_wait3A_70 = tpu.memref_slice %arg5[%run_scoped3A, %dma_wait3A] : memref<2x128xi32, #tpu.memory_space<vmem>> -> memref<1x128xi32, #tpu.memory_space<vmem>>
        %dma_wait3A_71 = tpu.memref_squeeze %dma_wait3A_70 : memref<1x128xi32, #tpu.memory_space<vmem>> -> memref<128xi32, #tpu.memory_space<vmem>>
        %dma_wait3A_72 = tpu.memref_slice %arg3[%mul3A_60] : memref<160000xi32, #tpu.memory_space<hbm>> -> memref<128xi32, #tpu.memory_space<hbm>>
        %dma_wait3A_73 = arith.constant 0 : i32
        %dma_wait3A_74 = tpu.memref_slice %arg5[%run_scoped3A, %dma_wait3A_73] : memref<2x128xi32, #tpu.memory_space<vmem>> -> memref<1x128xi32, #tpu.memory_space<vmem>>
        %dma_wait3A_75 = tpu.memref_squeeze %dma_wait3A_74 : memref<1x128xi32, #tpu.memory_space<vmem>> -> memref<128xi32, #tpu.memory_space<vmem>>
        %dma_wait3A_76 = tpu.memref_slice %arg3[%mul3A_60] : memref<160000xi32, #tpu.memory_space<hbm>> -> memref<128xi32, #tpu.memory_space<hbm>>
        tpu.wait_dma2 semaphore(%run_scoped3A_62 : memref<!tpu.dma_semaphore, #tpu.memory_space<semaphore_mem>>) src(%dma_wait3A_76 : memref<128xi32, #tpu.memory_space<hbm>>) dst(%dma_wait3A_75 : memref<128xi32, #tpu.memory_space<vmem>>)
        tpu.yield
      }) : () -> ()
      "tpu.region"() ({
        %run_scoped3A_62 = tpu.sem_alloc : memref<!tpu.dma_semaphore, #tpu.memory_space<semaphore_mem>>
        %dma_start3A = arith.constant 0 : i32
        %dma_start3A_63 = tpu.memref_slice %arg2[%mul3A_60, %dma_start3A] : memref<160000x128xf32, #tpu.memory_space<hbm>> -> memref<128x128xf32, #tpu.memory_space<hbm>>
        %dma_start3A_64 = arith.constant 0 : i32
        %dma_start3A_65 = tpu.memref_slice %arg2[%mul3A_60, %dma_start3A_64] : memref<160000x128xf32, #tpu.memory_space<hbm>> -> memref<128x128xf32, #tpu.memory_space<hbm>>
        tpu.enqueue_dma source(%dma_start3A_65 : memref<128x128xf32, #tpu.memory_space<hbm>>) target(%arg6 : memref<128x128xf32, #tpu.memory_space<vmem>>) target_semaphore(%run_scoped3A_62 : memref<!tpu.dma_semaphore, #tpu.memory_space<semaphore_mem>>)
        %dma_wait3A = arith.constant 0 : i32
        %dma_wait3A_66 = tpu.memref_slice %arg2[%mul3A_60, %dma_wait3A] : memref<160000x128xf32, #tpu.memory_space<hbm>> -> memref<128x128xf32, #tpu.memory_space<hbm>>
        %dma_wait3A_67 = arith.constant 0 : i32
        %dma_wait3A_68 = tpu.memref_slice %arg2[%mul3A_60, %dma_wait3A_67] : memref<160000x128xf32, #tpu.memory_space<hbm>> -> memref<128x128xf32, #tpu.memory_space<hbm>>
        tpu.wait_dma2 semaphore(%run_scoped3A_62 : memref<!tpu.dma_semaphore, #tpu.memory_space<semaphore_mem>>) src(%dma_wait3A_68 : memref<128x128xf32, #tpu.memory_space<hbm>>) dst(%arg6 : memref<128x128xf32, #tpu.memory_space<vmem>>)
        tpu.yield
      }) : () -> ()
      %run_scoped3A_61 = arith.constant 0 : i32
      "tpu.region"() ({
        %run_scoped3A_62 = tpu.sem_alloc : memref<!tpu.dma_semaphore, #tpu.memory_space<semaphore_mem>>
        %dma_start3A = arith.constant 0 : i32
        %dma_start3A_63 = tpu.memref_slice %arg5[%run_scoped3A_61, %dma_start3A] : memref<2x128xi32, #tpu.memory_space<vmem>> -> memref<1x128xi32, #tpu.memory_space<vmem>>
        %dma_start3A_64 = tpu.memref_squeeze %dma_start3A_63 : memref<1x128xi32, #tpu.memory_space<vmem>> -> memref<128xi32, #tpu.memory_space<vmem>>
        %dma_start3A_65 = arith.constant 0 : i32
        %dma_start3A_66 = arith.constant 0 : i32
        %dma_start3A_67 = tpu.memref_slice %arg7[%dma_start3A_65, %dma_start3A_66] : memref<10240x128xf32, #tpu.memory_space<vmem_shared>> -> memref<10240x128xf32, #tpu.memory_space<vmem_shared>>
        tpu.enqueue_indirect_dma source(%arg6 : memref<128x128xf32, #tpu.memory_space<vmem>>) target(%dma_start3A_67 : memref<10240x128xf32, #tpu.memory_space<vmem_shared>>) offsets(%dma_start3A_64 : memref<128xi32, #tpu.memory_space<vmem>>) semaphore(%run_scoped3A_62 : memref<!tpu.dma_semaphore, #tpu.memory_space<semaphore_mem>>) {add = true}
        %dma_wait3A = arith.constant 0 : i32
        %dma_wait3A_68 = tpu.memref_slice %arg5[%run_scoped3A_61, %dma_wait3A] : memref<2x128xi32, #tpu.memory_space<vmem>> -> memref<1x128xi32, #tpu.memory_space<vmem>>
        %dma_wait3A_69 = tpu.memref_squeeze %dma_wait3A_68 : memref<1x128xi32, #tpu.memory_space<vmem>> -> memref<128xi32, #tpu.memory_space<vmem>>
        %dma_wait3A_70 = arith.constant 0 : i32
        %dma_wait3A_71 = arith.constant 0 : i32
        %dma_wait3A_72 = tpu.memref_slice %arg7[%dma_wait3A_70, %dma_wait3A_71] : memref<10240x128xf32, #tpu.memory_space<vmem_shared>> -> memref<10240x128xf32, #tpu.memory_space<vmem_shared>>
        tpu.wait_indirect_dma semaphore(%run_scoped3A_62 : memref<!tpu.dma_semaphore, #tpu.memory_space<semaphore_mem>>) src(%arg6 : memref<128x128xf32, #tpu.memory_space<vmem>>) dst(%dma_wait3A_72 : memref<10240x128xf32, #tpu.memory_space<vmem_shared>>)
        tpu.yield
      }) : () -> ()
    }
    %scan3A_31 = arith.constant 39 : i32
    %lt3A = arith.constant 2 : i32
    %lt3A_32 = arith.cmpi slt, %add3A, %lt3A : i32
    %convert_element_type3A = arith.extui %lt3A_32 : i1 to i32
    %cond3A = arith.constant 0 : i32
    %cond3A_33 = arith.cmpi ne, %convert_element_type3A, %cond3A : i32
    scf.if %cond3A_33 {
      %add3A_55 = arith.constant 1248 : i32
      %add3A_56 = arith.addi %add3A_55, %add3A : i32
      %mul3A_57 = arith.constant 128 : i32
      %mul3A_58 = arith.muli %add3A_56, %mul3A_57 : i32
      %run_scoped3A = arith.constant 0 : i32
      "tpu.region"() ({
        %run_scoped3A_60 = tpu.sem_alloc : memref<!tpu.dma_semaphore, #tpu.memory_space<semaphore_mem>>
        %dma_start3A = arith.constant 0 : i32
        %dma_start3A_61 = tpu.memref_slice %arg5[%run_scoped3A, %dma_start3A] : memref<2x128xi32, #tpu.memory_space<vmem>> -> memref<1x128xi32, #tpu.memory_space<vmem>>
        %dma_start3A_62 = tpu.memref_squeeze %dma_start3A_61 : memref<1x128xi32, #tpu.memory_space<vmem>> -> memref<128xi32, #tpu.memory_space<vmem>>
        %dma_start3A_63 = tpu.memref_slice %arg3[%mul3A_58] : memref<160000xi32, #tpu.memory_space<hbm>> -> memref<128xi32, #tpu.memory_space<hbm>>
        %dma_start3A_64 = arith.constant 0 : i32
        %dma_start3A_65 = tpu.memref_slice %arg5[%run_scoped3A, %dma_start3A_64] : memref<2x128xi32, #tpu.memory_space<vmem>> -> memref<1x128xi32, #tpu.memory_space<vmem>>
        %dma_start3A_66 = tpu.memref_squeeze %dma_start3A_65 : memref<1x128xi32, #tpu.memory_space<vmem>> -> memref<128xi32, #tpu.memory_space<vmem>>
        %dma_start3A_67 = tpu.memref_slice %arg3[%mul3A_58] : memref<160000xi32, #tpu.memory_space<hbm>> -> memref<128xi32, #tpu.memory_space<hbm>>
        tpu.enqueue_dma source(%dma_start3A_67 : memref<128xi32, #tpu.memory_space<hbm>>) target(%dma_start3A_66 : memref<128xi32, #tpu.memory_space<vmem>>) target_semaphore(%run_scoped3A_60 : memref<!tpu.dma_semaphore, #tpu.memory_space<semaphore_mem>>)
        %dma_wait3A = arith.constant 0 : i32
        %dma_wait3A_68 = tpu.memref_slice %arg5[%run_scoped3A, %dma_wait3A] : memref<2x128xi32, #tpu.memory_space<vmem>> -> memref<1x128xi32, #tpu.memory_space<vmem>>
        %dma_wait3A_69 = tpu.memref_squeeze %dma_wait3A_68 : memref<1x128xi32, #tpu.memory_space<vmem>> -> memref<128xi32, #tpu.memory_space<vmem>>
        %dma_wait3A_70 = tpu.memref_slice %arg3[%mul3A_58] : memref<160000xi32, #tpu.memory_space<hbm>> -> memref<128xi32, #tpu.memory_space<hbm>>
        %dma_wait3A_71 = arith.constant 0 : i32
        %dma_wait3A_72 = tpu.memref_slice %arg5[%run_scoped3A, %dma_wait3A_71] : memref<2x128xi32, #tpu.memory_space<vmem>> -> memref<1x128xi32, #tpu.memory_space<vmem>>
        %dma_wait3A_73 = tpu.memref_squeeze %dma_wait3A_72 : memref<1x128xi32, #tpu.memory_space<vmem>> -> memref<128xi32, #tpu.memory_space<vmem>>
        %dma_wait3A_74 = tpu.memref_slice %arg3[%mul3A_58] : memref<160000xi32, #tpu.memory_space<hbm>> -> memref<128xi32, #tpu.memory_space<hbm>>
        tpu.wait_dma2 semaphore(%run_scoped3A_60 : memref<!tpu.dma_semaphore, #tpu.memory_space<semaphore_mem>>) src(%dma_wait3A_74 : memref<128xi32, #tpu.memory_space<hbm>>) dst(%dma_wait3A_73 : memref<128xi32, #tpu.memory_space<vmem>>)
        tpu.yield
      }) : () -> ()
      "tpu.region"() ({
        %run_scoped3A_60 = tpu.sem_alloc : memref<!tpu.dma_semaphore, #tpu.memory_space<semaphore_mem>>
        %dma_start3A = arith.constant 0 : i32
        %dma_start3A_61 = tpu.memref_slice %arg2[%mul3A_58, %dma_start3A] : memref<160000x128xf32, #tpu.memory_space<hbm>> -> memref<128x128xf32, #tpu.memory_space<hbm>>
        %dma_start3A_62 = arith.constant 0 : i32
        %dma_start3A_63 = tpu.memref_slice %arg2[%mul3A_58, %dma_start3A_62] : memref<160000x128xf32, #tpu.memory_space<hbm>> -> memref<128x128xf32, #tpu.memory_space<hbm>>
        tpu.enqueue_dma source(%dma_start3A_63 : memref<128x128xf32, #tpu.memory_space<hbm>>) target(%arg6 : memref<128x128xf32, #tpu.memory_space<vmem>>) target_semaphore(%run_scoped3A_60 : memref<!tpu.dma_semaphore, #tpu.memory_space<semaphore_mem>>)
        %dma_wait3A = arith.constant 0 : i32
        %dma_wait3A_64 = tpu.memref_slice %arg2[%mul3A_58, %dma_wait3A] : memref<160000x128xf32, #tpu.memory_space<hbm>> -> memref<128x128xf32, #tpu.memory_space<hbm>>
        %dma_wait3A_65 = arith.constant 0 : i32
        %dma_wait3A_66 = tpu.memref_slice %arg2[%mul3A_58, %dma_wait3A_65] : memref<160000x128xf32, #tpu.memory_space<hbm>> -> memref<128x128xf32, #tpu.memory_space<hbm>>
        tpu.wait_dma2 semaphore(%run_scoped3A_60 : memref<!tpu.dma_semaphore, #tpu.memory_space<semaphore_mem>>) src(%dma_wait3A_66 : memref<128x128xf32, #tpu.memory_space<hbm>>) dst(%arg6 : memref<128x128xf32, #tpu.memory_space<vmem>>)
        tpu.yield
      }) : () -> ()
      %run_scoped3A_59 = arith.constant 0 : i32
      "tpu.region"() ({
        %run_scoped3A_60 = tpu.sem_alloc : memref<!tpu.dma_semaphore, #tpu.memory_space<semaphore_mem>>
        %dma_start3A = arith.constant 0 : i32
        %dma_start3A_61 = tpu.memref_slice %arg5[%run_scoped3A_59, %dma_start3A] : memref<2x128xi32, #tpu.memory_space<vmem>> -> memref<1x128xi32, #tpu.memory_space<vmem>>
        %dma_start3A_62 = tpu.memref_squeeze %dma_start3A_61 : memref<1x128xi32, #tpu.memory_space<vmem>> -> memref<128xi32, #tpu.memory_space<vmem>>
        %dma_start3A_63 = arith.constant 0 : i32
        %dma_start3A_64 = arith.constant 0 : i32
        %dma_start3A_65 = tpu.memref_slice %arg7[%dma_start3A_63, %dma_start3A_64] : memref<10240x128xf32, #tpu.memory_space<vmem_shared>> -> memref<10240x128xf32, #tpu.memory_space<vmem_shared>>
        tpu.enqueue_indirect_dma source(%arg6 : memref<128x128xf32, #tpu.memory_space<vmem>>) target(%dma_start3A_65 : memref<10240x128xf32, #tpu.memory_space<vmem_shared>>) offsets(%dma_start3A_62 : memref<128xi32, #tpu.memory_space<vmem>>) semaphore(%run_scoped3A_60 : memref<!tpu.dma_semaphore, #tpu.memory_space<semaphore_mem>>) {add = true}
        %dma_wait3A = arith.constant 0 : i32
        %dma_wait3A_66 = tpu.memref_slice %arg5[%run_scoped3A_59, %dma_wait3A] : memref<2x128xi32, #tpu.memory_space<vmem>> -> memref<1x128xi32, #tpu.memory_space<vmem>>
        %dma_wait3A_67 = tpu.memref_squeeze %dma_wait3A_66 : memref<1x128xi32, #tpu.memory_space<vmem>> -> memref<128xi32, #tpu.memory_space<vmem>>
        %dma_wait3A_68 = arith.constant 0 : i32
        %dma_wait3A_69 = arith.constant 0 : i32
        %dma_wait3A_70 = tpu.memref_slice %arg7[%dma_wait3A_68, %dma_wait3A_69] : memref<10240x128xf32, #tpu.memory_space<vmem_shared>> -> memref<10240x128xf32, #tpu.memory_space<vmem_shared>>
        tpu.wait_indirect_dma semaphore(%run_scoped3A_60 : memref<!tpu.dma_semaphore, #tpu.memory_space<semaphore_mem>>) src(%arg6 : memref<128x128xf32, #tpu.memory_space<vmem>>) dst(%dma_wait3A_70 : memref<10240x128xf32, #tpu.memory_space<vmem_shared>>)
        tpu.yield
      }) : () -> ()
    } else {
    }
    %barrier3A_34 = arith.constant 0 : index
    tpu.barrier barrier_id(%barrier3A_34)
    %mul3A_35 = arith.constant 640 : i32
    %mul3A_36 = arith.muli %arg1, %mul3A_35 : i32
    %add3A_37 = arith.constant 0 : i32
    %add3A_38 = arith.addi %mul3A_36, %add3A_37 : i32
    "tpu.region"() ({
      %run_scoped3A = tpu.sem_alloc : memref<!tpu.dma_semaphore, #tpu.memory_space<semaphore_mem>>
      %dma_start3A = arith.constant 0 : i32
      %dma_start3A_55 = tpu.memref_slice %arg4[%arg0, %add3A_38, %dma_start3A] : memref<2x10240x128xf32, #tpu.memory_space<hbm>> -> memref<1x128x128xf32, #tpu.memory_space<hbm>>
      %dma_start3A_56 = tpu.memref_squeeze %dma_start3A_55 : memref<1x128x128xf32, #tpu.memory_space<hbm>> -> memref<128x128xf32, #tpu.memory_space<hbm>>
      %dma_start3A_57 = arith.constant 0 : i32
      %dma_start3A_58 = tpu.memref_slice %arg7[%add3A_38, %dma_start3A_57] : memref<10240x128xf32, #tpu.memory_space<vmem_shared>> -> memref<128x128xf32, #tpu.memory_space<vmem_shared>>
      tpu.enqueue_dma source(%dma_start3A_58 : memref<128x128xf32, #tpu.memory_space<vmem_shared>>) target(%dma_start3A_56 : memref<128x128xf32, #tpu.memory_space<hbm>>) target_semaphore(%run_scoped3A : memref<!tpu.dma_semaphore, #tpu.memory_space<semaphore_mem>>)
      %dma_wait3A = arith.constant 0 : i32
      %dma_wait3A_59 = tpu.memref_slice %arg4[%arg0, %add3A_38, %dma_wait3A] : memref<2x10240x128xf32, #tpu.memory_space<hbm>> -> memref<1x128x128xf32, #tpu.memory_space<hbm>>
      %dma_wait3A_60 = tpu.memref_squeeze %dma_wait3A_59 : memref<1x128x128xf32, #tpu.memory_space<hbm>> -> memref<128x128xf32, #tpu.memory_space<hbm>>
      %dma_wait3A_61 = arith.constant 0 : i32
      %dma_wait3A_62 = tpu.memref_slice %arg7[%add3A_38, %dma_wait3A_61] : memref<10240x128xf32, #tpu.memory_space<vmem_shared>> -> memref<128x128xf32, #tpu.memory_space<vmem_shared>>
      tpu.wait_dma2 semaphore(%run_scoped3A : memref<!tpu.dma_semaphore, #tpu.memory_space<semaphore_mem>>) src(%dma_wait3A_62 : memref<128x128xf32, #tpu.memory_space<vmem_shared>>) dst(%dma_wait3A_60 : memref<128x128xf32, #tpu.memory_space<hbm>>)
      tpu.yield
    }) : () -> ()
    %mul3A_39 = arith.constant 640 : i32
    %mul3A_40 = arith.muli %arg1, %mul3A_39 : i32
    %add3A_41 = arith.constant 128 : i32
    %add3A_42 = arith.addi %mul3A_40, %add3A_41 : i32
    "tpu.region"() ({
      %run_scoped3A = tpu.sem_alloc : memref<!tpu.dma_semaphore, #tpu.memory_space<semaphore_mem>>
      %dma_start3A = arith.constant 0 : i32
      %dma_start3A_55 = tpu.memref_slice %arg4[%arg0, %add3A_42, %dma_start3A] : memref<2x10240x128xf32, #tpu.memory_space<hbm>> -> memref<1x128x128xf32, #tpu.memory_space<hbm>>
      %dma_start3A_56 = tpu.memref_squeeze %dma_start3A_55 : memref<1x128x128xf32, #tpu.memory_space<hbm>> -> memref<128x128xf32, #tpu.memory_space<hbm>>
      %dma_start3A_57 = arith.constant 0 : i32
      %dma_start3A_58 = tpu.memref_slice %arg7[%add3A_42, %dma_start3A_57] : memref<10240x128xf32, #tpu.memory_space<vmem_shared>> -> memref<128x128xf32, #tpu.memory_space<vmem_shared>>
      tpu.enqueue_dma source(%dma_start3A_58 : memref<128x128xf32, #tpu.memory_space<vmem_shared>>) target(%dma_start3A_56 : memref<128x128xf32, #tpu.memory_space<hbm>>) target_semaphore(%run_scoped3A : memref<!tpu.dma_semaphore, #tpu.memory_space<semaphore_mem>>)
      %dma_wait3A = arith.constant 0 : i32
      %dma_wait3A_59 = tpu.memref_slice %arg4[%arg0, %add3A_42, %dma_wait3A] : memref<2x10240x128xf32, #tpu.memory_space<hbm>> -> memref<1x128x128xf32, #tpu.memory_space<hbm>>
      %dma_wait3A_60 = tpu.memref_squeeze %dma_wait3A_59 : memref<1x128x128xf32, #tpu.memory_space<hbm>> -> memref<128x128xf32, #tpu.memory_space<hbm>>
      %dma_wait3A_61 = arith.constant 0 : i32
      %dma_wait3A_62 = tpu.memref_slice %arg7[%add3A_42, %dma_wait3A_61] : memref<10240x128xf32, #tpu.memory_space<vmem_shared>> -> memref<128x128xf32, #tpu.memory_space<vmem_shared>>
      tpu.wait_dma2 semaphore(%run_scoped3A : memref<!tpu.dma_semaphore, #tpu.memory_space<semaphore_mem>>) src(%dma_wait3A_62 : memref<128x128xf32, #tpu.memory_space<vmem_shared>>) dst(%dma_wait3A_60 : memref<128x128xf32, #tpu.memory_space<hbm>>)
      tpu.yield
    }) : () -> ()
    %mul3A_43 = arith.constant 640 : i32
    %mul3A_44 = arith.muli %arg1, %mul3A_43 : i32
    %add3A_45 = arith.constant 256 : i32
    %add3A_46 = arith.addi %mul3A_44, %add3A_45 : i32
    "tpu.region"() ({
      %run_scoped3A = tpu.sem_alloc : memref<!tpu.dma_semaphore, #tpu.memory_space<semaphore_mem>>
      %dma_start3A = arith.constant 0 : i32
      %dma_start3A_55 = tpu.memref_slice %arg4[%arg0, %add3A_46, %dma_start3A] : memref<2x10240x128xf32, #tpu.memory_space<hbm>> -> memref<1x128x128xf32, #tpu.memory_space<hbm>>
      %dma_start3A_56 = tpu.memref_squeeze %dma_start3A_55 : memref<1x128x128xf32, #tpu.memory_space<hbm>> -> memref<128x128xf32, #tpu.memory_space<hbm>>
      %dma_start3A_57 = arith.constant 0 : i32
      %dma_start3A_58 = tpu.memref_slice %arg7[%add3A_46, %dma_start3A_57] : memref<10240x128xf32, #tpu.memory_space<vmem_shared>> -> memref<128x128xf32, #tpu.memory_space<vmem_shared>>
      tpu.enqueue_dma source(%dma_start3A_58 : memref<128x128xf32, #tpu.memory_space<vmem_shared>>) target(%dma_start3A_56 : memref<128x128xf32, #tpu.memory_space<hbm>>) target_semaphore(%run_scoped3A : memref<!tpu.dma_semaphore, #tpu.memory_space<semaphore_mem>>)
      %dma_wait3A = arith.constant 0 : i32
      %dma_wait3A_59 = tpu.memref_slice %arg4[%arg0, %add3A_46, %dma_wait3A] : memref<2x10240x128xf32, #tpu.memory_space<hbm>> -> memref<1x128x128xf32, #tpu.memory_space<hbm>>
      %dma_wait3A_60 = tpu.memref_squeeze %dma_wait3A_59 : memref<1x128x128xf32, #tpu.memory_space<hbm>> -> memref<128x128xf32, #tpu.memory_space<hbm>>
      %dma_wait3A_61 = arith.constant 0 : i32
      %dma_wait3A_62 = tpu.memref_slice %arg7[%add3A_46, %dma_wait3A_61] : memref<10240x128xf32, #tpu.memory_space<vmem_shared>> -> memref<128x128xf32, #tpu.memory_space<vmem_shared>>
      tpu.wait_dma2 semaphore(%run_scoped3A : memref<!tpu.dma_semaphore, #tpu.memory_space<semaphore_mem>>) src(%dma_wait3A_62 : memref<128x128xf32, #tpu.memory_space<vmem_shared>>) dst(%dma_wait3A_60 : memref<128x128xf32, #tpu.memory_space<hbm>>)
      tpu.yield
    }) : () -> ()
    %mul3A_47 = arith.constant 640 : i32
    %mul3A_48 = arith.muli %arg1, %mul3A_47 : i32
    %add3A_49 = arith.constant 384 : i32
    %add3A_50 = arith.addi %mul3A_48, %add3A_49 : i32
    "tpu.region"() ({
      %run_scoped3A = tpu.sem_alloc : memref<!tpu.dma_semaphore, #tpu.memory_space<semaphore_mem>>
      %dma_start3A = arith.constant 0 : i32
      %dma_start3A_55 = tpu.memref_slice %arg4[%arg0, %add3A_50, %dma_start3A] : memref<2x10240x128xf32, #tpu.memory_space<hbm>> -> memref<1x128x128xf32, #tpu.memory_space<hbm>>
      %dma_start3A_56 = tpu.memref_squeeze %dma_start3A_55 : memref<1x128x128xf32, #tpu.memory_space<hbm>> -> memref<128x128xf32, #tpu.memory_space<hbm>>
      %dma_start3A_57 = arith.constant 0 : i32
      %dma_start3A_58 = tpu.memref_slice %arg7[%add3A_50, %dma_start3A_57] : memref<10240x128xf32, #tpu.memory_space<vmem_shared>> -> memref<128x128xf32, #tpu.memory_space<vmem_shared>>
      tpu.enqueue_dma source(%dma_start3A_58 : memref<128x128xf32, #tpu.memory_space<vmem_shared>>) target(%dma_start3A_56 : memref<128x128xf32, #tpu.memory_space<hbm>>) target_semaphore(%run_scoped3A : memref<!tpu.dma_semaphore, #tpu.memory_space<semaphore_mem>>)
      %dma_wait3A = arith.constant 0 : i32
      %dma_wait3A_59 = tpu.memref_slice %arg4[%arg0, %add3A_50, %dma_wait3A] : memref<2x10240x128xf32, #tpu.memory_space<hbm>> -> memref<1x128x128xf32, #tpu.memory_space<hbm>>
      %dma_wait3A_60 = tpu.memref_squeeze %dma_wait3A_59 : memref<1x128x128xf32, #tpu.memory_space<hbm>> -> memref<128x128xf32, #tpu.memory_space<hbm>>
      %dma_wait3A_61 = arith.constant 0 : i32
      %dma_wait3A_62 = tpu.memref_slice %arg7[%add3A_50, %dma_wait3A_61] : memref<10240x128xf32, #tpu.memory_space<vmem_shared>> -> memref<128x128xf32, #tpu.memory_space<vmem_shared>>
      tpu.wait_dma2 semaphore(%run_scoped3A : memref<!tpu.dma_semaphore, #tpu.memory_space<semaphore_mem>>) src(%dma_wait3A_62 : memref<128x128xf32, #tpu.memory_space<vmem_shared>>) dst(%dma_wait3A_60 : memref<128x128xf32, #tpu.memory_space<hbm>>)
      tpu.yield
    }) : () -> ()
    %mul3A_51 = arith.constant 640 : i32
    %mul3A_52 = arith.muli %arg1, %mul3A_51 : i32
    %add3A_53 = arith.constant 512 : i32
    %add3A_54 = arith.addi %mul3A_52, %add3A_53 : i32
    "tpu.region"() ({
      %run_scoped3A = tpu.sem_alloc : memref<!tpu.dma_semaphore, #tpu.memory_space<semaphore_mem>>
      %dma_start3A = arith.constant 0 : i32
      %dma_start3A_55 = tpu.memref_slice %arg4[%arg0, %add3A_54, %dma_start3A] : memref<2x10240x128xf32, #tpu.memory_space<hbm>> -> memref<1x128x128xf32, #tpu.memory_space<hbm>>
      %dma_start3A_56 = tpu.memref_squeeze %dma_start3A_55 : memref<1x128x128xf32, #tpu.memory_space<hbm>> -> memref<128x128xf32, #tpu.memory_space<hbm>>
      %dma_start3A_57 = arith.constant 0 : i32
      %dma_start3A_58 = tpu.memref_slice %arg7[%add3A_54, %dma_start3A_57] : memref<10240x128xf32, #tpu.memory_space<vmem_shared>> -> memref<128x128xf32, #tpu.memory_space<vmem_shared>>
      tpu.enqueue_dma source(%dma_start3A_58 : memref<128x128xf32, #tpu.memory_space<vmem_shared>>) target(%dma_start3A_56 : memref<128x128xf32, #tpu.memory_space<hbm>>) target_semaphore(%run_scoped3A : memref<!tpu.dma_semaphore, #tpu.memory_space<semaphore_mem>>)
      %dma_wait3A = arith.constant 0 : i32
      %dma_wait3A_59 = tpu.memref_slice %arg4[%arg0, %add3A_54, %dma_wait3A] : memref<2x10240x128xf32, #tpu.memory_space<hbm>> -> memref<1x128x128xf32, #tpu.memory_space<hbm>>
      %dma_wait3A_60 = tpu.memref_squeeze %dma_wait3A_59 : memref<1x128x128xf32, #tpu.memory_space<hbm>> -> memref<128x128xf32, #tpu.memory_space<hbm>>
      %dma_wait3A_61 = arith.constant 0 : i32
      %dma_wait3A_62 = tpu.memref_slice %arg7[%add3A_54, %dma_wait3A_61] : memref<10240x128xf32, #tpu.memory_space<vmem_shared>> -> memref<128x128xf32, #tpu.memory_space<vmem_shared>>
      tpu.wait_dma2 semaphore(%run_scoped3A : memref<!tpu.dma_semaphore, #tpu.memory_space<semaphore_mem>>) src(%dma_wait3A_62 : memref<128x128xf32, #tpu.memory_space<vmem_shared>>) dst(%dma_wait3A_60 : memref<128x128xf32, #tpu.memory_space<hbm>>)
      tpu.yield
    }) : () -> ()
    return
  }
}

module attributes {stable_mosaic.version = 14 : i64} {
  func.func @kfn(%arg0: memref<10000x128xf32, #tpu.memory_space<vmem>>, %arg1: memref<128x128xf32, #tpu.memory_space<vmem>>, %arg2: memref<1x128xf32, #tpu.memory_space<vmem>>, %arg3: memref<10000x128xf32, #tpu.memory_space<vmem>>) attributes {dimension_semantics = [], scalar_prefetch = 0 : i64, scratch_operands = 0 : i64, tpu.core_type = #tpu.core_type<tc>} {
    %get3A = arith.constant 0 : index
    %get3A_0 = arith.constant 0 : index
    %get3A_1 = vector.load %arg0[%get3A, %get3A_0] : memref<10000x128xf32, #tpu.memory_space<vmem>>, vector<10000x128xf32>
    %get3A_2 = arith.constant 0 : index
    %get3A_3 = arith.constant 0 : index
    %get3A_4 = vector.load %arg1[%get3A_2, %get3A_3] : memref<128x128xf32, #tpu.memory_space<vmem>>, vector<128x128xf32>
    %dot_general3A = arith.constant dense<0.000000e+00> : vector<10000x128xf32>
    %dot_general3A_5 = tpu.matmul %get3A_1, %get3A_4, %dot_general3A {dimension_numbers = #tpu.dot_dimension_numbers<[1], [0], [0], [1], [0, 0, 1, 1], [], []>, transpose_lhs_hint = false} : vector<10000x128xf32>, vector<128x128xf32>, vector<10000x128xf32> -> vector<10000x128xf32>
    %get3A_6 = arith.constant 0 : index
    %get3A_7 = arith.constant 0 : index
    %get3A_8 = vector.load %arg2[%get3A_6, %get3A_7] : memref<1x128xf32, #tpu.memory_space<vmem>>, vector<1x128xf32>
    %add3A = vector.broadcast %get3A_8 : vector<1x128xf32> to vector<10000x128xf32>
    %add3A_9 = arith.addf %dot_general3A_5, %add3A : vector<10000x128xf32>
    %swap3A = arith.constant 0 : index
    %swap3A_10 = arith.constant 0 : index
    %swap3A_11 = vector.load %arg3[%swap3A, %swap3A_10] : memref<10000x128xf32, #tpu.memory_space<vmem>>, vector<10000x128xf32>
    tpu.vector_store %arg3[%swap3A, %swap3A_10], %add3A_9 {strides = array<i32>} : memref<10000x128xf32, #tpu.memory_space<vmem>>, vector<10000x128xf32>,
    return
  }
}

module attributes {stable_mosaic.version = 14 : i64} {
  func.func @kfn(%arg0: i32, %arg1: memref<640x16xf32, #tpu.memory_space<vmem>>, %arg2: memref<16x128xf32, #tpu.memory_space<vmem>>, %arg3: memref<1x128xf32, #tpu.memory_space<vmem>>, %arg4: memref<640x128xf32, #tpu.memory_space<vmem>>) attributes {dimension_semantics = [#tpu.dimension_semantics<arbitrary>], iteration_bounds = array<i64: 250>, scalar_prefetch = 0 : i64, scratch_operands = 0 : i64, tpu.core_type = #tpu.core_type<tc>, window_params = [{transform_indices = @transform_0, window_bounds = array<i64: 640, 16>}, {pipeline_mode = #tpu.pipeline_mode<synchronous>, transform_indices = @transform_1, window_bounds = array<i64: 16, 128>}, {pipeline_mode = #tpu.pipeline_mode<synchronous>, transform_indices = @transform_2, window_bounds = array<i64: 1, 128>}, {transform_indices = @transform_3, window_bounds = array<i64: 640, 128>}]} {
    %get3A = arith.constant 0 : index
    %get3A_0 = arith.constant 0 : index
    %get3A_1 = vector.load %arg1[%get3A, %get3A_0] : memref<640x16xf32, #tpu.memory_space<vmem>>, vector<640x16xf32>
    %get3A_2 = arith.constant 0 : index
    %get3A_3 = arith.constant 0 : index
    %get3A_4 = vector.load %arg2[%get3A_2, %get3A_3] : memref<16x128xf32, #tpu.memory_space<vmem>>, vector<16x128xf32>
    %dot_general3A = arith.constant dense<0.000000e+00> : vector<640x128xf32>
    %dot_general3A_5 = tpu.matmul %get3A_1, %get3A_4, %dot_general3A {dimension_numbers = #tpu.dot_dimension_numbers<[1], [0], [0], [1], [0, 0, 1, 1], [], []>, transpose_lhs_hint = false} : vector<640x16xf32>, vector<16x128xf32>, vector<640x128xf32> -> vector<640x128xf32>
    %get3A_6 = arith.constant 0 : index
    %get3A_7 = arith.constant 0 : index
    %get3A_8 = vector.load %arg3[%get3A_6, %get3A_7] : memref<1x128xf32, #tpu.memory_space<vmem>>, vector<1x128xf32>
    %add3A = vector.broadcast %get3A_8 : vector<1x128xf32> to vector<640x128xf32>
    %add3A_9 = arith.addf %dot_general3A_5, %add3A : vector<640x128xf32>
    %swap3A = arith.constant 0 : index
    %swap3A_10 = arith.constant 0 : index
    %swap3A_11 = vector.load %arg4[%swap3A, %swap3A_10] : memref<640x128xf32, #tpu.memory_space<vmem>>, vector<640x128xf32>
    tpu.vector_store %arg4[%swap3A, %swap3A_10], %add3A_9 {strides = array<i32>} : memref<640x128xf32, #tpu.memory_space<vmem>>, vector<640x128xf32>,
    return
  }
  func.func @transform_0(%arg0: i32) -> (i32, i32) {
    %c0_i32 = arith.constant 0 : i32
    %c0_i32_0 = arith.constant 0 : i32
    return %arg0, %c0_i32 : i32, i32
  }
  func.func @transform_1(%arg0: i32) -> (i32, i32) {
    %c0_i32 = arith.constant 0 : i32
    %c0_i32_0 = arith.constant 0 : i32
    %c0_i32_1 = arith.constant 0 : i32
    return %c0_i32, %c0_i32_0 : i32, i32
  }
  func.func @transform_2(%arg0: i32) -> (i32, i32) {
    %c0_i32 = arith.constant 0 : i32
    %c0_i32_0 = arith.constant 0 : i32
    %c0_i32_1 = arith.constant 0 : i32
    return %c0_i32, %c0_i32_0 : i32, i32
  }
  func.func @transform_3(%arg0: i32) -> (i32, i32) {
    %c0_i32 = arith.constant 0 : i32
    %c0_i32_0 = arith.constant 0 : i32
    return %arg0, %c0_i32 : i32, i32
  }
}

module attributes {stable_mosaic.version = 14 : i64} {
  func.func @kfn(%arg0: memref<10000x128xf32, #tpu.memory_space<vmem>>, %arg1: memref<1x128xf32, #tpu.memory_space<vmem>>, %arg2: memref<1x128xf32, #tpu.memory_space<vmem>>, %arg3: memref<1x128xf32, #tpu.memory_space<vmem>>, %arg4: memref<1x128xf32, #tpu.memory_space<vmem>>, %arg5: memref<128x128xf32, #tpu.memory_space<vmem>>, %arg6: memref<1x128xf32, #tpu.memory_space<vmem>>, %arg7: memref<10000x128xf32, #tpu.memory_space<vmem>>) attributes {dimension_semantics = [], scalar_prefetch = 0 : i64, scratch_operands = 0 : i64, tpu.core_type = #tpu.core_type<tc>} {
    %get3A = arith.constant 0 : index
    %get3A_0 = arith.constant 0 : index
    %get3A_1 = vector.load %arg0[%get3A, %get3A_0] : memref<10000x128xf32, #tpu.memory_space<vmem>>, vector<10000x128xf32>
    %get3A_2 = arith.constant 0 : index
    %get3A_3 = arith.constant 0 : index
    %get3A_4 = vector.load %arg1[%get3A_2, %get3A_3] : memref<1x128xf32, #tpu.memory_space<vmem>>, vector<1x128xf32>
    %get3A_5 = arith.constant 0 : index
    %get3A_6 = arith.constant 0 : index
    %get3A_7 = vector.load %arg2[%get3A_5, %get3A_6] : memref<1x128xf32, #tpu.memory_space<vmem>>, vector<1x128xf32>
    %get3A_8 = arith.constant 0 : index
    %get3A_9 = arith.constant 0 : index
    %get3A_10 = vector.load %arg3[%get3A_8, %get3A_9] : memref<1x128xf32, #tpu.memory_space<vmem>>, vector<1x128xf32>
    %get3A_11 = arith.constant 0 : index
    %get3A_12 = arith.constant 0 : index
    %get3A_13 = vector.load %arg4[%get3A_11, %get3A_12] : memref<1x128xf32, #tpu.memory_space<vmem>>, vector<1x128xf32>
    %sub3A = vector.broadcast %get3A_4 : vector<1x128xf32> to vector<10000x128xf32>
    %sub3A_14 = arith.subf %get3A_1, %sub3A : vector<10000x128xf32>
    %add3A = arith.constant 9.99999974E-6 : f32
    %add3A_15 = vector.broadcast %add3A : f32 to vector<1x128xf32>
    %add3A_16 = arith.addf %get3A_7, %add3A_15 : vector<1x128xf32>
    %sqrt3A = math.sqrt %add3A_16 : vector<1x128xf32>
    %div3A = vector.broadcast %sqrt3A : vector<1x128xf32> to vector<10000x128xf32>
    %div3A_17 = arith.divf %sub3A_14, %div3A : vector<10000x128xf32>
    %mul3A = vector.broadcast %get3A_10 : vector<1x128xf32> to vector<10000x128xf32>
    %mul3A_18 = arith.mulf %div3A_17, %mul3A : vector<10000x128xf32>
    %add3A_19 = vector.broadcast %get3A_13 : vector<1x128xf32> to vector<10000x128xf32>
    %add3A_20 = arith.addf %mul3A_18, %add3A_19 : vector<10000x128xf32>
    %integer_pow3A = arith.mulf %add3A_20, %add3A_20 : vector<10000x128xf32>
    %integer_pow3A_21 = arith.mulf %add3A_20, %integer_pow3A : vector<10000x128xf32>
    %mul3A_22 = arith.constant 4.471500e-02 : f32
    %mul3A_23 = vector.broadcast %mul3A_22 : f32 to vector<10000x128xf32>
    %mul3A_24 = arith.mulf %mul3A_23, %integer_pow3A_21 : vector<10000x128xf32>
    %add3A_25 = arith.addf %add3A_20, %mul3A_24 : vector<10000x128xf32>
    %mul3A_26 = arith.constant 0.797884583 : f32
    %mul3A_27 = vector.broadcast %mul3A_26 : f32 to vector<10000x128xf32>
    %mul3A_28 = arith.mulf %mul3A_27, %add3A_25 : vector<10000x128xf32>
    %tanh3A = math.tanh %mul3A_28 : vector<10000x128xf32>
    %add3A_29 = arith.constant 1.000000e+00 : f32
    %add3A_30 = vector.broadcast %add3A_29 : f32 to vector<10000x128xf32>
    %add3A_31 = arith.addf %add3A_30, %tanh3A : vector<10000x128xf32>
    %mul3A_32 = arith.constant 5.000000e-01 : f32
    %mul3A_33 = vector.broadcast %mul3A_32 : f32 to vector<10000x128xf32>
    %mul3A_34 = arith.mulf %mul3A_33, %add3A_31 : vector<10000x128xf32>
    %mul3A_35 = arith.mulf %add3A_20, %mul3A_34 : vector<10000x128xf32>
    %get3A_36 = arith.constant 0 : index
    %get3A_37 = arith.constant 0 : index
    %get3A_38 = vector.load %arg5[%get3A_36, %get3A_37] : memref<128x128xf32, #tpu.memory_space<vmem>>, vector<128x128xf32>
    %dot_general3A = arith.constant dense<0.000000e+00> : vector<10000x128xf32>
    %dot_general3A_39 = tpu.matmul %mul3A_35, %get3A_38, %dot_general3A {dimension_numbers = #tpu.dot_dimension_numbers<[1], [0], [0], [1], [0, 0, 1, 1], [], []>, transpose_lhs_hint = false} : vector<10000x128xf32>, vector<128x128xf32>, vector<10000x128xf32> -> vector<10000x128xf32>
    %get3A_40 = arith.constant 0 : index
    %get3A_41 = arith.constant 0 : index
    %get3A_42 = vector.load %arg6[%get3A_40, %get3A_41] : memref<1x128xf32, #tpu.memory_space<vmem>>, vector<1x128xf32>
    %add3A_43 = vector.broadcast %get3A_42 : vector<1x128xf32> to vector<10000x128xf32>
    %add3A_44 = arith.addf %dot_general3A_39, %add3A_43 : vector<10000x128xf32>
    %swap3A = arith.constant 0 : index
    %swap3A_45 = arith.constant 0 : index
    %swap3A_46 = vector.load %arg7[%swap3A, %swap3A_45] : memref<10000x128xf32, #tpu.memory_space<vmem>>, vector<10000x128xf32>
    tpu.vector_store %arg7[%swap3A, %swap3A_45], %add3A_44 {strides = array<i32>} : memref<10000x128xf32, #tpu.memory_space<vmem>>, vector<10000x128xf32>,
    return
  }
}

module attributes {stable_mosaic.version = 14 : i64} {
  func.func @kfn(%arg0: i32, %arg1: memref<640x128xf32, #tpu.memory_space<vmem>>, %arg2: memref<1x128xf32, #tpu.memory_space<vmem>>, %arg3: memref<1x128xf32, #tpu.memory_space<vmem>>, %arg4: memref<1x128xf32, #tpu.memory_space<vmem>>, %arg5: memref<1x128xf32, #tpu.memory_space<vmem>>, %arg6: memref<128x128xf32, #tpu.memory_space<vmem>>, %arg7: memref<1x128xf32, #tpu.memory_space<vmem>>, %arg8: memref<640x128xf32, #tpu.memory_space<vmem>>) attributes {dimension_semantics = [#tpu.dimension_semantics<arbitrary>], iteration_bounds = array<i64: 250>, scalar_prefetch = 0 : i64, scratch_operands = 0 : i64, tpu.core_type = #tpu.core_type<tc>, window_params = [{transform_indices = @transform_0, window_bounds = array<i64: 640, 128>}, {pipeline_mode = #tpu.pipeline_mode<synchronous>, transform_indices = @transform_1, window_bounds = array<i64: 1, 128>}, {pipeline_mode = #tpu.pipeline_mode<synchronous>, transform_indices = @transform_2, window_bounds = array<i64: 1, 128>}, {pipeline_mode = #tpu.pipeline_mode<synchronous>, transform_indices = @transform_3, window_bounds = array<i64: 1, 128>}, {pipeline_mode = #tpu.pipeline_mode<synchronous>, transform_indices = @transform_4, window_bounds = array<i64: 1, 128>}, {pipeline_mode = #tpu.pipeline_mode<synchronous>, transform_indices = @transform_5, window_bounds = array<i64: 128, 128>}, {pipeline_mode = #tpu.pipeline_mode<synchronous>, transform_indices = @transform_6, window_bounds = array<i64: 1, 128>}, {transform_indices = @transform_7, window_bounds = array<i64: 640, 128>}]} {
    %get3A = arith.constant 0 : index
    %get3A_0 = arith.constant 0 : index
    %get3A_1 = vector.load %arg1[%get3A, %get3A_0] : memref<640x128xf32, #tpu.memory_space<vmem>>, vector<640x128xf32>
    %get3A_2 = arith.constant 0 : index
    %get3A_3 = arith.constant 0 : index
    %get3A_4 = vector.load %arg2[%get3A_2, %get3A_3] : memref<1x128xf32, #tpu.memory_space<vmem>>, vector<1x128xf32>
    %get3A_5 = arith.constant 0 : index
    %get3A_6 = arith.constant 0 : index
    %get3A_7 = vector.load %arg3[%get3A_5, %get3A_6] : memref<1x128xf32, #tpu.memory_space<vmem>>, vector<1x128xf32>
    %get3A_8 = arith.constant 0 : index
    %get3A_9 = arith.constant 0 : index
    %get3A_10 = vector.load %arg4[%get3A_8, %get3A_9] : memref<1x128xf32, #tpu.memory_space<vmem>>, vector<1x128xf32>
    %get3A_11 = arith.constant 0 : index
    %get3A_12 = arith.constant 0 : index
    %get3A_13 = vector.load %arg5[%get3A_11, %get3A_12] : memref<1x128xf32, #tpu.memory_space<vmem>>, vector<1x128xf32>
    %sub3A = vector.broadcast %get3A_4 : vector<1x128xf32> to vector<640x128xf32>
    %sub3A_14 = arith.subf %get3A_1, %sub3A : vector<640x128xf32>
    %add3A = arith.constant 9.99999974E-6 : f32
    %add3A_15 = vector.broadcast %add3A : f32 to vector<1x128xf32>
    %add3A_16 = arith.addf %get3A_7, %add3A_15 : vector<1x128xf32>
    %sqrt3A = math.sqrt %add3A_16 : vector<1x128xf32>
    %div3A = vector.broadcast %sqrt3A : vector<1x128xf32> to vector<640x128xf32>
    %div3A_17 = arith.divf %sub3A_14, %div3A : vector<640x128xf32>
    %mul3A = vector.broadcast %get3A_10 : vector<1x128xf32> to vector<640x128xf32>
    %mul3A_18 = arith.mulf %div3A_17, %mul3A : vector<640x128xf32>
    %add3A_19 = vector.broadcast %get3A_13 : vector<1x128xf32> to vector<640x128xf32>
    %add3A_20 = arith.addf %mul3A_18, %add3A_19 : vector<640x128xf32>
    %integer_pow3A = arith.mulf %add3A_20, %add3A_20 : vector<640x128xf32>
    %integer_pow3A_21 = arith.mulf %add3A_20, %integer_pow3A : vector<640x128xf32>
    %mul3A_22 = arith.constant 4.471500e-02 : f32
    %mul3A_23 = vector.broadcast %mul3A_22 : f32 to vector<640x128xf32>
    %mul3A_24 = arith.mulf %mul3A_23, %integer_pow3A_21 : vector<640x128xf32>
    %add3A_25 = arith.addf %add3A_20, %mul3A_24 : vector<640x128xf32>
    %mul3A_26 = arith.constant 0.797884583 : f32
    %mul3A_27 = vector.broadcast %mul3A_26 : f32 to vector<640x128xf32>
    %mul3A_28 = arith.mulf %mul3A_27, %add3A_25 : vector<640x128xf32>
    %tanh3A = math.tanh %mul3A_28 : vector<640x128xf32>
    %add3A_29 = arith.constant 1.000000e+00 : f32
    %add3A_30 = vector.broadcast %add3A_29 : f32 to vector<640x128xf32>
    %add3A_31 = arith.addf %add3A_30, %tanh3A : vector<640x128xf32>
    %mul3A_32 = arith.constant 5.000000e-01 : f32
    %mul3A_33 = vector.broadcast %mul3A_32 : f32 to vector<640x128xf32>
    %mul3A_34 = arith.mulf %mul3A_33, %add3A_31 : vector<640x128xf32>
    %mul3A_35 = arith.mulf %add3A_20, %mul3A_34 : vector<640x128xf32>
    %get3A_36 = arith.constant 0 : index
    %get3A_37 = arith.constant 0 : index
    %get3A_38 = vector.load %arg6[%get3A_36, %get3A_37] : memref<128x128xf32, #tpu.memory_space<vmem>>, vector<128x128xf32>
    %dot_general3A = arith.constant dense<0.000000e+00> : vector<640x128xf32>
    %dot_general3A_39 = tpu.matmul %mul3A_35, %get3A_38, %dot_general3A {dimension_numbers = #tpu.dot_dimension_numbers<[1], [0], [0], [1], [0, 0, 1, 1], [], []>, transpose_lhs_hint = false} : vector<640x128xf32>, vector<128x128xf32>, vector<640x128xf32> -> vector<640x128xf32>
    %get3A_40 = arith.constant 0 : index
    %get3A_41 = arith.constant 0 : index
    %get3A_42 = vector.load %arg7[%get3A_40, %get3A_41] : memref<1x128xf32, #tpu.memory_space<vmem>>, vector<1x128xf32>
    %add3A_43 = vector.broadcast %get3A_42 : vector<1x128xf32> to vector<640x128xf32>
    %add3A_44 = arith.addf %dot_general3A_39, %add3A_43 : vector<640x128xf32>
    %swap3A = arith.constant 0 : index
    %swap3A_45 = arith.constant 0 : index
    %swap3A_46 = vector.load %arg8[%swap3A, %swap3A_45] : memref<640x128xf32, #tpu.memory_space<vmem>>, vector<640x128xf32>
    tpu.vector_store %arg8[%swap3A, %swap3A_45], %add3A_44 {strides = array<i32>} : memref<640x128xf32, #tpu.memory_space<vmem>>, vector<640x128xf32>,
    return
  }
  func.func @transform_0(%arg0: i32) -> (i32, i32) {
    %c0_i32 = arith.constant 0 : i32
    %c0_i32_0 = arith.constant 0 : i32
    return %arg0, %c0_i32 : i32, i32
  }
  func.func @transform_1(%arg0: i32) -> (i32, i32) {
    %c0_i32 = arith.constant 0 : i32
    %c0_i32_0 = arith.constant 0 : i32
    %c0_i32_1 = arith.constant 0 : i32
    return %c0_i32, %c0_i32_0 : i32, i32
  }
  func.func @transform_2(%arg0: i32) -> (i32, i32) {
    %c0_i32 = arith.constant 0 : i32
    %c0_i32_0 = arith.constant 0 : i32
    %c0_i32_1 = arith.constant 0 : i32
    return %c0_i32, %c0_i32_0 : i32, i32
  }
  func.func @transform_3(%arg0: i32) -> (i32, i32) {
    %c0_i32 = arith.constant 0 : i32
    %c0_i32_0 = arith.constant 0 : i32
    %c0_i32_1 = arith.constant 0 : i32
    return %c0_i32, %c0_i32_0 : i32, i32
  }
  func.func @transform_4(%arg0: i32) -> (i32, i32) {
    %c0_i32 = arith.constant 0 : i32
    %c0_i32_0 = arith.constant 0 : i32
    %c0_i32_1 = arith.constant 0 : i32
    return %c0_i32, %c0_i32_0 : i32, i32
  }
  func.func @transform_5(%arg0: i32) -> (i32, i32) {
    %c0_i32 = arith.constant 0 : i32
    %c0_i32_0 = arith.constant 0 : i32
    %c0_i32_1 = arith.constant 0 : i32
    return %c0_i32, %c0_i32_0 : i32, i32
  }
  func.func @transform_6(%arg0: i32) -> (i32, i32) {
    %c0_i32 = arith.constant 0 : i32
    %c0_i32_0 = arith.constant 0 : i32
    %c0_i32_1 = arith.constant 0 : i32
    return %c0_i32, %c0_i32_0 : i32, i32
  }
  func.func @transform_7(%arg0: i32) -> (i32, i32) {
    %c0_i32 = arith.constant 0 : i32
    %c0_i32_0 = arith.constant 0 : i32
    return %arg0, %c0_i32 : i32, i32
  }
}

module attributes {stable_mosaic.version = 14 : i64} {
  func.func @kfn(%arg0: memref<10000x128xf32, #tpu.memory_space<vmem>>, %arg1: memref<2x10240x128xf32, #tpu.memory_space<vmem>>, %arg2: memref<1x1xf32, #tpu.memory_space<vmem>>, %arg3: memref<128x128xf32, #tpu.memory_space<vmem>>, %arg4: memref<1x128xf32, #tpu.memory_space<vmem>>, %arg5: memref<10000x128xf32, #tpu.memory_space<vmem>>) attributes {dimension_semantics = [], scalar_prefetch = 0 : i64, scratch_operands = 0 : i64, tpu.core_type = #tpu.core_type<tc>} {
    %get3A = arith.constant 0 : index
    %get3A_0 = arith.constant 0 : index
    %get3A_1 = vector.load %arg2[%get3A, %get3A_0] : memref<1x1xf32, #tpu.memory_space<vmem>>, vector<1x1xf32>
    %get3A_2 = vector.extract %get3A_1[0, 0] : f32 from vector<1x1xf32>
    %add3A = arith.constant 1.000000e+00 : f32
    %add3A_3 = arith.addf %add3A, %get3A_2 : f32
    %get3A_4 = arith.constant 0 : index
    %get3A_5 = arith.constant 0 : index
    %get3A_6 = vector.load %arg0[%get3A_4, %get3A_5] : memref<10000x128xf32, #tpu.memory_space<vmem>>, vector<10000x128xf32>
    %mul3A = vector.broadcast %add3A_3 : f32 to vector<10000x128xf32>
    %mul3A_7 = arith.mulf %mul3A, %get3A_6 : vector<10000x128xf32>
    %get3A_8 = arith.constant 0 : index
    %get3A_9 = arith.constant 0 : index
    %get3A_10 = arith.constant 0 : index
    %get3A_11 = vector.load %arg1[%get3A_8, %get3A_9, %get3A_10] : memref<2x10240x128xf32, #tpu.memory_space<vmem>>, vector<1x10000x128xf32>
    %get3A_12 = vector.shape_cast %get3A_11 : vector<1x10000x128xf32> to vector<10000x128xf32>
    %get3A_13 = arith.constant 1 : index
    %get3A_14 = arith.constant 0 : index
    %get3A_15 = arith.constant 0 : index
    %get3A_16 = vector.load %arg1[%get3A_13, %get3A_14, %get3A_15] : memref<2x10240x128xf32, #tpu.memory_space<vmem>>, vector<1x10000x128xf32>
    %get3A_17 = vector.shape_cast %get3A_16 : vector<1x10000x128xf32> to vector<10000x128xf32>
    %add3A_18 = arith.addf %get3A_12, %get3A_17 : vector<10000x128xf32>
    %add3A_19 = arith.addf %mul3A_7, %add3A_18 : vector<10000x128xf32>
    %get3A_20 = arith.constant 0 : index
    %get3A_21 = arith.constant 0 : index
    %get3A_22 = vector.load %arg3[%get3A_20, %get3A_21] : memref<128x128xf32, #tpu.memory_space<vmem>>, vector<128x128xf32>
    %dot_general3A = arith.constant dense<0.000000e+00> : vector<10000x128xf32>
    %dot_general3A_23 = tpu.matmul %add3A_19, %get3A_22, %dot_general3A {dimension_numbers = #tpu.dot_dimension_numbers<[1], [0], [0], [1], [0, 0, 1, 1], [], []>, transpose_lhs_hint = false} : vector<10000x128xf32>, vector<128x128xf32>, vector<10000x128xf32> -> vector<10000x128xf32>
    %get3A_24 = arith.constant 0 : index
    %get3A_25 = arith.constant 0 : index
    %get3A_26 = vector.load %arg4[%get3A_24, %get3A_25] : memref<1x128xf32, #tpu.memory_space<vmem>>, vector<1x128xf32>
    %add3A_27 = vector.broadcast %get3A_26 : vector<1x128xf32> to vector<10000x128xf32>
    %add3A_28 = arith.addf %dot_general3A_23, %add3A_27 : vector<10000x128xf32>
    %swap3A = arith.constant 0 : index
    %swap3A_29 = arith.constant 0 : index
    %swap3A_30 = vector.load %arg5[%swap3A, %swap3A_29] : memref<10000x128xf32, #tpu.memory_space<vmem>>, vector<10000x128xf32>
    tpu.vector_store %arg5[%swap3A, %swap3A_29], %add3A_28 {strides = array<i32>} : memref<10000x128xf32, #tpu.memory_space<vmem>>, vector<10000x128xf32>,
    return
  }
}

module attributes {stable_mosaic.version = 14 : i64} {
  func.func @kfn(%arg0: i32, %arg1: memref<640x128xf32, #tpu.memory_space<vmem>>, %arg2: memref<128x128xf32, #tpu.memory_space<vmem>>, %arg3: memref<1x128xf32, #tpu.memory_space<vmem>>, %arg4: memref<640x128xf32, #tpu.memory_space<vmem>>) attributes {dimension_semantics = [#tpu.dimension_semantics<arbitrary>], iteration_bounds = array<i64: 250>, scalar_prefetch = 0 : i64, scratch_operands = 0 : i64, tpu.core_type = #tpu.core_type<tc>, window_params = [{transform_indices = @transform_0, window_bounds = array<i64: 640, 128>}, {pipeline_mode = #tpu.pipeline_mode<synchronous>, transform_indices = @transform_1, window_bounds = array<i64: 128, 128>}, {pipeline_mode = #tpu.pipeline_mode<synchronous>, transform_indices = @transform_2, window_bounds = array<i64: 1, 128>}, {transform_indices = @transform_3, window_bounds = array<i64: 640, 128>}]} {
    %get3A = arith.constant 0 : index
    %get3A_0 = arith.constant 0 : index
    %get3A_1 = vector.load %arg1[%get3A, %get3A_0] : memref<640x128xf32, #tpu.memory_space<vmem>>, vector<640x128xf32>
    %get3A_2 = arith.constant 0 : index
    %get3A_3 = arith.constant 0 : index
    %get3A_4 = vector.load %arg2[%get3A_2, %get3A_3] : memref<128x128xf32, #tpu.memory_space<vmem>>, vector<128x128xf32>
    %dot_general3A = arith.constant dense<0.000000e+00> : vector<640x128xf32>
    %dot_general3A_5 = tpu.matmul %get3A_1, %get3A_4, %dot_general3A {dimension_numbers = #tpu.dot_dimension_numbers<[1], [0], [0], [1], [0, 0, 1, 1], [], []>, transpose_lhs_hint = false} : vector<640x128xf32>, vector<128x128xf32>, vector<640x128xf32> -> vector<640x128xf32>
    %get3A_6 = arith.constant 0 : index
    %get3A_7 = arith.constant 0 : index
    %get3A_8 = vector.load %arg3[%get3A_6, %get3A_7] : memref<1x128xf32, #tpu.memory_space<vmem>>, vector<1x128xf32>
    %add3A = vector.broadcast %get3A_8 : vector<1x128xf32> to vector<640x128xf32>
    %add3A_9 = arith.addf %dot_general3A_5, %add3A : vector<640x128xf32>
    %swap3A = arith.constant 0 : index
    %swap3A_10 = arith.constant 0 : index
    %swap3A_11 = vector.load %arg4[%swap3A, %swap3A_10] : memref<640x128xf32, #tpu.memory_space<vmem>>, vector<640x128xf32>
    tpu.vector_store %arg4[%swap3A, %swap3A_10], %add3A_9 {strides = array<i32>} : memref<640x128xf32, #tpu.memory_space<vmem>>, vector<640x128xf32>,
    return
  }
  func.func @transform_0(%arg0: i32) -> (i32, i32) {
    %c0_i32 = arith.constant 0 : i32
    %c0_i32_0 = arith.constant 0 : i32
    return %arg0, %c0_i32 : i32, i32
  }
  func.func @transform_1(%arg0: i32) -> (i32, i32) {
    %c0_i32 = arith.constant 0 : i32
    %c0_i32_0 = arith.constant 0 : i32
    %c0_i32_1 = arith.constant 0 : i32
    return %c0_i32, %c0_i32_0 : i32, i32
  }
  func.func @transform_2(%arg0: i32) -> (i32, i32) {
    %c0_i32 = arith.constant 0 : i32
    %c0_i32_0 = arith.constant 0 : i32
    %c0_i32_1 = arith.constant 0 : i32
    return %c0_i32, %c0_i32_0 : i32, i32
  }
  func.func @transform_3(%arg0: i32) -> (i32, i32) {
    %c0_i32 = arith.constant 0 : i32
    %c0_i32_0 = arith.constant 0 : i32
    return %arg0, %c0_i32 : i32, i32
  }
}

module attributes {stable_mosaic.version = 14 : i64} {
  func.func @kfn(%arg0: memref<10000x128xf32, #tpu.memory_space<vmem>>, %arg1: memref<1x128xf32, #tpu.memory_space<vmem>>, %arg2: memref<1x128xf32, #tpu.memory_space<vmem>>, %arg3: memref<1x128xf32, #tpu.memory_space<vmem>>, %arg4: memref<1x128xf32, #tpu.memory_space<vmem>>, %arg5: memref<128x8xf32, #tpu.memory_space<vmem>>, %arg6: memref<1x8xf32, #tpu.memory_space<vmem>>, %arg7: memref<10000x8xf32, #tpu.memory_space<vmem>>) attributes {dimension_semantics = [], scalar_prefetch = 0 : i64, scratch_operands = 0 : i64, tpu.core_type = #tpu.core_type<tc>} {
    %get3A = arith.constant 0 : index
    %get3A_0 = arith.constant 0 : index
    %get3A_1 = vector.load %arg0[%get3A, %get3A_0] : memref<10000x128xf32, #tpu.memory_space<vmem>>, vector<10000x128xf32>
    %get3A_2 = arith.constant 0 : index
    %get3A_3 = arith.constant 0 : index
    %get3A_4 = vector.load %arg1[%get3A_2, %get3A_3] : memref<1x128xf32, #tpu.memory_space<vmem>>, vector<1x128xf32>
    %get3A_5 = arith.constant 0 : index
    %get3A_6 = arith.constant 0 : index
    %get3A_7 = vector.load %arg2[%get3A_5, %get3A_6] : memref<1x128xf32, #tpu.memory_space<vmem>>, vector<1x128xf32>
    %get3A_8 = arith.constant 0 : index
    %get3A_9 = arith.constant 0 : index
    %get3A_10 = vector.load %arg3[%get3A_8, %get3A_9] : memref<1x128xf32, #tpu.memory_space<vmem>>, vector<1x128xf32>
    %get3A_11 = arith.constant 0 : index
    %get3A_12 = arith.constant 0 : index
    %get3A_13 = vector.load %arg4[%get3A_11, %get3A_12] : memref<1x128xf32, #tpu.memory_space<vmem>>, vector<1x128xf32>
    %sub3A = vector.broadcast %get3A_4 : vector<1x128xf32> to vector<10000x128xf32>
    %sub3A_14 = arith.subf %get3A_1, %sub3A : vector<10000x128xf32>
    %add3A = arith.constant 9.99999974E-6 : f32
    %add3A_15 = vector.broadcast %add3A : f32 to vector<1x128xf32>
    %add3A_16 = arith.addf %get3A_7, %add3A_15 : vector<1x128xf32>
    %sqrt3A = math.sqrt %add3A_16 : vector<1x128xf32>
    %div3A = vector.broadcast %sqrt3A : vector<1x128xf32> to vector<10000x128xf32>
    %div3A_17 = arith.divf %sub3A_14, %div3A : vector<10000x128xf32>
    %mul3A = vector.broadcast %get3A_10 : vector<1x128xf32> to vector<10000x128xf32>
    %mul3A_18 = arith.mulf %div3A_17, %mul3A : vector<10000x128xf32>
    %add3A_19 = vector.broadcast %get3A_13 : vector<1x128xf32> to vector<10000x128xf32>
    %add3A_20 = arith.addf %mul3A_18, %add3A_19 : vector<10000x128xf32>
    %integer_pow3A = arith.mulf %add3A_20, %add3A_20 : vector<10000x128xf32>
    %integer_pow3A_21 = arith.mulf %add3A_20, %integer_pow3A : vector<10000x128xf32>
    %mul3A_22 = arith.constant 4.471500e-02 : f32
    %mul3A_23 = vector.broadcast %mul3A_22 : f32 to vector<10000x128xf32>
    %mul3A_24 = arith.mulf %mul3A_23, %integer_pow3A_21 : vector<10000x128xf32>
    %add3A_25 = arith.addf %add3A_20, %mul3A_24 : vector<10000x128xf32>
    %mul3A_26 = arith.constant 0.797884583 : f32
    %mul3A_27 = vector.broadcast %mul3A_26 : f32 to vector<10000x128xf32>
    %mul3A_28 = arith.mulf %mul3A_27, %add3A_25 : vector<10000x128xf32>
    %tanh3A = math.tanh %mul3A_28 : vector<10000x128xf32>
    %add3A_29 = arith.constant 1.000000e+00 : f32
    %add3A_30 = vector.broadcast %add3A_29 : f32 to vector<10000x128xf32>
    %add3A_31 = arith.addf %add3A_30, %tanh3A : vector<10000x128xf32>
    %mul3A_32 = arith.constant 5.000000e-01 : f32
    %mul3A_33 = vector.broadcast %mul3A_32 : f32 to vector<10000x128xf32>
    %mul3A_34 = arith.mulf %mul3A_33, %add3A_31 : vector<10000x128xf32>
    %mul3A_35 = arith.mulf %add3A_20, %mul3A_34 : vector<10000x128xf32>
    %get3A_36 = arith.constant 0 : index
    %get3A_37 = arith.constant 0 : index
    %get3A_38 = vector.load %arg5[%get3A_36, %get3A_37] : memref<128x8xf32, #tpu.memory_space<vmem>>, vector<128x8xf32>
    %dot_general3A = arith.constant dense<0.000000e+00> : vector<10000x8xf32>
    %dot_general3A_39 = tpu.matmul %mul3A_35, %get3A_38, %dot_general3A {dimension_numbers = #tpu.dot_dimension_numbers<[1], [0], [0], [1], [0, 0, 1, 1], [], []>, transpose_lhs_hint = false} : vector<10000x128xf32>, vector<128x8xf32>, vector<10000x8xf32> -> vector<10000x8xf32>
    %get3A_40 = arith.constant 0 : index
    %get3A_41 = arith.constant 0 : index
    %get3A_42 = vector.load %arg6[%get3A_40, %get3A_41] : memref<1x8xf32, #tpu.memory_space<vmem>>, vector<1x8xf32>
    %add3A_43 = vector.broadcast %get3A_42 : vector<1x8xf32> to vector<10000x8xf32>
    %add3A_44 = arith.addf %dot_general3A_39, %add3A_43 : vector<10000x8xf32>
    %swap3A = arith.constant 0 : index
    %swap3A_45 = arith.constant 0 : index
    %swap3A_46 = vector.load %arg7[%swap3A, %swap3A_45] : memref<10000x8xf32, #tpu.memory_space<vmem>>, vector<10000x8xf32>
    tpu.vector_store %arg7[%swap3A, %swap3A_45], %add3A_44 {strides = array<i32>} : memref<10000x8xf32, #tpu.memory_space<vmem>>, vector<10000x8xf32>,
    return
  }
}

module attributes {stable_mosaic.version = 14 : i64} {
  func.func @kfn(%arg0: i32, %arg1: memref<1000x8xf32, #tpu.memory_space<vmem>>, %arg2: memref<1000x1xi32, #tpu.memory_space<vmem>>, %arg3: memref<1000x1024xf32, #tpu.memory_space<vmem>>) attributes {dimension_semantics = [#tpu.dimension_semantics<arbitrary>], iteration_bounds = array<i64: 10>, scalar_prefetch = 0 : i64, scratch_operands = 0 : i64, tpu.core_type = #tpu.core_type<tc>, window_params = [{transform_indices = @transform_0, window_bounds = array<i64: 1000, 8>}, {transform_indices = @transform_1, window_bounds = array<i64: 1000, 1>}, {transform_indices = @transform_2, window_bounds = array<i64: 1000, 1024>}]} {
    %get3A = arith.constant 0 : index
    %get3A_0 = arith.constant 0 : index
    %get3A_1 = vector.load %arg1[%get3A, %get3A_0] : memref<1000x8xf32, #tpu.memory_space<vmem>>, vector<1000x8xf32>
    %iota3A = tpu.iota {dimensions = array<i32: 1>} : vector<8x1024xi32>
    %and3A = arith.constant 7 : i32
    %and3A_2 = vector.broadcast %and3A : i32 to vector<8x1024xi32>
    %and3A_3 = arith.andi %iota3A, %and3A_2 : vector<8x1024xi32>
    %iota3A_4 = tpu.iota {dimensions = array<i32: 0>} : vector<8x1024xi32>
    %eq3A = arith.cmpi eq, %and3A_3, %iota3A_4 : vector<8x1024xi32>
    %convert_element_type3A = arith.extui %eq3A : vector<8x1024xi1> to vector<8x1024xi32>
    %convert_element_type3A_5 = arith.sitofp %convert_element_type3A : vector<8x1024xi32> to vector<8x1024xf32>
    %dot_general3A = arith.constant dense<0.000000e+00> : vector<1000x1024xf32>
    %dot_general3A_6 = tpu.matmul %get3A_1, %convert_element_type3A_5, %dot_general3A {dimension_numbers = #tpu.dot_dimension_numbers<[1], [0], [0], [1], [0, 0, 1, 1], [], []>, precision = #tpu.contract_precision<fp32>, transpose_lhs_hint = false} : vector<1000x8xf32>, vector<8x1024xf32>, vector<1000x1024xf32> -> vector<1000x1024xf32>
    %iota3A_7 = tpu.iota {dimensions = array<i32: 1>} : vector<1000x1024xi32>
    %shift_right_arithmetic3A = arith.constant 3 : i32
    %shift_right_arithmetic3A_8 = vector.broadcast %shift_right_arithmetic3A : i32 to vector<1000x1024xi32>
    %shift_right_arithmetic3A_9 = arith.shrsi %iota3A_7, %shift_right_arithmetic3A_8 : vector<1000x1024xi32>
    %get3A_10 = arith.constant 0 : index
    %get3A_11 = arith.constant 0 : index
    %get3A_12 = vector.load %arg2[%get3A_10, %get3A_11] : memref<1000x1xi32, #tpu.memory_space<vmem>>, vector<1000x1xi32>
    %eq3A_13 = vector.broadcast %get3A_12 : vector<1000x1xi32> to vector<1000x1024xi32>
    %eq3A_14 = arith.cmpi eq, %eq3A_13, %shift_right_arithmetic3A_9 : vector<1000x1024xi32>
    %jit3A = arith.constant 0.000000e+00 : f32
    %broadcast_in_dim3A = vector.broadcast %jit3A : f32 to vector<1000x1024xf32>
    %select_n3A = arith.select %eq3A_14, %dot_general3A_6, %broadcast_in_dim3A : vector<1000x1024xi1>, vector<1000x1024xf32>
    %swap3A = arith.constant 0 : index
    %swap3A_15 = arith.constant 0 : index
    %swap3A_16 = vector.load %arg3[%swap3A, %swap3A_15] : memref<1000x1024xf32, #tpu.memory_space<vmem>>, vector<1000x1024xf32>
    tpu.vector_store %arg3[%swap3A, %swap3A_15], %select_n3A {strides = array<i32>} : memref<1000x1024xf32, #tpu.memory_space<vmem>>, vector<1000x1024xf32>,
    return
  }
  func.func @transform_0(%arg0: i32) -> (i32, i32) {
    %c0_i32 = arith.constant 0 : i32
    %c0_i32_0 = arith.constant 0 : i32
    return %arg0, %c0_i32 : i32, i32
  }
  func.func @transform_1(%arg0: i32) -> (i32, i32) {
    %c0_i32 = arith.constant 0 : i32
    %c0_i32_0 = arith.constant 0 : i32
    return %arg0, %c0_i32 : i32, i32
  }
  func.func @transform_2(%arg0: i32) -> (i32, i32) {
    %c0_i32 = arith.constant 0 : i32
    %c0_i32_0 = arith.constant 0 : i32
    return %arg0, %c0_i32 : i32, i32
  }
}

module attributes {stable_mosaic.version = 14 : i64} {
  func.func @kfn(%arg0: i32, %arg1: memref<640x128xf32, #tpu.memory_space<vmem>>, %arg2: memref<1x128xf32, #tpu.memory_space<vmem>>, %arg3: memref<1x128xf32, #tpu.memory_space<vmem>>, %arg4: memref<1x128xf32, #tpu.memory_space<vmem>>, %arg5: memref<1x128xf32, #tpu.memory_space<vmem>>, %arg6: memref<128x8xf32, #tpu.memory_space<vmem>>, %arg7: memref<1x8xf32, #tpu.memory_space<vmem>>, %arg8: memref<640x1xi32, #tpu.memory_space<vmem>>, %arg9: memref<640x128xf32, #tpu.memory_space<vmem>>) attributes {dimension_semantics = [#tpu.dimension_semantics<arbitrary>], iteration_bounds = array<i64: 250>, scalar_prefetch = 0 : i64, scratch_operands = 0 : i64, tpu.core_type = #tpu.core_type<tc>, window_params = [{transform_indices = @transform_0, window_bounds = array<i64: 640, 128>}, {pipeline_mode = #tpu.pipeline_mode<synchronous>, transform_indices = @transform_1, window_bounds = array<i64: 1, 128>}, {pipeline_mode = #tpu.pipeline_mode<synchronous>, transform_indices = @transform_2, window_bounds = array<i64: 1, 128>}, {pipeline_mode = #tpu.pipeline_mode<synchronous>, transform_indices = @transform_3, window_bounds = array<i64: 1, 128>}, {pipeline_mode = #tpu.pipeline_mode<synchronous>, transform_indices = @transform_4, window_bounds = array<i64: 1, 128>}, {pipeline_mode = #tpu.pipeline_mode<synchronous>, transform_indices = @transform_5, window_bounds = array<i64: 128, 8>}, {pipeline_mode = #tpu.pipeline_mode<synchronous>, transform_indices = @transform_6, window_bounds = array<i64: 1, 8>}, {transform_indices = @transform_7, window_bounds = array<i64: 640, 1>}, {transform_indices = @transform_8, window_bounds = array<i64: 640, 128>}]} {
    %get3A = arith.constant 0 : index
    %get3A_0 = arith.constant 0 : index
    %get3A_1 = vector.load %arg1[%get3A, %get3A_0] : memref<640x128xf32, #tpu.memory_space<vmem>>, vector<640x128xf32>
    %get3A_2 = arith.constant 0 : index
    %get3A_3 = arith.constant 0 : index
    %get3A_4 = vector.load %arg2[%get3A_2, %get3A_3] : memref<1x128xf32, #tpu.memory_space<vmem>>, vector<1x128xf32>
    %get3A_5 = arith.constant 0 : index
    %get3A_6 = arith.constant 0 : index
    %get3A_7 = vector.load %arg3[%get3A_5, %get3A_6] : memref<1x128xf32, #tpu.memory_space<vmem>>, vector<1x128xf32>
    %get3A_8 = arith.constant 0 : index
    %get3A_9 = arith.constant 0 : index
    %get3A_10 = vector.load %arg4[%get3A_8, %get3A_9] : memref<1x128xf32, #tpu.memory_space<vmem>>, vector<1x128xf32>
    %get3A_11 = arith.constant 0 : index
    %get3A_12 = arith.constant 0 : index
    %get3A_13 = vector.load %arg5[%get3A_11, %get3A_12] : memref<1x128xf32, #tpu.memory_space<vmem>>, vector<1x128xf32>
    %sub3A = vector.broadcast %get3A_4 : vector<1x128xf32> to vector<640x128xf32>
    %sub3A_14 = arith.subf %get3A_1, %sub3A : vector<640x128xf32>
    %add3A = arith.constant 9.99999974E-6 : f32
    %add3A_15 = vector.broadcast %add3A : f32 to vector<1x128xf32>
    %add3A_16 = arith.addf %get3A_7, %add3A_15 : vector<1x128xf32>
    %sqrt3A = math.sqrt %add3A_16 : vector<1x128xf32>
    %div3A = vector.broadcast %sqrt3A : vector<1x128xf32> to vector<640x128xf32>
    %div3A_17 = arith.divf %sub3A_14, %div3A : vector<640x128xf32>
    %mul3A = vector.broadcast %get3A_10 : vector<1x128xf32> to vector<640x128xf32>
    %mul3A_18 = arith.mulf %div3A_17, %mul3A : vector<640x128xf32>
    %add3A_19 = vector.broadcast %get3A_13 : vector<1x128xf32> to vector<640x128xf32>
    %add3A_20 = arith.addf %mul3A_18, %add3A_19 : vector<640x128xf32>
    %integer_pow3A = arith.mulf %add3A_20, %add3A_20 : vector<640x128xf32>
    %integer_pow3A_21 = arith.mulf %add3A_20, %integer_pow3A : vector<640x128xf32>
    %mul3A_22 = arith.constant 4.471500e-02 : f32
    %mul3A_23 = vector.broadcast %mul3A_22 : f32 to vector<640x128xf32>
    %mul3A_24 = arith.mulf %mul3A_23, %integer_pow3A_21 : vector<640x128xf32>
    %add3A_25 = arith.addf %add3A_20, %mul3A_24 : vector<640x128xf32>
    %mul3A_26 = arith.constant 0.797884583 : f32
    %mul3A_27 = vector.broadcast %mul3A_26 : f32 to vector<640x128xf32>
    %mul3A_28 = arith.mulf %mul3A_27, %add3A_25 : vector<640x128xf32>
    %tanh3A = math.tanh %mul3A_28 : vector<640x128xf32>
    %add3A_29 = arith.constant 1.000000e+00 : f32
    %add3A_30 = vector.broadcast %add3A_29 : f32 to vector<640x128xf32>
    %add3A_31 = arith.addf %add3A_30, %tanh3A : vector<640x128xf32>
    %mul3A_32 = arith.constant 5.000000e-01 : f32
    %mul3A_33 = vector.broadcast %mul3A_32 : f32 to vector<640x128xf32>
    %mul3A_34 = arith.mulf %mul3A_33, %add3A_31 : vector<640x128xf32>
    %mul3A_35 = arith.mulf %add3A_20, %mul3A_34 : vector<640x128xf32>
    %get3A_36 = arith.constant 0 : index
    %get3A_37 = arith.constant 0 : index
    %get3A_38 = vector.load %arg6[%get3A_36, %get3A_37] : memref<128x8xf32, #tpu.memory_space<vmem>>, vector<128x8xf32>
    %dot_general3A = arith.constant dense<0.000000e+00> : vector<640x8xf32>
    %dot_general3A_39 = tpu.matmul %mul3A_35, %get3A_38, %dot_general3A {dimension_numbers = #tpu.dot_dimension_numbers<[1], [0], [0], [1], [0, 0, 1, 1], [], []>, transpose_lhs_hint = false} : vector<640x128xf32>, vector<128x8xf32>, vector<640x8xf32> -> vector<640x8xf32>
    %get3A_40 = arith.constant 0 : index
    %get3A_41 = arith.constant 0 : index
    %get3A_42 = vector.load %arg7[%get3A_40, %get3A_41] : memref<1x8xf32, #tpu.memory_space<vmem>>, vector<1x8xf32>
    %add3A_43 = vector.broadcast %get3A_42 : vector<1x8xf32> to vector<640x8xf32>
    %add3A_44 = arith.addf %dot_general3A_39, %add3A_43 : vector<640x8xf32>
    %iota3A = tpu.iota {dimensions = array<i32: 1>} : vector<8x128xi32>
    %and3A = arith.constant 7 : i32
    %and3A_45 = vector.broadcast %and3A : i32 to vector<8x128xi32>
    %and3A_46 = arith.andi %iota3A, %and3A_45 : vector<8x128xi32>
    %iota3A_47 = tpu.iota {dimensions = array<i32: 0>} : vector<8x128xi32>
    %eq3A = arith.cmpi eq, %and3A_46, %iota3A_47 : vector<8x128xi32>
    %convert_element_type3A = arith.extui %eq3A : vector<8x128xi1> to vector<8x128xi32>
    %convert_element_type3A_48 = arith.sitofp %convert_element_type3A : vector<8x128xi32> to vector<8x128xf32>
    %dot_general3A_49 = arith.constant dense<0.000000e+00> : vector<640x128xf32>
    %dot_general3A_50 = tpu.matmul %add3A_44, %convert_element_type3A_48, %dot_general3A_49 {dimension_numbers = #tpu.dot_dimension_numbers<[1], [0], [0], [1], [0, 0, 1, 1], [], []>, precision = #tpu.contract_precision<fp32>, transpose_lhs_hint = false} : vector<640x8xf32>, vector<8x128xf32>, vector<640x128xf32> -> vector<640x128xf32>
    %iota3A_51 = tpu.iota {dimensions = array<i32: 1>} : vector<640x128xi32>
    %shift_right_arithmetic3A = arith.constant 3 : i32
    %shift_right_arithmetic3A_52 = vector.broadcast %shift_right_arithmetic3A : i32 to vector<640x128xi32>
    %shift_right_arithmetic3A_53 = arith.shrsi %iota3A_51, %shift_right_arithmetic3A_52 : vector<640x128xi32>
    %get3A_54 = arith.constant 0 : index
    %get3A_55 = arith.constant 0 : index
    %get3A_56 = vector.load %arg8[%get3A_54, %get3A_55] : memref<640x1xi32, #tpu.memory_space<vmem>>, vector<640x1xi32>
    %eq3A_57 = vector.broadcast %get3A_56 : vector<640x1xi32> to vector<640x128xi32>
    %eq3A_58 = arith.cmpi eq, %eq3A_57, %shift_right_arithmetic3A_53 : vector<640x128xi32>
    %jit3A = arith.constant 0.000000e+00 : f32
    %broadcast_in_dim3A = vector.broadcast %jit3A : f32 to vector<640x128xf32>
    %select_n3A = arith.select %eq3A_58, %dot_general3A_50, %broadcast_in_dim3A : vector<640x128xi1>, vector<640x128xf32>
    %swap3A = arith.constant 0 : index
    %swap3A_59 = arith.constant 0 : index
    %swap3A_60 = vector.load %arg9[%swap3A, %swap3A_59] : memref<640x128xf32, #tpu.memory_space<vmem>>, vector<640x128xf32>
    tpu.vector_store %arg9[%swap3A, %swap3A_59], %select_n3A {strides = array<i32>} : memref<640x128xf32, #tpu.memory_space<vmem>>, vector<640x128xf32>,
    return
  }
  func.func @transform_0(%arg0: i32) -> (i32, i32) {
    %c0_i32 = arith.constant 0 : i32
    %c0_i32_0 = arith.constant 0 : i32
    return %arg0, %c0_i32 : i32, i32
  }
  func.func @transform_1(%arg0: i32) -> (i32, i32) {
    %c0_i32 = arith.constant 0 : i32
    %c0_i32_0 = arith.constant 0 : i32
    %c0_i32_1 = arith.constant 0 : i32
    return %c0_i32, %c0_i32_0 : i32, i32
  }
  func.func @transform_2(%arg0: i32) -> (i32, i32) {
    %c0_i32 = arith.constant 0 : i32
    %c0_i32_0 = arith.constant 0 : i32
    %c0_i32_1 = arith.constant 0 : i32
    return %c0_i32, %c0_i32_0 : i32, i32
  }
  func.func @transform_3(%arg0: i32) -> (i32, i32) {
    %c0_i32 = arith.constant 0 : i32
    %c0_i32_0 = arith.constant 0 : i32
    %c0_i32_1 = arith.constant 0 : i32
    return %c0_i32, %c0_i32_0 : i32, i32
  }
  func.func @transform_4(%arg0: i32) -> (i32, i32) {
    %c0_i32 = arith.constant 0 : i32
    %c0_i32_0 = arith.constant 0 : i32
    %c0_i32_1 = arith.constant 0 : i32
    return %c0_i32, %c0_i32_0 : i32, i32
  }
  func.func @transform_5(%arg0: i32) -> (i32, i32) {
    %c0_i32 = arith.constant 0 : i32
    %c0_i32_0 = arith.constant 0 : i32
    %c0_i32_1 = arith.constant 0 : i32
    return %c0_i32, %c0_i32_0 : i32, i32
  }
  func.func @transform_6(%arg0: i32) -> (i32, i32) {
    %c0_i32 = arith.constant 0 : i32
    %c0_i32_0 = arith.constant 0 : i32
    %c0_i32_1 = arith.constant 0 : i32
    return %c0_i32, %c0_i32_0 : i32, i32
  }
  func.func @transform_7(%arg0: i32) -> (i32, i32) {
    %c0_i32 = arith.constant 0 : i32
    %c0_i32_0 = arith.constant 0 : i32
    return %arg0, %c0_i32 : i32, i32
  }
  func.func @transform_8(%arg0: i32) -> (i32, i32) {
    %c0_i32 = arith.constant 0 : i32
    %c0_i32_0 = arith.constant 0 : i32
    return %arg0, %c0_i32 : i32, i32
  }
}

module attributes {stable_mosaic.version = 14 : i64} {
  func.func @kfn(%arg0: memref<10000x128xf32, #tpu.memory_space<vmem>>, %arg1: memref<2x10240x128xf32, #tpu.memory_space<vmem>>, %arg2: memref<10000x1xi32, #tpu.memory_space<vmem>>, %arg3: memref<128x128xf32, #tpu.memory_space<vmem>>, %arg4: memref<1x128xf32, #tpu.memory_space<vmem>>, %arg5: memref<1x128xf32, #tpu.memory_space<vmem>>, %arg6: memref<1x128xf32, #tpu.memory_space<vmem>>, %arg7: memref<128x128xf32, #tpu.memory_space<vmem>>, %arg8: memref<1x128xf32, #tpu.memory_space<vmem>>, %arg9: memref<8x128xf32, #tpu.memory_space<vmem>>) attributes {dimension_semantics = [], scalar_prefetch = 0 : i64, scratch_operands = 0 : i64, tpu.core_type = #tpu.core_type<tc>} {
    %get3A = arith.constant 0 : index
    %get3A_0 = arith.constant 0 : index
    %get3A_1 = vector.load %arg0[%get3A, %get3A_0] : memref<10000x128xf32, #tpu.memory_space<vmem>>, vector<10000x128xf32>
    %get3A_2 = arith.constant 0 : index
    %get3A_3 = arith.constant 0 : index
    %get3A_4 = arith.constant 0 : index
    %get3A_5 = vector.load %arg1[%get3A_2, %get3A_3, %get3A_4] : memref<2x10240x128xf32, #tpu.memory_space<vmem>>, vector<1x10000x128xf32>
    %get3A_6 = vector.shape_cast %get3A_5 : vector<1x10000x128xf32> to vector<10000x128xf32>
    %add3A = arith.addf %get3A_1, %get3A_6 : vector<10000x128xf32>
    %get3A_7 = arith.constant 1 : index
    %get3A_8 = arith.constant 0 : index
    %get3A_9 = arith.constant 0 : index
    %get3A_10 = vector.load %arg1[%get3A_7, %get3A_8, %get3A_9] : memref<2x10240x128xf32, #tpu.memory_space<vmem>>, vector<1x10000x128xf32>
    %get3A_11 = vector.shape_cast %get3A_10 : vector<1x10000x128xf32> to vector<10000x128xf32>
    %add3A_12 = arith.addf %add3A, %get3A_11 : vector<10000x128xf32>
    %get3A_13 = arith.constant 0 : index
    %get3A_14 = arith.constant 0 : index
    %get3A_15 = vector.load %arg2[%get3A_13, %get3A_14] : memref<10000x1xi32, #tpu.memory_space<vmem>>, vector<10000x1xi32>
    %iota3A = tpu.iota {dimensions = array<i32: 1>} : vector<10000x8xi32>
    %eq3A = vector.broadcast %get3A_15 : vector<10000x1xi32> to vector<10000x8xi32>
    %eq3A_16 = arith.cmpi eq, %eq3A, %iota3A : vector<10000x8xi32>
    %convert_element_type3A = arith.extui %eq3A_16 : vector<10000x8xi1> to vector<10000x8xi32>
    %convert_element_type3A_17 = arith.sitofp %convert_element_type3A : vector<10000x8xi32> to vector<10000x8xf32>
    %dot_general3A = arith.constant dense<0.000000e+00> : vector<8x128xf32>
    %dot_general3A_18 = tpu.matmul %convert_element_type3A_17, %add3A_12, %dot_general3A {dimension_numbers = #tpu.dot_dimension_numbers<[0], [0], [1], [1], [0, 1, 1, 1], [], []>, precision = #tpu.contract_precision<fp32>, transpose_lhs_hint = false} : vector<10000x8xf32>, vector<10000x128xf32>, vector<8x128xf32> -> vector<8x128xf32>
    %get3A_19 = arith.constant 0 : index
    %get3A_20 = arith.constant 0 : index
    %get3A_21 = vector.load %arg3[%get3A_19, %get3A_20] : memref<128x128xf32, #tpu.memory_space<vmem>>, vector<128x128xf32>
    %dot_general3A_22 = arith.constant dense<0.000000e+00> : vector<8x128xf32>
    %dot_general3A_23 = tpu.matmul %dot_general3A_18, %get3A_21, %dot_general3A_22 {dimension_numbers = #tpu.dot_dimension_numbers<[1], [0], [0], [1], [0, 0, 1, 1], [], []>, transpose_lhs_hint = false} : vector<8x128xf32>, vector<128x128xf32>, vector<8x128xf32> -> vector<8x128xf32>
    %get3A_24 = arith.constant 0 : index
    %get3A_25 = arith.constant 0 : index
    %get3A_26 = vector.load %arg4[%get3A_24, %get3A_25] : memref<1x128xf32, #tpu.memory_space<vmem>>, vector<1x128xf32>
    %add3A_27 = vector.broadcast %get3A_26 : vector<1x128xf32> to vector<8x128xf32>
    %add3A_28 = arith.addf %dot_general3A_23, %add3A_27 : vector<8x128xf32>
    %reduce_sum3A = arith.constant dense<0.000000e+00> : vector<128xf32>
    %reduce_sum3A_29 = vector.multi_reduction <add>, %add3A_28, %reduce_sum3A [0] : vector<8x128xf32> to vector<128xf32>
    %broadcast_in_dim3A = vector.shape_cast %reduce_sum3A_29 : vector<128xf32> to vector<1x128xf32>
    %div3A = arith.constant 8.000000e+00 : f32
    %div3A_30 = vector.broadcast %div3A : f32 to vector<1x128xf32>
    %div3A_31 = arith.divf %broadcast_in_dim3A, %div3A_30 : vector<1x128xf32>
    %sub3A = vector.broadcast %div3A_31 : vector<1x128xf32> to vector<8x128xf32>
    %sub3A_32 = arith.subf %add3A_28, %sub3A : vector<8x128xf32>
    %integer_pow3A = arith.mulf %sub3A_32, %sub3A_32 : vector<8x128xf32>
    %reduce_sum3A_33 = arith.constant dense<0.000000e+00> : vector<128xf32>
    %reduce_sum3A_34 = vector.multi_reduction <add>, %integer_pow3A, %reduce_sum3A_33 [0] : vector<8x128xf32> to vector<128xf32>
    %broadcast_in_dim3A_35 = vector.shape_cast %reduce_sum3A_34 : vector<128xf32> to vector<1x128xf32>
    %div3A_36 = arith.constant 8.000000e+00 : f32
    %div3A_37 = vector.broadcast %div3A_36 : f32 to vector<1x128xf32>
    %div3A_38 = arith.divf %broadcast_in_dim3A_35, %div3A_37 : vector<1x128xf32>
    %get3A_39 = arith.constant 0 : index
    %get3A_40 = arith.constant 0 : index
    %get3A_41 = vector.load %arg5[%get3A_39, %get3A_40] : memref<1x128xf32, #tpu.memory_space<vmem>>, vector<1x128xf32>
    %get3A_42 = arith.constant 0 : index
    %get3A_43 = arith.constant 0 : index
    %get3A_44 = vector.load %arg6[%get3A_42, %get3A_43] : memref<1x128xf32, #tpu.memory_space<vmem>>, vector<1x128xf32>
    %sub3A_45 = vector.broadcast %div3A_31 : vector<1x128xf32> to vector<8x128xf32>
    %sub3A_46 = arith.subf %add3A_28, %sub3A_45 : vector<8x128xf32>
    %add3A_47 = arith.constant 9.99999974E-6 : f32
    %add3A_48 = vector.broadcast %add3A_47 : f32 to vector<1x128xf32>
    %add3A_49 = arith.addf %div3A_38, %add3A_48 : vector<1x128xf32>
    %sqrt3A = math.sqrt %add3A_49 : vector<1x128xf32>
    %div3A_50 = vector.broadcast %sqrt3A : vector<1x128xf32> to vector<8x128xf32>
    %div3A_51 = arith.divf %sub3A_46, %div3A_50 : vector<8x128xf32>
    %mul3A = vector.broadcast %get3A_41 : vector<1x128xf32> to vector<8x128xf32>
    %mul3A_52 = arith.mulf %div3A_51, %mul3A : vector<8x128xf32>
    %add3A_53 = vector.broadcast %get3A_44 : vector<1x128xf32> to vector<8x128xf32>
    %add3A_54 = arith.addf %mul3A_52, %add3A_53 : vector<8x128xf32>
    %integer_pow3A_55 = arith.mulf %add3A_54, %add3A_54 : vector<8x128xf32>
    %integer_pow3A_56 = arith.mulf %add3A_54, %integer_pow3A_55 : vector<8x128xf32>
    %mul3A_57 = arith.constant 4.471500e-02 : f32
    %mul3A_58 = vector.broadcast %mul3A_57 : f32 to vector<8x128xf32>
    %mul3A_59 = arith.mulf %mul3A_58, %integer_pow3A_56 : vector<8x128xf32>
    %add3A_60 = arith.addf %add3A_54, %mul3A_59 : vector<8x128xf32>
    %mul3A_61 = arith.constant 0.797884583 : f32
    %mul3A_62 = vector.broadcast %mul3A_61 : f32 to vector<8x128xf32>
    %mul3A_63 = arith.mulf %mul3A_62, %add3A_60 : vector<8x128xf32>
    %tanh3A = math.tanh %mul3A_63 : vector<8x128xf32>
    %add3A_64 = arith.constant 1.000000e+00 : f32
    %add3A_65 = vector.broadcast %add3A_64 : f32 to vector<8x128xf32>
    %add3A_66 = arith.addf %add3A_65, %tanh3A : vector<8x128xf32>
    %mul3A_67 = arith.constant 5.000000e-01 : f32
    %mul3A_68 = vector.broadcast %mul3A_67 : f32 to vector<8x128xf32>
    %mul3A_69 = arith.mulf %mul3A_68, %add3A_66 : vector<8x128xf32>
    %mul3A_70 = arith.mulf %add3A_54, %mul3A_69 : vector<8x128xf32>
    %get3A_71 = arith.constant 0 : index
    %get3A_72 = arith.constant 0 : index
    %get3A_73 = vector.load %arg7[%get3A_71, %get3A_72] : memref<128x128xf32, #tpu.memory_space<vmem>>, vector<128x128xf32>
    %dot_general3A_74 = arith.constant dense<0.000000e+00> : vector<8x128xf32>
    %dot_general3A_75 = tpu.matmul %mul3A_70, %get3A_73, %dot_general3A_74 {dimension_numbers = #tpu.dot_dimension_numbers<[1], [0], [0], [1], [0, 0, 1, 1], [], []>, transpose_lhs_hint = false} : vector<8x128xf32>, vector<128x128xf32>, vector<8x128xf32> -> vector<8x128xf32>
    %get3A_76 = arith.constant 0 : index
    %get3A_77 = arith.constant 0 : index
    %get3A_78 = vector.load %arg8[%get3A_76, %get3A_77] : memref<1x128xf32, #tpu.memory_space<vmem>>, vector<1x128xf32>
    %add3A_79 = vector.broadcast %get3A_78 : vector<1x128xf32> to vector<8x128xf32>
    %add3A_80 = arith.addf %dot_general3A_75, %add3A_79 : vector<8x128xf32>
    %swap3A = arith.constant 0 : index
    %swap3A_81 = arith.constant 0 : index
    %swap3A_82 = vector.load %arg9[%swap3A, %swap3A_81] : memref<8x128xf32, #tpu.memory_space<vmem>>, vector<8x128xf32>
    tpu.vector_store %arg9[%swap3A, %swap3A_81], %add3A_80 {strides = array<i32>} : memref<8x128xf32, #tpu.memory_space<vmem>>, vector<8x128xf32>,
    return
  }
}

</mosaic_0001>

<sc_bundles>
// kernel: kernel.25.cloned.1.call-start
scs
__scs_entry_jumppad:
0x0: {  	(pc) =	sbr.rel $0x88, $3  }
0x1: {  	(tag) =	ssettag $0x0;
	lr =	simm.s32 $0x1  }
0x2: {  	[smem:$0x3F63] =	sst lr;
	_ =	strace $0xD0000000  }
0x3: {  	_ = 	snop  }
0x4: {  	_ = 	snop  }
0x5: {  	_ = 	snop  }
0x6: {  	_ = 	snop  }
0x7: {  	_ = 	snop  }
__scs_overlays_trampoline_lowered:
0x8: {  	[smem:$0x3F72] =	sst s0  }
0x9: {  	[smem:$0x3F73] =	sst s1  }
0xa: {  	[smem:$0x3F74] =	sst s2  }
0xb: {  	[smem:$0x3F75] =	sst s3  }
0xc: {  	[smem:$0x3F76] =	sst s4  }
0xd: {  	[smem:$0x3F77] =	sst s5  }
0xe: {  	[smem:$0x3F78] =	sst s6  }
0xf: {  	[smem:$0x3F79] =	sst s7  }
0x10: {  	[smem:$0x3F7A] =	sst s8  }
0x11: {  	[smem:$0x3F7B] =	sst s9;
	s0 =	simm.s32 @!p0 $0x0  }
0x12: {  	s1 =	sld [smem:$0x3F61];
	s0 =	simm.s32 @p0 $0x1  }
0x13: {  	[smem:$0x3F7C] =	sst s0;
	s0 =	simm.s32 @!p1 $0x0  }
0x14: {  	s2 =	sld [smem:$0x3F60];
	s0 =	simm.s32 @p1 $0x1  }
0x15: {  	[smem:$0x3F7D] =	sst s0;
	s0 =	simm.s32 @!p2 $0x0  }
0x16: {  	s3 =	sld [smem:$0x3FDB];
	s0 =	simm.s32 @p2 $0x1  }
0x17: {  	s4 =	simm.s32 $0x1BF5;
	[smem:$0x3F7F] =	sst s0  }
0x18: {  	s0 =	sld [smem:$0x3F62];
	_ =	swait.ge [sflag:s4], $0x0  }
0x19: {  	s7 =	sld [smem:$0x3F63]  }
0x1a: {  	s8 =	sadd.s32 $0xFFFFE003, lr  }
0x1b: {  	s9 =	sadd.s32 $0xFFFFFEF7, lr;
	s5 =	simm.s32 $0xFFFFFFFF;
	p2 =	slt.u32 s8, $0xFFFFF086  }
0x1c: {  	p1 =	slt.u32 s9, $0xF7A;
	s5 =	simm.s32 @!p2 $0x0  }
0x1d: {  	s5 =	simm.s32 @p1 $0x1;
	p0 =	seq.s32 s7, s2  }
0x1e: {  	s7 =	smul.u32 @!p0 $0xF7A, s2;
	p2 =	seq.s32 @!p0 s5, $0x0  }
0x1f: {  	s9 =	smul.u32 $0xF7A, s1;
	s8 =	simm.s32 @!p0 $0x1BF5;
	p2 =	por !p2, p0  }
0x20: {  	[sflag:s8] =	ssyncset.s32 @!p0 $0xFFFFF086;
	s6 =	sadd.s32 @!p0 s3, s7;
	s7 =	simm.s32 @!p0 $0x108  }
0x21: {  	s3 =	sadd.s32 s3, s9;
	s6 =	sadd.s32 @!p0 $0x88, s6;
	s7 =	simm.s32 @p2 $0x1082  }
0x22: {  	[simem:s7], [sflag:s8] =	dma.local @!p0 [hbm:s6], $0xF7A  }
0x23: {  	s9 =	sor.u32 $0xD0000000, s2;
	s6 =	simm.s32 $0x108;
	_ =	swait.ge @!p0 [sflag:s8], $0x0  }
0x24: {  	s3 =	sadd.s32 $0x88, s3;
	s6 =	simm.s32 @!p1 $0x1082;
	[sflag:s4] =	ssyncset.s32 $0xFFFFF086  }
0x25: {  	[simem:s6], [sflag:s4] =	dma.local [hbm:s3], $0xF7A  }
0x26: {  	[smem:$0x3F63] =	sst s1;
	(tag) =	ssettag s2;
	_ =	strace s9  }
0x27: {  	s1 =	sld [smem:$0x3F73]  }
0x28: {  	s2 =	sld [smem:$0x3F74]  }
0x29: {  	s4 =	sld [smem:$0x3F76]  }
0x2a: {  	p0 =	seq.s32 s5, $0x0;
	s5 =	sld [smem:$0x3F77]  }
0x2b: {  	s6 =	sld [smem:$0x3F78]  }
0x2c: {  	s7 =	sld [smem:$0x3F79]  }
0x2d: {  	s3 =	simm.s32 $0x108;
	s8 =	sld [smem:$0x3F7A]  }
0x2e: {  	s3 =	simm.s32 @!p0 $0x1082;
	s9 =	sld [smem:$0x3F7B]  }
0x2f: {  	lr =	sadd.s32 s0, s3;
	s0 =	sld [smem:$0x3F72]  }
0x30: {  	s3 =	sld [smem:$0x3F75]  }
0x31: {  	[smem:$0x3F7E] =	sst s10  }
0x32: {  	s10 =	sld [smem:$0x3F7C];
	_ =	sdelay $0x3  }
0x33: {  	p0 =	seq.s32 s10, $0x1;
	s10 =	sld [smem:$0x3F7E];
	_ =	sdelay $0x3  }
0x34: {  	[smem:$0x3F7E] =	sst s10  }
0x35: {  	s10 =	sld [smem:$0x3F7D];
	_ =	sdelay $0x3  }
0x36: {  	p1 =	seq.s32 s10, $0x1;
	s10 =	sld [smem:$0x3F7E];
	_ =	sdelay $0x3  }
0x37: {  	[smem:$0x3F7E] =	sst s10  }
0x38: {  	s10 =	sld [smem:$0x3F7F]  }
0x39: {  	_ = 	snop;
	(pc) =	sbr.ind lr, $3  }
0x3a: {  	_ = 	snop  }
0x3b: {  	_ = 	snop  }
0x3c: {  	p2 =	seq.s32 s10, $0x1;
	s10 =	sld [smem:$0x3F7E]  }
0x3d: {  	_ =	shalt  }
0x3e: {  	_ =	shalt  }
0x3f: {  	_ =	shalt  }
0x40: {  	_ =	shalt  }
0x41: {  	_ =	shalt  }
0x42: {  	_ =	shalt  }
0x43: {  	_ =	shalt  }
0x44: {  	_ =	shalt  }
0x45: {  	_ =	shalt  }
0x46: {  	_ =	shalt  }
0x47: {  	_ =	shalt  }
0x48: {  	_ =	shalt  }
0x49: {  	_ =	shalt  }
0x4a: {  	_ =	shalt  }
0x4b: {  	_ =	shalt  }
0x4c: {  	_ =	shalt  }
0x4d: {  	_ =	shalt  }
0x4e: {  	_ =	shalt  }
0x4f: {  	_ =	shalt  }
0x50: {  	_ =	shalt  }
0x51: {  	_ =	shalt  }
0x52: {  	_ =	shalt  }
0x53: {  	_ =	shalt  }
0x54: {  	_ =	shalt  }
0x55: {  	_ =	shalt  }
0x56: {  	_ =	shalt  }
0x57: {  	_ =	shalt  }
0x58: {  	_ =	shalt  }
0x59: {  	_ =	shalt  }
0x5a: {  	_ =	shalt  }
0x5b: {  	_ =	shalt  }
0x5c: {  	_ =	shalt  }
0x5d: {  	_ =	shalt  }
0x5e: {  	_ =	shalt  }
0x5f: {  	_ =	shalt  }
0x60: {  	_ =	shalt  }
0x61: {  	_ =	shalt  }
0x62: {  	_ =	shalt  }
0x63: {  	_ =	shalt  }
0x64: {  	_ =	shalt  }
0x65: {  	_ =	shalt  }
0x66: {  	_ =	shalt  }
0x67: {  	_ =	shalt  }
0x68: {  	_ =	shalt  }
0x69: {  	_ =	shalt  }
0x6a: {  	_ =	shalt  }
0x6b: {  	_ =	shalt  }
0x6c: {  	_ =	shalt  }
0x6d: {  	_ =	shalt  }
0x6e: {  	_ =	shalt  }
0x6f: {  	_ =	shalt  }
0x70: {  	_ =	shalt  }
0x71: {  	_ =	shalt  }
0x72: {  	_ =	shalt  }
0x73: {  	_ =	shalt  }
0x74: {  	_ =	shalt  }
0x75: {  	_ =	shalt  }
0x76: {  	_ =	shalt  }
0x77: {  	_ =	shalt  }
0x78: {  	_ =	shalt  }
0x79: {  	_ =	shalt  }
0x7a: {  	_ =	shalt  }
0x7b: {  	_ =	shalt  }
0x7c: {  	_ =	shalt  }
0x7d: {  	_ =	shalt  }
0x7e: {  	_ =	shalt  }
0x7f: {  	_ =	shalt  }
0x80: {  	_ =	shalt  }
0x81: {  	_ =	shalt  }
0x82: {  	_ =	shalt  }
0x83: {  	_ =	shalt  }
0x84: {  	_ =	shalt  }
0x85: {  	_ =	shalt  }
0x86: {  	_ =	shalt  }
0x87: {  	_ =	shalt  }
.Lfunc_end0:
.L_simem_size_0:
called_computation_lowered:
.L_overlay_start_0:
0x88: {  	s2 =	sld [smem:$0x3FD9]  }
0x89: {  	s3 =	sld [smem:$0x3FFE];
	_ =	sdelay $0x1  }
0x8a: {  	s1 =	srdreg.scid  }
0x8b: {  	s0 =	sand.u32 $0x1, s1  }
0x8c: {  	s14 =	sshll.u32 s0, $0xA;
	s2 =	sadd.s32 s3, s2  }
0x8d: {  	s2 =	sadd.s32 s2, s14  }
0x8e: {  	[smem:$0x3F8A] =	sst s2  }
0x8f: {  	_ = 	snop  }
0x90: {  	s2 =	sld [smem:$0x3FD0];
	_ =	sdelay $0x2  }
0x91: {  	s15 =	simm.s32 $0xA;
	s4 =	simm.s32 $0x10  }
0x92: {  	[smem:s4], [sflag:s15] =	dma.local [hbm:s2], $0x1  }
0x93: {  	_ =	swait.eq [sflag:s15], $0x1  }
0x94: {  	[sflag:s15] =	ssyncset.done $0x0  }
0x95: {  	s16 =	sld [smem:$0x10];
	[sflag:s15] =	ssyncadd.s32 $0xFFFFFFFF  }
0x96: {  	s17 =	sld [smem:$0x11];
	(tm) =	ssettm $0x1  }
0x97: {  	s18 =	sld [smem:$0x3FFB];
	_ =	sdelay $0x3  }
0x98: {  	_ =	strace s18  }
0x99: {  	s4 =	sld [smem:$0x3FFC];
	_ =	sdelay $0x3  }
0x9a: {  	_ =	strace s4  }
0x9b: {  	s4 =	sld [smem:$0x3FFD];
	_ =	sdelay $0x3  }
0x9c: {  	_ =	strace s4  }
0x9d: {  	_ =	strace $0x8FFFFFFF  }
0x9e: {  	s19 =	sld [smem:$0x3FDB];
	_ =	sdelay $0x1  }
0x9f: {  	s5 =	simm.s32 $_scs_section_size  }
0xa0: {  	s6 =	simm.s32 $_size__tile_overlayer_lowered;
	s7 =	simm.s32 $_tile_overlayer_lowered  }
0xa1: {  	s22 =	simm.s32 $0x1BFF;
	s21 =	sshll.u32 s7, $0x1;
	s4 =	sadd.s32 s5, s19  }
0xa2: {  	s8 =	simm.s32 $0x0;
	s20 =	sshll.u32 s6, $0x1;
	s6 =	sadd.s32 s21, s4  }
0xa3: {  	[timem:s8], [sflag:s22] =	dma.local [hbm:s6], s20  }
0xa4: {  	_ =	swait.ge [sflag:s22], s20  }
0xa5: {  	s5 =	ssub.s32 $0x0, s20;
	[sflag:s22] =	ssyncset.done $0x0  }
0xa6: {  	[sflag:s22] =	ssyncadd.s32 s5;
	_ =	sdelay $0x1  }
0xa7: {  	s23 =	simm.s32 $0x1B8B  }
0xa8: {  	_ =	swait.ge [sflag:s23], $0x1  }
0xa9: {  	[sflag:s23] =	ssyncset.done $0x0  }
0xaa: {  	s25 =	simm.s32 $0x1B8E;
	s24 =	sld [smem:$0x3FFE];
	[sflag:s23] =	ssyncadd.s32 $0xFFFFFFFF  }
0xab: {  	s26 =	simm.s32 $execute0_lowered;
	[smem:$0x3FD2] =	sst s25  }
0xac: {  	s6 =	sshll.u32 s26, $0x1;
	_ =	strace $0x80000046;
	[dreg:$0x1] =	wrdreg $0xFFFFFFFF  }
0xad: {  	s28 =	simm.s32 $_size_execute0_lowered;
	s4 =	sadd.s32 s4, s6;
	[dreg:$0x0] =	wrdreg $0x0  }
0xae: {  	s6 =	sshll.u32 s28, $0x1;
	[dreg:$0x2] =	wrdreg s4  }
0xaf: {  	[dreg:$0x3] =	wrdreg s6  }
0xb0: {  	[dreg:$0x4] =	wrdreg $0xC0  }
0xb1: {  	_ =	task [dreg:s8], $0x5FFFF  }
0xb2: {  	[dreg:$0x1] =	wrdreg $0xFFFFFFFF  }
0xb3: {  	[dreg:$0x0] =	wrdreg $0x60  }
0xb4: {  	[dreg:$0x2] =	wrdreg s24  }
0xb5: {  	[dreg:$0x3] =	wrdreg s17  }
0xb6: {  	[dreg:$0x4] =	wrdreg s16  }
0xb7: {  	[dreg:$0x5] =	wrdreg $0x81000  }
0xb8: {  	[dreg:$0x6] =	wrdreg $0x9  }
0xb9: {  	_ =	task.clear_ibuf [dreg:s8], $0x7FFFF;
	_ =	strace $0x90000046  }
0xba: {  	s29 =	simm.s32 $0x9;
	_ =	strace $0x80000048  }
0xbb: {  	_ =	swait.ge [sflag:s29], $0x1  }
0xbc: {  	[sflag:s29] =	ssyncadd.s32 $0xFFFFFFFF  }
0xbd: {  	_ =	strace $0x90000048  }
0xbe: {  	_ =	sfence  }
0xbf: {  	s30 =	sld [smem:$0x0];
	_ =	sdelay $0x2  }
0xc0: {  	s31 =	sshll.u32 s1, $0xD;
	s1 =	sshrl.u32 s1, $0x2  }
0xc1: {  	s3 =	sand.u32 $0x4000, s31;
	s1 =	sadd.s32 s1, s30  }
0xc2: {  	s0 =	sor.u32 s3, s0;
	s1 =	sshll.u32 s1, $0x11  }
0xc3: {  	s0 =	sor.u32 s1, s0  }
0xc4: {  	s0 =	sadd.s32 $0x8F2B, s0  }
0xc5: {  	[sflag:s0] =	ssyncadd.remote.s32 $0x1  }
0xc6: {  	_ =	sfence.sel $0xFFFF  }
0xc7: {  	[dreg:$0x0] =	wrdreg $0xFFFFFFFF;
	(pc) =	sbr.abs _section_cstart, $3  }
0xc8: {  	[dreg:$0x1] =	wrdreg $0xFFFFFFFF  }
0xc9: {  	_ =	task.clear_ibuf [dreg:s8], $0x2FFFF;
	_ =	strace $0x9FFFFFFF  }
0xca: {  	(tm) =	ssettm $0x7FFFFFFF  }
0xcb: {  	_ =	shalt  }
tec
execute0_lowered:
.L_overlay_start_1:
0x0: {  	(tag) =	ssettag $0x1  }
0x1: {  	s0 =	rddreg [dreg:$0x0]  }
0x2: {  	s1 =	rddreg [dreg:$0x1]  }
0x3: {  	s22 =	rddreg [dreg:$0x2]  }
0x4: {  	s2 =	rddreg [dreg:$0x3];
	s3 =	simm.s32 $0x0;
	s4 =	stileid.u32  }
0x5: {  	s6 =	srdreg.scid;
	s28 =	simm.s32 $0x100;
	[smem:$0x7FF] =	sst s3  }
0x6: {  	s8 =	smul.u32 $0x50000, s4;
	s5 =	sadd.s32 $0x282E00, s0;
	s13 =	sand.u32 $0x1, s6  }
0x7: {  	s17 =	smul.u32 $0x14000, s4;
	s6 =	sadd.s32 $0xCE00, s0;
	s7 =	sadd.s32 $0x7E00, s0  }
0x8: {  	s14 =	sshll.u32 s4, $0x8;
	p0 =	sne.s32 s4, $0x0;
	_ =	strace $0x80000047  }
0x9: {  	s31 =	ssub.s32 $0x2, s13;
	s10 =	sshll.u32 s13, $0x7;
	s24 =	smul.u32 $0x140000, s13  }
0xa: {  	s9 =	sshrl.u32 s31, $0x1;
	s8 =	sshrl.u32 s8, $0x2;
	s18 =	sadd.s32 $0x4000, s17  }
0xb: {  	s20 =	sadd.s32 $0x8000, s17;
	s21 =	sadd.s32 $0xC000, s17;
	s19 =	sor.u32 $0x27000, s10  }
0xc: {  	s23 =	sadd.s32 $0x10000, s17;
	s0 =	ssub.s32 s31, s9;
	s8 =	sadd.s32 s8, s2  }
0xd: {  	s9 =	sadd.s32 s18, s2;
	s11 =	sadd.s32 s20, s2;
	s12 =	sadd.s32 s21, s2  }
0xe: {  	s16 =	sshrl.u32 s19, $0x3;
	s13 =	sadd.s32 s23, s2;
	s17 =	sadd.s32 s17, s24  }
0xf: {  	s18 =	sadd.s32 s24, s18;
	s19 =	sshll.u32 s19, $0x4;
	s20 =	sadd.s32 s24, s20  }
0x10: {  	s21 =	sadd.s32 s24, s21;
	s23 =	sadd.s32 s24, s23;
	s24 =	simm.s32 $0x4100  }
0x11: {  	s15 =	sadd.s32 s6, s16;
	s16 =	sadd.s32 s7, s16;
	s25 =	sshrl.u32 s17, $0x3  }
.Ltmp0:
0x12: {  	s26 =	sshrl.u32 s18, $0x3;
	s17 =	sadd.s32 s1, s19;
	(pc) =	sbr.rel .LBB2_1-.Ltmp0, $4  }
0x13: {  	s20 =	sshrl.u32 s20, $0x3;
	s21 =	sshrl.u32 s21, $0x3;
	s23 =	sshrl.u32 s23, $0x3  }
0x14: {  	[dreg:$0x5] =	wrdreg s15;
	s18 =	sadd.s32 s22, s25;
	s19 =	sadd.s32 s22, s26  }
0x15: {  	s20 =	sadd.s32 s22, s20;
	s21 =	sadd.s32 s22, s21;
	s22 =	sadd.s32 s22, s23  }
0x16: {  	v0 =	vimm.f32 $0.0e+00;
	s23 =	smax.u32 s0, $0x1;
	s25 =	simm.s32 $0x1;
	s26 =	simm.s32 $0x80  }
.LBB2_11:
0x17: {  	s0 =	sshll.u32 s4, $0x6  }
0x18: {  	[bflag:$0x0] =	sbarrier.arrive $0xFFFF;
	s15 =	sshrl.u32 s8, $0x3;
	s0 =	sor.u32 $0x1C01, s0  }
0x19: {  	[hbm:s18], [sflag:s0] =	dma.local [spmem:s15], $0x800  }
0x1a: {  	_ =	swait.ge [sflag:s25], $0x800  }
0x1b: {  	[sflag:s25] =	ssyncset.done $0x0  }
0x1c: {  	s31 =	sshrl.u32 s9, $0x3;
	[sflag:s25] =	ssyncadd.s32 $0xFFFFF800  }
0x1d: {  	[hbm:s19], [sflag:s0] =	dma.local [spmem:s31], $0x800  }
0x1e: {  	_ =	swait.ge [sflag:s25], $0x800  }
0x1f: {  	[sflag:s25] =	ssyncset.done $0x0  }
0x20: {  	s29 =	sshrl.u32 s11, $0x3;
	[sflag:s25] =	ssyncadd.s32 $0xFFFFF800  }
0x21: {  	[hbm:s20], [sflag:s0] =	dma.local [spmem:s29], $0x800  }
0x22: {  	_ =	swait.ge [sflag:s25], $0x800  }
0x23: {  	[sflag:s25] =	ssyncset.done $0x0  }
0x24: {  	s30 =	sshrl.u32 s12, $0x3;
	[sflag:s25] =	ssyncadd.s32 $0xFFFFF800  }
0x25: {  	[hbm:s21], [sflag:s0] =	dma.local [spmem:s30], $0x800  }
0x26: {  	s3 =	sadd.s32 $0x1, s3;
	_ =	swait.ge [sflag:s25], $0x800  }
0x27: {  	p1 =	sne.s32 s3, s23;
	[sflag:s25] =	ssyncset.done $0x0  }
.Ltmp1:
0x28: {  	s31 =	sshrl.u32 s13, $0x3;
	[sflag:s25] =	ssyncadd.s32 $0xFFFFF800;
	(pc) =	sbr.rel @!p1 .LBB2_12-.Ltmp1, $4  }
0x29: {  	[hbm:s22], [sflag:s0] =	dma.local [spmem:s31], $0x800  }
0x2a: {  	_ =	swait.ge [sflag:s25], $0x800  }
0x2b: {  	[sflag:s25] =	ssyncset.done $0x0  }
0x2c: {  	[sflag:s25] =	ssyncadd.s32 $0xFFFFF800  }
.LBB2_1:
0x2d: {  	s0 =	simm.s32 $0x0;
	s29 =	simm.s32 $0x200  }
.LBB2_2:
0x2e: {  	p1 =	sne.s32 s29, $0xFE00;
	[tilespmem:s0+$0x4170] =	vst v0  }
0x2f: {  	[tilespmem:s0+$0x4100] =	vst v0  }
0x30: {  	[tilespmem:s0+$0x4110] =	vst v0  }
.Ltmp2:
0x31: {  	[tilespmem:s0+$0x4120] =	vst v0;
	(pc) =	sbr.rel @p1 .LBB2_2-.Ltmp2, $4  }
0x32: {  	[tilespmem:s0+$0x4130] =	vst v0  }
0x33: {  	[tilespmem:s0+$0x4140] =	vst v0  }
0x34: {  	[tilespmem:s0+$0x4150] =	vst v0  }
0x35: {  	[tilespmem:s0+$0x4160] =	vst v0;
	s0 =	sshra.s32 s29, $0x2;
	s29 =	sadd.s32 $0x200, s29  }
0x36: {  	[tilespmem:s0+$0x4170] =	vst v0  }
0x37: {  	[tilespmem:s0+$0x4100] =	vst v0  }
0x38: {  	[tilespmem:s0+$0x4110] =	vst v0  }
0x39: {  	[tilespmem:s0+$0x4120] =	vst v0  }
0x3a: {  	[tilespmem:s0+$0x4130] =	vst v0  }
0x3b: {  	[tilespmem:s0+$0x4140] =	vst v0  }
0x3c: {  	[tilespmem:s0+$0x4150] =	vst v0  }
0x3d: {  	[tilespmem:s0+$0x4160] =	vst v0  }
0x3e: {  	[spmem:s8] =	stream.linear.scatter [tilespmem:s24], [sflag:$0x1], $0x4000, $0x38;
	[tilespmem:$0x1C100] =	vst v63  }
0x3f: {  	_ =	swait.ge [sflag:s25], $0x4000  }
0x40: {  	[sflag:s25] =	ssyncset.done $0x0  }
0x41: {  	[sflag:s25] =	ssyncadd.s32 $0xFFFFC000  }
0x42: {  	[spmem:s9] =	stream.linear.scatter [tilespmem:s24], [sflag:$0x1], $0x4000, $0x38;
	[tilespmem:$0x1C100] =	vst v63  }
0x43: {  	_ =	swait.ge [sflag:s25], $0x4000  }
0x44: {  	[sflag:s25] =	ssyncset.done $0x0  }
0x45: {  	[sflag:s25] =	ssyncadd.s32 $0xFFFFC000  }
0x46: {  	[spmem:s11] =	stream.linear.scatter [tilespmem:s24], [sflag:$0x1], $0x4000, $0x38;
	[tilespmem:$0x1C100] =	vst v63  }
0x47: {  	_ =	swait.ge [sflag:s25], $0x4000  }
0x48: {  	[sflag:s25] =	ssyncset.done $0x0  }
0x49: {  	[sflag:s25] =	ssyncadd.s32 $0xFFFFC000  }
0x4a: {  	[spmem:s12] =	stream.linear.scatter [tilespmem:s24], [sflag:$0x1], $0x4000, $0x38;
	[tilespmem:$0x1C100] =	vst v63  }
0x4b: {  	_ =	swait.ge [sflag:s25], $0x4000  }
0x4c: {  	[sflag:s25] =	ssyncset.done $0x0  }
0x4d: {  	[sflag:s25] =	ssyncadd.s32 $0xFFFFC000  }
0x4e: {  	[spmem:s13] =	stream.linear.scatter [tilespmem:s24], [sflag:$0x1], $0x4000, $0x38;
	[tilespmem:$0x1C100] =	vst v63  }
0x4f: {  	_ =	swait.ge [sflag:s25], $0x4000  }
0x50: {  	[sflag:s25] =	ssyncset.done $0x0  }
0x51: {  	[sflag:s25] =	ssyncadd.s32 $0xFFFFC000  }
0x52: {  	s29 =	simm.s32 $0x0;
	s30 =	simm.s32 $0x0;
	[bflag:$0x0] =	sbarrier.arrive $0xFFFF  }
.LBB2_4:
0x53: {  	s0 =	sshll.u32 s30, $0xC  }
0x54: {  	s0 =	sor.u32 s0, s14  }
0x55: {  	s0 =	sor.u32 s10, s0  }
0x56: {  	s31 =	sshrl.u32 s0, $0x3  }
0x57: {  	s15 =	sadd.s32 s6, s31  }
0x58: {  	[tilespmem:s29], [sflag:$0x1] =	stream.linear.gather [hbm4b:s15+s29], $0x80, $0x38;
	[tilespmem:$0x1C100] =	vst v63  }
0x59: {  	_ =	swait.ge [sflag:s25], $0x80  }
0x5a: {  	[sflag:s25] =	ssyncset.done $0x0  }
0x5b: {  	s15 =	sadd.s32 s7, s31;
	[sflag:s25] =	ssyncadd.s32 $0xFFFFFF80  }
0x5c: {  	[tilespmem:s26], [sflag:$0x1] =	stream.linear.gather [hbm4b:s15+s29], $0x80, $0x38;
	[tilespmem:$0x1C100] =	vst v63  }
0x5d: {  	_ =	swait.ge [sflag:s25], $0x80  }
0x5e: {  	s0 =	sshll.u32 s0, $0x4;
	[sflag:s25] =	ssyncset.done $0x0  }
0x5f: {  	s0 =	sadd.s32 s1, s0;
	[sflag:s25] =	ssyncadd.s32 $0xFFFFFF80  }
0x60: {  	[tilespmem:s24], [sflag:$0x1] =	stream.linear.gather [hbm4b:s0+s29], $0x4000, $0x38;
	[tilespmem:$0x1C100] =	vst v63  }
0x61: {  	_ =	swait.ge [sflag:s25], $0x4000  }
0x62: {  	[sflag:s25] =	ssyncset.done $0x0  }
0x63: {  	[sflag:s25] =	ssyncadd.s32 $0xFFFFC000  }
0x64: {  	[tilespmem:s28], [sflag:$0x1] =	stream.indirect.gather [hbm4b:s5+s26], $0x80, s29, s26, $0xb8;
	[tilespmem:$0x1C100] =	vst v63  }
0x65: {  	_ =	swait.ge [sflag:s25], $0x4000  }
0x66: {  	[sflag:s25] =	ssyncset.done $0x0  }
0x67: {  	s31 =	simm.s32 $0x0;
	[sflag:s25] =	ssyncadd.s32 $0xFFFFC000  }
0x68: {  	v8 =	vld [tilespmem:s31+$0x100]  }
0x69: {  	v12 =	vld [tilespmem:s31+$0x110]  }
0x6a: {  	v6 =	vld [tilespmem:s31+$0x120]  }
0x6b: {  	v5 =	vld [tilespmem:s31+$0x130]  }
0x6c: {  	v4 =	vld [tilespmem:s31+$0x140]  }
0x6d: {  	v3 =	vld [tilespmem:s31+$0x150]  }
0x6e: {  	v2 =	vld [tilespmem:s31+$0x160]  }
0x6f: {  	v1 =	vld [tilespmem:s31+$0x170]  }
0x70: {  	v13 =	vld [tilespmem:s31+$0x4100]  }
0x71: {  	v14 =	vld [tilespmem:s31+$0x4110]  }
0x72: {  	v11 =	vld [tilespmem:s31+$0x4120]  }
0x73: {  	v10 =	vld [tilespmem:s31+$0x4130]  }
0x74: {  	v9 =	vld [tilespmem:s31+$0x4140]  }
0x75: {  	v7 =	vld [tilespmem:s31+$0x4150];
	v13 =	vadd.f32 v8, v13  }
0x76: {  	s0 =	simm.s32 $0x200;
	v12 =	vadd.f32 v12, v14;
	v8 =	vld [tilespmem:s31+$0x4160]  }
.LBB2_5:
0x77: {  	s15 =	sshra.s32 s0, $0x2;
	p1 =	sne.s32 s0, $0xFE00;
	[tilespmem:s31+$0x4100] =	vst v13;
	v6 =	vadd.f32 v6, v11;
	v11 =	vld [tilespmem:s31+$0x4170]  }
0x78: {  	v13 =	vld [tilespmem:s15+$0x100];
	[tilespmem:s31+$0x4110] =	vst v12;
	v5 =	vadd.f32 v5, v10  }
0x79: {  	v12 =	vld [tilespmem:s15+$0x110];
	[tilespmem:s31+$0x4120] =	vst v6;
	v4 =	vadd.f32 v4, v9  }
0x7a: {  	v6 =	vld [tilespmem:s15+$0x120];
	[tilespmem:s31+$0x4130] =	vst v5;
	v3 =	vadd.f32 v3, v7  }
0x7b: {  	v5 =	vld [tilespmem:s15+$0x130];
	[tilespmem:s31+$0x4140] =	vst v4;
	v2 =	vadd.f32 v2, v8  }
0x7c: {  	v4 =	vld [tilespmem:s15+$0x140];
	[tilespmem:s31+$0x4150] =	vst v3;
	v1 =	vadd.f32 v1, v11  }
0x7d: {  	v3 =	vld [tilespmem:s15+$0x150];
	[tilespmem:s31+$0x4160] =	vst v2  }
0x7e: {  	v2 =	vld [tilespmem:s15+$0x160];
	[tilespmem:s31+$0x4170] =	vst v1;
	s31 =	smov.u32 s15  }
0x7f: {  	v1 =	vld [tilespmem:s31+$0x170]  }
0x80: {  	v7 =	vld [tilespmem:s31+$0x4100]  }
0x81: {  	v8 =	vld [tilespmem:s31+$0x4110]  }
.Ltmp3:
0x82: {  	v11 =	vld [tilespmem:s31+$0x4120];
	(pc) =	sbr.rel @p1 .LBB2_5-.Ltmp3, $4  }
0x83: {  	v10 =	vld [tilespmem:s31+$0x4130]  }
0x84: {  	v9 =	vld [tilespmem:s31+$0x4140]  }
0x85: {  	v13 =	vadd.f32 v13, v7;
	v7 =	vld [tilespmem:s31+$0x4150]  }
0x86: {  	s0 =	sadd.s32 $0x200, s0;
	v12 =	vadd.f32 v12, v8;
	v8 =	vld [tilespmem:s31+$0x4160]  }
0x87: {  	[tilespmem:s31+$0x4100] =	vst v13;
	v6 =	vadd.f32 v6, v11;
	v63 =	vld [tilespmem:s31+$0x4170]  }
0x88: {  	[tilespmem:s31+$0x4110] =	vst v12;
	v5 =	vadd.f32 v5, v10  }
0x89: {  	[tilespmem:s31+$0x4120] =	vst v6;
	v4 =	vadd.f32 v4, v9  }
0x8a: {  	[tilespmem:s31+$0x4130] =	vst v5;
	v3 =	vadd.f32 v3, v7  }
0x8b: {  	[tilespmem:s31+$0x4140] =	vst v4;
	v2 =	vadd.f32 v2, v8  }
0x8c: {  	s30 =	sadd.s32 $0x1, s30;
	[tilespmem:s31+$0x4150] =	vst v3;
	v1 =	vadd.f32 v1, v63  }
0x8d: {  	p1 =	sne.s32 s30, $0x27;
	[tilespmem:s31+$0x4160] =	vst v2  }
.Ltmp4:
0x8e: {  	[tilespmem:s31+$0x4170] =	vst v1;
	(pc) =	sbr.rel @p1 .LBB2_4-.Ltmp4, $4  }
0x8f: {  	[spmem:s2] =	stream.indirect.scatter.add.f32 [tilespmem:s24], [sflag:$0x1], $0x80, s26, s26, $0xb8;
	[tilespmem:$0x1C100] =	vst v63  }
0x90: {  	_ =	swait.ge [sflag:s25], $0x4000  }
0x91: {  	[sflag:s25] =	ssyncset.done $0x0  }
0x92: {  	[sflag:s25] =	ssyncadd.s32 $0xFFFFC000  }
.Ltmp5:
0x93: {  	(pc) =	sbr.rel @p0 .LBB2_11-.Ltmp5, $1  }
0x94: {  	_ =	sdelay $0x3  }
0x95: {  	s0 =	simm.s32 $0x0;
	s15 =	rddreg [dreg:$0x5]  }
0x96: {  	[tilespmem:s0], [sflag:$0x1] =	stream.linear.gather [hbm4b:s15+s0], $0x80, $0x38;
	[tilespmem:$0x1C100] =	vst v63  }
0x97: {  	_ =	swait.ge [sflag:s25], $0x80  }
0x98: {  	[sflag:s25] =	ssyncset.done $0x0  }
0x99: {  	[sflag:s25] =	ssyncadd.s32 $0xFFFFFF80  }
0x9a: {  	[tilespmem:s26], [sflag:$0x1] =	stream.linear.gather [hbm4b:s16+s0], $0x80, $0x38;
	[tilespmem:$0x1C100] =	vst v63  }
0x9b: {  	_ =	swait.ge [sflag:s25], $0x80  }
0x9c: {  	[sflag:s25] =	ssyncset.done $0x0  }
0x9d: {  	[sflag:s25] =	ssyncadd.s32 $0xFFFFFF80  }
0x9e: {  	[tilespmem:s24], [sflag:$0x1] =	stream.linear.gather [hbm4b:s17+s0], $0x4000, $0x38;
	[tilespmem:$0x1C100] =	vst v63  }
0x9f: {  	_ =	swait.ge [sflag:s25], $0x4000  }
0xa0: {  	[sflag:s25] =	ssyncset.done $0x0  }
0xa1: {  	[sflag:s25] =	ssyncadd.s32 $0xFFFFC000  }
0xa2: {  	[tilespmem:s28], [sflag:$0x1] =	stream.indirect.gather [hbm4b:s5+s26], $0x80, s0, s26, $0xb8;
	[tilespmem:$0x1C100] =	vst v63  }
0xa3: {  	_ =	swait.ge [sflag:s25], $0x4000  }
0xa4: {  	[sflag:s25] =	ssyncset.done $0x0  }
0xa5: {  	s29 =	simm.s32 $0x0;
	[sflag:s25] =	ssyncadd.s32 $0xFFFFC000  }
0xa6: {  	v8 =	vld [tilespmem:s29+$0x100]  }
0xa7: {  	v12 =	vld [tilespmem:s29+$0x110]  }
0xa8: {  	v6 =	vld [tilespmem:s29+$0x120]  }
0xa9: {  	v5 =	vld [tilespmem:s29+$0x130]  }
0xaa: {  	v4 =	vld [tilespmem:s29+$0x140]  }
0xab: {  	v3 =	vld [tilespmem:s29+$0x150]  }
0xac: {  	v2 =	vld [tilespmem:s29+$0x160]  }
0xad: {  	v1 =	vld [tilespmem:s29+$0x170]  }
0xae: {  	v13 =	vld [tilespmem:s29+$0x4100]  }
0xaf: {  	v14 =	vld [tilespmem:s29+$0x4110]  }
0xb0: {  	v11 =	vld [tilespmem:s29+$0x4120]  }
0xb1: {  	v10 =	vld [tilespmem:s29+$0x4130]  }
0xb2: {  	v9 =	vld [tilespmem:s29+$0x4140]  }
0xb3: {  	v7 =	vld [tilespmem:s29+$0x4150];
	v13 =	vadd.f32 v8, v13  }
0xb4: {  	s0 =	simm.s32 $0x200;
	v12 =	vadd.f32 v12, v14;
	v8 =	vld [tilespmem:s29+$0x4160]  }
.LBB2_9:
0xb5: {  	s15 =	sshra.s32 s0, $0x2;
	p1 =	sne.s32 s0, $0xFE00;
	[tilespmem:s29+$0x4100] =	vst v13;
	v6 =	vadd.f32 v6, v11;
	v11 =	vld [tilespmem:s29+$0x4170]  }
0xb6: {  	v13 =	vld [tilespmem:s15+$0x100];
	[tilespmem:s29+$0x4110] =	vst v12;
	v5 =	vadd.f32 v5, v10  }
0xb7: {  	v12 =	vld [tilespmem:s15+$0x110];
	[tilespmem:s29+$0x4120] =	vst v6;
	v4 =	vadd.f32 v4, v9  }
0xb8: {  	v6 =	vld [tilespmem:s15+$0x120];
	[tilespmem:s29+$0x4130] =	vst v5;
	v3 =	vadd.f32 v3, v7  }
0xb9: {  	v5 =	vld [tilespmem:s15+$0x130];
	[tilespmem:s29+$0x4140] =	vst v4;
	v2 =	vadd.f32 v2, v8  }
0xba: {  	v4 =	vld [tilespmem:s15+$0x140];
	[tilespmem:s29+$0x4150] =	vst v3;
	v1 =	vadd.f32 v1, v11  }
0xbb: {  	v3 =	vld [tilespmem:s15+$0x150];
	[tilespmem:s29+$0x4160] =	vst v2  }
0xbc: {  	v2 =	vld [tilespmem:s15+$0x160];
	[tilespmem:s29+$0x4170] =	vst v1;
	s29 =	smov.u32 s15  }
0xbd: {  	v1 =	vld [tilespmem:s29+$0x170]  }
0xbe: {  	v7 =	vld [tilespmem:s29+$0x4100]  }
0xbf: {  	v8 =	vld [tilespmem:s29+$0x4110]  }
.Ltmp6:
0xc0: {  	v11 =	vld [tilespmem:s29+$0x4120];
	(pc) =	sbr.rel @p1 .LBB2_9-.Ltmp6, $4  }
0xc1: {  	v10 =	vld [tilespmem:s29+$0x4130]  }
0xc2: {  	v9 =	vld [tilespmem:s29+$0x4140]  }
0xc3: {  	v13 =	vadd.f32 v13, v7;
	v7 =	vld [tilespmem:s29+$0x4150]  }
0xc4: {  	s0 =	sadd.s32 $0x200, s0;
	v12 =	vadd.f32 v12, v8;
	v8 =	vld [tilespmem:s29+$0x4160]  }
0xc5: {  	[tilespmem:s29+$0x4100] =	vst v13;
	v6 =	vadd.f32 v6, v11;
	v63 =	vld [tilespmem:s29+$0x4170]  }
0xc6: {  	[tilespmem:s29+$0x4110] =	vst v12;
	v5 =	vadd.f32 v5, v10  }
0xc7: {  	[tilespmem:s29+$0x4120] =	vst v6;
	v4 =	vadd.f32 v4, v9  }
0xc8: {  	[tilespmem:s29+$0x4130] =	vst v5;
	v3 =	vadd.f32 v3, v7  }
0xc9: {  	[tilespmem:s29+$0x4140] =	vst v4;
	v2 =	vadd.f32 v2, v8  }
0xca: {  	[tilespmem:s29+$0x4150] =	vst v3;
	v1 =	vadd.f32 v1, v63  }
0xcb: {  	[tilespmem:s29+$0x4160] =	vst v2  }
.Ltmp7:
0xcc: {  	[tilespmem:s29+$0x4170] =	vst v1;
	(pc) =	sbr.rel .LBB2_11-.Ltmp7, $4  }
0xcd: {  	[spmem:s2] =	stream.indirect.scatter.add.f32 [tilespmem:s24], [sflag:$0x1], $0x80, s26, s26, $0xb8;
	[tilespmem:$0x1C100] =	vst v63  }
0xce: {  	_ =	swait.ge [sflag:s25], $0x4000  }
0xcf: {  	[sflag:s25] =	ssyncset.done $0x0  }
0xd0: {  	[sflag:s25] =	ssyncadd.s32 $0xFFFFC000  }
.LBB2_12:
0xd1: {  	_ =	sfence.sel $0x180000  }
0xd2: {  	[bflag:$0x0] =	sbarrier.arrive $0xFFFF  }
0xd3: {  	_ =	strace $0x90000047  }
0xd4: {  	[bflag:$0x2] =	sbarrier.arrive $0xFFFF  }
0xd5: {  	s0 =	rddreg [dreg:$0x4]  }
0xd6: {  	s0 =	sadd.s32 @!p0 $0x100000, s0  }
0xd7: {  	[sflag:s0] =	ssyncadd.tile.s32 @!p0 $0x1;
	_ =	shalt  }
.Lfunc_end2:
_tile_overlayer_lowered:
.L_overlay_start_2:
0xd8: {  	(tag) =	ssettag $0x2  }
0xd9: {  	s0 =	rddreg [dreg:$0x0];
	s2 =	stileid.u32  }
0xda: {  	s1 =	rddreg [dreg:$0x1];
	p0 =	sne.s32 s2, $0x0  }
0xdb: {  	s3 =	rddreg [dreg:$0x2];
	[bflag:$0x3] =	sbarrier.arrive $0xFFFF;
	s2 =	simm.s32 @!p0 $0x1C01  }
0xdc: {  	[timem:s3], [sflag:s2] =	dma.local @!p0 [hbm:s0], s1  }
0xdd: {  	s0 =	simm.s32 @!p0 $0x1  }
0xde: {  	_ =	swait.ge @!p0 [sflag:s0], s1  }
0xdf: {  	s1 =	ssub.s32 @!p0 $0x0, s1;
	[sflag:s0] =	ssyncset.done @!p0 $0x0  }
0xe0: {  	[sflag:s0] =	ssyncadd.s32 @!p0 s1  }
0xe1: {  	[bflag:$0x3] =	sbarrier.arrive $0xFFFF  }
0xe2: {  	_ =	shalt  }

// kernel: kernel.28.cloned.1.call-start
scs
__scs_entry_jumppad:
0x0: {  	(pc) =	sbr.rel $0x88, $3  }
0x1: {  	(tag) =	ssettag $0x0;
	lr =	simm.s32 $0x1  }
0x2: {  	[smem:$0x3F63] =	sst lr;
	_ =	strace $0xD0000000  }
0x3: {  	_ = 	snop  }
0x4: {  	_ = 	snop  }
0x5: {  	_ = 	snop  }
0x6: {  	_ = 	snop  }
0x7: {  	_ = 	snop  }
__scs_overlays_trampoline_lowered:
0x8: {  	[smem:$0x3F72] =	sst s0  }
0x9: {  	[smem:$0x3F73] =	sst s1  }
0xa: {  	[smem:$0x3F74] =	sst s2  }
0xb: {  	[smem:$0x3F75] =	sst s3  }
0xc: {  	[smem:$0x3F76] =	sst s4  }
0xd: {  	[smem:$0x3F77] =	sst s5  }
0xe: {  	[smem:$0x3F78] =	sst s6  }
0xf: {  	[smem:$0x3F79] =	sst s7  }
0x10: {  	[smem:$0x3F7A] =	sst s8  }
0x11: {  	[smem:$0x3F7B] =	sst s9;
	s0 =	simm.s32 @!p0 $0x0  }
0x12: {  	s1 =	sld [smem:$0x3F61];
	s0 =	simm.s32 @p0 $0x1  }
0x13: {  	[smem:$0x3F7C] =	sst s0;
	s0 =	simm.s32 @!p1 $0x0  }
0x14: {  	s2 =	sld [smem:$0x3F60];
	s0 =	simm.s32 @p1 $0x1  }
0x15: {  	[smem:$0x3F7D] =	sst s0;
	s0 =	simm.s32 @!p2 $0x0  }
0x16: {  	s3 =	sld [smem:$0x3FDB];
	s0 =	simm.s32 @p2 $0x1  }
0x17: {  	s4 =	simm.s32 $0x1BF5;
	[smem:$0x3F7F] =	sst s0  }
0x18: {  	s0 =	sld [smem:$0x3F62];
	_ =	swait.ge [sflag:s4], $0x0  }
0x19: {  	s7 =	sld [smem:$0x3F63]  }
0x1a: {  	s8 =	sadd.s32 $0xFFFFE003, lr  }
0x1b: {  	s9 =	sadd.s32 $0xFFFFFEF7, lr;
	s5 =	simm.s32 $0xFFFFFFFF;
	p2 =	slt.u32 s8, $0xFFFFF086  }
0x1c: {  	p1 =	slt.u32 s9, $0xF7A;
	s5 =	simm.s32 @!p2 $0x0  }
0x1d: {  	s5 =	simm.s32 @p1 $0x1;
	p0 =	seq.s32 s7, s2  }
0x1e: {  	s7 =	smul.u32 @!p0 $0xF7A, s2;
	p2 =	seq.s32 @!p0 s5, $0x0  }
0x1f: {  	s9 =	smul.u32 $0xF7A, s1;
	s8 =	simm.s32 @!p0 $0x1BF5;
	p2 =	por !p2, p0  }
0x20: {  	[sflag:s8] =	ssyncset.s32 @!p0 $0xFFFFF086;
	s6 =	sadd.s32 @!p0 s3, s7;
	s7 =	simm.s32 @!p0 $0x108  }
0x21: {  	s3 =	sadd.s32 s3, s9;
	s6 =	sadd.s32 @!p0 $0x88, s6;
	s7 =	simm.s32 @p2 $0x1082  }
0x22: {  	[simem:s7], [sflag:s8] =	dma.local @!p0 [hbm:s6], $0xF7A  }
0x23: {  	s9 =	sor.u32 $0xD0000000, s2;
	s6 =	simm.s32 $0x108;
	_ =	swait.ge @!p0 [sflag:s8], $0x0  }
0x24: {  	s3 =	sadd.s32 $0x88, s3;
	s6 =	simm.s32 @!p1 $0x1082;
	[sflag:s4] =	ssyncset.s32 $0xFFFFF086  }
0x25: {  	[simem:s6], [sflag:s4] =	dma.local [hbm:s3], $0xF7A  }
0x26: {  	[smem:$0x3F63] =	sst s1;
	(tag) =	ssettag s2;
	_ =	strace s9  }
0x27: {  	s1 =	sld [smem:$0x3F73]  }
0x28: {  	s2 =	sld [smem:$0x3F74]  }
0x29: {  	s4 =	sld [smem:$0x3F76]  }
0x2a: {  	p0 =	seq.s32 s5, $0x0;
	s5 =	sld [smem:$0x3F77]  }
0x2b: {  	s6 =	sld [smem:$0x3F78]  }
0x2c: {  	s7 =	sld [smem:$0x3F79]  }
0x2d: {  	s3 =	simm.s32 $0x108;
	s8 =	sld [smem:$0x3F7A]  }
0x2e: {  	s3 =	simm.s32 @!p0 $0x1082;
	s9 =	sld [smem:$0x3F7B]  }
0x2f: {  	lr =	sadd.s32 s0, s3;
	s0 =	sld [smem:$0x3F72]  }
0x30: {  	s3 =	sld [smem:$0x3F75]  }
0x31: {  	[smem:$0x3F7E] =	sst s10  }
0x32: {  	s10 =	sld [smem:$0x3F7C];
	_ =	sdelay $0x3  }
0x33: {  	p0 =	seq.s32 s10, $0x1;
	s10 =	sld [smem:$0x3F7E];
	_ =	sdelay $0x3  }
0x34: {  	[smem:$0x3F7E] =	sst s10  }
0x35: {  	s10 =	sld [smem:$0x3F7D];
	_ =	sdelay $0x3  }
0x36: {  	p1 =	seq.s32 s10, $0x1;
	s10 =	sld [smem:$0x3F7E];
	_ =	sdelay $0x3  }
0x37: {  	[smem:$0x3F7E] =	sst s10  }
0x38: {  	s10 =	sld [smem:$0x3F7F]  }
0x39: {  	_ = 	snop;
	(pc) =	sbr.ind lr, $3  }
0x3a: {  	_ = 	snop  }
0x3b: {  	_ = 	snop  }
0x3c: {  	p2 =	seq.s32 s10, $0x1;
	s10 =	sld [smem:$0x3F7E]  }
0x3d: {  	_ =	shalt  }
0x3e: {  	_ =	shalt  }
0x3f: {  	_ =	shalt  }
0x40: {  	_ =	shalt  }
0x41: {  	_ =	shalt  }
0x42: {  	_ =	shalt  }
0x43: {  	_ =	shalt  }
0x44: {  	_ =	shalt  }
0x45: {  	_ =	shalt  }
0x46: {  	_ =	shalt  }
0x47: {  	_ =	shalt  }
0x48: {  	_ =	shalt  }
0x49: {  	_ =	shalt  }
0x4a: {  	_ =	shalt  }
0x4b: {  	_ =	shalt  }
0x4c: {  	_ =	shalt  }
0x4d: {  	_ =	shalt  }
0x4e: {  	_ =	shalt  }
0x4f: {  	_ =	shalt  }
0x50: {  	_ =	shalt  }
0x51: {  	_ =	shalt  }
0x52: {  	_ =	shalt  }
0x53: {  	_ =	shalt  }
0x54: {  	_ =	shalt  }
0x55: {  	_ =	shalt  }
0x56: {  	_ =	shalt  }
0x57: {  	_ =	shalt  }
0x58: {  	_ =	shalt  }
0x59: {  	_ =	shalt  }
0x5a: {  	_ =	shalt  }
0x5b: {  	_ =	shalt  }
0x5c: {  	_ =	shalt  }
0x5d: {  	_ =	shalt  }
0x5e: {  	_ =	shalt  }
0x5f: {  	_ =	shalt  }
0x60: {  	_ =	shalt  }
0x61: {  	_ =	shalt  }
0x62: {  	_ =	shalt  }
0x63: {  	_ =	shalt  }
0x64: {  	_ =	shalt  }
0x65: {  	_ =	shalt  }
0x66: {  	_ =	shalt  }
0x67: {  	_ =	shalt  }
0x68: {  	_ =	shalt  }
0x69: {  	_ =	shalt  }
0x6a: {  	_ =	shalt  }
0x6b: {  	_ =	shalt  }
0x6c: {  	_ =	shalt  }
0x6d: {  	_ =	shalt  }
0x6e: {  	_ =	shalt  }
0x6f: {  	_ =	shalt  }
0x70: {  	_ =	shalt  }
0x71: {  	_ =	shalt  }
0x72: {  	_ =	shalt  }
0x73: {  	_ =	shalt  }
0x74: {  	_ =	shalt  }
0x75: {  	_ =	shalt  }
0x76: {  	_ =	shalt  }
0x77: {  	_ =	shalt  }
0x78: {  	_ =	shalt  }
0x79: {  	_ =	shalt  }
0x7a: {  	_ =	shalt  }
0x7b: {  	_ =	shalt  }
0x7c: {  	_ =	shalt  }
0x7d: {  	_ =	shalt  }
0x7e: {  	_ =	shalt  }
0x7f: {  	_ =	shalt  }
0x80: {  	_ =	shalt  }
0x81: {  	_ =	shalt  }
0x82: {  	_ =	shalt  }
0x83: {  	_ =	shalt  }
0x84: {  	_ =	shalt  }
0x85: {  	_ =	shalt  }
0x86: {  	_ =	shalt  }
0x87: {  	_ =	shalt  }
.Lfunc_end0:
.L_simem_size_0:
called_computation.1_lowered:
.L_overlay_start_0:
0x88: {  	s2 =	sld [smem:$0x3FD9]  }
0x89: {  	s3 =	sld [smem:$0x3FFE];
	_ =	sdelay $0x1  }
0x8a: {  	s1 =	srdreg.scid  }
0x8b: {  	s0 =	sand.u32 $0x1, s1  }
0x8c: {  	s14 =	sshll.u32 s0, $0xA;
	s2 =	sadd.s32 s3, s2  }
0x8d: {  	s2 =	sadd.s32 s2, s14  }
0x8e: {  	[smem:$0x3F8A] =	sst s2  }
0x8f: {  	_ = 	snop  }
0x90: {  	s2 =	sld [smem:$0x3FD0];
	_ =	sdelay $0x2  }
0x91: {  	s15 =	simm.s32 $0xA;
	s4 =	simm.s32 $0x10  }
0x92: {  	[smem:s4], [sflag:s15] =	dma.local [hbm:s2], $0x1  }
0x93: {  	_ =	swait.eq [sflag:s15], $0x1  }
0x94: {  	[sflag:s15] =	ssyncset.done $0x0  }
0x95: {  	[sflag:s15] =	ssyncadd.s32 $0xFFFFFFFF  }
0x96: {  	s16 =	sld [smem:$0x11];
	(tm) =	ssettm $0x1  }
0x97: {  	s17 =	sld [smem:$0x3FFB];
	_ =	sdelay $0x3  }
0x98: {  	_ =	strace s17  }
0x99: {  	s3 =	sld [smem:$0x3FFC];
	_ =	sdelay $0x3  }
0x9a: {  	_ =	strace s3  }
0x9b: {  	s3 =	sld [smem:$0x3FFD];
	_ =	sdelay $0x3  }
0x9c: {  	_ =	strace s3  }
0x9d: {  	_ =	strace $0x8FFFFFFF  }
0x9e: {  	s18 =	sld [smem:$0x3FDB];
	_ =	sdelay $0x1  }
0x9f: {  	s19 =	simm.s32 $_scs_section_size  }
0xa0: {  	s5 =	simm.s32 $_size__tile_overlayer_lowered;
	s6 =	simm.s32 $_tile_overlayer_lowered  }
0xa1: {  	s22 =	simm.s32 $0x1BFF;
	s21 =	sshll.u32 s6, $0x1;
	s3 =	sadd.s32 s19, s18  }
0xa2: {  	s7 =	simm.s32 $0x0;
	s20 =	sshll.u32 s5, $0x1;
	s5 =	sadd.s32 s21, s3  }
0xa3: {  	[timem:s7], [sflag:s22] =	dma.local [hbm:s5], s20  }
0xa4: {  	_ =	swait.ge [sflag:s22], s20  }
0xa5: {  	s4 =	ssub.s32 $0x0, s20;
	[sflag:s22] =	ssyncset.done $0x0  }
0xa6: {  	[sflag:s22] =	ssyncadd.s32 s4;
	_ =	sdelay $0x1  }
0xa7: {  	s23 =	simm.s32 $0x1B8B  }
0xa8: {  	_ =	swait.ge [sflag:s23], $0x1  }
0xa9: {  	[sflag:s23] =	ssyncset.done $0x0  }
0xaa: {  	s25 =	simm.s32 $0x1B8E;
	s24 =	sld [smem:$0x3FFE];
	[sflag:s23] =	ssyncadd.s32 $0xFFFFFFFF  }
0xab: {  	s26 =	simm.s32 $execute0_lowered;
	[smem:$0x3FD2] =	sst s25  }
0xac: {  	s5 =	sshll.u32 s26, $0x1;
	_ =	strace $0x80000049;
	[dreg:$0x1] =	wrdreg $0xFFFFFFFF  }
0xad: {  	s28 =	simm.s32 $_size_execute0_lowered;
	s3 =	sadd.s32 s3, s5;
	[dreg:$0x0] =	wrdreg $0x0  }
0xae: {  	s5 =	sshll.u32 s28, $0x1;
	[dreg:$0x2] =	wrdreg s3  }
0xaf: {  	[dreg:$0x3] =	wrdreg s5  }
0xb0: {  	[dreg:$0x4] =	wrdreg $0xC0  }
0xb1: {  	_ =	task [dreg:s7], $0x5FFFF  }
0xb2: {  	[dreg:$0x1] =	wrdreg $0xFFFFFFFF  }
0xb3: {  	[dreg:$0x0] =	wrdreg $0x60  }
0xb4: {  	[dreg:$0x2] =	wrdreg s24  }
0xb5: {  	[dreg:$0x3] =	wrdreg s16  }
0xb6: {  	[dreg:$0x4] =	wrdreg $0x9  }
0xb7: {  	_ =	task.clear_ibuf [dreg:s7], $0x5FFFF;
	_ =	strace $0x90000049  }
0xb8: {  	s29 =	simm.s32 $0x9;
	_ =	strace $0x8000004B  }
0xb9: {  	_ =	swait.ge [sflag:s29], $0x1  }
0xba: {  	[sflag:s29] =	ssyncadd.s32 $0xFFFFFFFF  }
0xbb: {  	_ =	strace $0x9000004B  }
0xbc: {  	_ =	sfence  }
0xbd: {  	s30 =	sld [smem:$0x0];
	_ =	sdelay $0x2  }
0xbe: {  	s31 =	sshll.u32 s1, $0xD;
	s1 =	sshrl.u32 s1, $0x2  }
0xbf: {  	s3 =	sand.u32 $0x4000, s31;
	s1 =	sadd.s32 s1, s30  }
0xc0: {  	s0 =	sor.u32 s3, s0;
	s1 =	sshll.u32 s1, $0x11  }
0xc1: {  	s0 =	sor.u32 s1, s0  }
0xc2: {  	s0 =	sadd.s32 $0x8F2B, s0  }
0xc3: {  	[sflag:s0] =	ssyncadd.remote.s32 $0x1  }
0xc4: {  	_ =	sfence.sel $0xFFFF  }
0xc5: {  	[dreg:$0x0] =	wrdreg $0xFFFFFFFF;
	(pc) =	sbr.abs _section_cstart, $3  }
0xc6: {  	[dreg:$0x1] =	wrdreg $0xFFFFFFFF  }
0xc7: {  	_ =	task.clear_ibuf [dreg:s7], $0x2FFFF;
	_ =	strace $0x9FFFFFFF  }
0xc8: {  	(tm) =	ssettm $0x7FFFFFFF  }
0xc9: {  	_ =	shalt  }
tec
execute0_lowered:
.L_overlay_start_1:
0x0: {  	(tag) =	ssettag $0x1  }
0x1: {  	s6 =	rddreg [dreg:$0x0]  }
0x2: {  	s1 =	rddreg [dreg:$0x1]  }
0x3: {  	s0 =	rddreg [dreg:$0x2];
	s2 =	simm.s32 $0x0  }
0x4: {  	s4 =	srdreg.scid;
	s19 =	stileid.u32;
	s14 =	simm.s32 $0x1  }
0x5: {  	s15 =	simm.s32 $0x80;
	s16 =	simm.s32 $0x8100;
	s17 =	simm.s32 $0x100  }
0x6: {  	s18 =	simm.s32 $0x4100;
	[smem:$0x7FF] =	sst s2;
	s3 =	sadd.s32 $0x11E00, s6  }
0x7: {  	s7 =	sand.u32 $0x1, s4;
	s4 =	sadd.s32 $0xCE00, s6;
	s5 =	sadd.s32 $0x7E00, s6  }
0x8: {  	s6 =	sadd.s32 $0x39000, s6;
	p0 =	sne.s32 s19, $0x0;
	s8 =	ssub.s32 $0x2, s7  }
.Ltmp0:
0x9: {  	s7 =	sshll.u32 s7, $0x7;
	s9 =	sshrl.u32 s8, $0x1;
	(pc) =	sbr.rel .LBB2_1-.Ltmp0, $4  }
0xa: {  	_ =	strace $0x8000004A;
	s31 =	sor.u32 $0x27000, s7;
	s13 =	ssub.s32 s8, s9  }
0xb: {  	s8 =	sshll.u32 s19, $0x8;
	s10 =	sshrl.u32 s31, $0x3;
	s12 =	sshll.u32 s31, $0x4  }
0xc: {  	s19 =	simm.s32 $0x0;
	s9 =	sadd.s32 s4, s10;
	s10 =	sadd.s32 s5, s10  }
0xd: {  	s11 =	sadd.s32 s1, s12;
	s12 =	sadd.s32 s6, s12;
	s13 =	smax.u32 s13, $0x1  }
.LBB2_9:
0xe: {  	s19 =	sadd.s32 $0x1, s19  }
0xf: {  	p1 =	sne.s32 s19, s13  }
.Ltmp1:
0x10: {  	_ = 	snop;
	(pc) =	sbr.rel @!p1 .LBB2_10-.Ltmp1, $1  }
0x11: {  	_ =	sdelay $0x3  }
.LBB2_1:
0x12: {  	s20 =	simm.s32 $0x0  }
.LBB2_2:
0x13: {  	s21 =	sshll.u32 s20, $0xC  }
0x14: {  	s21 =	sor.u32 s21, s8  }
0x15: {  	s21 =	sor.u32 s7, s21  }
0x16: {  	s22 =	sshrl.u32 s21, $0x3  }
0x17: {  	s24 =	simm.s32 $0x0;
	s23 =	sadd.s32 s4, s22  }
0x18: {  	[tilespmem:s24], [sflag:$0x1] =	stream.linear.gather [hbm4b:s23+s24], $0x80, $0x38;
	[tilespmem:$0xC100] =	vst v63  }
0x19: {  	_ =	swait.ge [sflag:s14], $0x80  }
0x1a: {  	[sflag:s14] =	ssyncset.done $0x0  }
0x1b: {  	s22 =	sadd.s32 s5, s22;
	[sflag:s14] =	ssyncadd.s32 $0xFFFFFF80  }
0x1c: {  	[tilespmem:s15], [sflag:$0x1] =	stream.linear.gather [hbm4b:s22+s24], $0x80, $0x38;
	[tilespmem:$0xC100] =	vst v63  }
0x1d: {  	_ =	swait.ge [sflag:s14], $0x80  }
0x1e: {  	s21 =	sshll.u32 s21, $0x4;
	[sflag:s14] =	ssyncset.done $0x0  }
0x1f: {  	s31 =	sadd.s32 s1, s21;
	[sflag:s14] =	ssyncadd.s32 $0xFFFFFF80  }
0x20: {  	[tilespmem:s16], [sflag:$0x1] =	stream.linear.gather [hbm4b:s31+s24], $0x4000, $0x38;
	[tilespmem:$0xC100] =	vst v63  }
0x21: {  	_ =	swait.ge [sflag:s14], $0x4000  }
0x22: {  	[sflag:s14] =	ssyncset.done $0x0  }
0x23: {  	[sflag:s14] =	ssyncadd.s32 $0xFFFFC000  }
0x24: {  	[tilespmem:s17], [sflag:$0x1] =	stream.indirect.gather [hbm4b:s3+s15], $0x80, s24, s15, $0xb8;
	[tilespmem:$0xC100] =	vst v63  }
0x25: {  	_ =	swait.ge [sflag:s14], $0x4000  }
0x26: {  	[sflag:s14] =	ssyncset.done $0x0  }
0x27: {  	[sflag:s14] =	ssyncadd.s32 $0xFFFFC000  }
0x28: {  	[tilespmem:s18], [sflag:$0x1] =	stream.indirect.gather [hbm4b:s3+s15], $0x80, s15, s15, $0xb8;
	[tilespmem:$0xC100] =	vst v63  }
0x29: {  	_ =	swait.ge [sflag:s14], $0x4000  }
0x2a: {  	[sflag:s14] =	ssyncset.done $0x0  }
0x2b: {  	s22 =	simm.s32 $0x0;
	[sflag:s14] =	ssyncadd.s32 $0xFFFFC000  }
0x2c: {  	v5 =	vld [tilespmem:s22+$0x4100]  }
0x2d: {  	v4 =	vld [tilespmem:s22+$0x4110]  }
0x2e: {  	v3 =	vld [tilespmem:s22+$0x4120]  }
0x2f: {  	v2 =	vld [tilespmem:s22+$0x4130]  }
0x30: {  	v1 =	vld [tilespmem:s22+$0x4140]  }
0x31: {  	v0 =	vld [tilespmem:s22+$0x4150]  }
0x32: {  	v12 =	vld [tilespmem:s22+$0x100]  }
0x33: {  	v17 =	vld [tilespmem:s22+$0x110]  }
0x34: {  	v11 =	vld [tilespmem:s22+$0x120]  }
0x35: {  	v10 =	vld [tilespmem:s22+$0x130]  }
0x36: {  	v9 =	vld [tilespmem:s22+$0x140]  }
0x37: {  	v8 =	vld [tilespmem:s22+$0x150]  }
0x38: {  	v7 =	vld [tilespmem:s22+$0x160]  }
0x39: {  	v6 =	vld [tilespmem:s22+$0x170]  }
0x3a: {  	v18 =	vld [tilespmem:s22+$0x8100]  }
0x3b: {  	v19 =	vld [tilespmem:s22+$0x8110]  }
0x3c: {  	v16 =	vld [tilespmem:s22+$0x8120]  }
0x3d: {  	v15 =	vld [tilespmem:s22+$0x8130]  }
0x3e: {  	v14 =	vld [tilespmem:s22+$0x8140]  }
0x3f: {  	v13 =	vld [tilespmem:s22+$0x8150];
	v18 =	vadd.f32 v12, v18  }
0x40: {  	s23 =	simm.s32 $0x200;
	v17 =	vadd.f32 v17, v19;
	v12 =	vld [tilespmem:s22+$0x8160]  }
.LBB2_3:
0x41: {  	p1 =	sne.s32 s23, $0xFE00;
	v5 =	vadd.f32 v5, v18;
	v11 =	vadd.f32 v11, v16;
	v16 =	vld [tilespmem:s22+$0x8170]  }
0x42: {  	v4 =	vadd.f32 v4, v17;
	v10 =	vadd.f32 v10, v15;
	v15 =	vld [tilespmem:s22+$0x4160]  }
0x43: {  	s24 =	sshra.s32 s23, $0x2;
	[tilespmem:s22+$0x8100] =	vst v5;
	v3 =	vadd.f32 v3, v11;
	v9 =	vadd.f32 v9, v14;
	v11 =	vld [tilespmem:s22+$0x4170]  }
0x44: {  	v5 =	vld [tilespmem:s24+$0x4100];
	[tilespmem:s22+$0x8110] =	vst v4;
	v2 =	vadd.f32 v2, v10;
	v8 =	vadd.f32 v8, v13  }
0x45: {  	v4 =	vld [tilespmem:s24+$0x4110];
	[tilespmem:s22+$0x8120] =	vst v3;
	v1 =	vadd.f32 v1, v9;
	v7 =	vadd.f32 v7, v12  }
0x46: {  	v3 =	vld [tilespmem:s24+$0x4120];
	[tilespmem:s22+$0x8130] =	vst v2;
	v0 =	vadd.f32 v0, v8;
	v6 =	vadd.f32 v6, v16  }
0x47: {  	v2 =	vld [tilespmem:s24+$0x4130];
	[tilespmem:s22+$0x8140] =	vst v1;
	v7 =	vadd.f32 v15, v7  }
0x48: {  	v1 =	vld [tilespmem:s24+$0x4140];
	[tilespmem:s22+$0x8150] =	vst v0;
	v6 =	vadd.f32 v11, v6  }
0x49: {  	v0 =	vld [tilespmem:s24+$0x4150];
	[tilespmem:s22+$0x8160] =	vst v7  }
0x4a: {  	v12 =	vld [tilespmem:s24+$0x100];
	[tilespmem:s22+$0x8170] =	vst v6;
	s22 =	smov.u32 s24  }
0x4b: {  	v17 =	vld [tilespmem:s22+$0x110]  }
0x4c: {  	v11 =	vld [tilespmem:s22+$0x120]  }
0x4d: {  	v10 =	vld [tilespmem:s22+$0x130]  }
0x4e: {  	v9 =	vld [tilespmem:s22+$0x140]  }
0x4f: {  	v8 =	vld [tilespmem:s22+$0x150]  }
0x50: {  	v7 =	vld [tilespmem:s22+$0x160]  }
0x51: {  	v6 =	vld [tilespmem:s22+$0x170]  }
0x52: {  	v13 =	vld [tilespmem:s22+$0x8100]  }
0x53: {  	v19 =	vld [tilespmem:s22+$0x8110]  }
.Ltmp2:
0x54: {  	v16 =	vld [tilespmem:s22+$0x8120];
	(pc) =	sbr.rel @p1 .LBB2_3-.Ltmp2, $4  }
0x55: {  	v15 =	vld [tilespmem:s22+$0x8130]  }
0x56: {  	v14 =	vld [tilespmem:s22+$0x8140]  }
0x57: {  	v18 =	vadd.f32 v12, v13;
	v13 =	vld [tilespmem:s22+$0x8150]  }
0x58: {  	s23 =	sadd.s32 $0x200, s23;
	v17 =	vadd.f32 v17, v19;
	v12 =	vld [tilespmem:s22+$0x8160]  }
0x59: {  	v5 =	vadd.f32 v5, v18;
	v55 =	vld [tilespmem:s22+$0x8170];
	v11 =	vadd.f32 v11, v16  }
0x5a: {  	v56 =	vld [tilespmem:s22+$0x4160];
	v4 =	vadd.f32 v4, v17;
	v10 =	vadd.f32 v10, v15  }
0x5b: {  	v58 =	vld [tilespmem:s22+$0x4170];
	[tilespmem:s22+$0x8100] =	vst v5;
	v3 =	vadd.f32 v3, v11;
	v57 =	vadd.f32 v9, v14  }
0x5c: {  	[tilespmem:s22+$0x8110] =	vst v4;
	v2 =	vadd.f32 v2, v10;
	v59 =	vadd.f32 v8, v13  }
0x5d: {  	[tilespmem:s22+$0x8120] =	vst v3;
	v1 =	vadd.f32 v1, v57;
	v60 =	vadd.f32 v7, v12  }
0x5e: {  	[tilespmem:s22+$0x8130] =	vst v2;
	v0 =	vadd.f32 v0, v59;
	v61 =	vadd.f32 v6, v55  }
0x5f: {  	[tilespmem:s22+$0x8140] =	vst v1;
	v62 =	vadd.f32 v56, v60  }
0x60: {  	s20 =	sadd.s32 $0x1, s20;
	[tilespmem:s22+$0x8150] =	vst v0;
	v63 =	vadd.f32 v58, v61  }
0x61: {  	p1 =	sne.s32 s20, $0x27;
	[tilespmem:s22+$0x8160] =	vst v62  }
.Ltmp3:
0x62: {  	s21 =	sadd.s32 s6, s21;
	[tilespmem:s22+$0x8170] =	vst v63;
	(pc) =	sbr.rel @p1 .LBB2_2-.Ltmp3, $4  }
0x63: {  	[hbm4b:s21+s2] =	stream.linear.scatter [tilespmem:s16], [sflag:$0x1], $0x4000, $0x38;
	[tilespmem:$0xC100] =	vst v63  }
0x64: {  	_ =	swait.ge [sflag:s14], $0x4000  }
0x65: {  	[sflag:s14] =	ssyncset.done $0x0  }
0x66: {  	[sflag:s14] =	ssyncadd.s32 $0xFFFFC000  }
.Ltmp4:
0x67: {  	(pc) =	sbr.rel @p0 .LBB2_9-.Ltmp4, $1  }
0x68: {  	_ =	sdelay $0x3  }
0x69: {  	s20 =	simm.s32 $0x0  }
0x6a: {  	[tilespmem:s20], [sflag:$0x1] =	stream.linear.gather [hbm4b:s9+s20], $0x80, $0x38;
	[tilespmem:$0xC100] =	vst v63  }
0x6b: {  	_ =	swait.ge [sflag:s14], $0x80  }
0x6c: {  	[sflag:s14] =	ssyncset.done $0x0  }
0x6d: {  	[sflag:s14] =	ssyncadd.s32 $0xFFFFFF80  }
0x6e: {  	[tilespmem:s15], [sflag:$0x1] =	stream.linear.gather [hbm4b:s10+s20], $0x80, $0x38;
	[tilespmem:$0xC100] =	vst v63  }
0x6f: {  	_ =	swait.ge [sflag:s14], $0x80  }
0x70: {  	[sflag:s14] =	ssyncset.done $0x0  }
0x71: {  	[sflag:s14] =	ssyncadd.s32 $0xFFFFFF80  }
0x72: {  	[tilespmem:s16], [sflag:$0x1] =	stream.linear.gather [hbm4b:s11+s20], $0x4000, $0x38;
	[tilespmem:$0xC100] =	vst v63  }
0x73: {  	_ =	swait.ge [sflag:s14], $0x4000  }
0x74: {  	[sflag:s14] =	ssyncset.done $0x0  }
0x75: {  	[sflag:s14] =	ssyncadd.s32 $0xFFFFC000  }
0x76: {  	[tilespmem:s17], [sflag:$0x1] =	stream.indirect.gather [hbm4b:s3+s15], $0x80, s20, s15, $0xb8;
	[tilespmem:$0xC100] =	vst v63  }
0x77: {  	_ =	swait.ge [sflag:s14], $0x4000  }
0x78: {  	[sflag:s14] =	ssyncset.done $0x0  }
0x79: {  	[sflag:s14] =	ssyncadd.s32 $0xFFFFC000  }
0x7a: {  	[tilespmem:s18], [sflag:$0x1] =	stream.indirect.gather [hbm4b:s3+s15], $0x80, s15, s15, $0xb8;
	[tilespmem:$0xC100] =	vst v63  }
0x7b: {  	_ =	swait.ge [sflag:s14], $0x4000  }
0x7c: {  	[sflag:s14] =	ssyncset.done $0x0  }
0x7d: {  	s20 =	simm.s32 $0x0;
	[sflag:s14] =	ssyncadd.s32 $0xFFFFC000  }
0x7e: {  	v5 =	vld [tilespmem:s20+$0x4100]  }
0x7f: {  	v4 =	vld [tilespmem:s20+$0x4110]  }
0x80: {  	v3 =	vld [tilespmem:s20+$0x4120]  }
0x81: {  	v2 =	vld [tilespmem:s20+$0x4130]  }
0x82: {  	v1 =	vld [tilespmem:s20+$0x4140]  }
0x83: {  	v0 =	vld [tilespmem:s20+$0x4150]  }
0x84: {  	v12 =	vld [tilespmem:s20+$0x100]  }
0x85: {  	v17 =	vld [tilespmem:s20+$0x110]  }
0x86: {  	v11 =	vld [tilespmem:s20+$0x120]  }
0x87: {  	v10 =	vld [tilespmem:s20+$0x130]  }
0x88: {  	v9 =	vld [tilespmem:s20+$0x140]  }
0x89: {  	v8 =	vld [tilespmem:s20+$0x150]  }
0x8a: {  	v7 =	vld [tilespmem:s20+$0x160]  }
0x8b: {  	v6 =	vld [tilespmem:s20+$0x170]  }
0x8c: {  	v18 =	vld [tilespmem:s20+$0x8100]  }
0x8d: {  	v19 =	vld [tilespmem:s20+$0x8110]  }
0x8e: {  	v16 =	vld [tilespmem:s20+$0x8120]  }
0x8f: {  	v15 =	vld [tilespmem:s20+$0x8130]  }
0x90: {  	v14 =	vld [tilespmem:s20+$0x8140]  }
0x91: {  	v13 =	vld [tilespmem:s20+$0x8150];
	v18 =	vadd.f32 v12, v18  }
0x92: {  	s21 =	simm.s32 $0x200;
	v17 =	vadd.f32 v17, v19;
	v12 =	vld [tilespmem:s20+$0x8160]  }
.LBB2_7:
0x93: {  	p1 =	sne.s32 s21, $0xFE00;
	v5 =	vadd.f32 v5, v18;
	v11 =	vadd.f32 v11, v16;
	v16 =	vld [tilespmem:s20+$0x8170]  }
0x94: {  	v4 =	vadd.f32 v4, v17;
	v10 =	vadd.f32 v10, v15;
	v15 =	vld [tilespmem:s20+$0x4160]  }
0x95: {  	s22 =	sshra.s32 s21, $0x2;
	[tilespmem:s20+$0x8100] =	vst v5;
	v3 =	vadd.f32 v3, v11;
	v9 =	vadd.f32 v9, v14;
	v11 =	vld [tilespmem:s20+$0x4170]  }
0x96: {  	v5 =	vld [tilespmem:s22+$0x4100];
	[tilespmem:s20+$0x8110] =	vst v4;
	v2 =	vadd.f32 v2, v10;
	v8 =	vadd.f32 v8, v13  }
0x97: {  	v4 =	vld [tilespmem:s22+$0x4110];
	[tilespmem:s20+$0x8120] =	vst v3;
	v1 =	vadd.f32 v1, v9;
	v7 =	vadd.f32 v7, v12  }
0x98: {  	v3 =	vld [tilespmem:s22+$0x4120];
	[tilespmem:s20+$0x8130] =	vst v2;
	v0 =	vadd.f32 v0, v8;
	v6 =	vadd.f32 v6, v16  }
0x99: {  	v2 =	vld [tilespmem:s22+$0x4130];
	[tilespmem:s20+$0x8140] =	vst v1;
	v7 =	vadd.f32 v15, v7  }
0x9a: {  	v1 =	vld [tilespmem:s22+$0x4140];
	[tilespmem:s20+$0x8150] =	vst v0;
	v6 =	vadd.f32 v11, v6  }
0x9b: {  	v0 =	vld [tilespmem:s22+$0x4150];
	[tilespmem:s20+$0x8160] =	vst v7  }
0x9c: {  	v12 =	vld [tilespmem:s22+$0x100];
	[tilespmem:s20+$0x8170] =	vst v6;
	s20 =	smov.u32 s22  }
0x9d: {  	v17 =	vld [tilespmem:s20+$0x110]  }
0x9e: {  	v11 =	vld [tilespmem:s20+$0x120]  }
0x9f: {  	v10 =	vld [tilespmem:s20+$0x130]  }
0xa0: {  	v9 =	vld [tilespmem:s20+$0x140]  }
0xa1: {  	v8 =	vld [tilespmem:s20+$0x150]  }
0xa2: {  	v7 =	vld [tilespmem:s20+$0x160]  }
0xa3: {  	v6 =	vld [tilespmem:s20+$0x170]  }
0xa4: {  	v13 =	vld [tilespmem:s20+$0x8100]  }
0xa5: {  	v19 =	vld [tilespmem:s20+$0x8110]  }
.Ltmp5:
0xa6: {  	v16 =	vld [tilespmem:s20+$0x8120];
	(pc) =	sbr.rel @p1 .LBB2_7-.Ltmp5, $4  }
0xa7: {  	v15 =	vld [tilespmem:s20+$0x8130]  }
0xa8: {  	v14 =	vld [tilespmem:s20+$0x8140]  }
0xa9: {  	v18 =	vadd.f32 v12, v13;
	v13 =	vld [tilespmem:s20+$0x8150]  }
0xaa: {  	s21 =	sadd.s32 $0x200, s21;
	v17 =	vadd.f32 v17, v19;
	v12 =	vld [tilespmem:s20+$0x8160]  }
0xab: {  	v5 =	vadd.f32 v5, v18;
	v55 =	vld [tilespmem:s20+$0x8170];
	v11 =	vadd.f32 v11, v16  }
0xac: {  	v56 =	vld [tilespmem:s20+$0x4160];
	v4 =	vadd.f32 v4, v17;
	v10 =	vadd.f32 v10, v15  }
0xad: {  	v58 =	vld [tilespmem:s20+$0x4170];
	[tilespmem:s20+$0x8100] =	vst v5;
	v3 =	vadd.f32 v3, v11;
	v57 =	vadd.f32 v9, v14  }
0xae: {  	[tilespmem:s20+$0x8110] =	vst v4;
	v2 =	vadd.f32 v2, v10;
	v59 =	vadd.f32 v8, v13  }
0xaf: {  	[tilespmem:s20+$0x8120] =	vst v3;
	v1 =	vadd.f32 v1, v57;
	v60 =	vadd.f32 v7, v12  }
0xb0: {  	[tilespmem:s20+$0x8130] =	vst v2;
	v0 =	vadd.f32 v0, v59;
	v61 =	vadd.f32 v6, v55  }
0xb1: {  	[tilespmem:s20+$0x8140] =	vst v1;
	v62 =	vadd.f32 v56, v60  }
0xb2: {  	[tilespmem:s20+$0x8150] =	vst v0;
	v63 =	vadd.f32 v58, v61  }
0xb3: {  	[tilespmem:s20+$0x8160] =	vst v62  }
.Ltmp6:
0xb4: {  	[tilespmem:s20+$0x8170] =	vst v63;
	(pc) =	sbr.rel .LBB2_9-.Ltmp6, $4  }
0xb5: {  	[hbm4b:s12+s2] =	stream.linear.scatter [tilespmem:s16], [sflag:$0x1], $0x4000, $0x38;
	[tilespmem:$0xC100] =	vst v63  }
0xb6: {  	_ =	swait.ge [sflag:s14], $0x4000  }
0xb7: {  	[sflag:s14] =	ssyncset.done $0x0  }
0xb8: {  	[sflag:s14] =	ssyncadd.s32 $0xFFFFC000  }
.LBB2_10:
0xb9: {  	_ =	sfence.sel $0x180000  }
0xba: {  	[bflag:$0x0] =	sbarrier.arrive $0xFFFF  }
0xbb: {  	_ =	strace $0x9000004A  }
0xbc: {  	s0 =	sadd.s32 @!p0 $0x100000, s0;
	[bflag:$0x2] =	sbarrier.arrive $0xFFFF  }
0xbd: {  	[sflag:s0] =	ssyncadd.tile.s32 @!p0 $0x1;
	_ =	shalt  }
.Lfunc_end2:
_tile_overlayer_lowered:
.L_overlay_start_2:
0xbe: {  	(tag) =	ssettag $0x2  }
0xbf: {  	s0 =	rddreg [dreg:$0x0];
	s2 =	stileid.u32  }
0xc0: {  	s1 =	rddreg [dreg:$0x1];
	p0 =	sne.s32 s2, $0x0  }
0xc1: {  	s3 =	rddreg [dreg:$0x2];
	[bflag:$0x3] =	sbarrier.arrive $0xFFFF;
	s2 =	simm.s32 @!p0 $0x1C01  }
0xc2: {  	[timem:s3], [sflag:s2] =	dma.local @!p0 [hbm:s0], s1  }
0xc3: {  	s0 =	simm.s32 @!p0 $0x1  }
0xc4: {  	_ =	swait.ge @!p0 [sflag:s0], s1  }
0xc5: {  	s1 =	ssub.s32 @!p0 $0x0, s1;
	[sflag:s0] =	ssyncset.done @!p0 $0x0  }
0xc6: {  	[sflag:s0] =	ssyncadd.s32 @!p0 s1  }
0xc7: {  	[bflag:$0x3] =	sbarrier.arrive $0xFFFF  }
0xc8: {  	_ =	shalt  }

// kernel: kernel.31.cloned.1.call-start
scs
__scs_entry_jumppad:
0x0: {  	(pc) =	sbr.rel $0x88, $3  }
0x1: {  	(tag) =	ssettag $0x0;
	lr =	simm.s32 $0x1  }
0x2: {  	[smem:$0x3F63] =	sst lr;
	_ =	strace $0xD0000000  }
0x3: {  	_ = 	snop  }
0x4: {  	_ = 	snop  }
0x5: {  	_ = 	snop  }
0x6: {  	_ = 	snop  }
0x7: {  	_ = 	snop  }
__scs_overlays_trampoline_lowered:
0x8: {  	[smem:$0x3F72] =	sst s0  }
0x9: {  	[smem:$0x3F73] =	sst s1  }
0xa: {  	[smem:$0x3F74] =	sst s2  }
0xb: {  	[smem:$0x3F75] =	sst s3  }
0xc: {  	[smem:$0x3F76] =	sst s4  }
0xd: {  	[smem:$0x3F77] =	sst s5  }
0xe: {  	[smem:$0x3F78] =	sst s6  }
0xf: {  	[smem:$0x3F79] =	sst s7  }
0x10: {  	[smem:$0x3F7A] =	sst s8  }
0x11: {  	[smem:$0x3F7B] =	sst s9;
	s0 =	simm.s32 @!p0 $0x0  }
0x12: {  	s1 =	sld [smem:$0x3F61];
	s0 =	simm.s32 @p0 $0x1  }
0x13: {  	[smem:$0x3F7C] =	sst s0;
	s0 =	simm.s32 @!p1 $0x0  }
0x14: {  	s2 =	sld [smem:$0x3F60];
	s0 =	simm.s32 @p1 $0x1  }
0x15: {  	[smem:$0x3F7D] =	sst s0;
	s0 =	simm.s32 @!p2 $0x0  }
0x16: {  	s3 =	sld [smem:$0x3FDB];
	s0 =	simm.s32 @p2 $0x1  }
0x17: {  	s4 =	simm.s32 $0x1BF5;
	[smem:$0x3F7F] =	sst s0  }
0x18: {  	s0 =	sld [smem:$0x3F62];
	_ =	swait.ge [sflag:s4], $0x0  }
0x19: {  	s7 =	sld [smem:$0x3F63]  }
0x1a: {  	s8 =	sadd.s32 $0xFFFFE003, lr  }
0x1b: {  	s9 =	sadd.s32 $0xFFFFFEF7, lr;
	s5 =	simm.s32 $0xFFFFFFFF;
	p2 =	slt.u32 s8, $0xFFFFF086  }
0x1c: {  	p1 =	slt.u32 s9, $0xF7A;
	s5 =	simm.s32 @!p2 $0x0  }
0x1d: {  	s5 =	simm.s32 @p1 $0x1;
	p0 =	seq.s32 s7, s2  }
0x1e: {  	s7 =	smul.u32 @!p0 $0xF7A, s2;
	p2 =	seq.s32 @!p0 s5, $0x0  }
0x1f: {  	s9 =	smul.u32 $0xF7A, s1;
	s8 =	simm.s32 @!p0 $0x1BF5;
	p2 =	por !p2, p0  }
0x20: {  	[sflag:s8] =	ssyncset.s32 @!p0 $0xFFFFF086;
	s6 =	sadd.s32 @!p0 s3, s7;
	s7 =	simm.s32 @!p0 $0x108  }
0x21: {  	s3 =	sadd.s32 s3, s9;
	s6 =	sadd.s32 @!p0 $0x88, s6;
	s7 =	simm.s32 @p2 $0x1082  }
0x22: {  	[simem:s7], [sflag:s8] =	dma.local @!p0 [hbm:s6], $0xF7A  }
0x23: {  	s9 =	sor.u32 $0xD0000000, s2;
	s6 =	simm.s32 $0x108;
	_ =	swait.ge @!p0 [sflag:s8], $0x0  }
0x24: {  	s3 =	sadd.s32 $0x88, s3;
	s6 =	simm.s32 @!p1 $0x1082;
	[sflag:s4] =	ssyncset.s32 $0xFFFFF086  }
0x25: {  	[simem:s6], [sflag:s4] =	dma.local [hbm:s3], $0xF7A  }
0x26: {  	[smem:$0x3F63] =	sst s1;
	(tag) =	ssettag s2;
	_ =	strace s9  }
0x27: {  	s1 =	sld [smem:$0x3F73]  }
0x28: {  	s2 =	sld [smem:$0x3F74]  }
0x29: {  	s4 =	sld [smem:$0x3F76]  }
0x2a: {  	p0 =	seq.s32 s5, $0x0;
	s5 =	sld [smem:$0x3F77]  }
0x2b: {  	s6 =	sld [smem:$0x3F78]  }
0x2c: {  	s7 =	sld [smem:$0x3F79]  }
0x2d: {  	s3 =	simm.s32 $0x108;
	s8 =	sld [smem:$0x3F7A]  }
0x2e: {  	s3 =	simm.s32 @!p0 $0x1082;
	s9 =	sld [smem:$0x3F7B]  }
0x2f: {  	lr =	sadd.s32 s0, s3;
	s0 =	sld [smem:$0x3F72]  }
0x30: {  	s3 =	sld [smem:$0x3F75]  }
0x31: {  	[smem:$0x3F7E] =	sst s10  }
0x32: {  	s10 =	sld [smem:$0x3F7C];
	_ =	sdelay $0x3  }
0x33: {  	p0 =	seq.s32 s10, $0x1;
	s10 =	sld [smem:$0x3F7E];
	_ =	sdelay $0x3  }
0x34: {  	[smem:$0x3F7E] =	sst s10  }
0x35: {  	s10 =	sld [smem:$0x3F7D];
	_ =	sdelay $0x3  }
0x36: {  	p1 =	seq.s32 s10, $0x1;
	s10 =	sld [smem:$0x3F7E];
	_ =	sdelay $0x3  }
0x37: {  	[smem:$0x3F7E] =	sst s10  }
0x38: {  	s10 =	sld [smem:$0x3F7F]  }
0x39: {  	_ = 	snop;
	(pc) =	sbr.ind lr, $3  }
0x3a: {  	_ = 	snop  }
0x3b: {  	_ = 	snop  }
0x3c: {  	p2 =	seq.s32 s10, $0x1;
	s10 =	sld [smem:$0x3F7E]  }
0x3d: {  	_ =	shalt  }
0x3e: {  	_ =	shalt  }
0x3f: {  	_ =	shalt  }
0x40: {  	_ =	shalt  }
0x41: {  	_ =	shalt  }
0x42: {  	_ =	shalt  }
0x43: {  	_ =	shalt  }
0x44: {  	_ =	shalt  }
0x45: {  	_ =	shalt  }
0x46: {  	_ =	shalt  }
0x47: {  	_ =	shalt  }
0x48: {  	_ =	shalt  }
0x49: {  	_ =	shalt  }
0x4a: {  	_ =	shalt  }
0x4b: {  	_ =	shalt  }
0x4c: {  	_ =	shalt  }
0x4d: {  	_ =	shalt  }
0x4e: {  	_ =	shalt  }
0x4f: {  	_ =	shalt  }
0x50: {  	_ =	shalt  }
0x51: {  	_ =	shalt  }
0x52: {  	_ =	shalt  }
0x53: {  	_ =	shalt  }
0x54: {  	_ =	shalt  }
0x55: {  	_ =	shalt  }
0x56: {  	_ =	shalt  }
0x57: {  	_ =	shalt  }
0x58: {  	_ =	shalt  }
0x59: {  	_ =	shalt  }
0x5a: {  	_ =	shalt  }
0x5b: {  	_ =	shalt  }
0x5c: {  	_ =	shalt  }
0x5d: {  	_ =	shalt  }
0x5e: {  	_ =	shalt  }
0x5f: {  	_ =	shalt  }
0x60: {  	_ =	shalt  }
0x61: {  	_ =	shalt  }
0x62: {  	_ =	shalt  }
0x63: {  	_ =	shalt  }
0x64: {  	_ =	shalt  }
0x65: {  	_ =	shalt  }
0x66: {  	_ =	shalt  }
0x67: {  	_ =	shalt  }
0x68: {  	_ =	shalt  }
0x69: {  	_ =	shalt  }
0x6a: {  	_ =	shalt  }
0x6b: {  	_ =	shalt  }
0x6c: {  	_ =	shalt  }
0x6d: {  	_ =	shalt  }
0x6e: {  	_ =	shalt  }
0x6f: {  	_ =	shalt  }
0x70: {  	_ =	shalt  }
0x71: {  	_ =	shalt  }
0x72: {  	_ =	shalt  }
0x73: {  	_ =	shalt  }
0x74: {  	_ =	shalt  }
0x75: {  	_ =	shalt  }
0x76: {  	_ =	shalt  }
0x77: {  	_ =	shalt  }
0x78: {  	_ =	shalt  }
0x79: {  	_ =	shalt  }
0x7a: {  	_ =	shalt  }
0x7b: {  	_ =	shalt  }
0x7c: {  	_ =	shalt  }
0x7d: {  	_ =	shalt  }
0x7e: {  	_ =	shalt  }
0x7f: {  	_ =	shalt  }
0x80: {  	_ =	shalt  }
0x81: {  	_ =	shalt  }
0x82: {  	_ =	shalt  }
0x83: {  	_ =	shalt  }
0x84: {  	_ =	shalt  }
0x85: {  	_ =	shalt  }
0x86: {  	_ =	shalt  }
0x87: {  	_ =	shalt  }
.Lfunc_end0:
.L_simem_size_0:
called_computation.2_lowered:
.L_overlay_start_0:
0x88: {  	s2 =	sld [smem:$0x3FD9]  }
0x89: {  	s3 =	sld [smem:$0x3FFE];
	_ =	sdelay $0x1  }
0x8a: {  	s1 =	srdreg.scid  }
0x8b: {  	s0 =	sand.u32 $0x1, s1  }
0x8c: {  	s14 =	sshll.u32 s0, $0xA;
	s2 =	sadd.s32 s3, s2  }
0x8d: {  	s2 =	sadd.s32 s2, s14  }
0x8e: {  	[smem:$0x3F8A] =	sst s2  }
0x8f: {  	_ = 	snop  }
0x90: {  	s2 =	sld [smem:$0x3FD0];
	_ =	sdelay $0x2  }
0x91: {  	s15 =	simm.s32 $0xA;
	s4 =	simm.s32 $0x10  }
0x92: {  	[smem:s4], [sflag:s15] =	dma.local [hbm:s2], $0x1  }
0x93: {  	_ =	swait.eq [sflag:s15], $0x1  }
0x94: {  	[sflag:s15] =	ssyncset.done $0x0  }
0x95: {  	[sflag:s15] =	ssyncadd.s32 $0xFFFFFFFF  }
0x96: {  	s16 =	sld [smem:$0x10];
	(tm) =	ssettm $0x1  }
0x97: {  	s17 =	sld [smem:$0x3FFB];
	_ =	sdelay $0x3  }
0x98: {  	_ =	strace s17  }
0x99: {  	s3 =	sld [smem:$0x3FFC];
	_ =	sdelay $0x3  }
0x9a: {  	_ =	strace s3  }
0x9b: {  	s3 =	sld [smem:$0x3FFD];
	_ =	sdelay $0x3  }
0x9c: {  	_ =	strace s3  }
0x9d: {  	_ =	strace $0x8FFFFFFF  }
0x9e: {  	s18 =	sld [smem:$0x3FDB];
	_ =	sdelay $0x1  }
0x9f: {  	s19 =	simm.s32 $_scs_section_size  }
0xa0: {  	s5 =	simm.s32 $_size__tile_overlayer_lowered;
	s6 =	simm.s32 $_tile_overlayer_lowered  }
0xa1: {  	s22 =	simm.s32 $0x1BFF;
	s21 =	sshll.u32 s6, $0x1;
	s3 =	sadd.s32 s19, s18  }
0xa2: {  	s7 =	simm.s32 $0x0;
	s20 =	sshll.u32 s5, $0x1;
	s5 =	sadd.s32 s21, s3  }
0xa3: {  	[timem:s7], [sflag:s22] =	dma.local [hbm:s5], s20  }
0xa4: {  	_ =	swait.ge [sflag:s22], s20  }
0xa5: {  	s4 =	ssub.s32 $0x0, s20;
	[sflag:s22] =	ssyncset.done $0x0  }
0xa6: {  	[sflag:s22] =	ssyncadd.s32 s4;
	_ =	sdelay $0x1  }
0xa7: {  	s23 =	simm.s32 $0x1B8B  }
0xa8: {  	_ =	swait.ge [sflag:s23], $0x1  }
0xa9: {  	[sflag:s23] =	ssyncset.done $0x0  }
0xaa: {  	s25 =	simm.s32 $0x1B8E;
	s24 =	sld [smem:$0x3FFE];
	[sflag:s23] =	ssyncadd.s32 $0xFFFFFFFF  }
0xab: {  	s26 =	simm.s32 $execute0_lowered;
	[smem:$0x3FD2] =	sst s25  }
0xac: {  	s5 =	sshll.u32 s26, $0x1;
	_ =	strace $0x8000004C;
	[dreg:$0x1] =	wrdreg $0xFFFFFFFF  }
0xad: {  	s28 =	simm.s32 $_size_execute0_lowered;
	s3 =	sadd.s32 s3, s5;
	[dreg:$0x0] =	wrdreg $0x0  }
0xae: {  	s5 =	sshll.u32 s28, $0x1;
	[dreg:$0x2] =	wrdreg s3  }
0xaf: {  	[dreg:$0x3] =	wrdreg s5  }
0xb0: {  	[dreg:$0x4] =	wrdreg $0xC0  }
0xb1: {  	_ =	task [dreg:s7], $0x5FFFF  }
0xb2: {  	[dreg:$0x1] =	wrdreg $0xFFFFFFFF  }
0xb3: {  	[dreg:$0x0] =	wrdreg $0x60  }
0xb4: {  	[dreg:$0x2] =	wrdreg s24  }
0xb5: {  	[dreg:$0x3] =	wrdreg s16  }
0xb6: {  	[dreg:$0x4] =	wrdreg $0x81000  }
0xb7: {  	[dreg:$0x5] =	wrdreg $0x9  }
0xb8: {  	_ =	task.clear_ibuf [dreg:s7], $0x6FFFF;
	_ =	strace $0x9000004C  }
0xb9: {  	s29 =	simm.s32 $0x9;
	_ =	strace $0x8000004E  }
0xba: {  	_ =	swait.ge [sflag:s29], $0x1  }
0xbb: {  	[sflag:s29] =	ssyncadd.s32 $0xFFFFFFFF  }
0xbc: {  	_ =	strace $0x9000004E  }
0xbd: {  	_ =	sfence  }
0xbe: {  	s30 =	sld [smem:$0x0];
	_ =	sdelay $0x2  }
0xbf: {  	s31 =	sshll.u32 s1, $0xD;
	s1 =	sshrl.u32 s1, $0x2  }
0xc0: {  	s3 =	sand.u32 $0x4000, s31;
	s1 =	sadd.s32 s1, s30  }
0xc1: {  	s0 =	sor.u32 s3, s0;
	s1 =	sshll.u32 s1, $0x11  }
0xc2: {  	s0 =	sor.u32 s1, s0  }
0xc3: {  	s0 =	sadd.s32 $0x8F2B, s0  }
0xc4: {  	[sflag:s0] =	ssyncadd.remote.s32 $0x1  }
0xc5: {  	_ =	sfence.sel $0xFFFF  }
0xc6: {  	[dreg:$0x0] =	wrdreg $0xFFFFFFFF;
	(pc) =	sbr.abs _section_cstart, $3  }
0xc7: {  	[dreg:$0x1] =	wrdreg $0xFFFFFFFF  }
0xc8: {  	_ =	task.clear_ibuf [dreg:s7], $0x2FFFF;
	_ =	strace $0x9FFFFFFF  }
0xc9: {  	(tm) =	ssettm $0x7FFFFFFF  }
tec
execute0_lowered:
.L_overlay_start_1:
0x0: {  	(tag) =	ssettag $0x1  }
0x1: {  	s0 =	rddreg [dreg:$0x0]  }
0x2: {  	s22 =	rddreg [dreg:$0x1]  }
0x3: {  	s1 =	rddreg [dreg:$0x2]  }
0x4: {  	s2 =	simm.s32 $0x0;
	s3 =	stileid.u32;
	s6 =	srdreg.scid  }
0x5: {  	s28 =	simm.s32 $0x100;
	[smem:$0x7FF] =	sst s2;
	s4 =	sadd.s32 $0x11E00, s0  }
0x6: {  	s8 =	smul.u32 $0x50000, s3;
	s5 =	sadd.s32 $0x39000, s0;
	s13 =	sand.u32 $0x1, s6  }
0x7: {  	s17 =	smul.u32 $0x14000, s3;
	s6 =	sadd.s32 $0xCE00, s0;
	s7 =	sadd.s32 $0x7E00, s0  }
0x8: {  	s14 =	sshll.u32 s3, $0x8;
	p0 =	sne.s32 s3, $0x0;
	_ =	strace $0x8000004D  }
0x9: {  	s31 =	ssub.s32 $0x2, s13;
	s10 =	sshll.u32 s13, $0x7;
	s24 =	smul.u32 $0x140000, s13  }
0xa: {  	s9 =	sshrl.u32 s31, $0x1;
	s8 =	sshrl.u32 s8, $0x2;
	s18 =	sadd.s32 $0x4000, s17  }
0xb: {  	s20 =	sadd.s32 $0x8000, s17;
	s21 =	sadd.s32 $0xC000, s17;
	s19 =	sor.u32 $0x27000, s10  }
0xc: {  	s23 =	sadd.s32 $0x10000, s17;
	s0 =	ssub.s32 s31, s9;
	s8 =	sadd.s32 s8, s1  }
0xd: {  	s9 =	sadd.s32 s18, s1;
	s11 =	sadd.s32 s20, s1;
	s12 =	sadd.s32 s21, s1  }
0xe: {  	s16 =	sshrl.u32 s19, $0x3;
	s13 =	sadd.s32 s23, s1;
	s17 =	sadd.s32 s17, s24  }
0xf: {  	s18 =	sadd.s32 s24, s18;
	s19 =	sshll.u32 s19, $0x4;
	s20 =	sadd.s32 s24, s20  }
0x10: {  	s21 =	sadd.s32 s24, s21;
	s23 =	sadd.s32 s24, s23;
	s24 =	simm.s32 $0x4100  }
0x11: {  	s15 =	sadd.s32 s6, s16;
	s16 =	sadd.s32 s7, s16;
	s25 =	sshrl.u32 s17, $0x3  }
.Ltmp0:
0x12: {  	s26 =	sshrl.u32 s18, $0x3;
	s17 =	sadd.s32 s5, s19;
	(pc) =	sbr.rel .LBB2_1-.Ltmp0, $4  }
0x13: {  	s20 =	sshrl.u32 s20, $0x3;
	s21 =	sshrl.u32 s21, $0x3;
	s23 =	sshrl.u32 s23, $0x3  }
0x14: {  	[dreg:$0x4] =	wrdreg s15;
	s18 =	sadd.s32 s22, s25;
	s19 =	sadd.s32 s22, s26  }
0x15: {  	s20 =	sadd.s32 s22, s20;
	s21 =	sadd.s32 s22, s21;
	s22 =	sadd.s32 s22, s23  }
0x16: {  	v0 =	vimm.f32 $0.0e+00;
	s23 =	smax.u32 s0, $0x1;
	s25 =	simm.s32 $0x1;
	s26 =	simm.s32 $0x80  }
.LBB2_11:
0x17: {  	s0 =	sshll.u32 s3, $0x6  }
0x18: {  	[bflag:$0x0] =	sbarrier.arrive $0xFFFF;
	s15 =	sshrl.u32 s8, $0x3;
	s0 =	sor.u32 $0x1C01, s0  }
0x19: {  	[hbm:s18], [sflag:s0] =	dma.local [spmem:s15], $0x800  }
0x1a: {  	_ =	swait.ge [sflag:s25], $0x800  }
0x1b: {  	[sflag:s25] =	ssyncset.done $0x0  }
0x1c: {  	s31 =	sshrl.u32 s9, $0x3;
	[sflag:s25] =	ssyncadd.s32 $0xFFFFF800  }
0x1d: {  	[hbm:s19], [sflag:s0] =	dma.local [spmem:s31], $0x800  }
0x1e: {  	_ =	swait.ge [sflag:s25], $0x800  }
0x1f: {  	[sflag:s25] =	ssyncset.done $0x0  }
0x20: {  	s29 =	sshrl.u32 s11, $0x3;
	[sflag:s25] =	ssyncadd.s32 $0xFFFFF800  }
0x21: {  	[hbm:s20], [sflag:s0] =	dma.local [spmem:s29], $0x800  }
0x22: {  	_ =	swait.ge [sflag:s25], $0x800  }
0x23: {  	[sflag:s25] =	ssyncset.done $0x0  }
0x24: {  	s30 =	sshrl.u32 s12, $0x3;
	[sflag:s25] =	ssyncadd.s32 $0xFFFFF800  }
0x25: {  	[hbm:s21], [sflag:s0] =	dma.local [spmem:s30], $0x800  }
0x26: {  	s2 =	sadd.s32 $0x1, s2;
	_ =	swait.ge [sflag:s25], $0x800  }
0x27: {  	p1 =	sne.s32 s2, s23;
	[sflag:s25] =	ssyncset.done $0x0  }
.Ltmp1:
0x28: {  	s31 =	sshrl.u32 s13, $0x3;
	[sflag:s25] =	ssyncadd.s32 $0xFFFFF800;
	(pc) =	sbr.rel @!p1 .LBB2_12-.Ltmp1, $4  }
0x29: {  	[hbm:s22], [sflag:s0] =	dma.local [spmem:s31], $0x800  }
0x2a: {  	_ =	swait.ge [sflag:s25], $0x800  }
0x2b: {  	[sflag:s25] =	ssyncset.done $0x0  }
0x2c: {  	[sflag:s25] =	ssyncadd.s32 $0xFFFFF800  }
.LBB2_1:
0x2d: {  	s0 =	simm.s32 $0x0;
	s29 =	simm.s32 $0x200  }
.LBB2_2:
0x2e: {  	p1 =	sne.s32 s29, $0xFE00;
	[tilespmem:s0+$0x4170] =	vst v0  }
0x2f: {  	[tilespmem:s0+$0x4100] =	vst v0  }
0x30: {  	[tilespmem:s0+$0x4110] =	vst v0  }
.Ltmp2:
0x31: {  	[tilespmem:s0+$0x4120] =	vst v0;
	(pc) =	sbr.rel @p1 .LBB2_2-.Ltmp2, $4  }
0x32: {  	[tilespmem:s0+$0x4130] =	vst v0  }
0x33: {  	[tilespmem:s0+$0x4140] =	vst v0  }
0x34: {  	[tilespmem:s0+$0x4150] =	vst v0  }
0x35: {  	[tilespmem:s0+$0x4160] =	vst v0;
	s0 =	sshra.s32 s29, $0x2;
	s29 =	sadd.s32 $0x200, s29  }
0x36: {  	[tilespmem:s0+$0x4170] =	vst v0  }
0x37: {  	[tilespmem:s0+$0x4100] =	vst v0  }
0x38: {  	[tilespmem:s0+$0x4110] =	vst v0  }
0x39: {  	[tilespmem:s0+$0x4120] =	vst v0  }
0x3a: {  	[tilespmem:s0+$0x4130] =	vst v0  }
0x3b: {  	[tilespmem:s0+$0x4140] =	vst v0  }
0x3c: {  	[tilespmem:s0+$0x4150] =	vst v0  }
0x3d: {  	[tilespmem:s0+$0x4160] =	vst v0  }
0x3e: {  	[spmem:s8] =	stream.linear.scatter [tilespmem:s24], [sflag:$0x1], $0x4000, $0x38;
	[tilespmem:$0x1C100] =	vst v63  }
0x3f: {  	_ =	swait.ge [sflag:s25], $0x4000  }
0x40: {  	[sflag:s25] =	ssyncset.done $0x0  }
0x41: {  	[sflag:s25] =	ssyncadd.s32 $0xFFFFC000  }
0x42: {  	[spmem:s9] =	stream.linear.scatter [tilespmem:s24], [sflag:$0x1], $0x4000, $0x38;
	[tilespmem:$0x1C100] =	vst v63  }
0x43: {  	_ =	swait.ge [sflag:s25], $0x4000  }
0x44: {  	[sflag:s25] =	ssyncset.done $0x0  }
0x45: {  	[sflag:s25] =	ssyncadd.s32 $0xFFFFC000  }
0x46: {  	[spmem:s11] =	stream.linear.scatter [tilespmem:s24], [sflag:$0x1], $0x4000, $0x38;
	[tilespmem:$0x1C100] =	vst v63  }
0x47: {  	_ =	swait.ge [sflag:s25], $0x4000  }
0x48: {  	[sflag:s25] =	ssyncset.done $0x0  }
0x49: {  	[sflag:s25] =	ssyncadd.s32 $0xFFFFC000  }
0x4a: {  	[spmem:s12] =	stream.linear.scatter [tilespmem:s24], [sflag:$0x1], $0x4000, $0x38;
	[tilespmem:$0x1C100] =	vst v63  }
0x4b: {  	_ =	swait.ge [sflag:s25], $0x4000  }
0x4c: {  	[sflag:s25] =	ssyncset.done $0x0  }
0x4d: {  	[sflag:s25] =	ssyncadd.s32 $0xFFFFC000  }
0x4e: {  	[spmem:s13] =	stream.linear.scatter [tilespmem:s24], [sflag:$0x1], $0x4000, $0x38;
	[tilespmem:$0x1C100] =	vst v63  }
0x4f: {  	_ =	swait.ge [sflag:s25], $0x4000  }
0x50: {  	[sflag:s25] =	ssyncset.done $0x0  }
0x51: {  	[sflag:s25] =	ssyncadd.s32 $0xFFFFC000  }
0x52: {  	s29 =	simm.s32 $0x0;
	s30 =	simm.s32 $0x0;
	[bflag:$0x0] =	sbarrier.arrive $0xFFFF  }
.LBB2_4:
0x53: {  	s0 =	sshll.u32 s30, $0xC  }
0x54: {  	s0 =	sor.u32 s0, s14  }
0x55: {  	s0 =	sor.u32 s10, s0  }
0x56: {  	s31 =	sshrl.u32 s0, $0x3  }
0x57: {  	s15 =	sadd.s32 s6, s31  }
0x58: {  	[tilespmem:s29], [sflag:$0x1] =	stream.linear.gather [hbm4b:s15+s29], $0x80, $0x38;
	[tilespmem:$0x1C100] =	vst v63  }
0x59: {  	_ =	swait.ge [sflag:s25], $0x80  }
0x5a: {  	[sflag:s25] =	ssyncset.done $0x0  }
0x5b: {  	s15 =	sadd.s32 s7, s31;
	[sflag:s25] =	ssyncadd.s32 $0xFFFFFF80  }
0x5c: {  	[tilespmem:s26], [sflag:$0x1] =	stream.linear.gather [hbm4b:s15+s29], $0x80, $0x38;
	[tilespmem:$0x1C100] =	vst v63  }
0x5d: {  	_ =	swait.ge [sflag:s25], $0x80  }
0x5e: {  	s0 =	sshll.u32 s0, $0x4;
	[sflag:s25] =	ssyncset.done $0x0  }
0x5f: {  	s0 =	sadd.s32 s5, s0;
	[sflag:s25] =	ssyncadd.s32 $0xFFFFFF80  }
0x60: {  	[tilespmem:s24], [sflag:$0x1] =	stream.linear.gather [hbm4b:s0+s29], $0x4000, $0x38;
	[tilespmem:$0x1C100] =	vst v63  }
0x61: {  	_ =	swait.ge [sflag:s25], $0x4000  }
0x62: {  	[sflag:s25] =	ssyncset.done $0x0  }
0x63: {  	[sflag:s25] =	ssyncadd.s32 $0xFFFFC000  }
0x64: {  	[tilespmem:s28], [sflag:$0x1] =	stream.indirect.gather [hbm4b:s4+s26], $0x80, s29, s26, $0xb8;
	[tilespmem:$0x1C100] =	vst v63  }
0x65: {  	_ =	swait.ge [sflag:s25], $0x4000  }
0x66: {  	[sflag:s25] =	ssyncset.done $0x0  }
0x67: {  	s31 =	simm.s32 $0x0;
	[sflag:s25] =	ssyncadd.s32 $0xFFFFC000  }
0x68: {  	v8 =	vld [tilespmem:s31+$0x100]  }
0x69: {  	v12 =	vld [tilespmem:s31+$0x110]  }
0x6a: {  	v6 =	vld [tilespmem:s31+$0x120]  }
0x6b: {  	v5 =	vld [tilespmem:s31+$0x130]  }
0x6c: {  	v4 =	vld [tilespmem:s31+$0x140]  }
0x6d: {  	v3 =	vld [tilespmem:s31+$0x150]  }
0x6e: {  	v2 =	vld [tilespmem:s31+$0x160]  }
0x6f: {  	v1 =	vld [tilespmem:s31+$0x170]  }
0x70: {  	v13 =	vld [tilespmem:s31+$0x4100]  }
0x71: {  	v14 =	vld [tilespmem:s31+$0x4110]  }
0x72: {  	v11 =	vld [tilespmem:s31+$0x4120]  }
0x73: {  	v10 =	vld [tilespmem:s31+$0x4130]  }
0x74: {  	v9 =	vld [tilespmem:s31+$0x4140]  }
0x75: {  	v7 =	vld [tilespmem:s31+$0x4150];
	v13 =	vadd.f32 v8, v13  }
0x76: {  	s0 =	simm.s32 $0x200;
	v12 =	vadd.f32 v12, v14;
	v8 =	vld [tilespmem:s31+$0x4160]  }
.LBB2_5:
0x77: {  	s15 =	sshra.s32 s0, $0x2;
	p1 =	sne.s32 s0, $0xFE00;
	[tilespmem:s31+$0x4100] =	vst v13;
	v6 =	vadd.f32 v6, v11;
	v11 =	vld [tilespmem:s31+$0x4170]  }
0x78: {  	v13 =	vld [tilespmem:s15+$0x100];
	[tilespmem:s31+$0x4110] =	vst v12;
	v5 =	vadd.f32 v5, v10  }
0x79: {  	v12 =	vld [tilespmem:s15+$0x110];
	[tilespmem:s31+$0x4120] =	vst v6;
	v4 =	vadd.f32 v4, v9  }
0x7a: {  	v6 =	vld [tilespmem:s15+$0x120];
	[tilespmem:s31+$0x4130] =	vst v5;
	v3 =	vadd.f32 v3, v7  }
0x7b: {  	v5 =	vld [tilespmem:s15+$0x130];
	[tilespmem:s31+$0x4140] =	vst v4;
	v2 =	vadd.f32 v2, v8  }
0x7c: {  	v4 =	vld [tilespmem:s15+$0x140];
	[tilespmem:s31+$0x4150] =	vst v3;
	v1 =	vadd.f32 v1, v11  }
0x7d: {  	v3 =	vld [tilespmem:s15+$0x150];
	[tilespmem:s31+$0x4160] =	vst v2  }
0x7e: {  	v2 =	vld [tilespmem:s15+$0x160];
	[tilespmem:s31+$0x4170] =	vst v1;
	s31 =	smov.u32 s15  }
0x7f: {  	v1 =	vld [tilespmem:s31+$0x170]  }
0x80: {  	v7 =	vld [tilespmem:s31+$0x4100]  }
0x81: {  	v8 =	vld [tilespmem:s31+$0x4110]  }
.Ltmp3:
0x82: {  	v11 =	vld [tilespmem:s31+$0x4120];
	(pc) =	sbr.rel @p1 .LBB2_5-.Ltmp3, $4  }
0x83: {  	v10 =	vld [tilespmem:s31+$0x4130]  }
0x84: {  	v9 =	vld [tilespmem:s31+$0x4140]  }
0x85: {  	v13 =	vadd.f32 v13, v7;
	v7 =	vld [tilespmem:s31+$0x4150]  }
0x86: {  	s0 =	sadd.s32 $0x200, s0;
	v12 =	vadd.f32 v12, v8;
	v8 =	vld [tilespmem:s31+$0x4160]  }
0x87: {  	[tilespmem:s31+$0x4100] =	vst v13;
	v6 =	vadd.f32 v6, v11;
	v63 =	vld [tilespmem:s31+$0x4170]  }
0x88: {  	[tilespmem:s31+$0x4110] =	vst v12;
	v5 =	vadd.f32 v5, v10  }
0x89: {  	[tilespmem:s31+$0x4120] =	vst v6;
	v4 =	vadd.f32 v4, v9  }
0x8a: {  	[tilespmem:s31+$0x4130] =	vst v5;
	v3 =	vadd.f32 v3, v7  }
0x8b: {  	[tilespmem:s31+$0x4140] =	vst v4;
	v2 =	vadd.f32 v2, v8  }
0x8c: {  	s30 =	sadd.s32 $0x1, s30;
	[tilespmem:s31+$0x4150] =	vst v3;
	v1 =	vadd.f32 v1, v63  }
0x8d: {  	p1 =	sne.s32 s30, $0x27;
	[tilespmem:s31+$0x4160] =	vst v2  }
.Ltmp4:
0x8e: {  	[tilespmem:s31+$0x4170] =	vst v1;
	(pc) =	sbr.rel @p1 .LBB2_4-.Ltmp4, $4  }
0x8f: {  	[spmem:s1] =	stream.indirect.scatter.add.f32 [tilespmem:s24], [sflag:$0x1], $0x80, s26, s26, $0xb8;
	[tilespmem:$0x1C100] =	vst v63  }
0x90: {  	_ =	swait.ge [sflag:s25], $0x4000  }
0x91: {  	[sflag:s25] =	ssyncset.done $0x0  }
0x92: {  	[sflag:s25] =	ssyncadd.s32 $0xFFFFC000  }
.Ltmp5:
0x93: {  	(pc) =	sbr.rel @p0 .LBB2_11-.Ltmp5, $1  }
0x94: {  	_ =	sdelay $0x3  }
0x95: {  	s0 =	simm.s32 $0x0;
	s15 =	rddreg [dreg:$0x4]  }
0x96: {  	[tilespmem:s0], [sflag:$0x1] =	stream.linear.gather [hbm4b:s15+s0], $0x80, $0x38;
	[tilespmem:$0x1C100] =	vst v63  }
0x97: {  	_ =	swait.ge [sflag:s25], $0x80  }
0x98: {  	[sflag:s25] =	ssyncset.done $0x0  }
0x99: {  	[sflag:s25] =	ssyncadd.s32 $0xFFFFFF80  }
0x9a: {  	[tilespmem:s26], [sflag:$0x1] =	stream.linear.gather [hbm4b:s16+s0], $0x80, $0x38;
	[tilespmem:$0x1C100] =	vst v63  }
0x9b: {  	_ =	swait.ge [sflag:s25], $0x80  }
0x9c: {  	[sflag:s25] =	ssyncset.done $0x0  }
0x9d: {  	[sflag:s25] =	ssyncadd.s32 $0xFFFFFF80  }
0x9e: {  	[tilespmem:s24], [sflag:$0x1] =	stream.linear.gather [hbm4b:s17+s0], $0x4000, $0x38;
	[tilespmem:$0x1C100] =	vst v63  }
0x9f: {  	_ =	swait.ge [sflag:s25], $0x4000  }
0xa0: {  	[sflag:s25] =	ssyncset.done $0x0  }
0xa1: {  	[sflag:s25] =	ssyncadd.s32 $0xFFFFC000  }
0xa2: {  	[tilespmem:s28], [sflag:$0x1] =	stream.indirect.gather [hbm4b:s4+s26], $0x80, s0, s26, $0xb8;
	[tilespmem:$0x1C100] =	vst v63  }
0xa3: {  	_ =	swait.ge [sflag:s25], $0x4000  }
0xa4: {  	[sflag:s25] =	ssyncset.done $0x0  }
0xa5: {  	s29 =	simm.s32 $0x0;
	[sflag:s25] =	ssyncadd.s32 $0xFFFFC000  }
0xa6: {  	v8 =	vld [tilespmem:s29+$0x100]  }
0xa7: {  	v12 =	vld [tilespmem:s29+$0x110]  }
0xa8: {  	v6 =	vld [tilespmem:s29+$0x120]  }
0xa9: {  	v5 =	vld [tilespmem:s29+$0x130]  }
0xaa: {  	v4 =	vld [tilespmem:s29+$0x140]  }
0xab: {  	v3 =	vld [tilespmem:s29+$0x150]  }
0xac: {  	v2 =	vld [tilespmem:s29+$0x160]  }
0xad: {  	v1 =	vld [tilespmem:s29+$0x170]  }
0xae: {  	v13 =	vld [tilespmem:s29+$0x4100]  }
0xaf: {  	v14 =	vld [tilespmem:s29+$0x4110]  }
0xb0: {  	v11 =	vld [tilespmem:s29+$0x4120]  }
0xb1: {  	v10 =	vld [tilespmem:s29+$0x4130]  }
0xb2: {  	v9 =	vld [tilespmem:s29+$0x4140]  }
0xb3: {  	v7 =	vld [tilespmem:s29+$0x4150];
	v13 =	vadd.f32 v8, v13  }
0xb4: {  	s0 =	simm.s32 $0x200;
	v12 =	vadd.f32 v12, v14;
	v8 =	vld [tilespmem:s29+$0x4160]  }
.LBB2_9:
0xb5: {  	s15 =	sshra.s32 s0, $0x2;
	p1 =	sne.s32 s0, $0xFE00;
	[tilespmem:s29+$0x4100] =	vst v13;
	v6 =	vadd.f32 v6, v11;
	v11 =	vld [tilespmem:s29+$0x4170]  }
0xb6: {  	v13 =	vld [tilespmem:s15+$0x100];
	[tilespmem:s29+$0x4110] =	vst v12;
	v5 =	vadd.f32 v5, v10  }
0xb7: {  	v12 =	vld [tilespmem:s15+$0x110];
	[tilespmem:s29+$0x4120] =	vst v6;
	v4 =	vadd.f32 v4, v9  }
0xb8: {  	v6 =	vld [tilespmem:s15+$0x120];
	[tilespmem:s29+$0x4130] =	vst v5;
	v3 =	vadd.f32 v3, v7  }
0xb9: {  	v5 =	vld [tilespmem:s15+$0x130];
	[tilespmem:s29+$0x4140] =	vst v4;
	v2 =	vadd.f32 v2, v8  }
0xba: {  	v4 =	vld [tilespmem:s15+$0x140];
	[tilespmem:s29+$0x4150] =	vst v3;
	v1 =	vadd.f32 v1, v11  }
0xbb: {  	v3 =	vld [tilespmem:s15+$0x150];
	[tilespmem:s29+$0x4160] =	vst v2  }
0xbc: {  	v2 =	vld [tilespmem:s15+$0x160];
	[tilespmem:s29+$0x4170] =	vst v1;
	s29 =	smov.u32 s15  }
0xbd: {  	v1 =	vld [tilespmem:s29+$0x170]  }
0xbe: {  	v7 =	vld [tilespmem:s29+$0x4100]  }
0xbf: {  	v8 =	vld [tilespmem:s29+$0x4110]  }
.Ltmp6:
0xc0: {  	v11 =	vld [tilespmem:s29+$0x4120];
	(pc) =	sbr.rel @p1 .LBB2_9-.Ltmp6, $4  }
0xc1: {  	v10 =	vld [tilespmem:s29+$0x4130]  }
0xc2: {  	v9 =	vld [tilespmem:s29+$0x4140]  }
0xc3: {  	v13 =	vadd.f32 v13, v7;
	v7 =	vld [tilespmem:s29+$0x4150]  }
0xc4: {  	s0 =	sadd.s32 $0x200, s0;
	v12 =	vadd.f32 v12, v8;
	v8 =	vld [tilespmem:s29+$0x4160]  }
0xc5: {  	[tilespmem:s29+$0x4100] =	vst v13;
	v6 =	vadd.f32 v6, v11;
	v63 =	vld [tilespmem:s29+$0x4170]  }
0xc6: {  	[tilespmem:s29+$0x4110] =	vst v12;
	v5 =	vadd.f32 v5, v10  }
0xc7: {  	[tilespmem:s29+$0x4120] =	vst v6;
	v4 =	vadd.f32 v4, v9  }
0xc8: {  	[tilespmem:s29+$0x4130] =	vst v5;
	v3 =	vadd.f32 v3, v7  }
0xc9: {  	[tilespmem:s29+$0x4140] =	vst v4;
	v2 =	vadd.f32 v2, v8  }
0xca: {  	[tilespmem:s29+$0x4150] =	vst v3;
	v1 =	vadd.f32 v1, v63  }
0xcb: {  	[tilespmem:s29+$0x4160] =	vst v2  }
.Ltmp7:
0xcc: {  	[tilespmem:s29+$0x4170] =	vst v1;
	(pc) =	sbr.rel .LBB2_11-.Ltmp7, $4  }
0xcd: {  	[spmem:s1] =	stream.indirect.scatter.add.f32 [tilespmem:s24], [sflag:$0x1], $0x80, s26, s26, $0xb8;
	[tilespmem:$0x1C100] =	vst v63  }
0xce: {  	_ =	swait.ge [sflag:s25], $0x4000  }
0xcf: {  	[sflag:s25] =	ssyncset.done $0x0  }
0xd0: {  	[sflag:s25] =	ssyncadd.s32 $0xFFFFC000  }
.LBB2_12:
0xd1: {  	_ =	sfence.sel $0x180000  }
0xd2: {  	[bflag:$0x0] =	sbarrier.arrive $0xFFFF  }
0xd3: {  	_ =	strace $0x9000004D  }
0xd4: {  	[bflag:$0x2] =	sbarrier.arrive $0xFFFF  }
0xd5: {  	s0 =	rddreg [dreg:$0x3]  }
0xd6: {  	s0 =	sadd.s32 @!p0 $0x100000, s0  }
0xd7: {  	[sflag:s0] =	ssyncadd.tile.s32 @!p0 $0x1;
	_ =	shalt  }
.Lfunc_end2:
_tile_overlayer_lowered:
.L_overlay_start_2:
0xd8: {  	(tag) =	ssettag $0x2  }
0xd9: {  	s0 =	rddreg [dreg:$0x0];
	s2 =	stileid.u32  }
0xda: {  	s1 =	rddreg [dreg:$0x1];
	p0 =	sne.s32 s2, $0x0  }
0xdb: {  	s3 =	rddreg [dreg:$0x2];
	[bflag:$0x3] =	sbarrier.arrive $0xFFFF;
	s2 =	simm.s32 @!p0 $0x1C01  }
0xdc: {  	[timem:s3], [sflag:s2] =	dma.local @!p0 [hbm:s0], s1  }
0xdd: {  	s0 =	simm.s32 @!p0 $0x1  }
0xde: {  	_ =	swait.ge @!p0 [sflag:s0], s1  }
0xdf: {  	s1 =	ssub.s32 @!p0 $0x0, s1;
	[sflag:s0] =	ssyncset.done @!p0 $0x0  }
0xe0: {  	[sflag:s0] =	ssyncadd.s32 @!p0 s1  }
0xe1: {  	[bflag:$0x3] =	sbarrier.arrive $0xFFFF  }
0xe2: {  	_ =	shalt  }

// kernel: kernel.34.cloned.1.call-start
scs
__scs_entry_jumppad:
0x0: {  	(pc) =	sbr.rel $0x88, $3  }
0x1: {  	(tag) =	ssettag $0x0;
	lr =	simm.s32 $0x1  }
0x2: {  	[smem:$0x3F63] =	sst lr;
	_ =	strace $0xD0000000  }
0x3: {  	_ = 	snop  }
0x4: {  	_ = 	snop  }
0x5: {  	_ = 	snop  }
0x6: {  	_ = 	snop  }
0x7: {  	_ = 	snop  }
__scs_overlays_trampoline_lowered:
0x8: {  	[smem:$0x3F72] =	sst s0  }
0x9: {  	[smem:$0x3F73] =	sst s1  }
0xa: {  	[smem:$0x3F74] =	sst s2  }
0xb: {  	[smem:$0x3F75] =	sst s3  }
0xc: {  	[smem:$0x3F76] =	sst s4  }
0xd: {  	[smem:$0x3F77] =	sst s5  }
0xe: {  	[smem:$0x3F78] =	sst s6  }
0xf: {  	[smem:$0x3F79] =	sst s7  }
0x10: {  	[smem:$0x3F7A] =	sst s8  }
0x11: {  	[smem:$0x3F7B] =	sst s9;
	s0 =	simm.s32 @!p0 $0x0  }
0x12: {  	s1 =	sld [smem:$0x3F61];
	s0 =	simm.s32 @p0 $0x1  }
0x13: {  	[smem:$0x3F7C] =	sst s0;
	s0 =	simm.s32 @!p1 $0x0  }
0x14: {  	s2 =	sld [smem:$0x3F60];
	s0 =	simm.s32 @p1 $0x1  }
0x15: {  	[smem:$0x3F7D] =	sst s0;
	s0 =	simm.s32 @!p2 $0x0  }
0x16: {  	s3 =	sld [smem:$0x3FDB];
	s0 =	simm.s32 @p2 $0x1  }
0x17: {  	s4 =	simm.s32 $0x1BF5;
	[smem:$0x3F7F] =	sst s0  }
0x18: {  	s0 =	sld [smem:$0x3F62];
	_ =	swait.ge [sflag:s4], $0x0  }
0x19: {  	s7 =	sld [smem:$0x3F63]  }
0x1a: {  	s8 =	sadd.s32 $0xFFFFE003, lr  }
0x1b: {  	s9 =	sadd.s32 $0xFFFFFEF7, lr;
	s5 =	simm.s32 $0xFFFFFFFF;
	p2 =	slt.u32 s8, $0xFFFFF086  }
0x1c: {  	p1 =	slt.u32 s9, $0xF7A;
	s5 =	simm.s32 @!p2 $0x0  }
0x1d: {  	s5 =	simm.s32 @p1 $0x1;
	p0 =	seq.s32 s7, s2  }
0x1e: {  	s7 =	smul.u32 @!p0 $0xF7A, s2;
	p2 =	seq.s32 @!p0 s5, $0x0  }
0x1f: {  	s9 =	smul.u32 $0xF7A, s1;
	s8 =	simm.s32 @!p0 $0x1BF5;
	p2 =	por !p2, p0  }
0x20: {  	[sflag:s8] =	ssyncset.s32 @!p0 $0xFFFFF086;
	s6 =	sadd.s32 @!p0 s3, s7;
	s7 =	simm.s32 @!p0 $0x108  }
0x21: {  	s3 =	sadd.s32 s3, s9;
	s6 =	sadd.s32 @!p0 $0x88, s6;
	s7 =	simm.s32 @p2 $0x1082  }
0x22: {  	[simem:s7], [sflag:s8] =	dma.local @!p0 [hbm:s6], $0xF7A  }
0x23: {  	s9 =	sor.u32 $0xD0000000, s2;
	s6 =	simm.s32 $0x108;
	_ =	swait.ge @!p0 [sflag:s8], $0x0  }
0x24: {  	s3 =	sadd.s32 $0x88, s3;
	s6 =	simm.s32 @!p1 $0x1082;
	[sflag:s4] =	ssyncset.s32 $0xFFFFF086  }
0x25: {  	[simem:s6], [sflag:s4] =	dma.local [hbm:s3], $0xF7A  }
0x26: {  	[smem:$0x3F63] =	sst s1;
	(tag) =	ssettag s2;
	_ =	strace s9  }
0x27: {  	s1 =	sld [smem:$0x3F73]  }
0x28: {  	s2 =	sld [smem:$0x3F74]  }
0x29: {  	s4 =	sld [smem:$0x3F76]  }
0x2a: {  	p0 =	seq.s32 s5, $0x0;
	s5 =	sld [smem:$0x3F77]  }
0x2b: {  	s6 =	sld [smem:$0x3F78]  }
0x2c: {  	s7 =	sld [smem:$0x3F79]  }
0x2d: {  	s3 =	simm.s32 $0x108;
	s8 =	sld [smem:$0x3F7A]  }
0x2e: {  	s3 =	simm.s32 @!p0 $0x1082;
	s9 =	sld [smem:$0x3F7B]  }
0x2f: {  	lr =	sadd.s32 s0, s3;
	s0 =	sld [smem:$0x3F72]  }
0x30: {  	s3 =	sld [smem:$0x3F75]  }
0x31: {  	[smem:$0x3F7E] =	sst s10  }
0x32: {  	s10 =	sld [smem:$0x3F7C];
	_ =	sdelay $0x3  }
0x33: {  	p0 =	seq.s32 s10, $0x1;
	s10 =	sld [smem:$0x3F7E];
	_ =	sdelay $0x3  }
0x34: {  	[smem:$0x3F7E] =	sst s10  }
0x35: {  	s10 =	sld [smem:$0x3F7D];
	_ =	sdelay $0x3  }
0x36: {  	p1 =	seq.s32 s10, $0x1;
	s10 =	sld [smem:$0x3F7E];
	_ =	sdelay $0x3  }
0x37: {  	[smem:$0x3F7E] =	sst s10  }
0x38: {  	s10 =	sld [smem:$0x3F7F]  }
0x39: {  	_ = 	snop;
	(pc) =	sbr.ind lr, $3  }
0x3a: {  	_ = 	snop  }
0x3b: {  	_ = 	snop  }
0x3c: {  	p2 =	seq.s32 s10, $0x1;
	s10 =	sld [smem:$0x3F7E]  }
0x3d: {  	_ =	shalt  }
0x3e: {  	_ =	shalt  }
0x3f: {  	_ =	shalt  }
0x40: {  	_ =	shalt  }
0x41: {  	_ =	shalt  }
0x42: {  	_ =	shalt  }
0x43: {  	_ =	shalt  }
0x44: {  	_ =	shalt  }
0x45: {  	_ =	shalt  }
0x46: {  	_ =	shalt  }
0x47: {  	_ =	shalt  }
0x48: {  	_ =	shalt  }
0x49: {  	_ =	shalt  }
0x4a: {  	_ =	shalt  }
0x4b: {  	_ =	shalt  }
0x4c: {  	_ =	shalt  }
0x4d: {  	_ =	shalt  }
0x4e: {  	_ =	shalt  }
0x4f: {  	_ =	shalt  }
0x50: {  	_ =	shalt  }
0x51: {  	_ =	shalt  }
0x52: {  	_ =	shalt  }
0x53: {  	_ =	shalt  }
0x54: {  	_ =	shalt  }
0x55: {  	_ =	shalt  }
0x56: {  	_ =	shalt  }
0x57: {  	_ =	shalt  }
0x58: {  	_ =	shalt  }
0x59: {  	_ =	shalt  }
0x5a: {  	_ =	shalt  }
0x5b: {  	_ =	shalt  }
0x5c: {  	_ =	shalt  }
0x5d: {  	_ =	shalt  }
0x5e: {  	_ =	shalt  }
0x5f: {  	_ =	shalt  }
0x60: {  	_ =	shalt  }
0x61: {  	_ =	shalt  }
0x62: {  	_ =	shalt  }
0x63: {  	_ =	shalt  }
0x64: {  	_ =	shalt  }
0x65: {  	_ =	shalt  }
0x66: {  	_ =	shalt  }
0x67: {  	_ =	shalt  }
0x68: {  	_ =	shalt  }
0x69: {  	_ =	shalt  }
0x6a: {  	_ =	shalt  }
0x6b: {  	_ =	shalt  }
0x6c: {  	_ =	shalt  }
0x6d: {  	_ =	shalt  }
0x6e: {  	_ =	shalt  }
0x6f: {  	_ =	shalt  }
0x70: {  	_ =	shalt  }
0x71: {  	_ =	shalt  }
0x72: {  	_ =	shalt  }
0x73: {  	_ =	shalt  }
0x74: {  	_ =	shalt  }
0x75: {  	_ =	shalt  }
0x76: {  	_ =	shalt  }
0x77: {  	_ =	shalt  }
0x78: {  	_ =	shalt  }
0x79: {  	_ =	shalt  }
0x7a: {  	_ =	shalt  }
0x7b: {  	_ =	shalt  }
0x7c: {  	_ =	shalt  }
0x7d: {  	_ =	shalt  }
0x7e: {  	_ =	shalt  }
0x7f: {  	_ =	shalt  }
0x80: {  	_ =	shalt  }
0x81: {  	_ =	shalt  }
0x82: {  	_ =	shalt  }
0x83: {  	_ =	shalt  }
0x84: {  	_ =	shalt  }
0x85: {  	_ =	shalt  }
0x86: {  	_ =	shalt  }
0x87: {  	_ =	shalt  }
.Lfunc_end0:
.L_simem_size_0:
called_computation.3_lowered:
.L_overlay_start_0:
0x88: {  	s2 =	sld [smem:$0x3FD9]  }
0x89: {  	s3 =	sld [smem:$0x3FFE];
	_ =	sdelay $0x1  }
0x8a: {  	s1 =	srdreg.scid  }
0x8b: {  	s0 =	sand.u32 $0x1, s1  }
0x8c: {  	s16 =	sshll.u32 s0, $0xA;
	s2 =	sadd.s32 s3, s2  }
0x8d: {  	s2 =	sadd.s32 s2, s16  }
0x8e: {  	[smem:$0x3F8A] =	sst s2  }
0x8f: {  	_ = 	snop  }
0x90: {  	(tm) =	ssettm $0x1  }
0x91: {  	s17 =	sld [smem:$0x3FFB];
	_ =	sdelay $0x3  }
0x92: {  	_ =	strace s17  }
0x93: {  	s2 =	sld [smem:$0x3FFC];
	_ =	sdelay $0x3  }
0x94: {  	_ =	strace s2  }
0x95: {  	s2 =	sld [smem:$0x3FFD];
	_ =	sdelay $0x3  }
0x96: {  	_ =	strace s2  }
0x97: {  	_ =	strace $0x8FFFFFFF  }
0x98: {  	s18 =	sld [smem:$0x3FDB];
	_ =	sdelay $0x1  }
0x99: {  	s19 =	simm.s32 $_scs_section_size  }
0x9a: {  	s4 =	simm.s32 $_size__tile_overlayer_lowered;
	s5 =	simm.s32 $_tile_overlayer_lowered  }
0x9b: {  	s22 =	simm.s32 $0x1BFF;
	s21 =	sshll.u32 s5, $0x1;
	s2 =	sadd.s32 s19, s18  }
0x9c: {  	s6 =	simm.s32 $0x0;
	s20 =	sshll.u32 s4, $0x1;
	s4 =	sadd.s32 s21, s2  }
0x9d: {  	[timem:s6], [sflag:s22] =	dma.local [hbm:s4], s20  }
0x9e: {  	_ =	swait.ge [sflag:s22], s20  }
0x9f: {  	s3 =	ssub.s32 $0x0, s20;
	[sflag:s22] =	ssyncset.done $0x0  }
0xa0: {  	[sflag:s22] =	ssyncadd.s32 s3;
	_ =	sdelay $0x1  }
0xa1: {  	s23 =	simm.s32 $0x1B8B  }
0xa2: {  	_ =	swait.ge [sflag:s23], $0x1  }
0xa3: {  	[sflag:s23] =	ssyncset.done $0x0  }
0xa4: {  	s25 =	simm.s32 $0x1B8E;
	s24 =	sld [smem:$0x3FFE];
	[sflag:s23] =	ssyncadd.s32 $0xFFFFFFFF  }
0xa5: {  	s26 =	simm.s32 $execute0_lowered;
	[smem:$0x3FD2] =	sst s25  }
0xa6: {  	s4 =	sshll.u32 s26, $0x1;
	_ =	strace $0x8000004F;
	[dreg:$0x1] =	wrdreg $0xFFFFFFFF  }
0xa7: {  	s28 =	simm.s32 $_size_execute0_lowered;
	s2 =	sadd.s32 s2, s4;
	[dreg:$0x0] =	wrdreg $0x0  }
0xa8: {  	s4 =	sshll.u32 s28, $0x1;
	[dreg:$0x2] =	wrdreg s2  }
0xa9: {  	[dreg:$0x3] =	wrdreg s4  }
0xaa: {  	[dreg:$0x4] =	wrdreg $0xC0  }
0xab: {  	_ =	task [dreg:s6], $0x5FFFF  }
0xac: {  	[dreg:$0x1] =	wrdreg $0xFFFFFFFF  }
0xad: {  	[dreg:$0x0] =	wrdreg $0x60  }
0xae: {  	[dreg:$0x2] =	wrdreg s24  }
0xaf: {  	[dreg:$0x3] =	wrdreg $0x9  }
0xb0: {  	_ =	task.clear_ibuf [dreg:s6], $0x4FFFF;
	_ =	strace $0x9000004F  }
0xb1: {  	s29 =	simm.s32 $0x9;
	_ =	strace $0x80000051  }
0xb2: {  	_ =	swait.ge [sflag:s29], $0x1  }
0xb3: {  	[sflag:s29] =	ssyncadd.s32 $0xFFFFFFFF  }
0xb4: {  	_ =	strace $0x90000051  }
0xb5: {  	_ =	sfence  }
0xb6: {  	s30 =	sld [smem:$0x0];
	_ =	sdelay $0x2  }
0xb7: {  	s31 =	sshll.u32 s1, $0xD;
	s1 =	sshrl.u32 s1, $0x2  }
0xb8: {  	s3 =	sand.u32 $0x4000, s31;
	s1 =	sadd.s32 s1, s30  }
0xb9: {  	s0 =	sor.u32 s3, s0;
	s1 =	sshll.u32 s1, $0x11  }
0xba: {  	s0 =	sor.u32 s1, s0  }
0xbb: {  	s0 =	sadd.s32 $0x8F2B, s0  }
0xbc: {  	[sflag:s0] =	ssyncadd.remote.s32 $0x1  }
0xbd: {  	_ =	sfence.sel $0xFFFF  }
0xbe: {  	[dreg:$0x0] =	wrdreg $0xFFFFFFFF;
	(pc) =	sbr.abs _section_cstart, $3  }
0xbf: {  	[dreg:$0x1] =	wrdreg $0xFFFFFFFF  }
0xc0: {  	_ =	task.clear_ibuf [dreg:s6], $0x2FFFF;
	_ =	strace $0x9FFFFFFF  }
0xc1: {  	(tm) =	ssettm $0x7FFFFFFF  }
tec
execute0_lowered:
.L_overlay_start_1:
0x0: {  	(tag) =	ssettag $0x1  }
0x1: {  	s6 =	rddreg [dreg:$0x0]  }
0x2: {  	s0 =	rddreg [dreg:$0x1];
	s1 =	simm.s32 $0x0;
	s4 =	srdreg.scid  }
0x3: {  	s19 =	stileid.u32;
	s14 =	simm.s32 $0x1;
	s15 =	simm.s32 $0x80  }
0x4: {  	s16 =	simm.s32 $0x8100;
	s17 =	simm.s32 $0x100;
	s18 =	simm.s32 $0x4100  }
0x5: {  	[smem:$0x7FF] =	sst s1;
	s2 =	sadd.s32 $0x11E00, s6;
	s3 =	sadd.s32 $0x39000, s6  }
0x6: {  	s7 =	sand.u32 $0x1, s4;
	s4 =	sadd.s32 $0xCE00, s6;
	s5 =	sadd.s32 $0x7E00, s6  }
0x7: {  	s6 =	sadd.s32 $0x2AA000, s6;
	p0 =	sne.s32 s19, $0x0;
	s8 =	ssub.s32 $0x2, s7  }
.Ltmp0:
0x8: {  	s7 =	sshll.u32 s7, $0x7;
	s9 =	sshrl.u32 s8, $0x1;
	(pc) =	sbr.rel .LBB2_1-.Ltmp0, $4  }
0x9: {  	_ =	strace $0x80000050;
	s31 =	sor.u32 $0x27000, s7;
	s13 =	ssub.s32 s8, s9  }
0xa: {  	s8 =	sshll.u32 s19, $0x8;
	s10 =	sshrl.u32 s31, $0x3;
	s12 =	sshll.u32 s31, $0x4  }
0xb: {  	s19 =	simm.s32 $0x0;
	s9 =	sadd.s32 s4, s10;
	s10 =	sadd.s32 s5, s10  }
0xc: {  	s11 =	sadd.s32 s3, s12;
	s12 =	sadd.s32 s6, s12;
	s13 =	smax.u32 s13, $0x1  }
.LBB2_9:
0xd: {  	s19 =	sadd.s32 $0x1, s19  }
0xe: {  	p1 =	sne.s32 s19, s13  }
.Ltmp1:
0xf: {  	_ = 	snop;
	(pc) =	sbr.rel @!p1 .LBB2_10-.Ltmp1, $1  }
0x10: {  	_ =	sdelay $0x3  }
.LBB2_1:
0x11: {  	s20 =	simm.s32 $0x0  }
.LBB2_2:
0x12: {  	s21 =	sshll.u32 s20, $0xC  }
0x13: {  	s21 =	sor.u32 s21, s8  }
0x14: {  	s21 =	sor.u32 s7, s21  }
0x15: {  	s22 =	sshrl.u32 s21, $0x3  }
0x16: {  	s24 =	simm.s32 $0x0;
	s23 =	sadd.s32 s4, s22  }
0x17: {  	[tilespmem:s24], [sflag:$0x1] =	stream.linear.gather [hbm4b:s23+s24], $0x80, $0x38;
	[tilespmem:$0xC100] =	vst v63  }
0x18: {  	_ =	swait.ge [sflag:s14], $0x80  }
0x19: {  	[sflag:s14] =	ssyncset.done $0x0  }
0x1a: {  	s22 =	sadd.s32 s5, s22;
	[sflag:s14] =	ssyncadd.s32 $0xFFFFFF80  }
0x1b: {  	[tilespmem:s15], [sflag:$0x1] =	stream.linear.gather [hbm4b:s22+s24], $0x80, $0x38;
	[tilespmem:$0xC100] =	vst v63  }
0x1c: {  	_ =	swait.ge [sflag:s14], $0x80  }
0x1d: {  	s21 =	sshll.u32 s21, $0x4;
	[sflag:s14] =	ssyncset.done $0x0  }
0x1e: {  	s31 =	sadd.s32 s3, s21;
	[sflag:s14] =	ssyncadd.s32 $0xFFFFFF80  }
0x1f: {  	[tilespmem:s16], [sflag:$0x1] =	stream.linear.gather [hbm4b:s31+s24], $0x4000, $0x38;
	[tilespmem:$0xC100] =	vst v63  }
0x20: {  	_ =	swait.ge [sflag:s14], $0x4000  }
0x21: {  	[sflag:s14] =	ssyncset.done $0x0  }
0x22: {  	[sflag:s14] =	ssyncadd.s32 $0xFFFFC000  }
0x23: {  	[tilespmem:s17], [sflag:$0x1] =	stream.indirect.gather [hbm4b:s2+s15], $0x80, s24, s15, $0xb8;
	[tilespmem:$0xC100] =	vst v63  }
0x24: {  	_ =	swait.ge [sflag:s14], $0x4000  }
0x25: {  	[sflag:s14] =	ssyncset.done $0x0  }
0x26: {  	[sflag:s14] =	ssyncadd.s32 $0xFFFFC000  }
0x27: {  	[tilespmem:s18], [sflag:$0x1] =	stream.indirect.gather [hbm4b:s2+s15], $0x80, s15, s15, $0xb8;
	[tilespmem:$0xC100] =	vst v63  }
0x28: {  	_ =	swait.ge [sflag:s14], $0x4000  }
0x29: {  	[sflag:s14] =	ssyncset.done $0x0  }
0x2a: {  	s22 =	simm.s32 $0x0;
	[sflag:s14] =	ssyncadd.s32 $0xFFFFC000  }
0x2b: {  	v5 =	vld [tilespmem:s22+$0x4100]  }
0x2c: {  	v4 =	vld [tilespmem:s22+$0x4110]  }
0x2d: {  	v3 =	vld [tilespmem:s22+$0x4120]  }
0x2e: {  	v2 =	vld [tilespmem:s22+$0x4130]  }
0x2f: {  	v1 =	vld [tilespmem:s22+$0x4140]  }
0x30: {  	v0 =	vld [tilespmem:s22+$0x4150]  }
0x31: {  	v12 =	vld [tilespmem:s22+$0x100]  }
0x32: {  	v17 =	vld [tilespmem:s22+$0x110]  }
0x33: {  	v11 =	vld [tilespmem:s22+$0x120]  }
0x34: {  	v10 =	vld [tilespmem:s22+$0x130]  }
0x35: {  	v9 =	vld [tilespmem:s22+$0x140]  }
0x36: {  	v8 =	vld [tilespmem:s22+$0x150]  }
0x37: {  	v7 =	vld [tilespmem:s22+$0x160]  }
0x38: {  	v6 =	vld [tilespmem:s22+$0x170]  }
0x39: {  	v18 =	vld [tilespmem:s22+$0x8100]  }
0x3a: {  	v19 =	vld [tilespmem:s22+$0x8110]  }
0x3b: {  	v16 =	vld [tilespmem:s22+$0x8120]  }
0x3c: {  	v15 =	vld [tilespmem:s22+$0x8130]  }
0x3d: {  	v14 =	vld [tilespmem:s22+$0x8140]  }
0x3e: {  	v13 =	vld [tilespmem:s22+$0x8150];
	v18 =	vadd.f32 v12, v18  }
0x3f: {  	s23 =	simm.s32 $0x200;
	v17 =	vadd.f32 v17, v19;
	v12 =	vld [tilespmem:s22+$0x8160]  }
.LBB2_3:
0x40: {  	p1 =	sne.s32 s23, $0xFE00;
	v5 =	vadd.f32 v5, v18;
	v11 =	vadd.f32 v11, v16;
	v16 =	vld [tilespmem:s22+$0x8170]  }
0x41: {  	v4 =	vadd.f32 v4, v17;
	v10 =	vadd.f32 v10, v15;
	v15 =	vld [tilespmem:s22+$0x4160]  }
0x42: {  	s24 =	sshra.s32 s23, $0x2;
	[tilespmem:s22+$0x8100] =	vst v5;
	v3 =	vadd.f32 v3, v11;
	v9 =	vadd.f32 v9, v14;
	v11 =	vld [tilespmem:s22+$0x4170]  }
0x43: {  	v5 =	vld [tilespmem:s24+$0x4100];
	[tilespmem:s22+$0x8110] =	vst v4;
	v2 =	vadd.f32 v2, v10;
	v8 =	vadd.f32 v8, v13  }
0x44: {  	v4 =	vld [tilespmem:s24+$0x4110];
	[tilespmem:s22+$0x8120] =	vst v3;
	v1 =	vadd.f32 v1, v9;
	v7 =	vadd.f32 v7, v12  }
0x45: {  	v3 =	vld [tilespmem:s24+$0x4120];
	[tilespmem:s22+$0x8130] =	vst v2;
	v0 =	vadd.f32 v0, v8;
	v6 =	vadd.f32 v6, v16  }
0x46: {  	v2 =	vld [tilespmem:s24+$0x4130];
	[tilespmem:s22+$0x8140] =	vst v1;
	v7 =	vadd.f32 v15, v7  }
0x47: {  	v1 =	vld [tilespmem:s24+$0x4140];
	[tilespmem:s22+$0x8150] =	vst v0;
	v6 =	vadd.f32 v11, v6  }
0x48: {  	v0 =	vld [tilespmem:s24+$0x4150];
	[tilespmem:s22+$0x8160] =	vst v7  }
0x49: {  	v12 =	vld [tilespmem:s24+$0x100];
	[tilespmem:s22+$0x8170] =	vst v6;
	s22 =	smov.u32 s24  }
0x4a: {  	v17 =	vld [tilespmem:s22+$0x110]  }
0x4b: {  	v11 =	vld [tilespmem:s22+$0x120]  }
0x4c: {  	v10 =	vld [tilespmem:s22+$0x130]  }
0x4d: {  	v9 =	vld [tilespmem:s22+$0x140]  }
0x4e: {  	v8 =	vld [tilespmem:s22+$0x150]  }
0x4f: {  	v7 =	vld [tilespmem:s22+$0x160]  }
0x50: {  	v6 =	vld [tilespmem:s22+$0x170]  }
0x51: {  	v13 =	vld [tilespmem:s22+$0x8100]  }
0x52: {  	v19 =	vld [tilespmem:s22+$0x8110]  }
.Ltmp2:
0x53: {  	v16 =	vld [tilespmem:s22+$0x8120];
	(pc) =	sbr.rel @p1 .LBB2_3-.Ltmp2, $4  }
0x54: {  	v15 =	vld [tilespmem:s22+$0x8130]  }
0x55: {  	v14 =	vld [tilespmem:s22+$0x8140]  }
0x56: {  	v18 =	vadd.f32 v12, v13;
	v13 =	vld [tilespmem:s22+$0x8150]  }
0x57: {  	s23 =	sadd.s32 $0x200, s23;
	v17 =	vadd.f32 v17, v19;
	v12 =	vld [tilespmem:s22+$0x8160]  }
0x58: {  	v5 =	vadd.f32 v5, v18;
	v55 =	vld [tilespmem:s22+$0x8170];
	v11 =	vadd.f32 v11, v16  }
0x59: {  	v56 =	vld [tilespmem:s22+$0x4160];
	v4 =	vadd.f32 v4, v17;
	v10 =	vadd.f32 v10, v15  }
0x5a: {  	v58 =	vld [tilespmem:s22+$0x4170];
	[tilespmem:s22+$0x8100] =	vst v5;
	v3 =	vadd.f32 v3, v11;
	v57 =	vadd.f32 v9, v14  }
0x5b: {  	[tilespmem:s22+$0x8110] =	vst v4;
	v2 =	vadd.f32 v2, v10;
	v59 =	vadd.f32 v8, v13  }
0x5c: {  	[tilespmem:s22+$0x8120] =	vst v3;
	v1 =	vadd.f32 v1, v57;
	v60 =	vadd.f32 v7, v12  }
0x5d: {  	[tilespmem:s22+$0x8130] =	vst v2;
	v0 =	vadd.f32 v0, v59;
	v61 =	vadd.f32 v6, v55  }
0x5e: {  	[tilespmem:s22+$0x8140] =	vst v1;
	v62 =	vadd.f32 v56, v60  }
0x5f: {  	s20 =	sadd.s32 $0x1, s20;
	[tilespmem:s22+$0x8150] =	vst v0;
	v63 =	vadd.f32 v58, v61  }
0x60: {  	p1 =	sne.s32 s20, $0x27;
	[tilespmem:s22+$0x8160] =	vst v62  }
.Ltmp3:
0x61: {  	s21 =	sadd.s32 s6, s21;
	[tilespmem:s22+$0x8170] =	vst v63;
	(pc) =	sbr.rel @p1 .LBB2_2-.Ltmp3, $4  }
0x62: {  	[hbm4b:s21+s1] =	stream.linear.scatter [tilespmem:s16], [sflag:$0x1], $0x4000, $0x38;
	[tilespmem:$0xC100] =	vst v63  }
0x63: {  	_ =	swait.ge [sflag:s14], $0x4000  }
0x64: {  	[sflag:s14] =	ssyncset.done $0x0  }
0x65: {  	[sflag:s14] =	ssyncadd.s32 $0xFFFFC000  }
.Ltmp4:
0x66: {  	(pc) =	sbr.rel @p0 .LBB2_9-.Ltmp4, $1  }
0x67: {  	_ =	sdelay $0x3  }
0x68: {  	s20 =	simm.s32 $0x0  }
0x69: {  	[tilespmem:s20], [sflag:$0x1] =	stream.linear.gather [hbm4b:s9+s20], $0x80, $0x38;
	[tilespmem:$0xC100] =	vst v63  }
0x6a: {  	_ =	swait.ge [sflag:s14], $0x80  }
0x6b: {  	[sflag:s14] =	ssyncset.done $0x0  }
0x6c: {  	[sflag:s14] =	ssyncadd.s32 $0xFFFFFF80  }
0x6d: {  	[tilespmem:s15], [sflag:$0x1] =	stream.linear.gather [hbm4b:s10+s20], $0x80, $0x38;
	[tilespmem:$0xC100] =	vst v63  }
0x6e: {  	_ =	swait.ge [sflag:s14], $0x80  }
0x6f: {  	[sflag:s14] =	ssyncset.done $0x0  }
0x70: {  	[sflag:s14] =	ssyncadd.s32 $0xFFFFFF80  }
0x71: {  	[tilespmem:s16], [sflag:$0x1] =	stream.linear.gather [hbm4b:s11+s20], $0x4000, $0x38;
	[tilespmem:$0xC100] =	vst v63  }
0x72: {  	_ =	swait.ge [sflag:s14], $0x4000  }
0x73: {  	[sflag:s14] =	ssyncset.done $0x0  }
0x74: {  	[sflag:s14] =	ssyncadd.s32 $0xFFFFC000  }
0x75: {  	[tilespmem:s17], [sflag:$0x1] =	stream.indirect.gather [hbm4b:s2+s15], $0x80, s20, s15, $0xb8;
	[tilespmem:$0xC100] =	vst v63  }
0x76: {  	_ =	swait.ge [sflag:s14], $0x4000  }
0x77: {  	[sflag:s14] =	ssyncset.done $0x0  }
0x78: {  	[sflag:s14] =	ssyncadd.s32 $0xFFFFC000  }
0x79: {  	[tilespmem:s18], [sflag:$0x1] =	stream.indirect.gather [hbm4b:s2+s15], $0x80, s15, s15, $0xb8;
	[tilespmem:$0xC100] =	vst v63  }
0x7a: {  	_ =	swait.ge [sflag:s14], $0x4000  }
0x7b: {  	[sflag:s14] =	ssyncset.done $0x0  }
0x7c: {  	s20 =	simm.s32 $0x0;
	[sflag:s14] =	ssyncadd.s32 $0xFFFFC000  }
0x7d: {  	v5 =	vld [tilespmem:s20+$0x4100]  }
0x7e: {  	v4 =	vld [tilespmem:s20+$0x4110]  }
0x7f: {  	v3 =	vld [tilespmem:s20+$0x4120]  }
0x80: {  	v2 =	vld [tilespmem:s20+$0x4130]  }
0x81: {  	v1 =	vld [tilespmem:s20+$0x4140]  }
0x82: {  	v0 =	vld [tilespmem:s20+$0x4150]  }
0x83: {  	v12 =	vld [tilespmem:s20+$0x100]  }
0x84: {  	v17 =	vld [tilespmem:s20+$0x110]  }
0x85: {  	v11 =	vld [tilespmem:s20+$0x120]  }
0x86: {  	v10 =	vld [tilespmem:s20+$0x130]  }
0x87: {  	v9 =	vld [tilespmem:s20+$0x140]  }
0x88: {  	v8 =	vld [tilespmem:s20+$0x150]  }
0x89: {  	v7 =	vld [tilespmem:s20+$0x160]  }
0x8a: {  	v6 =	vld [tilespmem:s20+$0x170]  }
0x8b: {  	v18 =	vld [tilespmem:s20+$0x8100]  }
0x8c: {  	v19 =	vld [tilespmem:s20+$0x8110]  }
0x8d: {  	v16 =	vld [tilespmem:s20+$0x8120]  }
0x8e: {  	v15 =	vld [tilespmem:s20+$0x8130]  }
0x8f: {  	v14 =	vld [tilespmem:s20+$0x8140]  }
0x90: {  	v13 =	vld [tilespmem:s20+$0x8150];
	v18 =	vadd.f32 v12, v18  }
0x91: {  	s21 =	simm.s32 $0x200;
	v17 =	vadd.f32 v17, v19;
	v12 =	vld [tilespmem:s20+$0x8160]  }
.LBB2_7:
0x92: {  	p1 =	sne.s32 s21, $0xFE00;
	v5 =	vadd.f32 v5, v18;
	v11 =	vadd.f32 v11, v16;
	v16 =	vld [tilespmem:s20+$0x8170]  }
0x93: {  	v4 =	vadd.f32 v4, v17;
	v10 =	vadd.f32 v10, v15;
	v15 =	vld [tilespmem:s20+$0x4160]  }
0x94: {  	s22 =	sshra.s32 s21, $0x2;
	[tilespmem:s20+$0x8100] =	vst v5;
	v3 =	vadd.f32 v3, v11;
	v9 =	vadd.f32 v9, v14;
	v11 =	vld [tilespmem:s20+$0x4170]  }
0x95: {  	v5 =	vld [tilespmem:s22+$0x4100];
	[tilespmem:s20+$0x8110] =	vst v4;
	v2 =	vadd.f32 v2, v10;
	v8 =	vadd.f32 v8, v13  }
0x96: {  	v4 =	vld [tilespmem:s22+$0x4110];
	[tilespmem:s20+$0x8120] =	vst v3;
	v1 =	vadd.f32 v1, v9;
	v7 =	vadd.f32 v7, v12  }
0x97: {  	v3 =	vld [tilespmem:s22+$0x4120];
	[tilespmem:s20+$0x8130] =	vst v2;
	v0 =	vadd.f32 v0, v8;
	v6 =	vadd.f32 v6, v16  }
0x98: {  	v2 =	vld [tilespmem:s22+$0x4130];
	[tilespmem:s20+$0x8140] =	vst v1;
	v7 =	vadd.f32 v15, v7  }
0x99: {  	v1 =	vld [tilespmem:s22+$0x4140];
	[tilespmem:s20+$0x8150] =	vst v0;
	v6 =	vadd.f32 v11, v6  }
0x9a: {  	v0 =	vld [tilespmem:s22+$0x4150];
	[tilespmem:s20+$0x8160] =	vst v7  }
0x9b: {  	v12 =	vld [tilespmem:s22+$0x100];
	[tilespmem:s20+$0x8170] =	vst v6;
	s20 =	smov.u32 s22  }
0x9c: {  	v17 =	vld [tilespmem:s20+$0x110]  }
0x9d: {  	v11 =	vld [tilespmem:s20+$0x120]  }
0x9e: {  	v10 =	vld [tilespmem:s20+$0x130]  }
0x9f: {  	v9 =	vld [tilespmem:s20+$0x140]  }
0xa0: {  	v8 =	vld [tilespmem:s20+$0x150]  }
0xa1: {  	v7 =	vld [tilespmem:s20+$0x160]  }
0xa2: {  	v6 =	vld [tilespmem:s20+$0x170]  }
0xa3: {  	v13 =	vld [tilespmem:s20+$0x8100]  }
0xa4: {  	v19 =	vld [tilespmem:s20+$0x8110]  }
.Ltmp5:
0xa5: {  	v16 =	vld [tilespmem:s20+$0x8120];
	(pc) =	sbr.rel @p1 .LBB2_7-.Ltmp5, $4  }
0xa6: {  	v15 =	vld [tilespmem:s20+$0x8130]  }
0xa7: {  	v14 =	vld [tilespmem:s20+$0x8140]  }
0xa8: {  	v18 =	vadd.f32 v12, v13;
	v13 =	vld [tilespmem:s20+$0x8150]  }
0xa9: {  	s21 =	sadd.s32 $0x200, s21;
	v17 =	vadd.f32 v17, v19;
	v12 =	vld [tilespmem:s20+$0x8160]  }
0xaa: {  	v5 =	vadd.f32 v5, v18;
	v55 =	vld [tilespmem:s20+$0x8170];
	v11 =	vadd.f32 v11, v16  }
0xab: {  	v56 =	vld [tilespmem:s20+$0x4160];
	v4 =	vadd.f32 v4, v17;
	v10 =	vadd.f32 v10, v15  }
0xac: {  	v58 =	vld [tilespmem:s20+$0x4170];
	[tilespmem:s20+$0x8100] =	vst v5;
	v3 =	vadd.f32 v3, v11;
	v57 =	vadd.f32 v9, v14  }
0xad: {  	[tilespmem:s20+$0x8110] =	vst v4;
	v2 =	vadd.f32 v2, v10;
	v59 =	vadd.f32 v8, v13  }
0xae: {  	[tilespmem:s20+$0x8120] =	vst v3;
	v1 =	vadd.f32 v1, v57;
	v60 =	vadd.f32 v7, v12  }
0xaf: {  	[tilespmem:s20+$0x8130] =	vst v2;
	v0 =	vadd.f32 v0, v59;
	v61 =	vadd.f32 v6, v55  }
0xb0: {  	[tilespmem:s20+$0x8140] =	vst v1;
	v62 =	vadd.f32 v56, v60  }
0xb1: {  	[tilespmem:s20+$0x8150] =	vst v0;
	v63 =	vadd.f32 v58, v61  }
0xb2: {  	[tilespmem:s20+$0x8160] =	vst v62  }
.Ltmp6:
0xb3: {  	[tilespmem:s20+$0x8170] =	vst v63;
	(pc) =	sbr.rel .LBB2_9-.Ltmp6, $4  }
0xb4: {  	[hbm4b:s12+s1] =	stream.linear.scatter [tilespmem:s16], [sflag:$0x1], $0x4000, $0x38;
	[tilespmem:$0xC100] =	vst v63  }
0xb5: {  	_ =	swait.ge [sflag:s14], $0x4000  }
0xb6: {  	[sflag:s14] =	ssyncset.done $0x0  }
0xb7: {  	[sflag:s14] =	ssyncadd.s32 $0xFFFFC000  }
.LBB2_10:
0xb8: {  	_ =	sfence.sel $0x180000  }
0xb9: {  	[bflag:$0x0] =	sbarrier.arrive $0xFFFF  }
0xba: {  	_ =	strace $0x90000050  }
0xbb: {  	s0 =	sadd.s32 @!p0 $0x100000, s0;
	[bflag:$0x2] =	sbarrier.arrive $0xFFFF  }
0xbc: {  	[sflag:s0] =	ssyncadd.tile.s32 @!p0 $0x1;
	_ =	shalt  }
.Lfunc_end2:
_tile_overlayer_lowered:
.L_overlay_start_2:
0xbd: {  	(tag) =	ssettag $0x2  }
0xbe: {  	s0 =	rddreg [dreg:$0x0];
	s2 =	stileid.u32  }
0xbf: {  	s1 =	rddreg [dreg:$0x1];
	p0 =	sne.s32 s2, $0x0  }
0xc0: {  	s3 =	rddreg [dreg:$0x2];
	[bflag:$0x3] =	sbarrier.arrive $0xFFFF;
	s2 =	simm.s32 @!p0 $0x1C01  }
0xc1: {  	[timem:s3], [sflag:s2] =	dma.local @!p0 [hbm:s0], s1  }
0xc2: {  	s0 =	simm.s32 @!p0 $0x1  }
0xc3: {  	_ =	swait.ge @!p0 [sflag:s0], s1  }
0xc4: {  	s1 =	ssub.s32 @!p0 $0x0, s1;
	[sflag:s0] =	ssyncset.done @!p0 $0x0  }
0xc5: {  	[sflag:s0] =	ssyncadd.s32 @!p0 s1  }
0xc6: {  	[bflag:$0x3] =	sbarrier.arrive $0xFFFF  }
0xc7: {  	_ =	shalt  }

// kernel: kernel.37.cloned.1.call-start
scs
__scs_entry_jumppad:
0x0: {  	(pc) =	sbr.rel $0x88, $3  }
0x1: {  	(tag) =	ssettag $0x0;
	lr =	simm.s32 $0x1  }
0x2: {  	[smem:$0x3F63] =	sst lr;
	_ =	strace $0xD0000000  }
0x3: {  	_ = 	snop  }
0x4: {  	_ = 	snop  }
0x5: {  	_ = 	snop  }
0x6: {  	_ = 	snop  }
0x7: {  	_ = 	snop  }
__scs_overlays_trampoline_lowered:
0x8: {  	[smem:$0x3F72] =	sst s0  }
0x9: {  	[smem:$0x3F73] =	sst s1  }
0xa: {  	[smem:$0x3F74] =	sst s2  }
0xb: {  	[smem:$0x3F75] =	sst s3  }
0xc: {  	[smem:$0x3F76] =	sst s4  }
0xd: {  	[smem:$0x3F77] =	sst s5  }
0xe: {  	[smem:$0x3F78] =	sst s6  }
0xf: {  	[smem:$0x3F79] =	sst s7  }
0x10: {  	[smem:$0x3F7A] =	sst s8  }
0x11: {  	[smem:$0x3F7B] =	sst s9;
	s0 =	simm.s32 @!p0 $0x0  }
0x12: {  	s1 =	sld [smem:$0x3F61];
	s0 =	simm.s32 @p0 $0x1  }
0x13: {  	[smem:$0x3F7C] =	sst s0;
	s0 =	simm.s32 @!p1 $0x0  }
0x14: {  	s2 =	sld [smem:$0x3F60];
	s0 =	simm.s32 @p1 $0x1  }
0x15: {  	[smem:$0x3F7D] =	sst s0;
	s0 =	simm.s32 @!p2 $0x0  }
0x16: {  	s3 =	sld [smem:$0x3FDB];
	s0 =	simm.s32 @p2 $0x1  }
0x17: {  	s4 =	simm.s32 $0x1BF5;
	[smem:$0x3F7F] =	sst s0  }
0x18: {  	s0 =	sld [smem:$0x3F62];
	_ =	swait.ge [sflag:s4], $0x0  }
0x19: {  	s7 =	sld [smem:$0x3F63]  }
0x1a: {  	s8 =	sadd.s32 $0xFFFFE003, lr  }
0x1b: {  	s9 =	sadd.s32 $0xFFFFFEF7, lr;
	s5 =	simm.s32 $0xFFFFFFFF;
	p2 =	slt.u32 s8, $0xFFFFF086  }
0x1c: {  	p1 =	slt.u32 s9, $0xF7A;
	s5 =	simm.s32 @!p2 $0x0  }
0x1d: {  	s5 =	simm.s32 @p1 $0x1;
	p0 =	seq.s32 s7, s2  }
0x1e: {  	s7 =	smul.u32 @!p0 $0xF7A, s2;
	p2 =	seq.s32 @!p0 s5, $0x0  }
0x1f: {  	s9 =	smul.u32 $0xF7A, s1;
	s8 =	simm.s32 @!p0 $0x1BF5;
	p2 =	por !p2, p0  }
0x20: {  	[sflag:s8] =	ssyncset.s32 @!p0 $0xFFFFF086;
	s6 =	sadd.s32 @!p0 s3, s7;
	s7 =	simm.s32 @!p0 $0x108  }
0x21: {  	s3 =	sadd.s32 s3, s9;
	s6 =	sadd.s32 @!p0 $0x88, s6;
	s7 =	simm.s32 @p2 $0x1082  }
0x22: {  	[simem:s7], [sflag:s8] =	dma.local @!p0 [hbm:s6], $0xF7A  }
0x23: {  	s9 =	sor.u32 $0xD0000000, s2;
	s6 =	simm.s32 $0x108;
	_ =	swait.ge @!p0 [sflag:s8], $0x0  }
0x24: {  	s3 =	sadd.s32 $0x88, s3;
	s6 =	simm.s32 @!p1 $0x1082;
	[sflag:s4] =	ssyncset.s32 $0xFFFFF086  }
0x25: {  	[simem:s6], [sflag:s4] =	dma.local [hbm:s3], $0xF7A  }
0x26: {  	[smem:$0x3F63] =	sst s1;
	(tag) =	ssettag s2;
	_ =	strace s9  }
0x27: {  	s1 =	sld [smem:$0x3F73]  }
0x28: {  	s2 =	sld [smem:$0x3F74]  }
0x29: {  	s4 =	sld [smem:$0x3F76]  }
0x2a: {  	p0 =	seq.s32 s5, $0x0;
	s5 =	sld [smem:$0x3F77]  }
0x2b: {  	s6 =	sld [smem:$0x3F78]  }
0x2c: {  	s7 =	sld [smem:$0x3F79]  }
0x2d: {  	s3 =	simm.s32 $0x108;
	s8 =	sld [smem:$0x3F7A]  }
0x2e: {  	s3 =	simm.s32 @!p0 $0x1082;
	s9 =	sld [smem:$0x3F7B]  }
0x2f: {  	lr =	sadd.s32 s0, s3;
	s0 =	sld [smem:$0x3F72]  }
0x30: {  	s3 =	sld [smem:$0x3F75]  }
0x31: {  	[smem:$0x3F7E] =	sst s10  }
0x32: {  	s10 =	sld [smem:$0x3F7C];
	_ =	sdelay $0x3  }
0x33: {  	p0 =	seq.s32 s10, $0x1;
	s10 =	sld [smem:$0x3F7E];
	_ =	sdelay $0x3  }
0x34: {  	[smem:$0x3F7E] =	sst s10  }
0x35: {  	s10 =	sld [smem:$0x3F7D];
	_ =	sdelay $0x3  }
0x36: {  	p1 =	seq.s32 s10, $0x1;
	s10 =	sld [smem:$0x3F7E];
	_ =	sdelay $0x3  }
0x37: {  	[smem:$0x3F7E] =	sst s10  }
0x38: {  	s10 =	sld [smem:$0x3F7F]  }
0x39: {  	_ = 	snop;
	(pc) =	sbr.ind lr, $3  }
0x3a: {  	_ = 	snop  }
0x3b: {  	_ = 	snop  }
0x3c: {  	p2 =	seq.s32 s10, $0x1;
	s10 =	sld [smem:$0x3F7E]  }
0x3d: {  	_ =	shalt  }
0x3e: {  	_ =	shalt  }
0x3f: {  	_ =	shalt  }
0x40: {  	_ =	shalt  }
0x41: {  	_ =	shalt  }
0x42: {  	_ =	shalt  }
0x43: {  	_ =	shalt  }
0x44: {  	_ =	shalt  }
0x45: {  	_ =	shalt  }
0x46: {  	_ =	shalt  }
0x47: {  	_ =	shalt  }
0x48: {  	_ =	shalt  }
0x49: {  	_ =	shalt  }
0x4a: {  	_ =	shalt  }
0x4b: {  	_ =	shalt  }
0x4c: {  	_ =	shalt  }
0x4d: {  	_ =	shalt  }
0x4e: {  	_ =	shalt  }
0x4f: {  	_ =	shalt  }
0x50: {  	_ =	shalt  }
0x51: {  	_ =	shalt  }
0x52: {  	_ =	shalt  }
0x53: {  	_ =	shalt  }
0x54: {  	_ =	shalt  }
0x55: {  	_ =	shalt  }
0x56: {  	_ =	shalt  }
0x57: {  	_ =	shalt  }
0x58: {  	_ =	shalt  }
0x59: {  	_ =	shalt  }
0x5a: {  	_ =	shalt  }
0x5b: {  	_ =	shalt  }
0x5c: {  	_ =	shalt  }
0x5d: {  	_ =	shalt  }
0x5e: {  	_ =	shalt  }
0x5f: {  	_ =	shalt  }
0x60: {  	_ =	shalt  }
0x61: {  	_ =	shalt  }
0x62: {  	_ =	shalt  }
0x63: {  	_ =	shalt  }
0x64: {  	_ =	shalt  }
0x65: {  	_ =	shalt  }
0x66: {  	_ =	shalt  }
0x67: {  	_ =	shalt  }
0x68: {  	_ =	shalt  }
0x69: {  	_ =	shalt  }
0x6a: {  	_ =	shalt  }
0x6b: {  	_ =	shalt  }
0x6c: {  	_ =	shalt  }
0x6d: {  	_ =	shalt  }
0x6e: {  	_ =	shalt  }
0x6f: {  	_ =	shalt  }
0x70: {  	_ =	shalt  }
0x71: {  	_ =	shalt  }
0x72: {  	_ =	shalt  }
0x73: {  	_ =	shalt  }
0x74: {  	_ =	shalt  }
0x75: {  	_ =	shalt  }
0x76: {  	_ =	shalt  }
0x77: {  	_ =	shalt  }
0x78: {  	_ =	shalt  }
0x79: {  	_ =	shalt  }
0x7a: {  	_ =	shalt  }
0x7b: {  	_ =	shalt  }
0x7c: {  	_ =	shalt  }
0x7d: {  	_ =	shalt  }
0x7e: {  	_ =	shalt  }
0x7f: {  	_ =	shalt  }
0x80: {  	_ =	shalt  }
0x81: {  	_ =	shalt  }
0x82: {  	_ =	shalt  }
0x83: {  	_ =	shalt  }
0x84: {  	_ =	shalt  }
0x85: {  	_ =	shalt  }
0x86: {  	_ =	shalt  }
0x87: {  	_ =	shalt  }
.Lfunc_end0:
.L_simem_size_0:
called_computation.4_lowered:
.L_overlay_start_0:
0x88: {  	s2 =	sld [smem:$0x3FD9]  }
0x89: {  	s3 =	sld [smem:$0x3FFE];
	_ =	sdelay $0x1  }
0x8a: {  	s1 =	srdreg.scid  }
0x8b: {  	s0 =	sand.u32 $0x1, s1  }
0x8c: {  	s16 =	sshll.u32 s0, $0xA;
	s2 =	sadd.s32 s3, s2  }
0x8d: {  	s2 =	sadd.s32 s2, s16  }
0x8e: {  	[smem:$0x3F8A] =	sst s2  }
0x8f: {  	_ = 	snop  }
0x90: {  	(tm) =	ssettm $0x1  }
0x91: {  	s17 =	sld [smem:$0x3FFB];
	_ =	sdelay $0x3  }
0x92: {  	_ =	strace s17  }
0x93: {  	s2 =	sld [smem:$0x3FFC];
	_ =	sdelay $0x3  }
0x94: {  	_ =	strace s2  }
0x95: {  	s2 =	sld [smem:$0x3FFD];
	_ =	sdelay $0x3  }
0x96: {  	_ =	strace s2  }
0x97: {  	_ =	strace $0x8FFFFFFF  }
0x98: {  	s18 =	sld [smem:$0x3FDB];
	_ =	sdelay $0x1  }
0x99: {  	s19 =	simm.s32 $_scs_section_size  }
0x9a: {  	s4 =	simm.s32 $_size__tile_overlayer_lowered;
	s5 =	simm.s32 $_tile_overlayer_lowered  }
0x9b: {  	s22 =	simm.s32 $0x1BFF;
	s21 =	sshll.u32 s5, $0x1;
	s2 =	sadd.s32 s19, s18  }
0x9c: {  	s6 =	simm.s32 $0x0;
	s20 =	sshll.u32 s4, $0x1;
	s4 =	sadd.s32 s21, s2  }
0x9d: {  	[timem:s6], [sflag:s22] =	dma.local [hbm:s4], s20  }
0x9e: {  	_ =	swait.ge [sflag:s22], s20  }
0x9f: {  	s3 =	ssub.s32 $0x0, s20;
	[sflag:s22] =	ssyncset.done $0x0  }
0xa0: {  	[sflag:s22] =	ssyncadd.s32 s3;
	_ =	sdelay $0x1  }
0xa1: {  	s23 =	simm.s32 $0x1B8B  }
0xa2: {  	_ =	swait.ge [sflag:s23], $0x1  }
0xa3: {  	[sflag:s23] =	ssyncset.done $0x0  }
0xa4: {  	s25 =	simm.s32 $0x1B8E;
	s24 =	sld [smem:$0x3FFE];
	[sflag:s23] =	ssyncadd.s32 $0xFFFFFFFF  }
0xa5: {  	s26 =	simm.s32 $execute0_lowered;
	[smem:$0x3FD2] =	sst s25  }
0xa6: {  	s4 =	sshll.u32 s26, $0x1;
	_ =	strace $0x80000052;
	[dreg:$0x1] =	wrdreg $0xFFFFFFFF  }
0xa7: {  	s28 =	simm.s32 $_size_execute0_lowered;
	s2 =	sadd.s32 s2, s4;
	[dreg:$0x0] =	wrdreg $0x0  }
0xa8: {  	s4 =	sshll.u32 s28, $0x1;
	[dreg:$0x2] =	wrdreg s2  }
0xa9: {  	[dreg:$0x3] =	wrdreg s4  }
0xaa: {  	[dreg:$0x4] =	wrdreg $0xC0  }
0xab: {  	_ =	task [dreg:s6], $0x5FFFF  }
0xac: {  	[dreg:$0x1] =	wrdreg $0xFFFFFFFF  }
0xad: {  	[dreg:$0x0] =	wrdreg $0x60  }
0xae: {  	[dreg:$0x2] =	wrdreg s24  }
0xaf: {  	[dreg:$0x3] =	wrdreg $0x41000  }
0xb0: {  	[dreg:$0x4] =	wrdreg $0x9  }
0xb1: {  	_ =	task.clear_ibuf [dreg:s6], $0x5FFFF;
	_ =	strace $0x90000052  }
0xb2: {  	s29 =	simm.s32 $0x9;
	_ =	strace $0x80000054  }
0xb3: {  	_ =	swait.ge [sflag:s29], $0x1  }
0xb4: {  	[sflag:s29] =	ssyncadd.s32 $0xFFFFFFFF  }
0xb5: {  	_ =	strace $0x90000054  }
0xb6: {  	_ =	sfence  }
0xb7: {  	s30 =	sld [smem:$0x0];
	_ =	sdelay $0x2  }
0xb8: {  	s31 =	sshll.u32 s1, $0xD;
	s1 =	sshrl.u32 s1, $0x2  }
0xb9: {  	s3 =	sand.u32 $0x4000, s31;
	s1 =	sadd.s32 s1, s30  }
0xba: {  	s0 =	sor.u32 s3, s0;
	s1 =	sshll.u32 s1, $0x11  }
0xbb: {  	s0 =	sor.u32 s1, s0  }
0xbc: {  	s0 =	sadd.s32 $0x8F2B, s0  }
0xbd: {  	[sflag:s0] =	ssyncadd.remote.s32 $0x1  }
0xbe: {  	_ =	sfence.sel $0xFFFF  }
0xbf: {  	[dreg:$0x0] =	wrdreg $0xFFFFFFFF;
	(pc) =	sbr.abs _section_cstart, $3  }
0xc0: {  	[dreg:$0x1] =	wrdreg $0xFFFFFFFF  }
0xc1: {  	_ =	task.clear_ibuf [dreg:s6], $0x2FFFF;
	_ =	strace $0x9FFFFFFF  }
0xc2: {  	(tm) =	ssettm $0x7FFFFFFF  }
0xc3: {  	_ =	shalt  }
tec
execute0_lowered:
.L_overlay_start_1:
0x0: {  	(tag) =	ssettag $0x1  }
0x1: {  	s4 =	rddreg [dreg:$0x0]  }
0x2: {  	s1 =	rddreg [dreg:$0x1]  }
0x3: {  	s0 =	rddreg [dreg:$0x2]  }
0x4: {  	s2 =	simm.s32 $0x0;
	s3 =	stileid.u32;
	s5 =	srdreg.scid  }
0x5: {  	[smem:$0x7FF] =	sst s2;
	s6 =	smul.u32 $0x50000, s3;
	s18 =	sadd.s32 $0x39000, s4  }
0x6: {  	s19 =	sand.u32 $0x1, s5;
	s10 =	smul.u32 $0x14000, s3;
	s17 =	sadd.s32 $0xCE00, s4  }
0x7: {  	s15 =	sadd.s32 $0x2AA000, s4;
	s23 =	sshll.u32 s3, $0x8;
	s31 =	sshll.u32 s3, $0xC  }
0x8: {  	p0 =	sne.s32 s3, $0x0;
	_ =	strace $0x80000053;
	s26 =	ssub.s32 $0x2, s19  }
0x9: {  	s20 =	sshll.u32 s19, $0x7;
	s22 =	smul.u32 $0x140000, s19;
	s19 =	sshll.u32 s19, $0xB  }
0xa: {  	s28 =	sshrl.u32 s26, $0x1;
	s6 =	sshrl.u32 s6, $0x2;
	s11 =	sadd.s32 $0x4000, s10  }
0xb: {  	s13 =	sadd.s32 $0x8000, s10;
	s14 =	sadd.s32 $0xC000, s10;
	s12 =	sor.u32 $0x27000, s20  }
0xc: {  	s21 =	sadd.s32 $0x10000, s10;
	s20 =	sor.u32 s20, s23;
	s16 =	ssub.s32 s26, s28  }
0xd: {  	s4 =	sadd.s32 s6, s1;
	s5 =	sadd.s32 s11, s1;
	s6 =	sadd.s32 s13, s1  }
0xe: {  	s7 =	sadd.s32 s14, s1;
	s9 =	sshrl.u32 s12, $0x3;
	s8 =	sadd.s32 s21, s1  }
0xf: {  	s12 =	sshll.u32 s12, $0x4;
	s24 =	sadd.s32 s10, s22;
	s11 =	sadd.s32 s22, s11  }
0x10: {  	s13 =	sadd.s32 s22, s13;
	s14 =	sadd.s32 s22, s14;
	s21 =	sadd.s32 s22, s21  }
0x11: {  	s20 =	sshrl.u32 s20, $0x3;
	s22 =	simm.s32 $0x0;
	s9 =	sadd.s32 s17, s9  }
0x12: {  	s10 =	sadd.s32 s18, s12;
	s29 =	sshrl.u32 s24, $0x3;
	s30 =	sshrl.u32 s11, $0x3  }
0x13: {  	s13 =	sshrl.u32 s13, $0x3;
	s14 =	sshrl.u32 s14, $0x3;
	s21 =	sshrl.u32 s21, $0x3  }
0x14: {  	s16 =	smax.u32 s16, $0x1;
	s17 =	sadd.s32 s20, s17;
	s18 =	sadd.s32 s31, s18  }
0x15: {  	s20 =	simm.s32 $0x1;
	s11 =	sadd.s32 s15, s29;
	s12 =	sadd.s32 s15, s30  }
0x16: {  	s13 =	sadd.s32 s15, s13;
	s14 =	sadd.s32 s15, s14;
	s15 =	sadd.s32 s15, s21  }
0x17: {  	v0 =	vimm.f32 $0.0e+00;
	s18 =	sadd.s32 s19, s18;
	s19 =	simm.s32 $0x100;
	s21 =	simm.s32 $0x80  }
.LBB2_1:
0x18: {  	s23 =	simm.s32 $0x0;
	s24 =	simm.s32 $0x200  }
.LBB2_2:
0x19: {  	p1 =	sne.s32 s24, $0xFE00;
	[tilespmem:s23+$0x170] =	vst v0  }
0x1a: {  	[tilespmem:s23+$0x100] =	vst v0  }
0x1b: {  	[tilespmem:s23+$0x110] =	vst v0  }
.Ltmp0:
0x1c: {  	[tilespmem:s23+$0x120] =	vst v0;
	(pc) =	sbr.rel @p1 .LBB2_2-.Ltmp0, $4  }
0x1d: {  	[tilespmem:s23+$0x130] =	vst v0  }
0x1e: {  	[tilespmem:s23+$0x140] =	vst v0  }
0x1f: {  	[tilespmem:s23+$0x150] =	vst v0  }
0x20: {  	[tilespmem:s23+$0x160] =	vst v0;
	s23 =	sshra.s32 s24, $0x2;
	s24 =	sadd.s32 $0x200, s24  }
0x21: {  	[tilespmem:s23+$0x170] =	vst v0  }
0x22: {  	[tilespmem:s23+$0x100] =	vst v0  }
0x23: {  	[tilespmem:s23+$0x110] =	vst v0  }
0x24: {  	[tilespmem:s23+$0x120] =	vst v0  }
0x25: {  	[tilespmem:s23+$0x130] =	vst v0  }
0x26: {  	[tilespmem:s23+$0x140] =	vst v0  }
0x27: {  	[tilespmem:s23+$0x150] =	vst v0  }
0x28: {  	[tilespmem:s23+$0x160] =	vst v0  }
0x29: {  	[spmem:s4] =	stream.linear.scatter [tilespmem:s19], [sflag:$0x1], $0x4000, $0x38;
	[tilespmem:$0x18100] =	vst v63  }
0x2a: {  	_ =	swait.ge [sflag:s20], $0x4000  }
0x2b: {  	[sflag:s20] =	ssyncset.done $0x0  }
0x2c: {  	[sflag:s20] =	ssyncadd.s32 $0xFFFFC000  }
0x2d: {  	[spmem:s5] =	stream.linear.scatter [tilespmem:s19], [sflag:$0x1], $0x4000, $0x38;
	[tilespmem:$0x18100] =	vst v63  }
0x2e: {  	_ =	swait.ge [sflag:s20], $0x4000  }
0x2f: {  	[sflag:s20] =	ssyncset.done $0x0  }
0x30: {  	[sflag:s20] =	ssyncadd.s32 $0xFFFFC000  }
0x31: {  	[spmem:s6] =	stream.linear.scatter [tilespmem:s19], [sflag:$0x1], $0x4000, $0x38;
	[tilespmem:$0x18100] =	vst v63  }
0x32: {  	_ =	swait.ge [sflag:s20], $0x4000  }
0x33: {  	[sflag:s20] =	ssyncset.done $0x0  }
0x34: {  	[sflag:s20] =	ssyncadd.s32 $0xFFFFC000  }
0x35: {  	[spmem:s7] =	stream.linear.scatter [tilespmem:s19], [sflag:$0x1], $0x4000, $0x38;
	[tilespmem:$0x18100] =	vst v63  }
0x36: {  	_ =	swait.ge [sflag:s20], $0x4000  }
0x37: {  	[sflag:s20] =	ssyncset.done $0x0  }
0x38: {  	[sflag:s20] =	ssyncadd.s32 $0xFFFFC000  }
0x39: {  	[spmem:s8] =	stream.linear.scatter [tilespmem:s19], [sflag:$0x1], $0x4000, $0x38;
	[tilespmem:$0x18100] =	vst v63  }
0x3a: {  	_ =	swait.ge [sflag:s20], $0x4000  }
0x3b: {  	[sflag:s20] =	ssyncset.done $0x0  }
0x3c: {  	[sflag:s20] =	ssyncadd.s32 $0xFFFFC000  }
0x3d: {  	s31 =	sadd.s32 $0x0, s17;
	[bflag:$0x0] =	sbarrier.arrive $0xFFFF  }
0x3e: {  	[tilespmem:s2], [sflag:$0x1] =	stream.linear.gather [hbm4b:s31+s2], $0x80, $0x38;
	[tilespmem:$0x18100] =	vst v63  }
0x3f: {  	_ =	swait.ge [sflag:s20], $0x80  }
0x40: {  	[sflag:s20] =	ssyncset.done $0x0  }
0x41: {  	[sflag:s20] =	ssyncadd.s32 $0xFFFFFF80  }
0x42: {  	[tilespmem:s19], [sflag:$0x1] =	stream.linear.gather [hbm4b:s18+s2], $0x4000, $0x38;
	[tilespmem:$0x18100] =	vst v63  }
0x43: {  	_ =	swait.ge [sflag:s20], $0x4000  }
0x44: {  	[sflag:s20] =	ssyncset.done $0x0  }
0x45: {  	[sflag:s20] =	ssyncadd.s32 $0xFFFFC000  }
0x46: {  	[spmem:s1] =	stream.indirect.scatter.add.f32 [tilespmem:s19], [sflag:$0x1], $0x80, s2, s21, $0xb8;
	[tilespmem:$0x18100] =	vst v63  }
0x47: {  	s24 =	simm.s32 $0x200;
	_ =	swait.ge [sflag:s20], $0x4000  }
0x48: {  	s25 =	simm.s32 $0x400;
	s23 =	sadd.s32 $0x10000, s18;
	[sflag:s20] =	ssyncset.done $0x0  }
.LBB2_4:
0x49: {  	s26 =	sadd.s32 s24, s17  }
0x4a: {  	[sflag:s20] =	ssyncadd.s32 $0xFFFFC000;
	s24 =	smov.u32 s25;
	s28 =	sadd.s32 $0x200, s25  }
0x4b: {  	[tilespmem:s2], [sflag:$0x1] =	stream.linear.gather [hbm4b:s26+s2], $0x80, $0x38;
	[tilespmem:$0x18100] =	vst v63  }
0x4c: {  	p1 =	sne.s32 s25, $0x4C00;
	_ =	swait.ge [sflag:s20], $0x80  }
0x4d: {  	[sflag:s20] =	ssyncset.done $0x0  }
0x4e: {  	[sflag:s20] =	ssyncadd.s32 $0xFFFFFF80  }
0x4f: {  	[tilespmem:s19], [sflag:$0x1] =	stream.linear.gather [hbm4b:s23+s2], $0x4000, $0x38;
	[tilespmem:$0x18100] =	vst v63  }
0x50: {  	_ =	swait.ge [sflag:s20], $0x4000  }
.Ltmp1:
0x51: {  	[sflag:s20] =	ssyncset.done $0x0;
	(pc) =	sbr.rel @p1 .LBB2_4-.Ltmp1, $4  }
0x52: {  	[sflag:s20] =	ssyncadd.s32 $0xFFFFC000  }
0x53: {  	[spmem:s1] =	stream.indirect.scatter.add.f32 [tilespmem:s19], [sflag:$0x1], $0x80, s2, s21, $0xb8;
	[tilespmem:$0x18100] =	vst v63  }
0x54: {  	_ =	swait.ge [sflag:s20], $0x4000  }
0x55: {  	s25 =	smov.u32 s28;
	s23 =	sadd.s32 $0x10000, s23;
	[sflag:s20] =	ssyncset.done $0x0  }
0x56: {  	s24 =	sadd.s32 s24, s17;
	[sflag:s20] =	ssyncadd.s32 $0xFFFFC000  }
0x57: {  	[tilespmem:s2], [sflag:$0x1] =	stream.linear.gather [hbm4b:s24+s2], $0x80, $0x38;
	[tilespmem:$0x18100] =	vst v63  }
0x58: {  	_ =	swait.ge [sflag:s20], $0x80  }
0x59: {  	[sflag:s20] =	ssyncset.done $0x0  }
0x5a: {  	[sflag:s20] =	ssyncadd.s32 $0xFFFFFF80  }
0x5b: {  	[tilespmem:s19], [sflag:$0x1] =	stream.linear.gather [hbm4b:s23+s2], $0x4000, $0x38;
	[tilespmem:$0x18100] =	vst v63  }
0x5c: {  	_ =	swait.ge [sflag:s20], $0x4000  }
0x5d: {  	[sflag:s20] =	ssyncset.done $0x0  }
0x5e: {  	[sflag:s20] =	ssyncadd.s32 $0xFFFFC000  }
0x5f: {  	[spmem:s1] =	stream.indirect.scatter.add.f32 [tilespmem:s19], [sflag:$0x1], $0x80, s2, s21, $0xb8;
	[tilespmem:$0x18100] =	vst v63  }
0x60: {  	_ =	swait.ge [sflag:s20], $0x4000  }
0x61: {  	[sflag:s20] =	ssyncset.done $0x0  }
0x62: {  	s24 =	simm.s32 @!p0 $0x1;
	s23 =	simm.s32 @!p0 $0x0;
	[sflag:s20] =	ssyncadd.s32 $0xFFFFC000  }
0x63: {  	[tilespmem:s23], [sflag:$0x1] =	stream.linear.gather @!p0 [hbm4b:s9+s23], $0x80, $0x38;
	[tilespmem:$0x18100] =	vst v63  }
0x64: {  	_ =	swait.ge @!p0 [sflag:s24], $0x80  }
0x65: {  	[sflag:s24] =	ssyncset.done @!p0 $0x0  }
0x66: {  	s25 =	simm.s32 @!p0 $0x100;
	[sflag:s24] =	ssyncadd.s32 @!p0 $0xFFFFFF80  }
0x67: {  	[tilespmem:s25], [sflag:$0x1] =	stream.linear.gather @!p0 [hbm4b:s10+s23], $0x4000, $0x38;
	[tilespmem:$0x18100] =	vst v63  }
0x68: {  	_ =	swait.ge @!p0 [sflag:s24], $0x4000  }
0x69: {  	[sflag:s24] =	ssyncset.done @!p0 $0x0  }
0x6a: {  	s26 =	simm.s32 @!p0 $0x80;
	[sflag:s24] =	ssyncadd.s32 @!p0 $0xFFFFC000  }
0x6b: {  	[spmem:s1] =	stream.indirect.scatter.add.f32 @!p0 [tilespmem:s25], [sflag:$0x1], $0x80, s23, s26, $0xb8;
	[tilespmem:$0x18100] =	vst v63  }
0x6c: {  	_ =	swait.ge @!p0 [sflag:s24], $0x4000  }
0x6d: {  	[sflag:s24] =	ssyncset.done @!p0 $0x0  }
0x6e: {  	s25 =	sshll.u32 s3, $0x6;
	[sflag:s24] =	ssyncadd.s32 @!p0 $0xFFFFC000  }
0x6f: {  	s26 =	sshrl.u32 s4, $0x3;
	s23 =	sor.u32 $0x1C01, s25;
	[bflag:$0x0] =	sbarrier.arrive $0xFFFF  }
0x70: {  	[hbm:s11], [sflag:s23] =	dma.local [spmem:s26], $0x800  }
0x71: {  	_ =	swait.ge [sflag:s20], $0x800  }
0x72: {  	[sflag:s20] =	ssyncset.done $0x0  }
0x73: {  	s28 =	sshrl.u32 s5, $0x3;
	[sflag:s20] =	ssyncadd.s32 $0xFFFFF800  }
0x74: {  	[hbm:s12], [sflag:s23] =	dma.local [spmem:s28], $0x800  }
0x75: {  	_ =	swait.ge [sflag:s20], $0x800  }
0x76: {  	[sflag:s20] =	ssyncset.done $0x0  }
0x77: {  	s29 =	sshrl.u32 s6, $0x3;
	[sflag:s20] =	ssyncadd.s32 $0xFFFFF800  }
0x78: {  	[hbm:s13], [sflag:s23] =	dma.local [spmem:s29], $0x800  }
0x79: {  	_ =	swait.ge [sflag:s20], $0x800  }
0x7a: {  	[sflag:s20] =	ssyncset.done $0x0  }
0x7b: {  	s30 =	sshrl.u32 s7, $0x3;
	[sflag:s20] =	ssyncadd.s32 $0xFFFFF800  }
0x7c: {  	[hbm:s14], [sflag:s23] =	dma.local [spmem:s30], $0x800  }
0x7d: {  	s22 =	sadd.s32 $0x1, s22;
	_ =	swait.ge [sflag:s20], $0x800  }
0x7e: {  	p1 =	sne.s32 s22, s16;
	[sflag:s20] =	ssyncset.done $0x0  }
.Ltmp2:
0x7f: {  	s31 =	sshrl.u32 s8, $0x3;
	[sflag:s20] =	ssyncadd.s32 $0xFFFFF800;
	(pc) =	sbr.rel @p1 .LBB2_1-.Ltmp2, $4  }
0x80: {  	[hbm:s15], [sflag:s23] =	dma.local [spmem:s31], $0x800  }
0x81: {  	_ =	swait.ge [sflag:s20], $0x800  }
0x82: {  	[sflag:s20] =	ssyncset.done $0x0  }
0x83: {  	[sflag:s20] =	ssyncadd.s32 $0xFFFFF800  }
0x84: {  	_ =	sfence.sel $0x180000  }
0x85: {  	[bflag:$0x0] =	sbarrier.arrive $0xFFFF  }
0x86: {  	_ =	strace $0x90000053  }
0x87: {  	s0 =	sadd.s32 @!p0 $0x100000, s0;
	[bflag:$0x2] =	sbarrier.arrive $0xFFFF  }
0x88: {  	[sflag:s0] =	ssyncadd.tile.s32 @!p0 $0x1;
	_ =	shalt  }
.Lfunc_end2:
_tile_overlayer_lowered:
.L_overlay_start_2:
0x89: {  	(tag) =	ssettag $0x2  }
0x8a: {  	s0 =	rddreg [dreg:$0x0];
	s2 =	stileid.u32  }
0x8b: {  	s1 =	rddreg [dreg:$0x1];
	p0 =	sne.s32 s2, $0x0  }
0x8c: {  	s3 =	rddreg [dreg:$0x2];
	[bflag:$0x3] =	sbarrier.arrive $0xFFFF;
	s2 =	simm.s32 @!p0 $0x1C01  }
0x8d: {  	[timem:s3], [sflag:s2] =	dma.local @!p0 [hbm:s0], s1  }
0x8e: {  	s0 =	simm.s32 @!p0 $0x1  }
0x8f: {  	_ =	swait.ge @!p0 [sflag:s0], s1  }
0x90: {  	s1 =	ssub.s32 @!p0 $0x0, s1;
	[sflag:s0] =	ssyncset.done @!p0 $0x0  }
0x91: {  	[sflag:s0] =	ssyncadd.s32 @!p0 s1  }
0x92: {  	[bflag:$0x3] =	sbarrier.arrive $0xFFFF  }
0x93: {  	_ =	shalt  }

</sc_bundles>
